<compile_context>
chip_gen: v7x
topology: tpu7x:2x2x1
jax: 0.10.2.dev20260603
libtpu: 0.0.44.dev20260713+nightly
codegen_flags: <defaults>
</compile_context>

<pallas_src>
import functools

import jax
import jax.numpy as jnp
from jax import lax
from jax.experimental import pallas as pl
from jax.experimental.pallas import tpu as pltpu
from jax.experimental.pallas import tpu_sc as plsc

B, S, E = 4096, 50, 128
H, O = 64, 10
NC, NS = 2, 16
NW = NC * NS
BPW = B // NW
PAIR = 1
CSZ = PAIR * S
EV = E // 16
NBUF = 8


def _rowsum(bufslot, base):
    UNR = 5

    def jb(j, carry):
        r = base + j * UNR
        vs = list(carry)
        for u in range(UNR):
            for e in range(EV):
                vs[e] = vs[e] + bufslot[r + u, pl.ds(e * 16, 16)]
        return tuple(vs)

    z = tuple(jnp.zeros((16,), jnp.float32) for _ in range(EV))
    return lax.fori_loop(0, S // UNR, jb, z)


def _sc_gather_sum(xg, table, dummy):
    bh = xg.shape[0]
    bpw = bh // NW
    ch = bpw // PAIR
    mesh = plsc.VectorSubcoreMesh(core_axis_name="c", subcore_axis_name="s")

    @functools.partial(
        pl.kernel,
        out_type=jax.ShapeDtypeStruct((NW, bpw, E), jnp.float32),
        mesh=mesh,
        scratch_types=[
            pltpu.VMEM((ch, CSZ), jnp.int32),
            pltpu.VMEM((NBUF, CSZ, E), jnp.float32),
            pltpu.VMEM((bpw, E), jnp.float32),
            [pltpu.SemaphoreType.DMA] * NBUF,
        ],
    )
    def run(x_hbm, table_hbm, dummy_hbm, out_hbm, xv, buf, acc, sems):
        wid = lax.axis_index("s") * NC + lax.axis_index("c")
        pltpu.sync_copy(x_hbm.at[pl.ds(wid * bpw, bpw)], xv)
        for slot in range(NBUF):
            pltpu.async_copy(table_hbm.at[xv.at[slot]], buf.at[slot], sems[slot])

        def step(slot, ci):
            pltpu.make_async_copy(
                dummy_hbm, buf.at[slot], sems[slot]
            ).wait()
            for p in range(PAIR):
                vs = _rowsum(buf.at[slot], p * S)
                row = ci * PAIR + p
                for e in range(EV):
                    acc[row, pl.ds(e * 16, 16)] = vs[e]

            @pl.when(ci + NBUF < ch)
            def _():
                pltpu.async_copy(
                    table_hbm.at[xv.at[ci + NBUF]], buf.at[slot], sems[slot]
                )

        def outer(i, carry):
            for slot in range(NBUF):
                step(slot, i * NBUF + slot)
            return carry

        lax.fori_loop(0, ch // NBUF, outer, 0)
        pltpu.sync_copy(acc, out_hbm.at[wid])

    return run(xg, table, dummy)


def _tc_mlp(sums, lens, w1t, b1, w2t, b2):
    bh = sums.shape[0]

    def body(s_ref, l_ref, w1_ref, b1_ref, w2_ref, b2_ref, out_ref):
        rep = s_ref[:] / l_ref[:]
        h = jnp.dot(rep, w1_ref[:], preferred_element_type=jnp.float32)
        h = jnp.maximum(h + b1_ref[:], 0.0)
        out_ref[:] = (
            jnp.dot(h, w2_ref[:], preferred_element_type=jnp.float32) + b2_ref[:]
        )

    return pl.pallas_call(
        body,
        out_shape=jax.ShapeDtypeStruct((bh, O), jnp.float32),
    )(sums, lens, w1t, b1, w2t, b2)


def kernel(x, lengths, table, W1, b1, W2, b2):
    dummy = jnp.zeros((CSZ, E), jnp.float32)
    lens = lengths.astype(jnp.float32).reshape(B, 1)
    sums = _sc_gather_sum(x, table, dummy).reshape(B, E)
    return _tc_mlp(sums, lens, W1.T, b1.reshape(1, H), W2.T, b2.reshape(1, O))

# --- scband reference (transcript-rebuilt; emitter-appended) ---
"""Pipeline reference for scband-baseline-dnn-16398185136269 (READ-ONLY COPY).

The authoritative reference and input builder live on the scoring server;
editing this copy changes nothing except your own understanding.
"""

import jax, jax.numpy as jnp
import numpy as np

VOCAB = 100000
EMB = 128
BATCH = 4096
SEQ = 50
HIDDEN = 64
OUT = 10


def setup_inputs(seed: int = 0) -> dict:
    key = jax.random.key(seed)
    k1, k2, k3, k4, k5 = jax.random.split(key, 5)
    x = jax.random.randint(k1, (BATCH, SEQ), 0, VOCAB, dtype=jnp.int64 if jax.config.jax_enable_x64 else jnp.int32).astype(jnp.int32)
    # lengths must be >= 1 (they are used as divisors)
    lengths = jax.random.randint(k2, (BATCH,), 1, SEQ, dtype=jnp.int32)
    table = jax.random.normal(k3, (VOCAB, EMB), dtype=jnp.float32) * 0.02
    W1 = jax.random.normal(k4, (HIDDEN, EMB), dtype=jnp.float32) * 0.05
    b1 = jnp.zeros((HIDDEN,), dtype=jnp.float32)
    W2 = jax.random.normal(k5, (OUT, HIDDEN), dtype=jnp.float32) * 0.05
    b2 = jnp.zeros((OUT,), dtype=jnp.float32)
    return {"x": x, "lengths": lengths, "table": table, "W1": W1, "b1": b1, "W2": W2, "b2": b2}


def reference(x, lengths, table, W1, b1, W2, b2):
    # Embedding lookup (gather)
    emb = jnp.take(table, x, axis=0)  # [B, S, E]
    # Faithful to the torch loop: sum over the FULL padded sequence, divide by length
    representations = jnp.sum(emb, axis=1) / lengths[:, None].astype(jnp.float32)  # [B, E]
    h = jax.nn.relu(representations @ W1.T + b1)  # [B, H]
    logits = h @ W2.T + b2  # [B, OUT]
    return logits

if __name__ == "__main__":
    import jax
    _d = setup_inputs()
    print(jax.jit(kernel)(*tuple(_d.values())))

</pallas_src>

<mosaic_0001>
#map = affine_map<(d0, d1) -> (0, 0)>
#map1 = affine_map<(d0, d1) -> (0, 0, 0)>
module attributes {stable_mosaic.version = 14 : i64} {
  func.func @run(%arg0: i32, %arg1: i32, %arg2: memref<4096x50xi32, #tpu.memory_space<hbm>>, %arg3: memref<100000x128xf32, #tpu.memory_space<hbm>>, %arg4: memref<50x128xf32, #tpu.memory_space<hbm>>, %arg5: memref<32x128x128xf32, #tpu.memory_space<hbm>>, %arg6: memref<128x50xi32, #tpu.memory_space<vmem>>, %arg7: memref<8x50x128xf32, #tpu.memory_space<vmem>>, %arg8: memref<128x128xf32, #tpu.memory_space<vmem>>, %arg9: memref<!tpu.dma_semaphore, #tpu.memory_space<semaphore_mem>>, %arg10: memref<!tpu.dma_semaphore, #tpu.memory_space<semaphore_mem>>, %arg11: memref<!tpu.dma_semaphore, #tpu.memory_space<semaphore_mem>>, %arg12: memref<!tpu.dma_semaphore, #tpu.memory_space<semaphore_mem>>, %arg13: memref<!tpu.dma_semaphore, #tpu.memory_space<semaphore_mem>>, %arg14: memref<!tpu.dma_semaphore, #tpu.memory_space<semaphore_mem>>, %arg15: memref<!tpu.dma_semaphore, #tpu.memory_space<semaphore_mem>>, %arg16: memref<!tpu.dma_semaphore, #tpu.memory_space<semaphore_mem>>) attributes {dimension_semantics = [#tpu.dimension_semantics<core_parallel>, #tpu.dimension_semantics<subcore_parallel>], iteration_bounds = array<i64: 2, 16>, scalar_prefetch = 0 : i64, scratch_operands = 11 : i64, tpu.core_type = #tpu.core_type<sc_vector_subcore>, window_params = [{transform_indices = #map}, {transform_indices = #map}, {transform_indices = #map}, {transform_indices = #map1}]} {
    %mul3A = arith.constant 2 : i32
    %mul3A_0 = arith.muli %arg1, %mul3A : i32
    %add3A = arith.addi %mul3A_0, %arg0 : i32
    %mul3A_1 = arith.constant 128 : i32
    %mul3A_2 = arith.muli %add3A, %mul3A_1 : i32
    "tpu.region"() ({
      %run_scoped3A = tpu.sem_alloc : memref<!tpu.dma_semaphore, #tpu.memory_space<semaphore_mem>>
      %dma_start3A_103 = arith.constant 0 : i32
      %dma_start3A_104 = tpu.memref_slice %arg2[%mul3A_2, %dma_start3A_103] : memref<4096x50xi32, #tpu.memory_space<hbm>> -> memref<128x50xi32, #tpu.memory_space<hbm>>
      %dma_start3A_105 = arith.constant 0 : i32
      %dma_start3A_106 = tpu.memref_slice %arg2[%mul3A_2, %dma_start3A_105] : memref<4096x50xi32, #tpu.memory_space<hbm>> -> memref<128x50xi32, #tpu.memory_space<hbm>>
      tpu.enqueue_dma source(%dma_start3A_106 : memref<128x50xi32, #tpu.memory_space<hbm>>) target(%arg6 : memref<128x50xi32, #tpu.memory_space<vmem>>) target_semaphore(%run_scoped3A : memref<!tpu.dma_semaphore, #tpu.memory_space<semaphore_mem>>)
      %dma_wait3A = arith.constant 0 : i32
      %dma_wait3A_107 = tpu.memref_slice %arg2[%mul3A_2, %dma_wait3A] : memref<4096x50xi32, #tpu.memory_space<hbm>> -> memref<128x50xi32, #tpu.memory_space<hbm>>
      %dma_wait3A_108 = arith.constant 0 : i32
      %dma_wait3A_109 = tpu.memref_slice %arg2[%mul3A_2, %dma_wait3A_108] : memref<4096x50xi32, #tpu.memory_space<hbm>> -> memref<128x50xi32, #tpu.memory_space<hbm>>
      tpu.wait_dma2 semaphore(%run_scoped3A : memref<!tpu.dma_semaphore, #tpu.memory_space<semaphore_mem>>) src(%dma_wait3A_109 : memref<128x50xi32, #tpu.memory_space<hbm>>) dst(%arg6 : memref<128x50xi32, #tpu.memory_space<vmem>>)
      tpu.yield
    }) : () -> ()
    %dma_start3A = arith.constant 0 : i32
    %dma_start3A_3 = arith.constant 0 : i32
    %dma_start3A_4 = arith.constant 0 : i32
    %dma_start3A_5 = arith.constant 0 : i32
    %dma_start3A_6 = tpu.memref_slice %arg7[%dma_start3A_3, %dma_start3A_4, %dma_start3A_5] : memref<8x50x128xf32, #tpu.memory_space<vmem>> -> memref<1x50x128xf32, #tpu.memory_space<vmem>>
    %dma_start3A_7 = tpu.memref_squeeze %dma_start3A_6 : memref<1x50x128xf32, #tpu.memory_space<vmem>> -> memref<50x128xf32, #tpu.memory_space<vmem>>
    %dma_start3A_8 = arith.constant 0 : i32
    %dma_start3A_9 = tpu.memref_slice %arg6[%dma_start3A, %dma_start3A_8] : memref<128x50xi32, #tpu.memory_space<vmem>> -> memref<1x50xi32, #tpu.memory_space<vmem>>
    %dma_start3A_10 = tpu.memref_squeeze %dma_start3A_9 : memref<1x50xi32, #tpu.memory_space<vmem>> -> memref<50xi32, #tpu.memory_space<vmem>>
    %dma_start3A_11 = arith.constant 0 : i32
    %dma_start3A_12 = arith.constant 0 : i32
    %dma_start3A_13 = tpu.memref_slice %arg3[%dma_start3A_11, %dma_start3A_12] : memref<100000x128xf32, #tpu.memory_space<hbm>> -> memref<100000x128xf32, #tpu.memory_space<hbm>>
    tpu.enqueue_indirect_dma source(%dma_start3A_13 : memref<100000x128xf32, #tpu.memory_space<hbm>>) target(%dma_start3A_7 : memref<50x128xf32, #tpu.memory_space<vmem>>) offsets(%dma_start3A_10 : memref<50xi32, #tpu.memory_space<vmem>>) semaphore(%arg9 : memref<!tpu.dma_semaphore, #tpu.memory_space<semaphore_mem>>)
    %dma_start3A_14 = arith.constant 1 : i32
    %dma_start3A_15 = arith.constant 1 : i32
    %dma_start3A_16 = arith.constant 0 : i32
    %dma_start3A_17 = arith.constant 0 : i32
    %dma_start3A_18 = tpu.memref_slice %arg7[%dma_start3A_15, %dma_start3A_16, %dma_start3A_17] : memref<8x50x128xf32, #tpu.memory_space<vmem>> -> memref<1x50x128xf32, #tpu.memory_space<vmem>>
    %dma_start3A_19 = tpu.memref_squeeze %dma_start3A_18 : memref<1x50x128xf32, #tpu.memory_space<vmem>> -> memref<50x128xf32, #tpu.memory_space<vmem>>
    %dma_start3A_20 = arith.constant 0 : i32
    %dma_start3A_21 = tpu.memref_slice %arg6[%dma_start3A_14, %dma_start3A_20] : memref<128x50xi32, #tpu.memory_space<vmem>> -> memref<1x50xi32, #tpu.memory_space<vmem>>
    %dma_start3A_22 = tpu.memref_squeeze %dma_start3A_21 : memref<1x50xi32, #tpu.memory_space<vmem>> -> memref<50xi32, #tpu.memory_space<vmem>>
    %dma_start3A_23 = arith.constant 0 : i32
    %dma_start3A_24 = arith.constant 0 : i32
    %dma_start3A_25 = tpu.memref_slice %arg3[%dma_start3A_23, %dma_start3A_24] : memref<100000x128xf32, #tpu.memory_space<hbm>> -> memref<100000x128xf32, #tpu.memory_space<hbm>>
    tpu.enqueue_indirect_dma source(%dma_start3A_25 : memref<100000x128xf32, #tpu.memory_space<hbm>>) target(%dma_start3A_19 : memref<50x128xf32, #tpu.memory_space<vmem>>) offsets(%dma_start3A_22 : memref<50xi32, #tpu.memory_space<vmem>>) semaphore(%arg10 : memref<!tpu.dma_semaphore, #tpu.memory_space<semaphore_mem>>)
    %dma_start3A_26 = arith.constant 2 : i32
    %dma_start3A_27 = arith.constant 2 : i32
    %dma_start3A_28 = arith.constant 0 : i32
    %dma_start3A_29 = arith.constant 0 : i32
    %dma_start3A_30 = tpu.memref_slice %arg7[%dma_start3A_27, %dma_start3A_28, %dma_start3A_29] : memref<8x50x128xf32, #tpu.memory_space<vmem>> -> memref<1x50x128xf32, #tpu.memory_space<vmem>>
    %dma_start3A_31 = tpu.memref_squeeze %dma_start3A_30 : memref<1x50x128xf32, #tpu.memory_space<vmem>> -> memref<50x128xf32, #tpu.memory_space<vmem>>
    %dma_start3A_32 = arith.constant 0 : i32
    %dma_start3A_33 = tpu.memref_slice %arg6[%dma_start3A_26, %dma_start3A_32] : memref<128x50xi32, #tpu.memory_space<vmem>> -> memref<1x50xi32, #tpu.memory_space<vmem>>
    %dma_start3A_34 = tpu.memref_squeeze %dma_start3A_33 : memref<1x50xi32, #tpu.memory_space<vmem>> -> memref<50xi32, #tpu.memory_space<vmem>>
    %dma_start3A_35 = arith.constant 0 : i32
    %dma_start3A_36 = arith.constant 0 : i32
    %dma_start3A_37 = tpu.memref_slice %arg3[%dma_start3A_35, %dma_start3A_36] : memref<100000x128xf32, #tpu.memory_space<hbm>> -> memref<100000x128xf32, #tpu.memory_space<hbm>>
    tpu.enqueue_indirect_dma source(%dma_start3A_37 : memref<100000x128xf32, #tpu.memory_space<hbm>>) target(%dma_start3A_31 : memref<50x128xf32, #tpu.memory_space<vmem>>) offsets(%dma_start3A_34 : memref<50xi32, #tpu.memory_space<vmem>>) semaphore(%arg11 : memref<!tpu.dma_semaphore, #tpu.memory_space<semaphore_mem>>)
    %dma_start3A_38 = arith.constant 3 : i32
    %dma_start3A_39 = arith.constant 3 : i32
    %dma_start3A_40 = arith.constant 0 : i32
    %dma_start3A_41 = arith.constant 0 : i32
    %dma_start3A_42 = tpu.memref_slice %arg7[%dma_start3A_39, %dma_start3A_40, %dma_start3A_41] : memref<8x50x128xf32, #tpu.memory_space<vmem>> -> memref<1x50x128xf32, #tpu.memory_space<vmem>>
    %dma_start3A_43 = tpu.memref_squeeze %dma_start3A_42 : memref<1x50x128xf32, #tpu.memory_space<vmem>> -> memref<50x128xf32, #tpu.memory_space<vmem>>
    %dma_start3A_44 = arith.constant 0 : i32
    %dma_start3A_45 = tpu.memref_slice %arg6[%dma_start3A_38, %dma_start3A_44] : memref<128x50xi32, #tpu.memory_space<vmem>> -> memref<1x50xi32, #tpu.memory_space<vmem>>
    %dma_start3A_46 = tpu.memref_squeeze %dma_start3A_45 : memref<1x50xi32, #tpu.memory_space<vmem>> -> memref<50xi32, #tpu.memory_space<vmem>>
    %dma_start3A_47 = arith.constant 0 : i32
    %dma_start3A_48 = arith.constant 0 : i32
    %dma_start3A_49 = tpu.memref_slice %arg3[%dma_start3A_47, %dma_start3A_48] : memref<100000x128xf32, #tpu.memory_space<hbm>> -> memref<100000x128xf32, #tpu.memory_space<hbm>>
    tpu.enqueue_indirect_dma source(%dma_start3A_49 : memref<100000x128xf32, #tpu.memory_space<hbm>>) target(%dma_start3A_43 : memref<50x128xf32, #tpu.memory_space<vmem>>) offsets(%dma_start3A_46 : memref<50xi32, #tpu.memory_space<vmem>>) semaphore(%arg12 : memref<!tpu.dma_semaphore, #tpu.memory_space<semaphore_mem>>)
    %dma_start3A_50 = arith.constant 4 : i32
    %dma_start3A_51 = arith.constant 4 : i32
    %dma_start3A_52 = arith.constant 0 : i32
    %dma_start3A_53 = arith.constant 0 : i32
    %dma_start3A_54 = tpu.memref_slice %arg7[%dma_start3A_51, %dma_start3A_52, %dma_start3A_53] : memref<8x50x128xf32, #tpu.memory_space<vmem>> -> memref<1x50x128xf32, #tpu.memory_space<vmem>>
    %dma_start3A_55 = tpu.memref_squeeze %dma_start3A_54 : memref<1x50x128xf32, #tpu.memory_space<vmem>> -> memref<50x128xf32, #tpu.memory_space<vmem>>
    %dma_start3A_56 = arith.constant 0 : i32
    %dma_start3A_57 = tpu.memref_slice %arg6[%dma_start3A_50, %dma_start3A_56] : memref<128x50xi32, #tpu.memory_space<vmem>> -> memref<1x50xi32, #tpu.memory_space<vmem>>
    %dma_start3A_58 = tpu.memref_squeeze %dma_start3A_57 : memref<1x50xi32, #tpu.memory_space<vmem>> -> memref<50xi32, #tpu.memory_space<vmem>>
    %dma_start3A_59 = arith.constant 0 : i32
    %dma_start3A_60 = arith.constant 0 : i32
    %dma_start3A_61 = tpu.memref_slice %arg3[%dma_start3A_59, %dma_start3A_60] : memref<100000x128xf32, #tpu.memory_space<hbm>> -> memref<100000x128xf32, #tpu.memory_space<hbm>>
    tpu.enqueue_indirect_dma source(%dma_start3A_61 : memref<100000x128xf32, #tpu.memory_space<hbm>>) target(%dma_start3A_55 : memref<50x128xf32, #tpu.memory_space<vmem>>) offsets(%dma_start3A_58 : memref<50xi32, #tpu.memory_space<vmem>>) semaphore(%arg13 : memref<!tpu.dma_semaphore, #tpu.memory_space<semaphore_mem>>)
    %dma_start3A_62 = arith.constant 5 : i32
    %dma_start3A_63 = arith.constant 5 : i32
    %dma_start3A_64 = arith.constant 0 : i32
    %dma_start3A_65 = arith.constant 0 : i32
    %dma_start3A_66 = tpu.memref_slice %arg7[%dma_start3A_63, %dma_start3A_64, %dma_start3A_65] : memref<8x50x128xf32, #tpu.memory_space<vmem>> -> memref<1x50x128xf32, #tpu.memory_space<vmem>>
    %dma_start3A_67 = tpu.memref_squeeze %dma_start3A_66 : memref<1x50x128xf32, #tpu.memory_space<vmem>> -> memref<50x128xf32, #tpu.memory_space<vmem>>
    %dma_start3A_68 = arith.constant 0 : i32
    %dma_start3A_69 = tpu.memref_slice %arg6[%dma_start3A_62, %dma_start3A_68] : memref<128x50xi32, #tpu.memory_space<vmem>> -> memref<1x50xi32, #tpu.memory_space<vmem>>
    %dma_start3A_70 = tpu.memref_squeeze %dma_start3A_69 : memref<1x50xi32, #tpu.memory_space<vmem>> -> memref<50xi32, #tpu.memory_space<vmem>>
    %dma_start3A_71 = arith.constant 0 : i32
    %dma_start3A_72 = arith.constant 0 : i32
    %dma_start3A_73 = tpu.memref_slice %arg3[%dma_start3A_71, %dma_start3A_72] : memref<100000x128xf32, #tpu.memory_space<hbm>> -> memref<100000x128xf32, #tpu.memory_space<hbm>>
    tpu.enqueue_indirect_dma source(%dma_start3A_73 : memref<100000x128xf32, #tpu.memory_space<hbm>>) target(%dma_start3A_67 : memref<50x128xf32, #tpu.memory_space<vmem>>) offsets(%dma_start3A_70 : memref<50xi32, #tpu.memory_space<vmem>>) semaphore(%arg14 : memref<!tpu.dma_semaphore, #tpu.memory_space<semaphore_mem>>)
    %dma_start3A_74 = arith.constant 6 : i32
    %dma_start3A_75 = arith.constant 6 : i32
    %dma_start3A_76 = arith.constant 0 : i32
    %dma_start3A_77 = arith.constant 0 : i32
    %dma_start3A_78 = tpu.memref_slice %arg7[%dma_start3A_75, %dma_start3A_76, %dma_start3A_77] : memref<8x50x128xf32, #tpu.memory_space<vmem>> -> memref<1x50x128xf32, #tpu.memory_space<vmem>>
    %dma_start3A_79 = tpu.memref_squeeze %dma_start3A_78 : memref<1x50x128xf32, #tpu.memory_space<vmem>> -> memref<50x128xf32, #tpu.memory_space<vmem>>
    %dma_start3A_80 = arith.constant 0 : i32
    %dma_start3A_81 = tpu.memref_slice %arg6[%dma_start3A_74, %dma_start3A_80] : memref<128x50xi32, #tpu.memory_space<vmem>> -> memref<1x50xi32, #tpu.memory_space<vmem>>
    %dma_start3A_82 = tpu.memref_squeeze %dma_start3A_81 : memref<1x50xi32, #tpu.memory_space<vmem>> -> memref<50xi32, #tpu.memory_space<vmem>>
    %dma_start3A_83 = arith.constant 0 : i32
    %dma_start3A_84 = arith.constant 0 : i32
    %dma_start3A_85 = tpu.memref_slice %arg3[%dma_start3A_83, %dma_start3A_84] : memref<100000x128xf32, #tpu.memory_space<hbm>> -> memref<100000x128xf32, #tpu.memory_space<hbm>>
    tpu.enqueue_indirect_dma source(%dma_start3A_85 : memref<100000x128xf32, #tpu.memory_space<hbm>>) target(%dma_start3A_79 : memref<50x128xf32, #tpu.memory_space<vmem>>) offsets(%dma_start3A_82 : memref<50xi32, #tpu.memory_space<vmem>>) semaphore(%arg15 : memref<!tpu.dma_semaphore, #tpu.memory_space<semaphore_mem>>)
    %dma_start3A_86 = arith.constant 7 : i32
    %dma_start3A_87 = arith.constant 7 : i32
    %dma_start3A_88 = arith.constant 0 : i32
    %dma_start3A_89 = arith.constant 0 : i32
    %dma_start3A_90 = tpu.memref_slice %arg7[%dma_start3A_87, %dma_start3A_88, %dma_start3A_89] : memref<8x50x128xf32, #tpu.memory_space<vmem>> -> memref<1x50x128xf32, #tpu.memory_space<vmem>>
    %dma_start3A_91 = tpu.memref_squeeze %dma_start3A_90 : memref<1x50x128xf32, #tpu.memory_space<vmem>> -> memref<50x128xf32, #tpu.memory_space<vmem>>
    %dma_start3A_92 = arith.constant 0 : i32
    %dma_start3A_93 = tpu.memref_slice %arg6[%dma_start3A_86, %dma_start3A_92] : memref<128x50xi32, #tpu.memory_space<vmem>> -> memref<1x50xi32, #tpu.memory_space<vmem>>
    %dma_start3A_94 = tpu.memref_squeeze %dma_start3A_93 : memref<1x50xi32, #tpu.memory_space<vmem>> -> memref<50xi32, #tpu.memory_space<vmem>>
    %dma_start3A_95 = arith.constant 0 : i32
    %dma_start3A_96 = arith.constant 0 : i32
    %dma_start3A_97 = tpu.memref_slice %arg3[%dma_start3A_95, %dma_start3A_96] : memref<100000x128xf32, #tpu.memory_space<hbm>> -> memref<100000x128xf32, #tpu.memory_space<hbm>>
    tpu.enqueue_indirect_dma source(%dma_start3A_97 : memref<100000x128xf32, #tpu.memory_space<hbm>>) target(%dma_start3A_91 : memref<50x128xf32, #tpu.memory_space<vmem>>) offsets(%dma_start3A_94 : memref<50xi32, #tpu.memory_space<vmem>>) semaphore(%arg16 : memref<!tpu.dma_semaphore, #tpu.memory_space<semaphore_mem>>)
    %scan3A = arith.constant 0 : i32
    %scan3A_98 = arith.constant 0 : i32
    %scan3A_99 = arith.constant 16 : i32
    %scan3A_100 = arith.addi %scan3A_98, %scan3A_99 : i32
    %scan3A_101 = arith.constant 1 : i32
    scf.for %scan3A_103 = %scan3A_98 to %scan3A_100 step %scan3A_101  : i32 {
      %mul3A_104 = arith.constant 8 : i32
      %mul3A_105 = arith.muli %scan3A_103, %mul3A_104 : i32
      %add3A_106 = arith.constant 0 : i32
      %add3A_107 = arith.addi %mul3A_105, %add3A_106 : i32
      %dma_wait3A = arith.constant 0 : i32
      %dma_wait3A_108 = arith.constant 0 : i32
      %dma_wait3A_109 = arith.constant 0 : i32
      %dma_wait3A_110 = tpu.memref_slice %arg7[%dma_wait3A, %dma_wait3A_108, %dma_wait3A_109] : memref<8x50x128xf32, #tpu.memory_space<vmem>> -> memref<1x50x128xf32, #tpu.memory_space<vmem>>
      %dma_wait3A_111 = tpu.memref_squeeze %dma_wait3A_110 : memref<1x50x128xf32, #tpu.memory_space<vmem>> -> memref<50x128xf32, #tpu.memory_space<vmem>>
      %dma_wait3A_112 = arith.constant 0 : i32
      %dma_wait3A_113 = arith.constant 0 : i32
      %dma_wait3A_114 = tpu.memref_slice %arg7[%dma_wait3A, %dma_wait3A_112, %dma_wait3A_113] : memref<8x50x128xf32, #tpu.memory_space<vmem>> -> memref<1x50x128xf32, #tpu.memory_space<vmem>>
      %dma_wait3A_115 = tpu.memref_squeeze %dma_wait3A_114 : memref<1x50x128xf32, #tpu.memory_space<vmem>> -> memref<50x128xf32, #tpu.memory_space<vmem>>
      tpu.wait_dma2 semaphore(%arg9 : memref<!tpu.dma_semaphore, #tpu.memory_space<semaphore_mem>>) src(%arg4 : memref<50x128xf32, #tpu.memory_space<hbm>>) dst(%dma_wait3A_115 : memref<50x128xf32, #tpu.memory_space<vmem>>)
      %broadcast_in_dim3A = arith.constant 0.000000e+00 : f32
      %broadcast_in_dim3A_116 = vector.broadcast %broadcast_in_dim3A : f32 to vector<16xf32>
      %broadcast_in_dim3A_117 = arith.constant 0.000000e+00 : f32
      %broadcast_in_dim3A_118 = vector.broadcast %broadcast_in_dim3A_117 : f32 to vector<16xf32>
      %broadcast_in_dim3A_119 = arith.constant 0.000000e+00 : f32
      %broadcast_in_dim3A_120 = vector.broadcast %broadcast_in_dim3A_119 : f32 to vector<16xf32>
      %broadcast_in_dim3A_121 = arith.constant 0.000000e+00 : f32
      %broadcast_in_dim3A_122 = vector.broadcast %broadcast_in_dim3A_121 : f32 to vector<16xf32>
      %broadcast_in_dim3A_123 = arith.constant 0.000000e+00 : f32
      %broadcast_in_dim3A_124 = vector.broadcast %broadcast_in_dim3A_123 : f32 to vector<16xf32>
      %broadcast_in_dim3A_125 = arith.constant 0.000000e+00 : f32
      %broadcast_in_dim3A_126 = vector.broadcast %broadcast_in_dim3A_125 : f32 to vector<16xf32>
      %broadcast_in_dim3A_127 = arith.constant 0.000000e+00 : f32
      %broadcast_in_dim3A_128 = vector.broadcast %broadcast_in_dim3A_127 : f32 to vector<16xf32>
      %broadcast_in_dim3A_129 = arith.constant 0.000000e+00 : f32
      %broadcast_in_dim3A_130 = vector.broadcast %broadcast_in_dim3A_129 : f32 to vector<16xf32>
      %scan3A_131 = arith.constant 0 : i32
      %scan3A_132 = arith.constant 0 : i32
      %scan3A_133 = arith.constant 10 : i32
      %scan3A_134 = arith.addi %scan3A_132, %scan3A_133 : i32
      %scan3A_135 = arith.constant 1 : i32
      %scan3A_136:8 = scf.for %scan3A_794 = %scan3A_132 to %scan3A_134 step %scan3A_135 iter_args(%scan3A_795 = %broadcast_in_dim3A_116, %scan3A_796 = %broadcast_in_dim3A_118, %scan3A_797 = %broadcast_in_dim3A_120, %scan3A_798 = %broadcast_in_dim3A_122, %scan3A_799 = %broadcast_in_dim3A_124, %scan3A_800 = %broadcast_in_dim3A_126, %scan3A_801 = %broadcast_in_dim3A_128, %scan3A_802 = %broadcast_in_dim3A_130) -> (vector<16xf32>, vector<16xf32>, vector<16xf32>, vector<16xf32>, vector<16xf32>, vector<16xf32>, vector<16xf32>, vector<16xf32>)  : i32 {
        %mul3A_803 = arith.constant 5 : i32
        %mul3A_804 = arith.muli %scan3A_794, %mul3A_803 : i32
        %add3A_805 = arith.constant 0 : i32
        %add3A_806 = arith.addi %add3A_805, %mul3A_804 : i32
        %add3A_807 = arith.constant 0 : i32
        %add3A_808 = arith.addi %add3A_806, %add3A_807 : i32
        %get3A = arith.constant 0 : i32
        %get3A_809 = arith.constant 0 : i32
        %get3A_810 = tpu.memref_slice %arg7[%scan3A_131, %get3A, %get3A_809] : memref<8x50x128xf32, #tpu.memory_space<vmem>> -> memref<1x50x128xf32, #tpu.memory_space<vmem>>
        %get3A_811 = tpu.memref_squeeze %get3A_810 : memref<1x50x128xf32, #tpu.memory_space<vmem>> -> memref<50x128xf32, #tpu.memory_space<vmem>>
        %get3A_812 = arith.index_cast %add3A_808 : i32 to index
        %get3A_813 = arith.constant 0 : index
        %get3A_814 = tpu.vector_load %get3A_811[%get3A_812, %get3A_813] {strides = array<i32>} : memref<50x128xf32, #tpu.memory_space<vmem>>, vector<1x16xf32>,
        %get3A_815 = vector.shape_cast %get3A_814 : vector<1x16xf32> to vector<16xf32>
        %add3A_816 = arith.addf %scan3A_795, %get3A_815 : vector<16xf32>
        %add3A_817 = arith.constant 0 : i32
        %add3A_818 = arith.addi %add3A_806, %add3A_817 : i32
        %get3A_819 = arith.constant 0 : i32
        %get3A_820 = arith.constant 0 : i32
        %get3A_821 = tpu.memref_slice %arg7[%scan3A_131, %get3A_819, %get3A_820] : memref<8x50x128xf32, #tpu.memory_space<vmem>> -> memref<1x50x128xf32, #tpu.memory_space<vmem>>
        %get3A_822 = tpu.memref_squeeze %get3A_821 : memref<1x50x128xf32, #tpu.memory_space<vmem>> -> memref<50x128xf32, #tpu.memory_space<vmem>>
        %get3A_823 = arith.index_cast %add3A_818 : i32 to index
        %get3A_824 = arith.constant 16 : index
        %get3A_825 = tpu.vector_load %get3A_822[%get3A_823, %get3A_824] {strides = array<i32>} : memref<50x128xf32, #tpu.memory_space<vmem>>, vector<1x16xf32>,
        %get3A_826 = vector.shape_cast %get3A_825 : vector<1x16xf32> to vector<16xf32>
        %add3A_827 = arith.addf %scan3A_796, %get3A_826 : vector<16xf32>
        %add3A_828 = arith.constant 0 : i32
        %add3A_829 = arith.addi %add3A_806, %add3A_828 : i32
        %get3A_830 = arith.constant 0 : i32
        %get3A_831 = arith.constant 0 : i32
        %get3A_832 = tpu.memref_slice %arg7[%scan3A_131, %get3A_830, %get3A_831] : memref<8x50x128xf32, #tpu.memory_space<vmem>> -> memref<1x50x128xf32, #tpu.memory_space<vmem>>
        %get3A_833 = tpu.memref_squeeze %get3A_832 : memref<1x50x128xf32, #tpu.memory_space<vmem>> -> memref<50x128xf32, #tpu.memory_space<vmem>>
        %get3A_834 = arith.index_cast %add3A_829 : i32 to index
        %get3A_835 = arith.constant 32 : index
        %get3A_836 = tpu.vector_load %get3A_833[%get3A_834, %get3A_835] {strides = array<i32>} : memref<50x128xf32, #tpu.memory_space<vmem>>, vector<1x16xf32>,
        %get3A_837 = vector.shape_cast %get3A_836 : vector<1x16xf32> to vector<16xf32>
        %add3A_838 = arith.addf %scan3A_797, %get3A_837 : vector<16xf32>
        %add3A_839 = arith.constant 0 : i32
        %add3A_840 = arith.addi %add3A_806, %add3A_839 : i32
        %get3A_841 = arith.constant 0 : i32
        %get3A_842 = arith.constant 0 : i32
        %get3A_843 = tpu.memref_slice %arg7[%scan3A_131, %get3A_841, %get3A_842] : memref<8x50x128xf32, #tpu.memory_space<vmem>> -> memref<1x50x128xf32, #tpu.memory_space<vmem>>
        %get3A_844 = tpu.memref_squeeze %get3A_843 : memref<1x50x128xf32, #tpu.memory_space<vmem>> -> memref<50x128xf32, #tpu.memory_space<vmem>>
        %get3A_845 = arith.index_cast %add3A_840 : i32 to index
        %get3A_846 = arith.constant 48 : index
        %get3A_847 = tpu.vector_load %get3A_844[%get3A_845, %get3A_846] {strides = array<i32>} : memref<50x128xf32, #tpu.memory_space<vmem>>, vector<1x16xf32>,
        %get3A_848 = vector.shape_cast %get3A_847 : vector<1x16xf32> to vector<16xf32>
        %add3A_849 = arith.addf %scan3A_798, %get3A_848 : vector<16xf32>
        %add3A_850 = arith.constant 0 : i32
        %add3A_851 = arith.addi %add3A_806, %add3A_850 : i32
        %get3A_852 = arith.constant 0 : i32
        %get3A_853 = arith.constant 0 : i32
        %get3A_854 = tpu.memref_slice %arg7[%scan3A_131, %get3A_852, %get3A_853] : memref<8x50x128xf32, #tpu.memory_space<vmem>> -> memref<1x50x128xf32, #tpu.memory_space<vmem>>
        %get3A_855 = tpu.memref_squeeze %get3A_854 : memref<1x50x128xf32, #tpu.memory_space<vmem>> -> memref<50x128xf32, #tpu.memory_space<vmem>>
        %get3A_856 = arith.index_cast %add3A_851 : i32 to index
        %get3A_857 = arith.constant 64 : index
        %get3A_858 = tpu.vector_load %get3A_855[%get3A_856, %get3A_857] {strides = array<i32>} : memref<50x128xf32, #tpu.memory_space<vmem>>, vector<1x16xf32>,
        %get3A_859 = vector.shape_cast %get3A_858 : vector<1x16xf32> to vector<16xf32>
        %add3A_860 = arith.addf %scan3A_799, %get3A_859 : vector<16xf32>
        %add3A_861 = arith.constant 0 : i32
        %add3A_862 = arith.addi %add3A_806, %add3A_861 : i32
        %get3A_863 = arith.constant 0 : i32
        %get3A_864 = arith.constant 0 : i32
        %get3A_865 = tpu.memref_slice %arg7[%scan3A_131, %get3A_863, %get3A_864] : memref<8x50x128xf32, #tpu.memory_space<vmem>> -> memref<1x50x128xf32, #tpu.memory_space<vmem>>
        %get3A_866 = tpu.memref_squeeze %get3A_865 : memref<1x50x128xf32, #tpu.memory_space<vmem>> -> memref<50x128xf32, #tpu.memory_space<vmem>>
        %get3A_867 = arith.index_cast %add3A_862 : i32 to index
        %get3A_868 = arith.constant 80 : index
        %get3A_869 = tpu.vector_load %get3A_866[%get3A_867, %get3A_868] {strides = array<i32>} : memref<50x128xf32, #tpu.memory_space<vmem>>, vector<1x16xf32>,
        %get3A_870 = vector.shape_cast %get3A_869 : vector<1x16xf32> to vector<16xf32>
        %add3A_871 = arith.addf %scan3A_800, %get3A_870 : vector<16xf32>
        %add3A_872 = arith.constant 0 : i32
        %add3A_873 = arith.addi %add3A_806, %add3A_872 : i32
        %get3A_874 = arith.constant 0 : i32
        %get3A_875 = arith.constant 0 : i32
        %get3A_876 = tpu.memref_slice %arg7[%scan3A_131, %get3A_874, %get3A_875] : memref<8x50x128xf32, #tpu.memory_space<vmem>> -> memref<1x50x128xf32, #tpu.memory_space<vmem>>
        %get3A_877 = tpu.memref_squeeze %get3A_876 : memref<1x50x128xf32, #tpu.memory_space<vmem>> -> memref<50x128xf32, #tpu.memory_space<vmem>>
        %get3A_878 = arith.index_cast %add3A_873 : i32 to index
        %get3A_879 = arith.constant 96 : index
        %get3A_880 = tpu.vector_load %get3A_877[%get3A_878, %get3A_879] {strides = array<i32>} : memref<50x128xf32, #tpu.memory_space<vmem>>, vector<1x16xf32>,
        %get3A_881 = vector.shape_cast %get3A_880 : vector<1x16xf32> to vector<16xf32>
        %add3A_882 = arith.addf %scan3A_801, %get3A_881 : vector<16xf32>
        %add3A_883 = arith.constant 0 : i32
        %add3A_884 = arith.addi %add3A_806, %add3A_883 : i32
        %get3A_885 = arith.constant 0 : i32
        %get3A_886 = arith.constant 0 : i32
        %get3A_887 = tpu.memref_slice %arg7[%scan3A_131, %get3A_885, %get3A_886] : memref<8x50x128xf32, #tpu.memory_space<vmem>> -> memref<1x50x128xf32, #tpu.memory_space<vmem>>
        %get3A_888 = tpu.memref_squeeze %get3A_887 : memref<1x50x128xf32, #tpu.memory_space<vmem>> -> memref<50x128xf32, #tpu.memory_space<vmem>>
        %get3A_889 = arith.index_cast %add3A_884 : i32 to index
        %get3A_890 = arith.constant 112 : index
        %get3A_891 = tpu.vector_load %get3A_888[%get3A_889, %get3A_890] {strides = array<i32>} : memref<50x128xf32, #tpu.memory_space<vmem>>, vector<1x16xf32>,
        %get3A_892 = vector.shape_cast %get3A_891 : vector<1x16xf32> to vector<16xf32>
        %add3A_893 = arith.addf %scan3A_802, %get3A_892 : vector<16xf32>
        %add3A_894 = arith.constant 1 : i32
        %add3A_895 = arith.addi %add3A_806, %add3A_894 : i32
        %get3A_896 = arith.constant 0 : i32
        %get3A_897 = arith.constant 0 : i32
        %get3A_898 = tpu.memref_slice %arg7[%scan3A_131, %get3A_896, %get3A_897] : memref<8x50x128xf32, #tpu.memory_space<vmem>> -> memref<1x50x128xf32, #tpu.memory_space<vmem>>
        %get3A_899 = tpu.memref_squeeze %get3A_898 : memref<1x50x128xf32, #tpu.memory_space<vmem>> -> memref<50x128xf32, #tpu.memory_space<vmem>>
        %get3A_900 = arith.index_cast %add3A_895 : i32 to index
        %get3A_901 = arith.constant 0 : index
        %get3A_902 = tpu.vector_load %get3A_899[%get3A_900, %get3A_901] {strides = array<i32>} : memref<50x128xf32, #tpu.memory_space<vmem>>, vector<1x16xf32>,
        %get3A_903 = vector.shape_cast %get3A_902 : vector<1x16xf32> to vector<16xf32>
        %add3A_904 = arith.addf %add3A_816, %get3A_903 : vector<16xf32>
        %add3A_905 = arith.constant 1 : i32
        %add3A_906 = arith.addi %add3A_806, %add3A_905 : i32
        %get3A_907 = arith.constant 0 : i32
        %get3A_908 = arith.constant 0 : i32
        %get3A_909 = tpu.memref_slice %arg7[%scan3A_131, %get3A_907, %get3A_908] : memref<8x50x128xf32, #tpu.memory_space<vmem>> -> memref<1x50x128xf32, #tpu.memory_space<vmem>>
        %get3A_910 = tpu.memref_squeeze %get3A_909 : memref<1x50x128xf32, #tpu.memory_space<vmem>> -> memref<50x128xf32, #tpu.memory_space<vmem>>
        %get3A_911 = arith.index_cast %add3A_906 : i32 to index
        %get3A_912 = arith.constant 16 : index
        %get3A_913 = tpu.vector_load %get3A_910[%get3A_911, %get3A_912] {strides = array<i32>} : memref<50x128xf32, #tpu.memory_space<vmem>>, vector<1x16xf32>,
        %get3A_914 = vector.shape_cast %get3A_913 : vector<1x16xf32> to vector<16xf32>
        %add3A_915 = arith.addf %add3A_827, %get3A_914 : vector<16xf32>
        %add3A_916 = arith.constant 1 : i32
        %add3A_917 = arith.addi %add3A_806, %add3A_916 : i32
        %get3A_918 = arith.constant 0 : i32
        %get3A_919 = arith.constant 0 : i32
        %get3A_920 = tpu.memref_slice %arg7[%scan3A_131, %get3A_918, %get3A_919] : memref<8x50x128xf32, #tpu.memory_space<vmem>> -> memref<1x50x128xf32, #tpu.memory_space<vmem>>
        %get3A_921 = tpu.memref_squeeze %get3A_920 : memref<1x50x128xf32, #tpu.memory_space<vmem>> -> memref<50x128xf32, #tpu.memory_space<vmem>>
        %get3A_922 = arith.index_cast %add3A_917 : i32 to index
        %get3A_923 = arith.constant 32 : index
        %get3A_924 = tpu.vector_load %get3A_921[%get3A_922, %get3A_923] {strides = array<i32>} : memref<50x128xf32, #tpu.memory_space<vmem>>, vector<1x16xf32>,
        %get3A_925 = vector.shape_cast %get3A_924 : vector<1x16xf32> to vector<16xf32>
        %add3A_926 = arith.addf %add3A_838, %get3A_925 : vector<16xf32>
        %add3A_927 = arith.constant 1 : i32
        %add3A_928 = arith.addi %add3A_806, %add3A_927 : i32
        %get3A_929 = arith.constant 0 : i32
        %get3A_930 = arith.constant 0 : i32
        %get3A_931 = tpu.memref_slice %arg7[%scan3A_131, %get3A_929, %get3A_930] : memref<8x50x128xf32, #tpu.memory_space<vmem>> -> memref<1x50x128xf32, #tpu.memory_space<vmem>>
        %get3A_932 = tpu.memref_squeeze %get3A_931 : memref<1x50x128xf32, #tpu.memory_space<vmem>> -> memref<50x128xf32, #tpu.memory_space<vmem>>
        %get3A_933 = arith.index_cast %add3A_928 : i32 to index
        %get3A_934 = arith.constant 48 : index
        %get3A_935 = tpu.vector_load %get3A_932[%get3A_933, %get3A_934] {strides = array<i32>} : memref<50x128xf32, #tpu.memory_space<vmem>>, vector<1x16xf32>,
        %get3A_936 = vector.shape_cast %get3A_935 : vector<1x16xf32> to vector<16xf32>
        %add3A_937 = arith.addf %add3A_849, %get3A_936 : vector<16xf32>
        %add3A_938 = arith.constant 1 : i32
        %add3A_939 = arith.addi %add3A_806, %add3A_938 : i32
        %get3A_940 = arith.constant 0 : i32
        %get3A_941 = arith.constant 0 : i32
        %get3A_942 = tpu.memref_slice %arg7[%scan3A_131, %get3A_940, %get3A_941] : memref<8x50x128xf32, #tpu.memory_space<vmem>> -> memref<1x50x128xf32, #tpu.memory_space<vmem>>
        %get3A_943 = tpu.memref_squeeze %get3A_942 : memref<1x50x128xf32, #tpu.memory_space<vmem>> -> memref<50x128xf32, #tpu.memory_space<vmem>>
        %get3A_944 = arith.index_cast %add3A_939 : i32 to index
        %get3A_945 = arith.constant 64 : index
        %get3A_946 = tpu.vector_load %get3A_943[%get3A_944, %get3A_945] {strides = array<i32>} : memref<50x128xf32, #tpu.memory_space<vmem>>, vector<1x16xf32>,
        %get3A_947 = vector.shape_cast %get3A_946 : vector<1x16xf32> to vector<16xf32>
        %add3A_948 = arith.addf %add3A_860, %get3A_947 : vector<16xf32>
        %add3A_949 = arith.constant 1 : i32
        %add3A_950 = arith.addi %add3A_806, %add3A_949 : i32
        %get3A_951 = arith.constant 0 : i32
        %get3A_952 = arith.constant 0 : i32
        %get3A_953 = tpu.memref_slice %arg7[%scan3A_131, %get3A_951, %get3A_952] : memref<8x50x128xf32, #tpu.memory_space<vmem>> -> memref<1x50x128xf32, #tpu.memory_space<vmem>>
        %get3A_954 = tpu.memref_squeeze %get3A_953 : memref<1x50x128xf32, #tpu.memory_space<vmem>> -> memref<50x128xf32, #tpu.memory_space<vmem>>
        %get3A_955 = arith.index_cast %add3A_950 : i32 to index
        %get3A_956 = arith.constant 80 : index
        %get3A_957 = tpu.vector_load %get3A_954[%get3A_955, %get3A_956] {strides = array<i32>} : memref<50x128xf32, #tpu.memory_space<vmem>>, vector<1x16xf32>,
        %get3A_958 = vector.shape_cast %get3A_957 : vector<1x16xf32> to vector<16xf32>
        %add3A_959 = arith.addf %add3A_871, %get3A_958 : vector<16xf32>
        %add3A_960 = arith.constant 1 : i32
        %add3A_961 = arith.addi %add3A_806, %add3A_960 : i32
        %get3A_962 = arith.constant 0 : i32
        %get3A_963 = arith.constant 0 : i32
        %get3A_964 = tpu.memref_slice %arg7[%scan3A_131, %get3A_962, %get3A_963] : memref<8x50x128xf32, #tpu.memory_space<vmem>> -> memref<1x50x128xf32, #tpu.memory_space<vmem>>
        %get3A_965 = tpu.memref_squeeze %get3A_964 : memref<1x50x128xf32, #tpu.memory_space<vmem>> -> memref<50x128xf32, #tpu.memory_space<vmem>>
        %get3A_966 = arith.index_cast %add3A_961 : i32 to index
        %get3A_967 = arith.constant 96 : index
        %get3A_968 = tpu.vector_load %get3A_965[%get3A_966, %get3A_967] {strides = array<i32>} : memref<50x128xf32, #tpu.memory_space<vmem>>, vector<1x16xf32>,
        %get3A_969 = vector.shape_cast %get3A_968 : vector<1x16xf32> to vector<16xf32>
        %add3A_970 = arith.addf %add3A_882, %get3A_969 : vector<16xf32>
        %add3A_971 = arith.constant 1 : i32
        %add3A_972 = arith.addi %add3A_806, %add3A_971 : i32
        %get3A_973 = arith.constant 0 : i32
        %get3A_974 = arith.constant 0 : i32
        %get3A_975 = tpu.memref_slice %arg7[%scan3A_131, %get3A_973, %get3A_974] : memref<8x50x128xf32, #tpu.memory_space<vmem>> -> memref<1x50x128xf32, #tpu.memory_space<vmem>>
        %get3A_976 = tpu.memref_squeeze %get3A_975 : memref<1x50x128xf32, #tpu.memory_space<vmem>> -> memref<50x128xf32, #tpu.memory_space<vmem>>
        %get3A_977 = arith.index_cast %add3A_972 : i32 to index
        %get3A_978 = arith.constant 112 : index
        %get3A_979 = tpu.vector_load %get3A_976[%get3A_977, %get3A_978] {strides = array<i32>} : memref<50x128xf32, #tpu.memory_space<vmem>>, vector<1x16xf32>,
        %get3A_980 = vector.shape_cast %get3A_979 : vector<1x16xf32> to vector<16xf32>
        %add3A_981 = arith.addf %add3A_893, %get3A_980 : vector<16xf32>
        %add3A_982 = arith.constant 2 : i32
        %add3A_983 = arith.addi %add3A_806, %add3A_982 : i32
        %get3A_984 = arith.constant 0 : i32
        %get3A_985 = arith.constant 0 : i32
        %get3A_986 = tpu.memref_slice %arg7[%scan3A_131, %get3A_984, %get3A_985] : memref<8x50x128xf32, #tpu.memory_space<vmem>> -> memref<1x50x128xf32, #tpu.memory_space<vmem>>
        %get3A_987 = tpu.memref_squeeze %get3A_986 : memref<1x50x128xf32, #tpu.memory_space<vmem>> -> memref<50x128xf32, #tpu.memory_space<vmem>>
        %get3A_988 = arith.index_cast %add3A_983 : i32 to index
        %get3A_989 = arith.constant 0 : index
        %get3A_990 = tpu.vector_load %get3A_987[%get3A_988, %get3A_989] {strides = array<i32>} : memref<50x128xf32, #tpu.memory_space<vmem>>, vector<1x16xf32>,
        %get3A_991 = vector.shape_cast %get3A_990 : vector<1x16xf32> to vector<16xf32>
        %add3A_992 = arith.addf %add3A_904, %get3A_991 : vector<16xf32>
        %add3A_993 = arith.constant 2 : i32
        %add3A_994 = arith.addi %add3A_806, %add3A_993 : i32
        %get3A_995 = arith.constant 0 : i32
        %get3A_996 = arith.constant 0 : i32
        %get3A_997 = tpu.memref_slice %arg7[%scan3A_131, %get3A_995, %get3A_996] : memref<8x50x128xf32, #tpu.memory_space<vmem>> -> memref<1x50x128xf32, #tpu.memory_space<vmem>>
        %get3A_998 = tpu.memref_squeeze %get3A_997 : memref<1x50x128xf32, #tpu.memory_space<vmem>> -> memref<50x128xf32, #tpu.memory_space<vmem>>
        %get3A_999 = arith.index_cast %add3A_994 : i32 to index
        %get3A_1000 = arith.constant 16 : index
        %get3A_1001 = tpu.vector_load %get3A_998[%get3A_999, %get3A_1000] {strides = array<i32>} : memref<50x128xf32, #tpu.memory_space<vmem>>, vector<1x16xf32>,
        %get3A_1002 = vector.shape_cast %get3A_1001 : vector<1x16xf32> to vector<16xf32>
        %add3A_1003 = arith.addf %add3A_915, %get3A_1002 : vector<16xf32>
        %add3A_1004 = arith.constant 2 : i32
        %add3A_1005 = arith.addi %add3A_806, %add3A_1004 : i32
        %get3A_1006 = arith.constant 0 : i32
        %get3A_1007 = arith.constant 0 : i32
        %get3A_1008 = tpu.memref_slice %arg7[%scan3A_131, %get3A_1006, %get3A_1007] : memref<8x50x128xf32, #tpu.memory_space<vmem>> -> memref<1x50x128xf32, #tpu.memory_space<vmem>>
        %get3A_1009 = tpu.memref_squeeze %get3A_1008 : memref<1x50x128xf32, #tpu.memory_space<vmem>> -> memref<50x128xf32, #tpu.memory_space<vmem>>
        %get3A_1010 = arith.index_cast %add3A_1005 : i32 to index
        %get3A_1011 = arith.constant 32 : index
        %get3A_1012 = tpu.vector_load %get3A_1009[%get3A_1010, %get3A_1011] {strides = array<i32>} : memref<50x128xf32, #tpu.memory_space<vmem>>, vector<1x16xf32>,
        %get3A_1013 = vector.shape_cast %get3A_1012 : vector<1x16xf32> to vector<16xf32>
        %add3A_1014 = arith.addf %add3A_926, %get3A_1013 : vector<16xf32>
        %add3A_1015 = arith.constant 2 : i32
        %add3A_1016 = arith.addi %add3A_806, %add3A_1015 : i32
        %get3A_1017 = arith.constant 0 : i32
        %get3A_1018 = arith.constant 0 : i32
        %get3A_1019 = tpu.memref_slice %arg7[%scan3A_131, %get3A_1017, %get3A_1018] : memref<8x50x128xf32, #tpu.memory_space<vmem>> -> memref<1x50x128xf32, #tpu.memory_space<vmem>>
        %get3A_1020 = tpu.memref_squeeze %get3A_1019 : memref<1x50x128xf32, #tpu.memory_space<vmem>> -> memref<50x128xf32, #tpu.memory_space<vmem>>
        %get3A_1021 = arith.index_cast %add3A_1016 : i32 to index
        %get3A_1022 = arith.constant 48 : index
        %get3A_1023 = tpu.vector_load %get3A_1020[%get3A_1021, %get3A_1022] {strides = array<i32>} : memref<50x128xf32, #tpu.memory_space<vmem>>, vector<1x16xf32>,
        %get3A_1024 = vector.shape_cast %get3A_1023 : vector<1x16xf32> to vector<16xf32>
        %add3A_1025 = arith.addf %add3A_937, %get3A_1024 : vector<16xf32>
        %add3A_1026 = arith.constant 2 : i32
        %add3A_1027 = arith.addi %add3A_806, %add3A_1026 : i32
        %get3A_1028 = arith.constant 0 : i32
        %get3A_1029 = arith.constant 0 : i32
        %get3A_1030 = tpu.memref_slice %arg7[%scan3A_131, %get3A_1028, %get3A_1029] : memref<8x50x128xf32, #tpu.memory_space<vmem>> -> memref<1x50x128xf32, #tpu.memory_space<vmem>>
        %get3A_1031 = tpu.memref_squeeze %get3A_1030 : memref<1x50x128xf32, #tpu.memory_space<vmem>> -> memref<50x128xf32, #tpu.memory_space<vmem>>
        %get3A_1032 = arith.index_cast %add3A_1027 : i32 to index
        %get3A_1033 = arith.constant 64 : index
        %get3A_1034 = tpu.vector_load %get3A_1031[%get3A_1032, %get3A_1033] {strides = array<i32>} : memref<50x128xf32, #tpu.memory_space<vmem>>, vector<1x16xf32>,
        %get3A_1035 = vector.shape_cast %get3A_1034 : vector<1x16xf32> to vector<16xf32>
        %add3A_1036 = arith.addf %add3A_948, %get3A_1035 : vector<16xf32>
        %add3A_1037 = arith.constant 2 : i32
        %add3A_1038 = arith.addi %add3A_806, %add3A_1037 : i32
        %get3A_1039 = arith.constant 0 : i32
        %get3A_1040 = arith.constant 0 : i32
        %get3A_1041 = tpu.memref_slice %arg7[%scan3A_131, %get3A_1039, %get3A_1040] : memref<8x50x128xf32, #tpu.memory_space<vmem>> -> memref<1x50x128xf32, #tpu.memory_space<vmem>>
        %get3A_1042 = tpu.memref_squeeze %get3A_1041 : memref<1x50x128xf32, #tpu.memory_space<vmem>> -> memref<50x128xf32, #tpu.memory_space<vmem>>
        %get3A_1043 = arith.index_cast %add3A_1038 : i32 to index
        %get3A_1044 = arith.constant 80 : index
        %get3A_1045 = tpu.vector_load %get3A_1042[%get3A_1043, %get3A_1044] {strides = array<i32>} : memref<50x128xf32, #tpu.memory_space<vmem>>, vector<1x16xf32>,
        %get3A_1046 = vector.shape_cast %get3A_1045 : vector<1x16xf32> to vector<16xf32>
        %add3A_1047 = arith.addf %add3A_959, %get3A_1046 : vector<16xf32>
        %add3A_1048 = arith.constant 2 : i32
        %add3A_1049 = arith.addi %add3A_806, %add3A_1048 : i32
        %get3A_1050 = arith.constant 0 : i32
        %get3A_1051 = arith.constant 0 : i32
        %get3A_1052 = tpu.memref_slice %arg7[%scan3A_131, %get3A_1050, %get3A_1051] : memref<8x50x128xf32, #tpu.memory_space<vmem>> -> memref<1x50x128xf32, #tpu.memory_space<vmem>>
        %get3A_1053 = tpu.memref_squeeze %get3A_1052 : memref<1x50x128xf32, #tpu.memory_space<vmem>> -> memref<50x128xf32, #tpu.memory_space<vmem>>
        %get3A_1054 = arith.index_cast %add3A_1049 : i32 to index
        %get3A_1055 = arith.constant 96 : index
        %get3A_1056 = tpu.vector_load %get3A_1053[%get3A_1054, %get3A_1055] {strides = array<i32>} : memref<50x128xf32, #tpu.memory_space<vmem>>, vector<1x16xf32>,
        %get3A_1057 = vector.shape_cast %get3A_1056 : vector<1x16xf32> to vector<16xf32>
        %add3A_1058 = arith.addf %add3A_970, %get3A_1057 : vector<16xf32>
        %add3A_1059 = arith.constant 2 : i32
        %add3A_1060 = arith.addi %add3A_806, %add3A_1059 : i32
        %get3A_1061 = arith.constant 0 : i32
        %get3A_1062 = arith.constant 0 : i32
        %get3A_1063 = tpu.memref_slice %arg7[%scan3A_131, %get3A_1061, %get3A_1062] : memref<8x50x128xf32, #tpu.memory_space<vmem>> -> memref<1x50x128xf32, #tpu.memory_space<vmem>>
        %get3A_1064 = tpu.memref_squeeze %get3A_1063 : memref<1x50x128xf32, #tpu.memory_space<vmem>> -> memref<50x128xf32, #tpu.memory_space<vmem>>
        %get3A_1065 = arith.index_cast %add3A_1060 : i32 to index
        %get3A_1066 = arith.constant 112 : index
        %get3A_1067 = tpu.vector_load %get3A_1064[%get3A_1065, %get3A_1066] {strides = array<i32>} : memref<50x128xf32, #tpu.memory_space<vmem>>, vector<1x16xf32>,
        %get3A_1068 = vector.shape_cast %get3A_1067 : vector<1x16xf32> to vector<16xf32>
        %add3A_1069 = arith.addf %add3A_981, %get3A_1068 : vector<16xf32>
        %add3A_1070 = arith.constant 3 : i32
        %add3A_1071 = arith.addi %add3A_806, %add3A_1070 : i32
        %get3A_1072 = arith.constant 0 : i32
        %get3A_1073 = arith.constant 0 : i32
        %get3A_1074 = tpu.memref_slice %arg7[%scan3A_131, %get3A_1072, %get3A_1073] : memref<8x50x128xf32, #tpu.memory_space<vmem>> -> memref<1x50x128xf32, #tpu.memory_space<vmem>>
        %get3A_1075 = tpu.memref_squeeze %get3A_1074 : memref<1x50x128xf32, #tpu.memory_space<vmem>> -> memref<50x128xf32, #tpu.memory_space<vmem>>
        %get3A_1076 = arith.index_cast %add3A_1071 : i32 to index
        %get3A_1077 = arith.constant 0 : index
        %get3A_1078 = tpu.vector_load %get3A_1075[%get3A_1076, %get3A_1077] {strides = array<i32>} : memref<50x128xf32, #tpu.memory_space<vmem>>, vector<1x16xf32>,
        %get3A_1079 = vector.shape_cast %get3A_1078 : vector<1x16xf32> to vector<16xf32>
        %add3A_1080 = arith.addf %add3A_992, %get3A_1079 : vector<16xf32>
        %add3A_1081 = arith.constant 3 : i32
        %add3A_1082 = arith.addi %add3A_806, %add3A_1081 : i32
        %get3A_1083 = arith.constant 0 : i32
        %get3A_1084 = arith.constant 0 : i32
        %get3A_1085 = tpu.memref_slice %arg7[%scan3A_131, %get3A_1083, %get3A_1084] : memref<8x50x128xf32, #tpu.memory_space<vmem>> -> memref<1x50x128xf32, #tpu.memory_space<vmem>>
        %get3A_1086 = tpu.memref_squeeze %get3A_1085 : memref<1x50x128xf32, #tpu.memory_space<vmem>> -> memref<50x128xf32, #tpu.memory_space<vmem>>
        %get3A_1087 = arith.index_cast %add3A_1082 : i32 to index
        %get3A_1088 = arith.constant 16 : index
        %get3A_1089 = tpu.vector_load %get3A_1086[%get3A_1087, %get3A_1088] {strides = array<i32>} : memref<50x128xf32, #tpu.memory_space<vmem>>, vector<1x16xf32>,
        %get3A_1090 = vector.shape_cast %get3A_1089 : vector<1x16xf32> to vector<16xf32>
        %add3A_1091 = arith.addf %add3A_1003, %get3A_1090 : vector<16xf32>
        %add3A_1092 = arith.constant 3 : i32
        %add3A_1093 = arith.addi %add3A_806, %add3A_1092 : i32
        %get3A_1094 = arith.constant 0 : i32
        %get3A_1095 = arith.constant 0 : i32
        %get3A_1096 = tpu.memref_slice %arg7[%scan3A_131, %get3A_1094, %get3A_1095] : memref<8x50x128xf32, #tpu.memory_space<vmem>> -> memref<1x50x128xf32, #tpu.memory_space<vmem>>
        %get3A_1097 = tpu.memref_squeeze %get3A_1096 : memref<1x50x128xf32, #tpu.memory_space<vmem>> -> memref<50x128xf32, #tpu.memory_space<vmem>>
        %get3A_1098 = arith.index_cast %add3A_1093 : i32 to index
        %get3A_1099 = arith.constant 32 : index
        %get3A_1100 = tpu.vector_load %get3A_1097[%get3A_1098, %get3A_1099] {strides = array<i32>} : memref<50x128xf32, #tpu.memory_space<vmem>>, vector<1x16xf32>,
        %get3A_1101 = vector.shape_cast %get3A_1100 : vector<1x16xf32> to vector<16xf32>
        %add3A_1102 = arith.addf %add3A_1014, %get3A_1101 : vector<16xf32>
        %add3A_1103 = arith.constant 3 : i32
        %add3A_1104 = arith.addi %add3A_806, %add3A_1103 : i32
        %get3A_1105 = arith.constant 0 : i32
        %get3A_1106 = arith.constant 0 : i32
        %get3A_1107 = tpu.memref_slice %arg7[%scan3A_131, %get3A_1105, %get3A_1106] : memref<8x50x128xf32, #tpu.memory_space<vmem>> -> memref<1x50x128xf32, #tpu.memory_space<vmem>>
        %get3A_1108 = tpu.memref_squeeze %get3A_1107 : memref<1x50x128xf32, #tpu.memory_space<vmem>> -> memref<50x128xf32, #tpu.memory_space<vmem>>
        %get3A_1109 = arith.index_cast %add3A_1104 : i32 to index
        %get3A_1110 = arith.constant 48 : index
        %get3A_1111 = tpu.vector_load %get3A_1108[%get3A_1109, %get3A_1110] {strides = array<i32>} : memref<50x128xf32, #tpu.memory_space<vmem>>, vector<1x16xf32>,
        %get3A_1112 = vector.shape_cast %get3A_1111 : vector<1x16xf32> to vector<16xf32>
        %add3A_1113 = arith.addf %add3A_1025, %get3A_1112 : vector<16xf32>
        %add3A_1114 = arith.constant 3 : i32
        %add3A_1115 = arith.addi %add3A_806, %add3A_1114 : i32
        %get3A_1116 = arith.constant 0 : i32
        %get3A_1117 = arith.constant 0 : i32
        %get3A_1118 = tpu.memref_slice %arg7[%scan3A_131, %get3A_1116, %get3A_1117] : memref<8x50x128xf32, #tpu.memory_space<vmem>> -> memref<1x50x128xf32, #tpu.memory_space<vmem>>
        %get3A_1119 = tpu.memref_squeeze %get3A_1118 : memref<1x50x128xf32, #tpu.memory_space<vmem>> -> memref<50x128xf32, #tpu.memory_space<vmem>>
        %get3A_1120 = arith.index_cast %add3A_1115 : i32 to index
        %get3A_1121 = arith.constant 64 : index
        %get3A_1122 = tpu.vector_load %get3A_1119[%get3A_1120, %get3A_1121] {strides = array<i32>} : memref<50x128xf32, #tpu.memory_space<vmem>>, vector<1x16xf32>,
        %get3A_1123 = vector.shape_cast %get3A_1122 : vector<1x16xf32> to vector<16xf32>
        %add3A_1124 = arith.addf %add3A_1036, %get3A_1123 : vector<16xf32>
        %add3A_1125 = arith.constant 3 : i32
        %add3A_1126 = arith.addi %add3A_806, %add3A_1125 : i32
        %get3A_1127 = arith.constant 0 : i32
        %get3A_1128 = arith.constant 0 : i32
        %get3A_1129 = tpu.memref_slice %arg7[%scan3A_131, %get3A_1127, %get3A_1128] : memref<8x50x128xf32, #tpu.memory_space<vmem>> -> memref<1x50x128xf32, #tpu.memory_space<vmem>>
        %get3A_1130 = tpu.memref_squeeze %get3A_1129 : memref<1x50x128xf32, #tpu.memory_space<vmem>> -> memref<50x128xf32, #tpu.memory_space<vmem>>
        %get3A_1131 = arith.index_cast %add3A_1126 : i32 to index
        %get3A_1132 = arith.constant 80 : index
        %get3A_1133 = tpu.vector_load %get3A_1130[%get3A_1131, %get3A_1132] {strides = array<i32>} : memref<50x128xf32, #tpu.memory_space<vmem>>, vector<1x16xf32>,
        %get3A_1134 = vector.shape_cast %get3A_1133 : vector<1x16xf32> to vector<16xf32>
        %add3A_1135 = arith.addf %add3A_1047, %get3A_1134 : vector<16xf32>
        %add3A_1136 = arith.constant 3 : i32
        %add3A_1137 = arith.addi %add3A_806, %add3A_1136 : i32
        %get3A_1138 = arith.constant 0 : i32
        %get3A_1139 = arith.constant 0 : i32
        %get3A_1140 = tpu.memref_slice %arg7[%scan3A_131, %get3A_1138, %get3A_1139] : memref<8x50x128xf32, #tpu.memory_space<vmem>> -> memref<1x50x128xf32, #tpu.memory_space<vmem>>
        %get3A_1141 = tpu.memref_squeeze %get3A_1140 : memref<1x50x128xf32, #tpu.memory_space<vmem>> -> memref<50x128xf32, #tpu.memory_space<vmem>>
        %get3A_1142 = arith.index_cast %add3A_1137 : i32 to index
        %get3A_1143 = arith.constant 96 : index
        %get3A_1144 = tpu.vector_load %get3A_1141[%get3A_1142, %get3A_1143] {strides = array<i32>} : memref<50x128xf32, #tpu.memory_space<vmem>>, vector<1x16xf32>,
        %get3A_1145 = vector.shape_cast %get3A_1144 : vector<1x16xf32> to vector<16xf32>
        %add3A_1146 = arith.addf %add3A_1058, %get3A_1145 : vector<16xf32>
        %add3A_1147 = arith.constant 3 : i32
        %add3A_1148 = arith.addi %add3A_806, %add3A_1147 : i32
        %get3A_1149 = arith.constant 0 : i32
        %get3A_1150 = arith.constant 0 : i32
        %get3A_1151 = tpu.memref_slice %arg7[%scan3A_131, %get3A_1149, %get3A_1150] : memref<8x50x128xf32, #tpu.memory_space<vmem>> -> memref<1x50x128xf32, #tpu.memory_space<vmem>>
        %get3A_1152 = tpu.memref_squeeze %get3A_1151 : memref<1x50x128xf32, #tpu.memory_space<vmem>> -> memref<50x128xf32, #tpu.memory_space<vmem>>
        %get3A_1153 = arith.index_cast %add3A_1148 : i32 to index
        %get3A_1154 = arith.constant 112 : index
        %get3A_1155 = tpu.vector_load %get3A_1152[%get3A_1153, %get3A_1154] {strides = array<i32>} : memref<50x128xf32, #tpu.memory_space<vmem>>, vector<1x16xf32>,
        %get3A_1156 = vector.shape_cast %get3A_1155 : vector<1x16xf32> to vector<16xf32>
        %add3A_1157 = arith.addf %add3A_1069, %get3A_1156 : vector<16xf32>
        %add3A_1158 = arith.constant 4 : i32
        %add3A_1159 = arith.addi %add3A_806, %add3A_1158 : i32
        %get3A_1160 = arith.constant 0 : i32
        %get3A_1161 = arith.constant 0 : i32
        %get3A_1162 = tpu.memref_slice %arg7[%scan3A_131, %get3A_1160, %get3A_1161] : memref<8x50x128xf32, #tpu.memory_space<vmem>> -> memref<1x50x128xf32, #tpu.memory_space<vmem>>
        %get3A_1163 = tpu.memref_squeeze %get3A_1162 : memref<1x50x128xf32, #tpu.memory_space<vmem>> -> memref<50x128xf32, #tpu.memory_space<vmem>>
        %get3A_1164 = arith.index_cast %add3A_1159 : i32 to index
        %get3A_1165 = arith.constant 0 : index
        %get3A_1166 = tpu.vector_load %get3A_1163[%get3A_1164, %get3A_1165] {strides = array<i32>} : memref<50x128xf32, #tpu.memory_space<vmem>>, vector<1x16xf32>,
        %get3A_1167 = vector.shape_cast %get3A_1166 : vector<1x16xf32> to vector<16xf32>
        %add3A_1168 = arith.addf %add3A_1080, %get3A_1167 : vector<16xf32>
        %add3A_1169 = arith.constant 4 : i32
        %add3A_1170 = arith.addi %add3A_806, %add3A_1169 : i32
        %get3A_1171 = arith.constant 0 : i32
        %get3A_1172 = arith.constant 0 : i32
        %get3A_1173 = tpu.memref_slice %arg7[%scan3A_131, %get3A_1171, %get3A_1172] : memref<8x50x128xf32, #tpu.memory_space<vmem>> -> memref<1x50x128xf32, #tpu.memory_space<vmem>>
        %get3A_1174 = tpu.memref_squeeze %get3A_1173 : memref<1x50x128xf32, #tpu.memory_space<vmem>> -> memref<50x128xf32, #tpu.memory_space<vmem>>
        %get3A_1175 = arith.index_cast %add3A_1170 : i32 to index
        %get3A_1176 = arith.constant 16 : index
        %get3A_1177 = tpu.vector_load %get3A_1174[%get3A_1175, %get3A_1176] {strides = array<i32>} : memref<50x128xf32, #tpu.memory_space<vmem>>, vector<1x16xf32>,
        %get3A_1178 = vector.shape_cast %get3A_1177 : vector<1x16xf32> to vector<16xf32>
        %add3A_1179 = arith.addf %add3A_1091, %get3A_1178 : vector<16xf32>
        %add3A_1180 = arith.constant 4 : i32
        %add3A_1181 = arith.addi %add3A_806, %add3A_1180 : i32
        %get3A_1182 = arith.constant 0 : i32
        %get3A_1183 = arith.constant 0 : i32
        %get3A_1184 = tpu.memref_slice %arg7[%scan3A_131, %get3A_1182, %get3A_1183] : memref<8x50x128xf32, #tpu.memory_space<vmem>> -> memref<1x50x128xf32, #tpu.memory_space<vmem>>
        %get3A_1185 = tpu.memref_squeeze %get3A_1184 : memref<1x50x128xf32, #tpu.memory_space<vmem>> -> memref<50x128xf32, #tpu.memory_space<vmem>>
        %get3A_1186 = arith.index_cast %add3A_1181 : i32 to index
        %get3A_1187 = arith.constant 32 : index
        %get3A_1188 = tpu.vector_load %get3A_1185[%get3A_1186, %get3A_1187] {strides = array<i32>} : memref<50x128xf32, #tpu.memory_space<vmem>>, vector<1x16xf32>,
        %get3A_1189 = vector.shape_cast %get3A_1188 : vector<1x16xf32> to vector<16xf32>
        %add3A_1190 = arith.addf %add3A_1102, %get3A_1189 : vector<16xf32>
        %add3A_1191 = arith.constant 4 : i32
        %add3A_1192 = arith.addi %add3A_806, %add3A_1191 : i32
        %get3A_1193 = arith.constant 0 : i32
        %get3A_1194 = arith.constant 0 : i32
        %get3A_1195 = tpu.memref_slice %arg7[%scan3A_131, %get3A_1193, %get3A_1194] : memref<8x50x128xf32, #tpu.memory_space<vmem>> -> memref<1x50x128xf32, #tpu.memory_space<vmem>>
        %get3A_1196 = tpu.memref_squeeze %get3A_1195 : memref<1x50x128xf32, #tpu.memory_space<vmem>> -> memref<50x128xf32, #tpu.memory_space<vmem>>
        %get3A_1197 = arith.index_cast %add3A_1192 : i32 to index
        %get3A_1198 = arith.constant 48 : index
        %get3A_1199 = tpu.vector_load %get3A_1196[%get3A_1197, %get3A_1198] {strides = array<i32>} : memref<50x128xf32, #tpu.memory_space<vmem>>, vector<1x16xf32>,
        %get3A_1200 = vector.shape_cast %get3A_1199 : vector<1x16xf32> to vector<16xf32>
        %add3A_1201 = arith.addf %add3A_1113, %get3A_1200 : vector<16xf32>
        %add3A_1202 = arith.constant 4 : i32
        %add3A_1203 = arith.addi %add3A_806, %add3A_1202 : i32
        %get3A_1204 = arith.constant 0 : i32
        %get3A_1205 = arith.constant 0 : i32
        %get3A_1206 = tpu.memref_slice %arg7[%scan3A_131, %get3A_1204, %get3A_1205] : memref<8x50x128xf32, #tpu.memory_space<vmem>> -> memref<1x50x128xf32, #tpu.memory_space<vmem>>
        %get3A_1207 = tpu.memref_squeeze %get3A_1206 : memref<1x50x128xf32, #tpu.memory_space<vmem>> -> memref<50x128xf32, #tpu.memory_space<vmem>>
        %get3A_1208 = arith.index_cast %add3A_1203 : i32 to index
        %get3A_1209 = arith.constant 64 : index
        %get3A_1210 = tpu.vector_load %get3A_1207[%get3A_1208, %get3A_1209] {strides = array<i32>} : memref<50x128xf32, #tpu.memory_space<vmem>>, vector<1x16xf32>,
        %get3A_1211 = vector.shape_cast %get3A_1210 : vector<1x16xf32> to vector<16xf32>
        %add3A_1212 = arith.addf %add3A_1124, %get3A_1211 : vector<16xf32>
        %add3A_1213 = arith.constant 4 : i32
        %add3A_1214 = arith.addi %add3A_806, %add3A_1213 : i32
        %get3A_1215 = arith.constant 0 : i32
        %get3A_1216 = arith.constant 0 : i32
        %get3A_1217 = tpu.memref_slice %arg7[%scan3A_131, %get3A_1215, %get3A_1216] : memref<8x50x128xf32, #tpu.memory_space<vmem>> -> memref<1x50x128xf32, #tpu.memory_space<vmem>>
        %get3A_1218 = tpu.memref_squeeze %get3A_1217 : memref<1x50x128xf32, #tpu.memory_space<vmem>> -> memref<50x128xf32, #tpu.memory_space<vmem>>
        %get3A_1219 = arith.index_cast %add3A_1214 : i32 to index
        %get3A_1220 = arith.constant 80 : index
        %get3A_1221 = tpu.vector_load %get3A_1218[%get3A_1219, %get3A_1220] {strides = array<i32>} : memref<50x128xf32, #tpu.memory_space<vmem>>, vector<1x16xf32>,
        %get3A_1222 = vector.shape_cast %get3A_1221 : vector<1x16xf32> to vector<16xf32>
        %add3A_1223 = arith.addf %add3A_1135, %get3A_1222 : vector<16xf32>
        %add3A_1224 = arith.constant 4 : i32
        %add3A_1225 = arith.addi %add3A_806, %add3A_1224 : i32
        %get3A_1226 = arith.constant 0 : i32
        %get3A_1227 = arith.constant 0 : i32
        %get3A_1228 = tpu.memref_slice %arg7[%scan3A_131, %get3A_1226, %get3A_1227] : memref<8x50x128xf32, #tpu.memory_space<vmem>> -> memref<1x50x128xf32, #tpu.memory_space<vmem>>
        %get3A_1229 = tpu.memref_squeeze %get3A_1228 : memref<1x50x128xf32, #tpu.memory_space<vmem>> -> memref<50x128xf32, #tpu.memory_space<vmem>>
        %get3A_1230 = arith.index_cast %add3A_1225 : i32 to index
        %get3A_1231 = arith.constant 96 : index
        %get3A_1232 = tpu.vector_load %get3A_1229[%get3A_1230, %get3A_1231] {strides = array<i32>} : memref<50x128xf32, #tpu.memory_space<vmem>>, vector<1x16xf32>,
        %get3A_1233 = vector.shape_cast %get3A_1232 : vector<1x16xf32> to vector<16xf32>
        %add3A_1234 = arith.addf %add3A_1146, %get3A_1233 : vector<16xf32>
        %add3A_1235 = arith.constant 4 : i32
        %add3A_1236 = arith.addi %add3A_806, %add3A_1235 : i32
        %get3A_1237 = arith.constant 0 : i32
        %get3A_1238 = arith.constant 0 : i32
        %get3A_1239 = tpu.memref_slice %arg7[%scan3A_131, %get3A_1237, %get3A_1238] : memref<8x50x128xf32, #tpu.memory_space<vmem>> -> memref<1x50x128xf32, #tpu.memory_space<vmem>>
        %get3A_1240 = tpu.memref_squeeze %get3A_1239 : memref<1x50x128xf32, #tpu.memory_space<vmem>> -> memref<50x128xf32, #tpu.memory_space<vmem>>
        %get3A_1241 = arith.index_cast %add3A_1236 : i32 to index
        %get3A_1242 = arith.constant 112 : index
        %get3A_1243 = tpu.vector_load %get3A_1240[%get3A_1241, %get3A_1242] {strides = array<i32>} : memref<50x128xf32, #tpu.memory_space<vmem>>, vector<1x16xf32>,
        %get3A_1244 = vector.shape_cast %get3A_1243 : vector<1x16xf32> to vector<16xf32>
        %add3A_1245 = arith.addf %add3A_1157, %get3A_1244 : vector<16xf32>
        scf.yield %add3A_1168, %add3A_1179, %add3A_1190, %add3A_1201, %add3A_1212, %add3A_1223, %add3A_1234, %add3A_1245 : vector<16xf32>, vector<16xf32>, vector<16xf32>, vector<16xf32>, vector<16xf32>, vector<16xf32>, vector<16xf32>, vector<16xf32>
      }
      %scan3A_137 = arith.constant 10 : i32
      %mul3A_138 = arith.constant 1 : i32
      %mul3A_139 = arith.muli %add3A_107, %mul3A_138 : i32
      %add3A_140 = arith.constant 0 : i32
      %add3A_141 = arith.addi %mul3A_139, %add3A_140 : i32
      %swap3A = arith.index_cast %add3A_141 : i32 to index
      %swap3A_142 = arith.constant 0 : index
      %swap3A_143 = tpu.vector_load %arg8[%swap3A, %swap3A_142] {strides = array<i32>} : memref<128x128xf32, #tpu.memory_space<vmem>>, vector<1x16xf32>,
      %swap3A_144 = vector.shape_cast %swap3A_143 : vector<1x16xf32> to vector<16xf32>
      %swap3A_145 = vector.shape_cast %scan3A_136#0 : vector<16xf32> to vector<1x16xf32>
      tpu.vector_store %arg8[%swap3A, %swap3A_142], %swap3A_145 {strides = array<i32>} : memref<128x128xf32, #tpu.memory_space<vmem>>, vector<1x16xf32>,
      %swap3A_146 = arith.index_cast %add3A_141 : i32 to index
      %swap3A_147 = arith.constant 16 : index
      %swap3A_148 = tpu.vector_load %arg8[%swap3A_146, %swap3A_147] {strides = array<i32>} : memref<128x128xf32, #tpu.memory_space<vmem>>, vector<1x16xf32>,
      %swap3A_149 = vector.shape_cast %swap3A_148 : vector<1x16xf32> to vector<16xf32>
      %swap3A_150 = vector.shape_cast %scan3A_136#1 : vector<16xf32> to vector<1x16xf32>
      tpu.vector_store %arg8[%swap3A_146, %swap3A_147], %swap3A_150 {strides = array<i32>} : memref<128x128xf32, #tpu.memory_space<vmem>>, vector<1x16xf32>,
      %swap3A_151 = arith.index_cast %add3A_141 : i32 to index
      %swap3A_152 = arith.constant 32 : index
      %swap3A_153 = tpu.vector_load %arg8[%swap3A_151, %swap3A_152] {strides = array<i32>} : memref<128x128xf32, #tpu.memory_space<vmem>>, vector<1x16xf32>,
      %swap3A_154 = vector.shape_cast %swap3A_153 : vector<1x16xf32> to vector<16xf32>
      %swap3A_155 = vector.shape_cast %scan3A_136#2 : vector<16xf32> to vector<1x16xf32>
      tpu.vector_store %arg8[%swap3A_151, %swap3A_152], %swap3A_155 {strides = array<i32>} : memref<128x128xf32, #tpu.memory_space<vmem>>, vector<1x16xf32>,
      %swap3A_156 = arith.index_cast %add3A_141 : i32 to index
      %swap3A_157 = arith.constant 48 : index
      %swap3A_158 = tpu.vector_load %arg8[%swap3A_156, %swap3A_157] {strides = array<i32>} : memref<128x128xf32, #tpu.memory_space<vmem>>, vector<1x16xf32>,
      %swap3A_159 = vector.shape_cast %swap3A_158 : vector<1x16xf32> to vector<16xf32>
      %swap3A_160 = vector.shape_cast %scan3A_136#3 : vector<16xf32> to vector<1x16xf32>
      tpu.vector_store %arg8[%swap3A_156, %swap3A_157], %swap3A_160 {strides = array<i32>} : memref<128x128xf32, #tpu.memory_space<vmem>>, vector<1x16xf32>,
      %swap3A_161 = arith.index_cast %add3A_141 : i32 to index
      %swap3A_162 = arith.constant 64 : index
      %swap3A_163 = tpu.vector_load %arg8[%swap3A_161, %swap3A_162] {strides = array<i32>} : memref<128x128xf32, #tpu.memory_space<vmem>>, vector<1x16xf32>,
      %swap3A_164 = vector.shape_cast %swap3A_163 : vector<1x16xf32> to vector<16xf32>
      %swap3A_165 = vector.shape_cast %scan3A_136#4 : vector<16xf32> to vector<1x16xf32>
      tpu.vector_store %arg8[%swap3A_161, %swap3A_162], %swap3A_165 {strides = array<i32>} : memref<128x128xf32, #tpu.memory_space<vmem>>, vector<1x16xf32>,
      %swap3A_166 = arith.index_cast %add3A_141 : i32 to index
      %swap3A_167 = arith.constant 80 : index
      %swap3A_168 = tpu.vector_load %arg8[%swap3A_166, %swap3A_167] {strides = array<i32>} : memref<128x128xf32, #tpu.memory_space<vmem>>, vector<1x16xf32>,
      %swap3A_169 = vector.shape_cast %swap3A_168 : vector<1x16xf32> to vector<16xf32>
      %swap3A_170 = vector.shape_cast %scan3A_136#5 : vector<16xf32> to vector<1x16xf32>
      tpu.vector_store %arg8[%swap3A_166, %swap3A_167], %swap3A_170 {strides = array<i32>} : memref<128x128xf32, #tpu.memory_space<vmem>>, vector<1x16xf32>,
      %swap3A_171 = arith.index_cast %add3A_141 : i32 to index
      %swap3A_172 = arith.constant 96 : index
      %swap3A_173 = tpu.vector_load %arg8[%swap3A_171, %swap3A_172] {strides = array<i32>} : memref<128x128xf32, #tpu.memory_space<vmem>>, vector<1x16xf32>,
      %swap3A_174 = vector.shape_cast %swap3A_173 : vector<1x16xf32> to vector<16xf32>
      %swap3A_175 = vector.shape_cast %scan3A_136#6 : vector<16xf32> to vector<1x16xf32>
      tpu.vector_store %arg8[%swap3A_171, %swap3A_172], %swap3A_175 {strides = array<i32>} : memref<128x128xf32, #tpu.memory_space<vmem>>, vector<1x16xf32>,
      %swap3A_176 = arith.index_cast %add3A_141 : i32 to index
      %swap3A_177 = arith.constant 112 : index
      %swap3A_178 = tpu.vector_load %arg8[%swap3A_176, %swap3A_177] {strides = array<i32>} : memref<128x128xf32, #tpu.memory_space<vmem>>, vector<1x16xf32>,
      %swap3A_179 = vector.shape_cast %swap3A_178 : vector<1x16xf32> to vector<16xf32>
      %swap3A_180 = vector.shape_cast %scan3A_136#7 : vector<16xf32> to vector<1x16xf32>
      tpu.vector_store %arg8[%swap3A_176, %swap3A_177], %swap3A_180 {strides = array<i32>} : memref<128x128xf32, #tpu.memory_space<vmem>>, vector<1x16xf32>,
      %add3A_181 = arith.constant 8 : i32
      %add3A_182 = arith.addi %add3A_107, %add3A_181 : i32
      %lt3A = arith.constant 128 : i32
      %lt3A_183 = arith.cmpi slt, %add3A_182, %lt3A : i32
      %convert_element_type3A = arith.extui %lt3A_183 : i1 to i32
      %cond3A = arith.constant 0 : i32
      %cond3A_184 = arith.cmpi ne, %convert_element_type3A, %cond3A : i32
      scf.if %cond3A_184 {
        %add3A_794 = arith.constant 8 : i32
        %add3A_795 = arith.addi %add3A_107, %add3A_794 : i32
        %dma_start3A_796 = arith.constant 0 : i32
        %dma_start3A_797 = arith.constant 0 : i32
        %dma_start3A_798 = arith.constant 0 : i32
        %dma_start3A_799 = tpu.memref_slice %arg7[%dma_start3A_796, %dma_start3A_797, %dma_start3A_798] : memref<8x50x128xf32, #tpu.memory_space<vmem>> -> memref<1x50x128xf32, #tpu.memory_space<vmem>>
        %dma_start3A_800 = tpu.memref_squeeze %dma_start3A_799 : memref<1x50x128xf32, #tpu.memory_space<vmem>> -> memref<50x128xf32, #tpu.memory_space<vmem>>
        %dma_start3A_801 = arith.constant 0 : i32
        %dma_start3A_802 = tpu.memref_slice %arg6[%add3A_795, %dma_start3A_801] : memref<128x50xi32, #tpu.memory_space<vmem>> -> memref<1x50xi32, #tpu.memory_space<vmem>>
        %dma_start3A_803 = tpu.memref_squeeze %dma_start3A_802 : memref<1x50xi32, #tpu.memory_space<vmem>> -> memref<50xi32, #tpu.memory_space<vmem>>
        %dma_start3A_804 = arith.constant 0 : i32
        %dma_start3A_805 = arith.constant 0 : i32
        %dma_start3A_806 = tpu.memref_slice %arg3[%dma_start3A_804, %dma_start3A_805] : memref<100000x128xf32, #tpu.memory_space<hbm>> -> memref<100000x128xf32, #tpu.memory_space<hbm>>
        tpu.enqueue_indirect_dma source(%dma_start3A_806 : memref<100000x128xf32, #tpu.memory_space<hbm>>) target(%dma_start3A_800 : memref<50x128xf32, #tpu.memory_space<vmem>>) offsets(%dma_start3A_803 : memref<50xi32, #tpu.memory_space<vmem>>) semaphore(%arg9 : memref<!tpu.dma_semaphore, #tpu.memory_space<semaphore_mem>>)
      } else {
      }
      %mul3A_185 = arith.constant 8 : i32
      %mul3A_186 = arith.muli %scan3A_103, %mul3A_185 : i32
      %add3A_187 = arith.constant 1 : i32
      %add3A_188 = arith.addi %mul3A_186, %add3A_187 : i32
      %dma_wait3A_189 = arith.constant 1 : i32
      %dma_wait3A_190 = arith.constant 0 : i32
      %dma_wait3A_191 = arith.constant 0 : i32
      %dma_wait3A_192 = tpu.memref_slice %arg7[%dma_wait3A_189, %dma_wait3A_190, %dma_wait3A_191] : memref<8x50x128xf32, #tpu.memory_space<vmem>> -> memref<1x50x128xf32, #tpu.memory_space<vmem>>
      %dma_wait3A_193 = tpu.memref_squeeze %dma_wait3A_192 : memref<1x50x128xf32, #tpu.memory_space<vmem>> -> memref<50x128xf32, #tpu.memory_space<vmem>>
      %dma_wait3A_194 = arith.constant 0 : i32
      %dma_wait3A_195 = arith.constant 0 : i32
      %dma_wait3A_196 = tpu.memref_slice %arg7[%dma_wait3A_189, %dma_wait3A_194, %dma_wait3A_195] : memref<8x50x128xf32, #tpu.memory_space<vmem>> -> memref<1x50x128xf32, #tpu.memory_space<vmem>>
      %dma_wait3A_197 = tpu.memref_squeeze %dma_wait3A_196 : memref<1x50x128xf32, #tpu.memory_space<vmem>> -> memref<50x128xf32, #tpu.memory_space<vmem>>
      tpu.wait_dma2 semaphore(%arg10 : memref<!tpu.dma_semaphore, #tpu.memory_space<semaphore_mem>>) src(%arg4 : memref<50x128xf32, #tpu.memory_space<hbm>>) dst(%dma_wait3A_197 : memref<50x128xf32, #tpu.memory_space<vmem>>)
      %broadcast_in_dim3A_198 = arith.constant 0.000000e+00 : f32
      %broadcast_in_dim3A_199 = vector.broadcast %broadcast_in_dim3A_198 : f32 to vector<16xf32>
      %broadcast_in_dim3A_200 = arith.constant 0.000000e+00 : f32
      %broadcast_in_dim3A_201 = vector.broadcast %broadcast_in_dim3A_200 : f32 to vector<16xf32>
      %broadcast_in_dim3A_202 = arith.constant 0.000000e+00 : f32
      %broadcast_in_dim3A_203 = vector.broadcast %broadcast_in_dim3A_202 : f32 to vector<16xf32>
      %broadcast_in_dim3A_204 = arith.constant 0.000000e+00 : f32
      %broadcast_in_dim3A_205 = vector.broadcast %broadcast_in_dim3A_204 : f32 to vector<16xf32>
      %broadcast_in_dim3A_206 = arith.constant 0.000000e+00 : f32
      %broadcast_in_dim3A_207 = vector.broadcast %broadcast_in_dim3A_206 : f32 to vector<16xf32>
      %broadcast_in_dim3A_208 = arith.constant 0.000000e+00 : f32
      %broadcast_in_dim3A_209 = vector.broadcast %broadcast_in_dim3A_208 : f32 to vector<16xf32>
      %broadcast_in_dim3A_210 = arith.constant 0.000000e+00 : f32
      %broadcast_in_dim3A_211 = vector.broadcast %broadcast_in_dim3A_210 : f32 to vector<16xf32>
      %broadcast_in_dim3A_212 = arith.constant 0.000000e+00 : f32
      %broadcast_in_dim3A_213 = vector.broadcast %broadcast_in_dim3A_212 : f32 to vector<16xf32>
      %scan3A_214 = arith.constant 1 : i32
      %scan3A_215 = arith.constant 0 : i32
      %scan3A_216 = arith.constant 10 : i32
      %scan3A_217 = arith.addi %scan3A_215, %scan3A_216 : i32
      %scan3A_218 = arith.constant 1 : i32
      %scan3A_219:8 = scf.for %scan3A_794 = %scan3A_215 to %scan3A_217 step %scan3A_218 iter_args(%scan3A_795 = %broadcast_in_dim3A_199, %scan3A_796 = %broadcast_in_dim3A_201, %scan3A_797 = %broadcast_in_dim3A_203, %scan3A_798 = %broadcast_in_dim3A_205, %scan3A_799 = %broadcast_in_dim3A_207, %scan3A_800 = %broadcast_in_dim3A_209, %scan3A_801 = %broadcast_in_dim3A_211, %scan3A_802 = %broadcast_in_dim3A_213) -> (vector<16xf32>, vector<16xf32>, vector<16xf32>, vector<16xf32>, vector<16xf32>, vector<16xf32>, vector<16xf32>, vector<16xf32>)  : i32 {
        %mul3A_803 = arith.constant 5 : i32
        %mul3A_804 = arith.muli %scan3A_794, %mul3A_803 : i32
        %add3A_805 = arith.constant 0 : i32
        %add3A_806 = arith.addi %add3A_805, %mul3A_804 : i32
        %add3A_807 = arith.constant 0 : i32
        %add3A_808 = arith.addi %add3A_806, %add3A_807 : i32
        %get3A = arith.constant 0 : i32
        %get3A_809 = arith.constant 0 : i32
        %get3A_810 = tpu.memref_slice %arg7[%scan3A_214, %get3A, %get3A_809] : memref<8x50x128xf32, #tpu.memory_space<vmem>> -> memref<1x50x128xf32, #tpu.memory_space<vmem>>
        %get3A_811 = tpu.memref_squeeze %get3A_810 : memref<1x50x128xf32, #tpu.memory_space<vmem>> -> memref<50x128xf32, #tpu.memory_space<vmem>>
        %get3A_812 = arith.index_cast %add3A_808 : i32 to index
        %get3A_813 = arith.constant 0 : index
        %get3A_814 = tpu.vector_load %get3A_811[%get3A_812, %get3A_813] {strides = array<i32>} : memref<50x128xf32, #tpu.memory_space<vmem>>, vector<1x16xf32>,
        %get3A_815 = vector.shape_cast %get3A_814 : vector<1x16xf32> to vector<16xf32>
        %add3A_816 = arith.addf %scan3A_795, %get3A_815 : vector<16xf32>
        %add3A_817 = arith.constant 0 : i32
        %add3A_818 = arith.addi %add3A_806, %add3A_817 : i32
        %get3A_819 = arith.constant 0 : i32
        %get3A_820 = arith.constant 0 : i32
        %get3A_821 = tpu.memref_slice %arg7[%scan3A_214, %get3A_819, %get3A_820] : memref<8x50x128xf32, #tpu.memory_space<vmem>> -> memref<1x50x128xf32, #tpu.memory_space<vmem>>
        %get3A_822 = tpu.memref_squeeze %get3A_821 : memref<1x50x128xf32, #tpu.memory_space<vmem>> -> memref<50x128xf32, #tpu.memory_space<vmem>>
        %get3A_823 = arith.index_cast %add3A_818 : i32 to index
        %get3A_824 = arith.constant 16 : index
        %get3A_825 = tpu.vector_load %get3A_822[%get3A_823, %get3A_824] {strides = array<i32>} : memref<50x128xf32, #tpu.memory_space<vmem>>, vector<1x16xf32>,
        %get3A_826 = vector.shape_cast %get3A_825 : vector<1x16xf32> to vector<16xf32>
        %add3A_827 = arith.addf %scan3A_796, %get3A_826 : vector<16xf32>
        %add3A_828 = arith.constant 0 : i32
        %add3A_829 = arith.addi %add3A_806, %add3A_828 : i32
        %get3A_830 = arith.constant 0 : i32
        %get3A_831 = arith.constant 0 : i32
        %get3A_832 = tpu.memref_slice %arg7[%scan3A_214, %get3A_830, %get3A_831] : memref<8x50x128xf32, #tpu.memory_space<vmem>> -> memref<1x50x128xf32, #tpu.memory_space<vmem>>
        %get3A_833 = tpu.memref_squeeze %get3A_832 : memref<1x50x128xf32, #tpu.memory_space<vmem>> -> memref<50x128xf32, #tpu.memory_space<vmem>>
        %get3A_834 = arith.index_cast %add3A_829 : i32 to index
        %get3A_835 = arith.constant 32 : index
        %get3A_836 = tpu.vector_load %get3A_833[%get3A_834, %get3A_835] {strides = array<i32>} : memref<50x128xf32, #tpu.memory_space<vmem>>, vector<1x16xf32>,
        %get3A_837 = vector.shape_cast %get3A_836 : vector<1x16xf32> to vector<16xf32>
        %add3A_838 = arith.addf %scan3A_797, %get3A_837 : vector<16xf32>
        %add3A_839 = arith.constant 0 : i32
        %add3A_840 = arith.addi %add3A_806, %add3A_839 : i32
        %get3A_841 = arith.constant 0 : i32
        %get3A_842 = arith.constant 0 : i32
        %get3A_843 = tpu.memref_slice %arg7[%scan3A_214, %get3A_841, %get3A_842] : memref<8x50x128xf32, #tpu.memory_space<vmem>> -> memref<1x50x128xf32, #tpu.memory_space<vmem>>
        %get3A_844 = tpu.memref_squeeze %get3A_843 : memref<1x50x128xf32, #tpu.memory_space<vmem>> -> memref<50x128xf32, #tpu.memory_space<vmem>>
        %get3A_845 = arith.index_cast %add3A_840 : i32 to index
        %get3A_846 = arith.constant 48 : index
        %get3A_847 = tpu.vector_load %get3A_844[%get3A_845, %get3A_846] {strides = array<i32>} : memref<50x128xf32, #tpu.memory_space<vmem>>, vector<1x16xf32>,
        %get3A_848 = vector.shape_cast %get3A_847 : vector<1x16xf32> to vector<16xf32>
        %add3A_849 = arith.addf %scan3A_798, %get3A_848 : vector<16xf32>
        %add3A_850 = arith.constant 0 : i32
        %add3A_851 = arith.addi %add3A_806, %add3A_850 : i32
        %get3A_852 = arith.constant 0 : i32
        %get3A_853 = arith.constant 0 : i32
        %get3A_854 = tpu.memref_slice %arg7[%scan3A_214, %get3A_852, %get3A_853] : memref<8x50x128xf32, #tpu.memory_space<vmem>> -> memref<1x50x128xf32, #tpu.memory_space<vmem>>
        %get3A_855 = tpu.memref_squeeze %get3A_854 : memref<1x50x128xf32, #tpu.memory_space<vmem>> -> memref<50x128xf32, #tpu.memory_space<vmem>>
        %get3A_856 = arith.index_cast %add3A_851 : i32 to index
        %get3A_857 = arith.constant 64 : index
        %get3A_858 = tpu.vector_load %get3A_855[%get3A_856, %get3A_857] {strides = array<i32>} : memref<50x128xf32, #tpu.memory_space<vmem>>, vector<1x16xf32>,
        %get3A_859 = vector.shape_cast %get3A_858 : vector<1x16xf32> to vector<16xf32>
        %add3A_860 = arith.addf %scan3A_799, %get3A_859 : vector<16xf32>
        %add3A_861 = arith.constant 0 : i32
        %add3A_862 = arith.addi %add3A_806, %add3A_861 : i32
        %get3A_863 = arith.constant 0 : i32
        %get3A_864 = arith.constant 0 : i32
        %get3A_865 = tpu.memref_slice %arg7[%scan3A_214, %get3A_863, %get3A_864] : memref<8x50x128xf32, #tpu.memory_space<vmem>> -> memref<1x50x128xf32, #tpu.memory_space<vmem>>
        %get3A_866 = tpu.memref_squeeze %get3A_865 : memref<1x50x128xf32, #tpu.memory_space<vmem>> -> memref<50x128xf32, #tpu.memory_space<vmem>>
        %get3A_867 = arith.index_cast %add3A_862 : i32 to index
        %get3A_868 = arith.constant 80 : index
        %get3A_869 = tpu.vector_load %get3A_866[%get3A_867, %get3A_868] {strides = array<i32>} : memref<50x128xf32, #tpu.memory_space<vmem>>, vector<1x16xf32>,
        %get3A_870 = vector.shape_cast %get3A_869 : vector<1x16xf32> to vector<16xf32>
        %add3A_871 = arith.addf %scan3A_800, %get3A_870 : vector<16xf32>
        %add3A_872 = arith.constant 0 : i32
        %add3A_873 = arith.addi %add3A_806, %add3A_872 : i32
        %get3A_874 = arith.constant 0 : i32
        %get3A_875 = arith.constant 0 : i32
        %get3A_876 = tpu.memref_slice %arg7[%scan3A_214, %get3A_874, %get3A_875] : memref<8x50x128xf32, #tpu.memory_space<vmem>> -> memref<1x50x128xf32, #tpu.memory_space<vmem>>
        %get3A_877 = tpu.memref_squeeze %get3A_876 : memref<1x50x128xf32, #tpu.memory_space<vmem>> -> memref<50x128xf32, #tpu.memory_space<vmem>>
        %get3A_878 = arith.index_cast %add3A_873 : i32 to index
        %get3A_879 = arith.constant 96 : index
        %get3A_880 = tpu.vector_load %get3A_877[%get3A_878, %get3A_879] {strides = array<i32>} : memref<50x128xf32, #tpu.memory_space<vmem>>, vector<1x16xf32>,
        %get3A_881 = vector.shape_cast %get3A_880 : vector<1x16xf32> to vector<16xf32>
        %add3A_882 = arith.addf %scan3A_801, %get3A_881 : vector<16xf32>
        %add3A_883 = arith.constant 0 : i32
        %add3A_884 = arith.addi %add3A_806, %add3A_883 : i32
        %get3A_885 = arith.constant 0 : i32
        %get3A_886 = arith.constant 0 : i32
        %get3A_887 = tpu.memref_slice %arg7[%scan3A_214, %get3A_885, %get3A_886] : memref<8x50x128xf32, #tpu.memory_space<vmem>> -> memref<1x50x128xf32, #tpu.memory_space<vmem>>
        %get3A_888 = tpu.memref_squeeze %get3A_887 : memref<1x50x128xf32, #tpu.memory_space<vmem>> -> memref<50x128xf32, #tpu.memory_space<vmem>>
        %get3A_889 = arith.index_cast %add3A_884 : i32 to index
        %get3A_890 = arith.constant 112 : index
        %get3A_891 = tpu.vector_load %get3A_888[%get3A_889, %get3A_890] {strides = array<i32>} : memref<50x128xf32, #tpu.memory_space<vmem>>, vector<1x16xf32>,
        %get3A_892 = vector.shape_cast %get3A_891 : vector<1x16xf32> to vector<16xf32>
        %add3A_893 = arith.addf %scan3A_802, %get3A_892 : vector<16xf32>
        %add3A_894 = arith.constant 1 : i32
        %add3A_895 = arith.addi %add3A_806, %add3A_894 : i32
        %get3A_896 = arith.constant 0 : i32
        %get3A_897 = arith.constant 0 : i32
        %get3A_898 = tpu.memref_slice %arg7[%scan3A_214, %get3A_896, %get3A_897] : memref<8x50x128xf32, #tpu.memory_space<vmem>> -> memref<1x50x128xf32, #tpu.memory_space<vmem>>
        %get3A_899 = tpu.memref_squeeze %get3A_898 : memref<1x50x128xf32, #tpu.memory_space<vmem>> -> memref<50x128xf32, #tpu.memory_space<vmem>>
        %get3A_900 = arith.index_cast %add3A_895 : i32 to index
        %get3A_901 = arith.constant 0 : index
        %get3A_902 = tpu.vector_load %get3A_899[%get3A_900, %get3A_901] {strides = array<i32>} : memref<50x128xf32, #tpu.memory_space<vmem>>, vector<1x16xf32>,
        %get3A_903 = vector.shape_cast %get3A_902 : vector<1x16xf32> to vector<16xf32>
        %add3A_904 = arith.addf %add3A_816, %get3A_903 : vector<16xf32>
        %add3A_905 = arith.constant 1 : i32
        %add3A_906 = arith.addi %add3A_806, %add3A_905 : i32
        %get3A_907 = arith.constant 0 : i32
        %get3A_908 = arith.constant 0 : i32
        %get3A_909 = tpu.memref_slice %arg7[%scan3A_214, %get3A_907, %get3A_908] : memref<8x50x128xf32, #tpu.memory_space<vmem>> -> memref<1x50x128xf32, #tpu.memory_space<vmem>>
        %get3A_910 = tpu.memref_squeeze %get3A_909 : memref<1x50x128xf32, #tpu.memory_space<vmem>> -> memref<50x128xf32, #tpu.memory_space<vmem>>
        %get3A_911 = arith.index_cast %add3A_906 : i32 to index
        %get3A_912 = arith.constant 16 : index
        %get3A_913 = tpu.vector_load %get3A_910[%get3A_911, %get3A_912] {strides = array<i32>} : memref<50x128xf32, #tpu.memory_space<vmem>>, vector<1x16xf32>,
        %get3A_914 = vector.shape_cast %get3A_913 : vector<1x16xf32> to vector<16xf32>
        %add3A_915 = arith.addf %add3A_827, %get3A_914 : vector<16xf32>
        %add3A_916 = arith.constant 1 : i32
        %add3A_917 = arith.addi %add3A_806, %add3A_916 : i32
        %get3A_918 = arith.constant 0 : i32
        %get3A_919 = arith.constant 0 : i32
        %get3A_920 = tpu.memref_slice %arg7[%scan3A_214, %get3A_918, %get3A_919] : memref<8x50x128xf32, #tpu.memory_space<vmem>> -> memref<1x50x128xf32, #tpu.memory_space<vmem>>
        %get3A_921 = tpu.memref_squeeze %get3A_920 : memref<1x50x128xf32, #tpu.memory_space<vmem>> -> memref<50x128xf32, #tpu.memory_space<vmem>>
        %get3A_922 = arith.index_cast %add3A_917 : i32 to index
        %get3A_923 = arith.constant 32 : index
        %get3A_924 = tpu.vector_load %get3A_921[%get3A_922, %get3A_923] {strides = array<i32>} : memref<50x128xf32, #tpu.memory_space<vmem>>, vector<1x16xf32>,
        %get3A_925 = vector.shape_cast %get3A_924 : vector<1x16xf32> to vector<16xf32>
        %add3A_926 = arith.addf %add3A_838, %get3A_925 : vector<16xf32>
        %add3A_927 = arith.constant 1 : i32
        %add3A_928 = arith.addi %add3A_806, %add3A_927 : i32
        %get3A_929 = arith.constant 0 : i32
        %get3A_930 = arith.constant 0 : i32
        %get3A_931 = tpu.memref_slice %arg7[%scan3A_214, %get3A_929, %get3A_930] : memref<8x50x128xf32, #tpu.memory_space<vmem>> -> memref<1x50x128xf32, #tpu.memory_space<vmem>>
        %get3A_932 = tpu.memref_squeeze %get3A_931 : memref<1x50x128xf32, #tpu.memory_space<vmem>> -> memref<50x128xf32, #tpu.memory_space<vmem>>
        %get3A_933 = arith.index_cast %add3A_928 : i32 to index
        %get3A_934 = arith.constant 48 : index
        %get3A_935 = tpu.vector_load %get3A_932[%get3A_933, %get3A_934] {strides = array<i32>} : memref<50x128xf32, #tpu.memory_space<vmem>>, vector<1x16xf32>,
        %get3A_936 = vector.shape_cast %get3A_935 : vector<1x16xf32> to vector<16xf32>
        %add3A_937 = arith.addf %add3A_849, %get3A_936 : vector<16xf32>
        %add3A_938 = arith.constant 1 : i32
        %add3A_939 = arith.addi %add3A_806, %add3A_938 : i32
        %get3A_940 = arith.constant 0 : i32
        %get3A_941 = arith.constant 0 : i32
        %get3A_942 = tpu.memref_slice %arg7[%scan3A_214, %get3A_940, %get3A_941] : memref<8x50x128xf32, #tpu.memory_space<vmem>> -> memref<1x50x128xf32, #tpu.memory_space<vmem>>
        %get3A_943 = tpu.memref_squeeze %get3A_942 : memref<1x50x128xf32, #tpu.memory_space<vmem>> -> memref<50x128xf32, #tpu.memory_space<vmem>>
        %get3A_944 = arith.index_cast %add3A_939 : i32 to index
        %get3A_945 = arith.constant 64 : index
        %get3A_946 = tpu.vector_load %get3A_943[%get3A_944, %get3A_945] {strides = array<i32>} : memref<50x128xf32, #tpu.memory_space<vmem>>, vector<1x16xf32>,
        %get3A_947 = vector.shape_cast %get3A_946 : vector<1x16xf32> to vector<16xf32>
        %add3A_948 = arith.addf %add3A_860, %get3A_947 : vector<16xf32>
        %add3A_949 = arith.constant 1 : i32
        %add3A_950 = arith.addi %add3A_806, %add3A_949 : i32
        %get3A_951 = arith.constant 0 : i32
        %get3A_952 = arith.constant 0 : i32
        %get3A_953 = tpu.memref_slice %arg7[%scan3A_214, %get3A_951, %get3A_952] : memref<8x50x128xf32, #tpu.memory_space<vmem>> -> memref<1x50x128xf32, #tpu.memory_space<vmem>>
        %get3A_954 = tpu.memref_squeeze %get3A_953 : memref<1x50x128xf32, #tpu.memory_space<vmem>> -> memref<50x128xf32, #tpu.memory_space<vmem>>
        %get3A_955 = arith.index_cast %add3A_950 : i32 to index
        %get3A_956 = arith.constant 80 : index
        %get3A_957 = tpu.vector_load %get3A_954[%get3A_955, %get3A_956] {strides = array<i32>} : memref<50x128xf32, #tpu.memory_space<vmem>>, vector<1x16xf32>,
        %get3A_958 = vector.shape_cast %get3A_957 : vector<1x16xf32> to vector<16xf32>
        %add3A_959 = arith.addf %add3A_871, %get3A_958 : vector<16xf32>
        %add3A_960 = arith.constant 1 : i32
        %add3A_961 = arith.addi %add3A_806, %add3A_960 : i32
        %get3A_962 = arith.constant 0 : i32
        %get3A_963 = arith.constant 0 : i32
        %get3A_964 = tpu.memref_slice %arg7[%scan3A_214, %get3A_962, %get3A_963] : memref<8x50x128xf32, #tpu.memory_space<vmem>> -> memref<1x50x128xf32, #tpu.memory_space<vmem>>
        %get3A_965 = tpu.memref_squeeze %get3A_964 : memref<1x50x128xf32, #tpu.memory_space<vmem>> -> memref<50x128xf32, #tpu.memory_space<vmem>>
        %get3A_966 = arith.index_cast %add3A_961 : i32 to index
        %get3A_967 = arith.constant 96 : index
        %get3A_968 = tpu.vector_load %get3A_965[%get3A_966, %get3A_967] {strides = array<i32>} : memref<50x128xf32, #tpu.memory_space<vmem>>, vector<1x16xf32>,
        %get3A_969 = vector.shape_cast %get3A_968 : vector<1x16xf32> to vector<16xf32>
        %add3A_970 = arith.addf %add3A_882, %get3A_969 : vector<16xf32>
        %add3A_971 = arith.constant 1 : i32
        %add3A_972 = arith.addi %add3A_806, %add3A_971 : i32
        %get3A_973 = arith.constant 0 : i32
        %get3A_974 = arith.constant 0 : i32
        %get3A_975 = tpu.memref_slice %arg7[%scan3A_214, %get3A_973, %get3A_974] : memref<8x50x128xf32, #tpu.memory_space<vmem>> -> memref<1x50x128xf32, #tpu.memory_space<vmem>>
        %get3A_976 = tpu.memref_squeeze %get3A_975 : memref<1x50x128xf32, #tpu.memory_space<vmem>> -> memref<50x128xf32, #tpu.memory_space<vmem>>
        %get3A_977 = arith.index_cast %add3A_972 : i32 to index
        %get3A_978 = arith.constant 112 : index
        %get3A_979 = tpu.vector_load %get3A_976[%get3A_977, %get3A_978] {strides = array<i32>} : memref<50x128xf32, #tpu.memory_space<vmem>>, vector<1x16xf32>,
        %get3A_980 = vector.shape_cast %get3A_979 : vector<1x16xf32> to vector<16xf32>
        %add3A_981 = arith.addf %add3A_893, %get3A_980 : vector<16xf32>
        %add3A_982 = arith.constant 2 : i32
        %add3A_983 = arith.addi %add3A_806, %add3A_982 : i32
        %get3A_984 = arith.constant 0 : i32
        %get3A_985 = arith.constant 0 : i32
        %get3A_986 = tpu.memref_slice %arg7[%scan3A_214, %get3A_984, %get3A_985] : memref<8x50x128xf32, #tpu.memory_space<vmem>> -> memref<1x50x128xf32, #tpu.memory_space<vmem>>
        %get3A_987 = tpu.memref_squeeze %get3A_986 : memref<1x50x128xf32, #tpu.memory_space<vmem>> -> memref<50x128xf32, #tpu.memory_space<vmem>>
        %get3A_988 = arith.index_cast %add3A_983 : i32 to index
        %get3A_989 = arith.constant 0 : index
        %get3A_990 = tpu.vector_load %get3A_987[%get3A_988, %get3A_989] {strides = array<i32>} : memref<50x128xf32, #tpu.memory_space<vmem>>, vector<1x16xf32>,
        %get3A_991 = vector.shape_cast %get3A_990 : vector<1x16xf32> to vector<16xf32>
        %add3A_992 = arith.addf %add3A_904, %get3A_991 : vector<16xf32>
        %add3A_993 = arith.constant 2 : i32
        %add3A_994 = arith.addi %add3A_806, %add3A_993 : i32
        %get3A_995 = arith.constant 0 : i32
        %get3A_996 = arith.constant 0 : i32
        %get3A_997 = tpu.memref_slice %arg7[%scan3A_214, %get3A_995, %get3A_996] : memref<8x50x128xf32, #tpu.memory_space<vmem>> -> memref<1x50x128xf32, #tpu.memory_space<vmem>>
        %get3A_998 = tpu.memref_squeeze %get3A_997 : memref<1x50x128xf32, #tpu.memory_space<vmem>> -> memref<50x128xf32, #tpu.memory_space<vmem>>
        %get3A_999 = arith.index_cast %add3A_994 : i32 to index
        %get3A_1000 = arith.constant 16 : index
        %get3A_1001 = tpu.vector_load %get3A_998[%get3A_999, %get3A_1000] {strides = array<i32>} : memref<50x128xf32, #tpu.memory_space<vmem>>, vector<1x16xf32>,
        %get3A_1002 = vector.shape_cast %get3A_1001 : vector<1x16xf32> to vector<16xf32>
        %add3A_1003 = arith.addf %add3A_915, %get3A_1002 : vector<16xf32>
        %add3A_1004 = arith.constant 2 : i32
        %add3A_1005 = arith.addi %add3A_806, %add3A_1004 : i32
        %get3A_1006 = arith.constant 0 : i32
        %get3A_1007 = arith.constant 0 : i32
        %get3A_1008 = tpu.memref_slice %arg7[%scan3A_214, %get3A_1006, %get3A_1007] : memref<8x50x128xf32, #tpu.memory_space<vmem>> -> memref<1x50x128xf32, #tpu.memory_space<vmem>>
        %get3A_1009 = tpu.memref_squeeze %get3A_1008 : memref<1x50x128xf32, #tpu.memory_space<vmem>> -> memref<50x128xf32, #tpu.memory_space<vmem>>
        %get3A_1010 = arith.index_cast %add3A_1005 : i32 to index
        %get3A_1011 = arith.constant 32 : index
        %get3A_1012 = tpu.vector_load %get3A_1009[%get3A_1010, %get3A_1011] {strides = array<i32>} : memref<50x128xf32, #tpu.memory_space<vmem>>, vector<1x16xf32>,
        %get3A_1013 = vector.shape_cast %get3A_1012 : vector<1x16xf32> to vector<16xf32>
        %add3A_1014 = arith.addf %add3A_926, %get3A_1013 : vector<16xf32>
        %add3A_1015 = arith.constant 2 : i32
        %add3A_1016 = arith.addi %add3A_806, %add3A_1015 : i32
        %get3A_1017 = arith.constant 0 : i32
        %get3A_1018 = arith.constant 0 : i32
        %get3A_1019 = tpu.memref_slice %arg7[%scan3A_214, %get3A_1017, %get3A_1018] : memref<8x50x128xf32, #tpu.memory_space<vmem>> -> memref<1x50x128xf32, #tpu.memory_space<vmem>>
        %get3A_1020 = tpu.memref_squeeze %get3A_1019 : memref<1x50x128xf32, #tpu.memory_space<vmem>> -> memref<50x128xf32, #tpu.memory_space<vmem>>
        %get3A_1021 = arith.index_cast %add3A_1016 : i32 to index
        %get3A_1022 = arith.constant 48 : index
        %get3A_1023 = tpu.vector_load %get3A_1020[%get3A_1021, %get3A_1022] {strides = array<i32>} : memref<50x128xf32, #tpu.memory_space<vmem>>, vector<1x16xf32>,
        %get3A_1024 = vector.shape_cast %get3A_1023 : vector<1x16xf32> to vector<16xf32>
        %add3A_1025 = arith.addf %add3A_937, %get3A_1024 : vector<16xf32>
        %add3A_1026 = arith.constant 2 : i32
        %add3A_1027 = arith.addi %add3A_806, %add3A_1026 : i32
        %get3A_1028 = arith.constant 0 : i32
        %get3A_1029 = arith.constant 0 : i32
        %get3A_1030 = tpu.memref_slice %arg7[%scan3A_214, %get3A_1028, %get3A_1029] : memref<8x50x128xf32, #tpu.memory_space<vmem>> -> memref<1x50x128xf32, #tpu.memory_space<vmem>>
        %get3A_1031 = tpu.memref_squeeze %get3A_1030 : memref<1x50x128xf32, #tpu.memory_space<vmem>> -> memref<50x128xf32, #tpu.memory_space<vmem>>
        %get3A_1032 = arith.index_cast %add3A_1027 : i32 to index
        %get3A_1033 = arith.constant 64 : index
        %get3A_1034 = tpu.vector_load %get3A_1031[%get3A_1032, %get3A_1033] {strides = array<i32>} : memref<50x128xf32, #tpu.memory_space<vmem>>, vector<1x16xf32>,
        %get3A_1035 = vector.shape_cast %get3A_1034 : vector<1x16xf32> to vector<16xf32>
        %add3A_1036 = arith.addf %add3A_948, %get3A_1035 : vector<16xf32>
        %add3A_1037 = arith.constant 2 : i32
        %add3A_1038 = arith.addi %add3A_806, %add3A_1037 : i32
        %get3A_1039 = arith.constant 0 : i32
        %get3A_1040 = arith.constant 0 : i32
        %get3A_1041 = tpu.memref_slice %arg7[%scan3A_214, %get3A_1039, %get3A_1040] : memref<8x50x128xf32, #tpu.memory_space<vmem>> -> memref<1x50x128xf32, #tpu.memory_space<vmem>>
        %get3A_1042 = tpu.memref_squeeze %get3A_1041 : memref<1x50x128xf32, #tpu.memory_space<vmem>> -> memref<50x128xf32, #tpu.memory_space<vmem>>
        %get3A_1043 = arith.index_cast %add3A_1038 : i32 to index
        %get3A_1044 = arith.constant 80 : index
        %get3A_1045 = tpu.vector_load %get3A_1042[%get3A_1043, %get3A_1044] {strides = array<i32>} : memref<50x128xf32, #tpu.memory_space<vmem>>, vector<1x16xf32>,
        %get3A_1046 = vector.shape_cast %get3A_1045 : vector<1x16xf32> to vector<16xf32>
        %add3A_1047 = arith.addf %add3A_959, %get3A_1046 : vector<16xf32>
        %add3A_1048 = arith.constant 2 : i32
        %add3A_1049 = arith.addi %add3A_806, %add3A_1048 : i32
        %get3A_1050 = arith.constant 0 : i32
        %get3A_1051 = arith.constant 0 : i32
        %get3A_1052 = tpu.memref_slice %arg7[%scan3A_214, %get3A_1050, %get3A_1051] : memref<8x50x128xf32, #tpu.memory_space<vmem>> -> memref<1x50x128xf32, #tpu.memory_space<vmem>>
        %get3A_1053 = tpu.memref_squeeze %get3A_1052 : memref<1x50x128xf32, #tpu.memory_space<vmem>> -> memref<50x128xf32, #tpu.memory_space<vmem>>
        %get3A_1054 = arith.index_cast %add3A_1049 : i32 to index
        %get3A_1055 = arith.constant 96 : index
        %get3A_1056 = tpu.vector_load %get3A_1053[%get3A_1054, %get3A_1055] {strides = array<i32>} : memref<50x128xf32, #tpu.memory_space<vmem>>, vector<1x16xf32>,
        %get3A_1057 = vector.shape_cast %get3A_1056 : vector<1x16xf32> to vector<16xf32>
        %add3A_1058 = arith.addf %add3A_970, %get3A_1057 : vector<16xf32>
        %add3A_1059 = arith.constant 2 : i32
        %add3A_1060 = arith.addi %add3A_806, %add3A_1059 : i32
        %get3A_1061 = arith.constant 0 : i32
        %get3A_1062 = arith.constant 0 : i32
        %get3A_1063 = tpu.memref_slice %arg7[%scan3A_214, %get3A_1061, %get3A_1062] : memref<8x50x128xf32, #tpu.memory_space<vmem>> -> memref<1x50x128xf32, #tpu.memory_space<vmem>>
        %get3A_1064 = tpu.memref_squeeze %get3A_1063 : memref<1x50x128xf32, #tpu.memory_space<vmem>> -> memref<50x128xf32, #tpu.memory_space<vmem>>
        %get3A_1065 = arith.index_cast %add3A_1060 : i32 to index
        %get3A_1066 = arith.constant 112 : index
        %get3A_1067 = tpu.vector_load %get3A_1064[%get3A_1065, %get3A_1066] {strides = array<i32>} : memref<50x128xf32, #tpu.memory_space<vmem>>, vector<1x16xf32>,
        %get3A_1068 = vector.shape_cast %get3A_1067 : vector<1x16xf32> to vector<16xf32>
        %add3A_1069 = arith.addf %add3A_981, %get3A_1068 : vector<16xf32>
        %add3A_1070 = arith.constant 3 : i32
        %add3A_1071 = arith.addi %add3A_806, %add3A_1070 : i32
        %get3A_1072 = arith.constant 0 : i32
        %get3A_1073 = arith.constant 0 : i32
        %get3A_1074 = tpu.memref_slice %arg7[%scan3A_214, %get3A_1072, %get3A_1073] : memref<8x50x128xf32, #tpu.memory_space<vmem>> -> memref<1x50x128xf32, #tpu.memory_space<vmem>>
        %get3A_1075 = tpu.memref_squeeze %get3A_1074 : memref<1x50x128xf32, #tpu.memory_space<vmem>> -> memref<50x128xf32, #tpu.memory_space<vmem>>
        %get3A_1076 = arith.index_cast %add3A_1071 : i32 to index
        %get3A_1077 = arith.constant 0 : index
        %get3A_1078 = tpu.vector_load %get3A_1075[%get3A_1076, %get3A_1077] {strides = array<i32>} : memref<50x128xf32, #tpu.memory_space<vmem>>, vector<1x16xf32>,
        %get3A_1079 = vector.shape_cast %get3A_1078 : vector<1x16xf32> to vector<16xf32>
        %add3A_1080 = arith.addf %add3A_992, %get3A_1079 : vector<16xf32>
        %add3A_1081 = arith.constant 3 : i32
        %add3A_1082 = arith.addi %add3A_806, %add3A_1081 : i32
        %get3A_1083 = arith.constant 0 : i32
        %get3A_1084 = arith.constant 0 : i32
        %get3A_1085 = tpu.memref_slice %arg7[%scan3A_214, %get3A_1083, %get3A_1084] : memref<8x50x128xf32, #tpu.memory_space<vmem>> -> memref<1x50x128xf32, #tpu.memory_space<vmem>>
        %get3A_1086 = tpu.memref_squeeze %get3A_1085 : memref<1x50x128xf32, #tpu.memory_space<vmem>> -> memref<50x128xf32, #tpu.memory_space<vmem>>
        %get3A_1087 = arith.index_cast %add3A_1082 : i32 to index
        %get3A_1088 = arith.constant 16 : index
        %get3A_1089 = tpu.vector_load %get3A_1086[%get3A_1087, %get3A_1088] {strides = array<i32>} : memref<50x128xf32, #tpu.memory_space<vmem>>, vector<1x16xf32>,
        %get3A_1090 = vector.shape_cast %get3A_1089 : vector<1x16xf32> to vector<16xf32>
        %add3A_1091 = arith.addf %add3A_1003, %get3A_1090 : vector<16xf32>
        %add3A_1092 = arith.constant 3 : i32
        %add3A_1093 = arith.addi %add3A_806, %add3A_1092 : i32
        %get3A_1094 = arith.constant 0 : i32
        %get3A_1095 = arith.constant 0 : i32
        %get3A_1096 = tpu.memref_slice %arg7[%scan3A_214, %get3A_1094, %get3A_1095] : memref<8x50x128xf32, #tpu.memory_space<vmem>> -> memref<1x50x128xf32, #tpu.memory_space<vmem>>
        %get3A_1097 = tpu.memref_squeeze %get3A_1096 : memref<1x50x128xf32, #tpu.memory_space<vmem>> -> memref<50x128xf32, #tpu.memory_space<vmem>>
        %get3A_1098 = arith.index_cast %add3A_1093 : i32 to index
        %get3A_1099 = arith.constant 32 : index
        %get3A_1100 = tpu.vector_load %get3A_1097[%get3A_1098, %get3A_1099] {strides = array<i32>} : memref<50x128xf32, #tpu.memory_space<vmem>>, vector<1x16xf32>,
        %get3A_1101 = vector.shape_cast %get3A_1100 : vector<1x16xf32> to vector<16xf32>
        %add3A_1102 = arith.addf %add3A_1014, %get3A_1101 : vector<16xf32>
        %add3A_1103 = arith.constant 3 : i32
        %add3A_1104 = arith.addi %add3A_806, %add3A_1103 : i32
        %get3A_1105 = arith.constant 0 : i32
        %get3A_1106 = arith.constant 0 : i32
        %get3A_1107 = tpu.memref_slice %arg7[%scan3A_214, %get3A_1105, %get3A_1106] : memref<8x50x128xf32, #tpu.memory_space<vmem>> -> memref<1x50x128xf32, #tpu.memory_space<vmem>>
        %get3A_1108 = tpu.memref_squeeze %get3A_1107 : memref<1x50x128xf32, #tpu.memory_space<vmem>> -> memref<50x128xf32, #tpu.memory_space<vmem>>
        %get3A_1109 = arith.index_cast %add3A_1104 : i32 to index
        %get3A_1110 = arith.constant 48 : index
        %get3A_1111 = tpu.vector_load %get3A_1108[%get3A_1109, %get3A_1110] {strides = array<i32>} : memref<50x128xf32, #tpu.memory_space<vmem>>, vector<1x16xf32>,
        %get3A_1112 = vector.shape_cast %get3A_1111 : vector<1x16xf32> to vector<16xf32>
        %add3A_1113 = arith.addf %add3A_1025, %get3A_1112 : vector<16xf32>
        %add3A_1114 = arith.constant 3 : i32
        %add3A_1115 = arith.addi %add3A_806, %add3A_1114 : i32
        %get3A_1116 = arith.constant 0 : i32
        %get3A_1117 = arith.constant 0 : i32
        %get3A_1118 = tpu.memref_slice %arg7[%scan3A_214, %get3A_1116, %get3A_1117] : memref<8x50x128xf32, #tpu.memory_space<vmem>> -> memref<1x50x128xf32, #tpu.memory_space<vmem>>
        %get3A_1119 = tpu.memref_squeeze %get3A_1118 : memref<1x50x128xf32, #tpu.memory_space<vmem>> -> memref<50x128xf32, #tpu.memory_space<vmem>>
        %get3A_1120 = arith.index_cast %add3A_1115 : i32 to index
        %get3A_1121 = arith.constant 64 : index
        %get3A_1122 = tpu.vector_load %get3A_1119[%get3A_1120, %get3A_1121] {strides = array<i32>} : memref<50x128xf32, #tpu.memory_space<vmem>>, vector<1x16xf32>,
        %get3A_1123 = vector.shape_cast %get3A_1122 : vector<1x16xf32> to vector<16xf32>
        %add3A_1124 = arith.addf %add3A_1036, %get3A_1123 : vector<16xf32>
        %add3A_1125 = arith.constant 3 : i32
        %add3A_1126 = arith.addi %add3A_806, %add3A_1125 : i32
        %get3A_1127 = arith.constant 0 : i32
        %get3A_1128 = arith.constant 0 : i32
        %get3A_1129 = tpu.memref_slice %arg7[%scan3A_214, %get3A_1127, %get3A_1128] : memref<8x50x128xf32, #tpu.memory_space<vmem>> -> memref<1x50x128xf32, #tpu.memory_space<vmem>>
        %get3A_1130 = tpu.memref_squeeze %get3A_1129 : memref<1x50x128xf32, #tpu.memory_space<vmem>> -> memref<50x128xf32, #tpu.memory_space<vmem>>
        %get3A_1131 = arith.index_cast %add3A_1126 : i32 to index
        %get3A_1132 = arith.constant 80 : index
        %get3A_1133 = tpu.vector_load %get3A_1130[%get3A_1131, %get3A_1132] {strides = array<i32>} : memref<50x128xf32, #tpu.memory_space<vmem>>, vector<1x16xf32>,
        %get3A_1134 = vector.shape_cast %get3A_1133 : vector<1x16xf32> to vector<16xf32>
        %add3A_1135 = arith.addf %add3A_1047, %get3A_1134 : vector<16xf32>
        %add3A_1136 = arith.constant 3 : i32
        %add3A_1137 = arith.addi %add3A_806, %add3A_1136 : i32
        %get3A_1138 = arith.constant 0 : i32
        %get3A_1139 = arith.constant 0 : i32
        %get3A_1140 = tpu.memref_slice %arg7[%scan3A_214, %get3A_1138, %get3A_1139] : memref<8x50x128xf32, #tpu.memory_space<vmem>> -> memref<1x50x128xf32, #tpu.memory_space<vmem>>
        %get3A_1141 = tpu.memref_squeeze %get3A_1140 : memref<1x50x128xf32, #tpu.memory_space<vmem>> -> memref<50x128xf32, #tpu.memory_space<vmem>>
        %get3A_1142 = arith.index_cast %add3A_1137 : i32 to index
        %get3A_1143 = arith.constant 96 : index
        %get3A_1144 = tpu.vector_load %get3A_1141[%get3A_1142, %get3A_1143] {strides = array<i32>} : memref<50x128xf32, #tpu.memory_space<vmem>>, vector<1x16xf32>,
        %get3A_1145 = vector.shape_cast %get3A_1144 : vector<1x16xf32> to vector<16xf32>
        %add3A_1146 = arith.addf %add3A_1058, %get3A_1145 : vector<16xf32>
        %add3A_1147 = arith.constant 3 : i32
        %add3A_1148 = arith.addi %add3A_806, %add3A_1147 : i32
        %get3A_1149 = arith.constant 0 : i32
        %get3A_1150 = arith.constant 0 : i32
        %get3A_1151 = tpu.memref_slice %arg7[%scan3A_214, %get3A_1149, %get3A_1150] : memref<8x50x128xf32, #tpu.memory_space<vmem>> -> memref<1x50x128xf32, #tpu.memory_space<vmem>>
        %get3A_1152 = tpu.memref_squeeze %get3A_1151 : memref<1x50x128xf32, #tpu.memory_space<vmem>> -> memref<50x128xf32, #tpu.memory_space<vmem>>
        %get3A_1153 = arith.index_cast %add3A_1148 : i32 to index
        %get3A_1154 = arith.constant 112 : index
        %get3A_1155 = tpu.vector_load %get3A_1152[%get3A_1153, %get3A_1154] {strides = array<i32>} : memref<50x128xf32, #tpu.memory_space<vmem>>, vector<1x16xf32>,
        %get3A_1156 = vector.shape_cast %get3A_1155 : vector<1x16xf32> to vector<16xf32>
        %add3A_1157 = arith.addf %add3A_1069, %get3A_1156 : vector<16xf32>
        %add3A_1158 = arith.constant 4 : i32
        %add3A_1159 = arith.addi %add3A_806, %add3A_1158 : i32
        %get3A_1160 = arith.constant 0 : i32
        %get3A_1161 = arith.constant 0 : i32
        %get3A_1162 = tpu.memref_slice %arg7[%scan3A_214, %get3A_1160, %get3A_1161] : memref<8x50x128xf32, #tpu.memory_space<vmem>> -> memref<1x50x128xf32, #tpu.memory_space<vmem>>
        %get3A_1163 = tpu.memref_squeeze %get3A_1162 : memref<1x50x128xf32, #tpu.memory_space<vmem>> -> memref<50x128xf32, #tpu.memory_space<vmem>>
        %get3A_1164 = arith.index_cast %add3A_1159 : i32 to index
        %get3A_1165 = arith.constant 0 : index
        %get3A_1166 = tpu.vector_load %get3A_1163[%get3A_1164, %get3A_1165] {strides = array<i32>} : memref<50x128xf32, #tpu.memory_space<vmem>>, vector<1x16xf32>,
        %get3A_1167 = vector.shape_cast %get3A_1166 : vector<1x16xf32> to vector<16xf32>
        %add3A_1168 = arith.addf %add3A_1080, %get3A_1167 : vector<16xf32>
        %add3A_1169 = arith.constant 4 : i32
        %add3A_1170 = arith.addi %add3A_806, %add3A_1169 : i32
        %get3A_1171 = arith.constant 0 : i32
        %get3A_1172 = arith.constant 0 : i32
        %get3A_1173 = tpu.memref_slice %arg7[%scan3A_214, %get3A_1171, %get3A_1172] : memref<8x50x128xf32, #tpu.memory_space<vmem>> -> memref<1x50x128xf32, #tpu.memory_space<vmem>>
        %get3A_1174 = tpu.memref_squeeze %get3A_1173 : memref<1x50x128xf32, #tpu.memory_space<vmem>> -> memref<50x128xf32, #tpu.memory_space<vmem>>
        %get3A_1175 = arith.index_cast %add3A_1170 : i32 to index
        %get3A_1176 = arith.constant 16 : index
        %get3A_1177 = tpu.vector_load %get3A_1174[%get3A_1175, %get3A_1176] {strides = array<i32>} : memref<50x128xf32, #tpu.memory_space<vmem>>, vector<1x16xf32>,
        %get3A_1178 = vector.shape_cast %get3A_1177 : vector<1x16xf32> to vector<16xf32>
        %add3A_1179 = arith.addf %add3A_1091, %get3A_1178 : vector<16xf32>
        %add3A_1180 = arith.constant 4 : i32
        %add3A_1181 = arith.addi %add3A_806, %add3A_1180 : i32
        %get3A_1182 = arith.constant 0 : i32
        %get3A_1183 = arith.constant 0 : i32
        %get3A_1184 = tpu.memref_slice %arg7[%scan3A_214, %get3A_1182, %get3A_1183] : memref<8x50x128xf32, #tpu.memory_space<vmem>> -> memref<1x50x128xf32, #tpu.memory_space<vmem>>
        %get3A_1185 = tpu.memref_squeeze %get3A_1184 : memref<1x50x128xf32, #tpu.memory_space<vmem>> -> memref<50x128xf32, #tpu.memory_space<vmem>>
        %get3A_1186 = arith.index_cast %add3A_1181 : i32 to index
        %get3A_1187 = arith.constant 32 : index
        %get3A_1188 = tpu.vector_load %get3A_1185[%get3A_1186, %get3A_1187] {strides = array<i32>} : memref<50x128xf32, #tpu.memory_space<vmem>>, vector<1x16xf32>,
        %get3A_1189 = vector.shape_cast %get3A_1188 : vector<1x16xf32> to vector<16xf32>
        %add3A_1190 = arith.addf %add3A_1102, %get3A_1189 : vector<16xf32>
        %add3A_1191 = arith.constant 4 : i32
        %add3A_1192 = arith.addi %add3A_806, %add3A_1191 : i32
        %get3A_1193 = arith.constant 0 : i32
        %get3A_1194 = arith.constant 0 : i32
        %get3A_1195 = tpu.memref_slice %arg7[%scan3A_214, %get3A_1193, %get3A_1194] : memref<8x50x128xf32, #tpu.memory_space<vmem>> -> memref<1x50x128xf32, #tpu.memory_space<vmem>>
        %get3A_1196 = tpu.memref_squeeze %get3A_1195 : memref<1x50x128xf32, #tpu.memory_space<vmem>> -> memref<50x128xf32, #tpu.memory_space<vmem>>
        %get3A_1197 = arith.index_cast %add3A_1192 : i32 to index
        %get3A_1198 = arith.constant 48 : index
        %get3A_1199 = tpu.vector_load %get3A_1196[%get3A_1197, %get3A_1198] {strides = array<i32>} : memref<50x128xf32, #tpu.memory_space<vmem>>, vector<1x16xf32>,
        %get3A_1200 = vector.shape_cast %get3A_1199 : vector<1x16xf32> to vector<16xf32>
        %add3A_1201 = arith.addf %add3A_1113, %get3A_1200 : vector<16xf32>
        %add3A_1202 = arith.constant 4 : i32
        %add3A_1203 = arith.addi %add3A_806, %add3A_1202 : i32
        %get3A_1204 = arith.constant 0 : i32
        %get3A_1205 = arith.constant 0 : i32
        %get3A_1206 = tpu.memref_slice %arg7[%scan3A_214, %get3A_1204, %get3A_1205] : memref<8x50x128xf32, #tpu.memory_space<vmem>> -> memref<1x50x128xf32, #tpu.memory_space<vmem>>
        %get3A_1207 = tpu.memref_squeeze %get3A_1206 : memref<1x50x128xf32, #tpu.memory_space<vmem>> -> memref<50x128xf32, #tpu.memory_space<vmem>>
        %get3A_1208 = arith.index_cast %add3A_1203 : i32 to index
        %get3A_1209 = arith.constant 64 : index
        %get3A_1210 = tpu.vector_load %get3A_1207[%get3A_1208, %get3A_1209] {strides = array<i32>} : memref<50x128xf32, #tpu.memory_space<vmem>>, vector<1x16xf32>,
        %get3A_1211 = vector.shape_cast %get3A_1210 : vector<1x16xf32> to vector<16xf32>
        %add3A_1212 = arith.addf %add3A_1124, %get3A_1211 : vector<16xf32>
        %add3A_1213 = arith.constant 4 : i32
        %add3A_1214 = arith.addi %add3A_806, %add3A_1213 : i32
        %get3A_1215 = arith.constant 0 : i32
        %get3A_1216 = arith.constant 0 : i32
        %get3A_1217 = tpu.memref_slice %arg7[%scan3A_214, %get3A_1215, %get3A_1216] : memref<8x50x128xf32, #tpu.memory_space<vmem>> -> memref<1x50x128xf32, #tpu.memory_space<vmem>>
        %get3A_1218 = tpu.memref_squeeze %get3A_1217 : memref<1x50x128xf32, #tpu.memory_space<vmem>> -> memref<50x128xf32, #tpu.memory_space<vmem>>
        %get3A_1219 = arith.index_cast %add3A_1214 : i32 to index
        %get3A_1220 = arith.constant 80 : index
        %get3A_1221 = tpu.vector_load %get3A_1218[%get3A_1219, %get3A_1220] {strides = array<i32>} : memref<50x128xf32, #tpu.memory_space<vmem>>, vector<1x16xf32>,
        %get3A_1222 = vector.shape_cast %get3A_1221 : vector<1x16xf32> to vector<16xf32>
        %add3A_1223 = arith.addf %add3A_1135, %get3A_1222 : vector<16xf32>
        %add3A_1224 = arith.constant 4 : i32
        %add3A_1225 = arith.addi %add3A_806, %add3A_1224 : i32
        %get3A_1226 = arith.constant 0 : i32
        %get3A_1227 = arith.constant 0 : i32
        %get3A_1228 = tpu.memref_slice %arg7[%scan3A_214, %get3A_1226, %get3A_1227] : memref<8x50x128xf32, #tpu.memory_space<vmem>> -> memref<1x50x128xf32, #tpu.memory_space<vmem>>
        %get3A_1229 = tpu.memref_squeeze %get3A_1228 : memref<1x50x128xf32, #tpu.memory_space<vmem>> -> memref<50x128xf32, #tpu.memory_space<vmem>>
        %get3A_1230 = arith.index_cast %add3A_1225 : i32 to index
        %get3A_1231 = arith.constant 96 : index
        %get3A_1232 = tpu.vector_load %get3A_1229[%get3A_1230, %get3A_1231] {strides = array<i32>} : memref<50x128xf32, #tpu.memory_space<vmem>>, vector<1x16xf32>,
        %get3A_1233 = vector.shape_cast %get3A_1232 : vector<1x16xf32> to vector<16xf32>
        %add3A_1234 = arith.addf %add3A_1146, %get3A_1233 : vector<16xf32>
        %add3A_1235 = arith.constant 4 : i32
        %add3A_1236 = arith.addi %add3A_806, %add3A_1235 : i32
        %get3A_1237 = arith.constant 0 : i32
        %get3A_1238 = arith.constant 0 : i32
        %get3A_1239 = tpu.memref_slice %arg7[%scan3A_214, %get3A_1237, %get3A_1238] : memref<8x50x128xf32, #tpu.memory_space<vmem>> -> memref<1x50x128xf32, #tpu.memory_space<vmem>>
        %get3A_1240 = tpu.memref_squeeze %get3A_1239 : memref<1x50x128xf32, #tpu.memory_space<vmem>> -> memref<50x128xf32, #tpu.memory_space<vmem>>
        %get3A_1241 = arith.index_cast %add3A_1236 : i32 to index
        %get3A_1242 = arith.constant 112 : index
        %get3A_1243 = tpu.vector_load %get3A_1240[%get3A_1241, %get3A_1242] {strides = array<i32>} : memref<50x128xf32, #tpu.memory_space<vmem>>, vector<1x16xf32>,
        %get3A_1244 = vector.shape_cast %get3A_1243 : vector<1x16xf32> to vector<16xf32>
        %add3A_1245 = arith.addf %add3A_1157, %get3A_1244 : vector<16xf32>
        scf.yield %add3A_1168, %add3A_1179, %add3A_1190, %add3A_1201, %add3A_1212, %add3A_1223, %add3A_1234, %add3A_1245 : vector<16xf32>, vector<16xf32>, vector<16xf32>, vector<16xf32>, vector<16xf32>, vector<16xf32>, vector<16xf32>, vector<16xf32>
      }
      %scan3A_220 = arith.constant 10 : i32
      %mul3A_221 = arith.constant 1 : i32
      %mul3A_222 = arith.muli %add3A_188, %mul3A_221 : i32
      %add3A_223 = arith.constant 0 : i32
      %add3A_224 = arith.addi %mul3A_222, %add3A_223 : i32
      %swap3A_225 = arith.index_cast %add3A_224 : i32 to index
      %swap3A_226 = arith.constant 0 : index
      %swap3A_227 = tpu.vector_load %arg8[%swap3A_225, %swap3A_226] {strides = array<i32>} : memref<128x128xf32, #tpu.memory_space<vmem>>, vector<1x16xf32>,
      %swap3A_228 = vector.shape_cast %swap3A_227 : vector<1x16xf32> to vector<16xf32>
      %swap3A_229 = vector.shape_cast %scan3A_219#0 : vector<16xf32> to vector<1x16xf32>
      tpu.vector_store %arg8[%swap3A_225, %swap3A_226], %swap3A_229 {strides = array<i32>} : memref<128x128xf32, #tpu.memory_space<vmem>>, vector<1x16xf32>,
      %swap3A_230 = arith.index_cast %add3A_224 : i32 to index
      %swap3A_231 = arith.constant 16 : index
      %swap3A_232 = tpu.vector_load %arg8[%swap3A_230, %swap3A_231] {strides = array<i32>} : memref<128x128xf32, #tpu.memory_space<vmem>>, vector<1x16xf32>,
      %swap3A_233 = vector.shape_cast %swap3A_232 : vector<1x16xf32> to vector<16xf32>
      %swap3A_234 = vector.shape_cast %scan3A_219#1 : vector<16xf32> to vector<1x16xf32>
      tpu.vector_store %arg8[%swap3A_230, %swap3A_231], %swap3A_234 {strides = array<i32>} : memref<128x128xf32, #tpu.memory_space<vmem>>, vector<1x16xf32>,
      %swap3A_235 = arith.index_cast %add3A_224 : i32 to index
      %swap3A_236 = arith.constant 32 : index
      %swap3A_237 = tpu.vector_load %arg8[%swap3A_235, %swap3A_236] {strides = array<i32>} : memref<128x128xf32, #tpu.memory_space<vmem>>, vector<1x16xf32>,
      %swap3A_238 = vector.shape_cast %swap3A_237 : vector<1x16xf32> to vector<16xf32>
      %swap3A_239 = vector.shape_cast %scan3A_219#2 : vector<16xf32> to vector<1x16xf32>
      tpu.vector_store %arg8[%swap3A_235, %swap3A_236], %swap3A_239 {strides = array<i32>} : memref<128x128xf32, #tpu.memory_space<vmem>>, vector<1x16xf32>,
      %swap3A_240 = arith.index_cast %add3A_224 : i32 to index
      %swap3A_241 = arith.constant 48 : index
      %swap3A_242 = tpu.vector_load %arg8[%swap3A_240, %swap3A_241] {strides = array<i32>} : memref<128x128xf32, #tpu.memory_space<vmem>>, vector<1x16xf32>,
      %swap3A_243 = vector.shape_cast %swap3A_242 : vector<1x16xf32> to vector<16xf32>
      %swap3A_244 = vector.shape_cast %scan3A_219#3 : vector<16xf32> to vector<1x16xf32>
      tpu.vector_store %arg8[%swap3A_240, %swap3A_241], %swap3A_244 {strides = array<i32>} : memref<128x128xf32, #tpu.memory_space<vmem>>, vector<1x16xf32>,
      %swap3A_245 = arith.index_cast %add3A_224 : i32 to index
      %swap3A_246 = arith.constant 64 : index
      %swap3A_247 = tpu.vector_load %arg8[%swap3A_245, %swap3A_246] {strides = array<i32>} : memref<128x128xf32, #tpu.memory_space<vmem>>, vector<1x16xf32>,
      %swap3A_248 = vector.shape_cast %swap3A_247 : vector<1x16xf32> to vector<16xf32>
      %swap3A_249 = vector.shape_cast %scan3A_219#4 : vector<16xf32> to vector<1x16xf32>
      tpu.vector_store %arg8[%swap3A_245, %swap3A_246], %swap3A_249 {strides = array<i32>} : memref<128x128xf32, #tpu.memory_space<vmem>>, vector<1x16xf32>,
      %swap3A_250 = arith.index_cast %add3A_224 : i32 to index
      %swap3A_251 = arith.constant 80 : index
      %swap3A_252 = tpu.vector_load %arg8[%swap3A_250, %swap3A_251] {strides = array<i32>} : memref<128x128xf32, #tpu.memory_space<vmem>>, vector<1x16xf32>,
      %swap3A_253 = vector.shape_cast %swap3A_252 : vector<1x16xf32> to vector<16xf32>
      %swap3A_254 = vector.shape_cast %scan3A_219#5 : vector<16xf32> to vector<1x16xf32>
      tpu.vector_store %arg8[%swap3A_250, %swap3A_251], %swap3A_254 {strides = array<i32>} : memref<128x128xf32, #tpu.memory_space<vmem>>, vector<1x16xf32>,
      %swap3A_255 = arith.index_cast %add3A_224 : i32 to index
      %swap3A_256 = arith.constant 96 : index
      %swap3A_257 = tpu.vector_load %arg8[%swap3A_255, %swap3A_256] {strides = array<i32>} : memref<128x128xf32, #tpu.memory_space<vmem>>, vector<1x16xf32>,
      %swap3A_258 = vector.shape_cast %swap3A_257 : vector<1x16xf32> to vector<16xf32>
      %swap3A_259 = vector.shape_cast %scan3A_219#6 : vector<16xf32> to vector<1x16xf32>
      tpu.vector_store %arg8[%swap3A_255, %swap3A_256], %swap3A_259 {strides = array<i32>} : memref<128x128xf32, #tpu.memory_space<vmem>>, vector<1x16xf32>,
      %swap3A_260 = arith.index_cast %add3A_224 : i32 to index
      %swap3A_261 = arith.constant 112 : index
      %swap3A_262 = tpu.vector_load %arg8[%swap3A_260, %swap3A_261] {strides = array<i32>} : memref<128x128xf32, #tpu.memory_space<vmem>>, vector<1x16xf32>,
      %swap3A_263 = vector.shape_cast %swap3A_262 : vector<1x16xf32> to vector<16xf32>
      %swap3A_264 = vector.shape_cast %scan3A_219#7 : vector<16xf32> to vector<1x16xf32>
      tpu.vector_store %arg8[%swap3A_260, %swap3A_261], %swap3A_264 {strides = array<i32>} : memref<128x128xf32, #tpu.memory_space<vmem>>, vector<1x16xf32>,
      %add3A_265 = arith.constant 8 : i32
      %add3A_266 = arith.addi %add3A_188, %add3A_265 : i32
      %lt3A_267 = arith.constant 128 : i32
      %lt3A_268 = arith.cmpi slt, %add3A_266, %lt3A_267 : i32
      %convert_element_type3A_269 = arith.extui %lt3A_268 : i1 to i32
      %cond3A_270 = arith.constant 0 : i32
      %cond3A_271 = arith.cmpi ne, %convert_element_type3A_269, %cond3A_270 : i32
      scf.if %cond3A_271 {
        %add3A_794 = arith.constant 8 : i32
        %add3A_795 = arith.addi %add3A_188, %add3A_794 : i32
        %dma_start3A_796 = arith.constant 1 : i32
        %dma_start3A_797 = arith.constant 0 : i32
        %dma_start3A_798 = arith.constant 0 : i32
        %dma_start3A_799 = tpu.memref_slice %arg7[%dma_start3A_796, %dma_start3A_797, %dma_start3A_798] : memref<8x50x128xf32, #tpu.memory_space<vmem>> -> memref<1x50x128xf32, #tpu.memory_space<vmem>>
        %dma_start3A_800 = tpu.memref_squeeze %dma_start3A_799 : memref<1x50x128xf32, #tpu.memory_space<vmem>> -> memref<50x128xf32, #tpu.memory_space<vmem>>
        %dma_start3A_801 = arith.constant 0 : i32
        %dma_start3A_802 = tpu.memref_slice %arg6[%add3A_795, %dma_start3A_801] : memref<128x50xi32, #tpu.memory_space<vmem>> -> memref<1x50xi32, #tpu.memory_space<vmem>>
        %dma_start3A_803 = tpu.memref_squeeze %dma_start3A_802 : memref<1x50xi32, #tpu.memory_space<vmem>> -> memref<50xi32, #tpu.memory_space<vmem>>
        %dma_start3A_804 = arith.constant 0 : i32
        %dma_start3A_805 = arith.constant 0 : i32
        %dma_start3A_806 = tpu.memref_slice %arg3[%dma_start3A_804, %dma_start3A_805] : memref<100000x128xf32, #tpu.memory_space<hbm>> -> memref<100000x128xf32, #tpu.memory_space<hbm>>
        tpu.enqueue_indirect_dma source(%dma_start3A_806 : memref<100000x128xf32, #tpu.memory_space<hbm>>) target(%dma_start3A_800 : memref<50x128xf32, #tpu.memory_space<vmem>>) offsets(%dma_start3A_803 : memref<50xi32, #tpu.memory_space<vmem>>) semaphore(%arg10 : memref<!tpu.dma_semaphore, #tpu.memory_space<semaphore_mem>>)
      } else {
      }
      %mul3A_272 = arith.constant 8 : i32
      %mul3A_273 = arith.muli %scan3A_103, %mul3A_272 : i32
      %add3A_274 = arith.constant 2 : i32
      %add3A_275 = arith.addi %mul3A_273, %add3A_274 : i32
      %dma_wait3A_276 = arith.constant 2 : i32
      %dma_wait3A_277 = arith.constant 0 : i32
      %dma_wait3A_278 = arith.constant 0 : i32
      %dma_wait3A_279 = tpu.memref_slice %arg7[%dma_wait3A_276, %dma_wait3A_277, %dma_wait3A_278] : memref<8x50x128xf32, #tpu.memory_space<vmem>> -> memref<1x50x128xf32, #tpu.memory_space<vmem>>
      %dma_wait3A_280 = tpu.memref_squeeze %dma_wait3A_279 : memref<1x50x128xf32, #tpu.memory_space<vmem>> -> memref<50x128xf32, #tpu.memory_space<vmem>>
      %dma_wait3A_281 = arith.constant 0 : i32
      %dma_wait3A_282 = arith.constant 0 : i32
      %dma_wait3A_283 = tpu.memref_slice %arg7[%dma_wait3A_276, %dma_wait3A_281, %dma_wait3A_282] : memref<8x50x128xf32, #tpu.memory_space<vmem>> -> memref<1x50x128xf32, #tpu.memory_space<vmem>>
      %dma_wait3A_284 = tpu.memref_squeeze %dma_wait3A_283 : memref<1x50x128xf32, #tpu.memory_space<vmem>> -> memref<50x128xf32, #tpu.memory_space<vmem>>
      tpu.wait_dma2 semaphore(%arg11 : memref<!tpu.dma_semaphore, #tpu.memory_space<semaphore_mem>>) src(%arg4 : memref<50x128xf32, #tpu.memory_space<hbm>>) dst(%dma_wait3A_284 : memref<50x128xf32, #tpu.memory_space<vmem>>)
      %broadcast_in_dim3A_285 = arith.constant 0.000000e+00 : f32
      %broadcast_in_dim3A_286 = vector.broadcast %broadcast_in_dim3A_285 : f32 to vector<16xf32>
      %broadcast_in_dim3A_287 = arith.constant 0.000000e+00 : f32
      %broadcast_in_dim3A_288 = vector.broadcast %broadcast_in_dim3A_287 : f32 to vector<16xf32>
      %broadcast_in_dim3A_289 = arith.constant 0.000000e+00 : f32
      %broadcast_in_dim3A_290 = vector.broadcast %broadcast_in_dim3A_289 : f32 to vector<16xf32>
      %broadcast_in_dim3A_291 = arith.constant 0.000000e+00 : f32
      %broadcast_in_dim3A_292 = vector.broadcast %broadcast_in_dim3A_291 : f32 to vector<16xf32>
      %broadcast_in_dim3A_293 = arith.constant 0.000000e+00 : f32
      %broadcast_in_dim3A_294 = vector.broadcast %broadcast_in_dim3A_293 : f32 to vector<16xf32>
      %broadcast_in_dim3A_295 = arith.constant 0.000000e+00 : f32
      %broadcast_in_dim3A_296 = vector.broadcast %broadcast_in_dim3A_295 : f32 to vector<16xf32>
      %broadcast_in_dim3A_297 = arith.constant 0.000000e+00 : f32
      %broadcast_in_dim3A_298 = vector.broadcast %broadcast_in_dim3A_297 : f32 to vector<16xf32>
      %broadcast_in_dim3A_299 = arith.constant 0.000000e+00 : f32
      %broadcast_in_dim3A_300 = vector.broadcast %broadcast_in_dim3A_299 : f32 to vector<16xf32>
      %scan3A_301 = arith.constant 2 : i32
      %scan3A_302 = arith.constant 0 : i32
      %scan3A_303 = arith.constant 10 : i32
      %scan3A_304 = arith.addi %scan3A_302, %scan3A_303 : i32
      %scan3A_305 = arith.constant 1 : i32
      %scan3A_306:8 = scf.for %scan3A_794 = %scan3A_302 to %scan3A_304 step %scan3A_305 iter_args(%scan3A_795 = %broadcast_in_dim3A_286, %scan3A_796 = %broadcast_in_dim3A_288, %scan3A_797 = %broadcast_in_dim3A_290, %scan3A_798 = %broadcast_in_dim3A_292, %scan3A_799 = %broadcast_in_dim3A_294, %scan3A_800 = %broadcast_in_dim3A_296, %scan3A_801 = %broadcast_in_dim3A_298, %scan3A_802 = %broadcast_in_dim3A_300) -> (vector<16xf32>, vector<16xf32>, vector<16xf32>, vector<16xf32>, vector<16xf32>, vector<16xf32>, vector<16xf32>, vector<16xf32>)  : i32 {
        %mul3A_803 = arith.constant 5 : i32
        %mul3A_804 = arith.muli %scan3A_794, %mul3A_803 : i32
        %add3A_805 = arith.constant 0 : i32
        %add3A_806 = arith.addi %add3A_805, %mul3A_804 : i32
        %add3A_807 = arith.constant 0 : i32
        %add3A_808 = arith.addi %add3A_806, %add3A_807 : i32
        %get3A = arith.constant 0 : i32
        %get3A_809 = arith.constant 0 : i32
        %get3A_810 = tpu.memref_slice %arg7[%scan3A_301, %get3A, %get3A_809] : memref<8x50x128xf32, #tpu.memory_space<vmem>> -> memref<1x50x128xf32, #tpu.memory_space<vmem>>
        %get3A_811 = tpu.memref_squeeze %get3A_810 : memref<1x50x128xf32, #tpu.memory_space<vmem>> -> memref<50x128xf32, #tpu.memory_space<vmem>>
        %get3A_812 = arith.index_cast %add3A_808 : i32 to index
        %get3A_813 = arith.constant 0 : index
        %get3A_814 = tpu.vector_load %get3A_811[%get3A_812, %get3A_813] {strides = array<i32>} : memref<50x128xf32, #tpu.memory_space<vmem>>, vector<1x16xf32>,
        %get3A_815 = vector.shape_cast %get3A_814 : vector<1x16xf32> to vector<16xf32>
        %add3A_816 = arith.addf %scan3A_795, %get3A_815 : vector<16xf32>
        %add3A_817 = arith.constant 0 : i32
        %add3A_818 = arith.addi %add3A_806, %add3A_817 : i32
        %get3A_819 = arith.constant 0 : i32
        %get3A_820 = arith.constant 0 : i32
        %get3A_821 = tpu.memref_slice %arg7[%scan3A_301, %get3A_819, %get3A_820] : memref<8x50x128xf32, #tpu.memory_space<vmem>> -> memref<1x50x128xf32, #tpu.memory_space<vmem>>
        %get3A_822 = tpu.memref_squeeze %get3A_821 : memref<1x50x128xf32, #tpu.memory_space<vmem>> -> memref<50x128xf32, #tpu.memory_space<vmem>>
        %get3A_823 = arith.index_cast %add3A_818 : i32 to index
        %get3A_824 = arith.constant 16 : index
        %get3A_825 = tpu.vector_load %get3A_822[%get3A_823, %get3A_824] {strides = array<i32>} : memref<50x128xf32, #tpu.memory_space<vmem>>, vector<1x16xf32>,
        %get3A_826 = vector.shape_cast %get3A_825 : vector<1x16xf32> to vector<16xf32>
        %add3A_827 = arith.addf %scan3A_796, %get3A_826 : vector<16xf32>
        %add3A_828 = arith.constant 0 : i32
        %add3A_829 = arith.addi %add3A_806, %add3A_828 : i32
        %get3A_830 = arith.constant 0 : i32
        %get3A_831 = arith.constant 0 : i32
        %get3A_832 = tpu.memref_slice %arg7[%scan3A_301, %get3A_830, %get3A_831] : memref<8x50x128xf32, #tpu.memory_space<vmem>> -> memref<1x50x128xf32, #tpu.memory_space<vmem>>
        %get3A_833 = tpu.memref_squeeze %get3A_832 : memref<1x50x128xf32, #tpu.memory_space<vmem>> -> memref<50x128xf32, #tpu.memory_space<vmem>>
        %get3A_834 = arith.index_cast %add3A_829 : i32 to index
        %get3A_835 = arith.constant 32 : index
        %get3A_836 = tpu.vector_load %get3A_833[%get3A_834, %get3A_835] {strides = array<i32>} : memref<50x128xf32, #tpu.memory_space<vmem>>, vector<1x16xf32>,
        %get3A_837 = vector.shape_cast %get3A_836 : vector<1x16xf32> to vector<16xf32>
        %add3A_838 = arith.addf %scan3A_797, %get3A_837 : vector<16xf32>
        %add3A_839 = arith.constant 0 : i32
        %add3A_840 = arith.addi %add3A_806, %add3A_839 : i32
        %get3A_841 = arith.constant 0 : i32
        %get3A_842 = arith.constant 0 : i32
        %get3A_843 = tpu.memref_slice %arg7[%scan3A_301, %get3A_841, %get3A_842] : memref<8x50x128xf32, #tpu.memory_space<vmem>> -> memref<1x50x128xf32, #tpu.memory_space<vmem>>
        %get3A_844 = tpu.memref_squeeze %get3A_843 : memref<1x50x128xf32, #tpu.memory_space<vmem>> -> memref<50x128xf32, #tpu.memory_space<vmem>>
        %get3A_845 = arith.index_cast %add3A_840 : i32 to index
        %get3A_846 = arith.constant 48 : index
        %get3A_847 = tpu.vector_load %get3A_844[%get3A_845, %get3A_846] {strides = array<i32>} : memref<50x128xf32, #tpu.memory_space<vmem>>, vector<1x16xf32>,
        %get3A_848 = vector.shape_cast %get3A_847 : vector<1x16xf32> to vector<16xf32>
        %add3A_849 = arith.addf %scan3A_798, %get3A_848 : vector<16xf32>
        %add3A_850 = arith.constant 0 : i32
        %add3A_851 = arith.addi %add3A_806, %add3A_850 : i32
        %get3A_852 = arith.constant 0 : i32
        %get3A_853 = arith.constant 0 : i32
        %get3A_854 = tpu.memref_slice %arg7[%scan3A_301, %get3A_852, %get3A_853] : memref<8x50x128xf32, #tpu.memory_space<vmem>> -> memref<1x50x128xf32, #tpu.memory_space<vmem>>
        %get3A_855 = tpu.memref_squeeze %get3A_854 : memref<1x50x128xf32, #tpu.memory_space<vmem>> -> memref<50x128xf32, #tpu.memory_space<vmem>>
        %get3A_856 = arith.index_cast %add3A_851 : i32 to index
        %get3A_857 = arith.constant 64 : index
        %get3A_858 = tpu.vector_load %get3A_855[%get3A_856, %get3A_857] {strides = array<i32>} : memref<50x128xf32, #tpu.memory_space<vmem>>, vector<1x16xf32>,
        %get3A_859 = vector.shape_cast %get3A_858 : vector<1x16xf32> to vector<16xf32>
        %add3A_860 = arith.addf %scan3A_799, %get3A_859 : vector<16xf32>
        %add3A_861 = arith.constant 0 : i32
        %add3A_862 = arith.addi %add3A_806, %add3A_861 : i32
        %get3A_863 = arith.constant 0 : i32
        %get3A_864 = arith.constant 0 : i32
        %get3A_865 = tpu.memref_slice %arg7[%scan3A_301, %get3A_863, %get3A_864] : memref<8x50x128xf32, #tpu.memory_space<vmem>> -> memref<1x50x128xf32, #tpu.memory_space<vmem>>
        %get3A_866 = tpu.memref_squeeze %get3A_865 : memref<1x50x128xf32, #tpu.memory_space<vmem>> -> memref<50x128xf32, #tpu.memory_space<vmem>>
        %get3A_867 = arith.index_cast %add3A_862 : i32 to index
        %get3A_868 = arith.constant 80 : index
        %get3A_869 = tpu.vector_load %get3A_866[%get3A_867, %get3A_868] {strides = array<i32>} : memref<50x128xf32, #tpu.memory_space<vmem>>, vector<1x16xf32>,
        %get3A_870 = vector.shape_cast %get3A_869 : vector<1x16xf32> to vector<16xf32>
        %add3A_871 = arith.addf %scan3A_800, %get3A_870 : vector<16xf32>
        %add3A_872 = arith.constant 0 : i32
        %add3A_873 = arith.addi %add3A_806, %add3A_872 : i32
        %get3A_874 = arith.constant 0 : i32
        %get3A_875 = arith.constant 0 : i32
        %get3A_876 = tpu.memref_slice %arg7[%scan3A_301, %get3A_874, %get3A_875] : memref<8x50x128xf32, #tpu.memory_space<vmem>> -> memref<1x50x128xf32, #tpu.memory_space<vmem>>
        %get3A_877 = tpu.memref_squeeze %get3A_876 : memref<1x50x128xf32, #tpu.memory_space<vmem>> -> memref<50x128xf32, #tpu.memory_space<vmem>>
        %get3A_878 = arith.index_cast %add3A_873 : i32 to index
        %get3A_879 = arith.constant 96 : index
        %get3A_880 = tpu.vector_load %get3A_877[%get3A_878, %get3A_879] {strides = array<i32>} : memref<50x128xf32, #tpu.memory_space<vmem>>, vector<1x16xf32>,
        %get3A_881 = vector.shape_cast %get3A_880 : vector<1x16xf32> to vector<16xf32>
        %add3A_882 = arith.addf %scan3A_801, %get3A_881 : vector<16xf32>
        %add3A_883 = arith.constant 0 : i32
        %add3A_884 = arith.addi %add3A_806, %add3A_883 : i32
        %get3A_885 = arith.constant 0 : i32
        %get3A_886 = arith.constant 0 : i32
        %get3A_887 = tpu.memref_slice %arg7[%scan3A_301, %get3A_885, %get3A_886] : memref<8x50x128xf32, #tpu.memory_space<vmem>> -> memref<1x50x128xf32, #tpu.memory_space<vmem>>
        %get3A_888 = tpu.memref_squeeze %get3A_887 : memref<1x50x128xf32, #tpu.memory_space<vmem>> -> memref<50x128xf32, #tpu.memory_space<vmem>>
        %get3A_889 = arith.index_cast %add3A_884 : i32 to index
        %get3A_890 = arith.constant 112 : index
        %get3A_891 = tpu.vector_load %get3A_888[%get3A_889, %get3A_890] {strides = array<i32>} : memref<50x128xf32, #tpu.memory_space<vmem>>, vector<1x16xf32>,
        %get3A_892 = vector.shape_cast %get3A_891 : vector<1x16xf32> to vector<16xf32>
        %add3A_893 = arith.addf %scan3A_802, %get3A_892 : vector<16xf32>
        %add3A_894 = arith.constant 1 : i32
        %add3A_895 = arith.addi %add3A_806, %add3A_894 : i32
        %get3A_896 = arith.constant 0 : i32
        %get3A_897 = arith.constant 0 : i32
        %get3A_898 = tpu.memref_slice %arg7[%scan3A_301, %get3A_896, %get3A_897] : memref<8x50x128xf32, #tpu.memory_space<vmem>> -> memref<1x50x128xf32, #tpu.memory_space<vmem>>
        %get3A_899 = tpu.memref_squeeze %get3A_898 : memref<1x50x128xf32, #tpu.memory_space<vmem>> -> memref<50x128xf32, #tpu.memory_space<vmem>>
        %get3A_900 = arith.index_cast %add3A_895 : i32 to index
        %get3A_901 = arith.constant 0 : index
        %get3A_902 = tpu.vector_load %get3A_899[%get3A_900, %get3A_901] {strides = array<i32>} : memref<50x128xf32, #tpu.memory_space<vmem>>, vector<1x16xf32>,
        %get3A_903 = vector.shape_cast %get3A_902 : vector<1x16xf32> to vector<16xf32>
        %add3A_904 = arith.addf %add3A_816, %get3A_903 : vector<16xf32>
        %add3A_905 = arith.constant 1 : i32
        %add3A_906 = arith.addi %add3A_806, %add3A_905 : i32
        %get3A_907 = arith.constant 0 : i32
        %get3A_908 = arith.constant 0 : i32
        %get3A_909 = tpu.memref_slice %arg7[%scan3A_301, %get3A_907, %get3A_908] : memref<8x50x128xf32, #tpu.memory_space<vmem>> -> memref<1x50x128xf32, #tpu.memory_space<vmem>>
        %get3A_910 = tpu.memref_squeeze %get3A_909 : memref<1x50x128xf32, #tpu.memory_space<vmem>> -> memref<50x128xf32, #tpu.memory_space<vmem>>
        %get3A_911 = arith.index_cast %add3A_906 : i32 to index
        %get3A_912 = arith.constant 16 : index
        %get3A_913 = tpu.vector_load %get3A_910[%get3A_911, %get3A_912] {strides = array<i32>} : memref<50x128xf32, #tpu.memory_space<vmem>>, vector<1x16xf32>,
        %get3A_914 = vector.shape_cast %get3A_913 : vector<1x16xf32> to vector<16xf32>
        %add3A_915 = arith.addf %add3A_827, %get3A_914 : vector<16xf32>
        %add3A_916 = arith.constant 1 : i32
        %add3A_917 = arith.addi %add3A_806, %add3A_916 : i32
        %get3A_918 = arith.constant 0 : i32
        %get3A_919 = arith.constant 0 : i32
        %get3A_920 = tpu.memref_slice %arg7[%scan3A_301, %get3A_918, %get3A_919] : memref<8x50x128xf32, #tpu.memory_space<vmem>> -> memref<1x50x128xf32, #tpu.memory_space<vmem>>
        %get3A_921 = tpu.memref_squeeze %get3A_920 : memref<1x50x128xf32, #tpu.memory_space<vmem>> -> memref<50x128xf32, #tpu.memory_space<vmem>>
        %get3A_922 = arith.index_cast %add3A_917 : i32 to index
        %get3A_923 = arith.constant 32 : index
        %get3A_924 = tpu.vector_load %get3A_921[%get3A_922, %get3A_923] {strides = array<i32>} : memref<50x128xf32, #tpu.memory_space<vmem>>, vector<1x16xf32>,
        %get3A_925 = vector.shape_cast %get3A_924 : vector<1x16xf32> to vector<16xf32>
        %add3A_926 = arith.addf %add3A_838, %get3A_925 : vector<16xf32>
        %add3A_927 = arith.constant 1 : i32
        %add3A_928 = arith.addi %add3A_806, %add3A_927 : i32
        %get3A_929 = arith.constant 0 : i32
        %get3A_930 = arith.constant 0 : i32
        %get3A_931 = tpu.memref_slice %arg7[%scan3A_301, %get3A_929, %get3A_930] : memref<8x50x128xf32, #tpu.memory_space<vmem>> -> memref<1x50x128xf32, #tpu.memory_space<vmem>>
        %get3A_932 = tpu.memref_squeeze %get3A_931 : memref<1x50x128xf32, #tpu.memory_space<vmem>> -> memref<50x128xf32, #tpu.memory_space<vmem>>
        %get3A_933 = arith.index_cast %add3A_928 : i32 to index
        %get3A_934 = arith.constant 48 : index
        %get3A_935 = tpu.vector_load %get3A_932[%get3A_933, %get3A_934] {strides = array<i32>} : memref<50x128xf32, #tpu.memory_space<vmem>>, vector<1x16xf32>,
        %get3A_936 = vector.shape_cast %get3A_935 : vector<1x16xf32> to vector<16xf32>
        %add3A_937 = arith.addf %add3A_849, %get3A_936 : vector<16xf32>
        %add3A_938 = arith.constant 1 : i32
        %add3A_939 = arith.addi %add3A_806, %add3A_938 : i32
        %get3A_940 = arith.constant 0 : i32
        %get3A_941 = arith.constant 0 : i32
        %get3A_942 = tpu.memref_slice %arg7[%scan3A_301, %get3A_940, %get3A_941] : memref<8x50x128xf32, #tpu.memory_space<vmem>> -> memref<1x50x128xf32, #tpu.memory_space<vmem>>
        %get3A_943 = tpu.memref_squeeze %get3A_942 : memref<1x50x128xf32, #tpu.memory_space<vmem>> -> memref<50x128xf32, #tpu.memory_space<vmem>>
        %get3A_944 = arith.index_cast %add3A_939 : i32 to index
        %get3A_945 = arith.constant 64 : index
        %get3A_946 = tpu.vector_load %get3A_943[%get3A_944, %get3A_945] {strides = array<i32>} : memref<50x128xf32, #tpu.memory_space<vmem>>, vector<1x16xf32>,
        %get3A_947 = vector.shape_cast %get3A_946 : vector<1x16xf32> to vector<16xf32>
        %add3A_948 = arith.addf %add3A_860, %get3A_947 : vector<16xf32>
        %add3A_949 = arith.constant 1 : i32
        %add3A_950 = arith.addi %add3A_806, %add3A_949 : i32
        %get3A_951 = arith.constant 0 : i32
        %get3A_952 = arith.constant 0 : i32
        %get3A_953 = tpu.memref_slice %arg7[%scan3A_301, %get3A_951, %get3A_952] : memref<8x50x128xf32, #tpu.memory_space<vmem>> -> memref<1x50x128xf32, #tpu.memory_space<vmem>>
        %get3A_954 = tpu.memref_squeeze %get3A_953 : memref<1x50x128xf32, #tpu.memory_space<vmem>> -> memref<50x128xf32, #tpu.memory_space<vmem>>
        %get3A_955 = arith.index_cast %add3A_950 : i32 to index
        %get3A_956 = arith.constant 80 : index
        %get3A_957 = tpu.vector_load %get3A_954[%get3A_955, %get3A_956] {strides = array<i32>} : memref<50x128xf32, #tpu.memory_space<vmem>>, vector<1x16xf32>,
        %get3A_958 = vector.shape_cast %get3A_957 : vector<1x16xf32> to vector<16xf32>
        %add3A_959 = arith.addf %add3A_871, %get3A_958 : vector<16xf32>
        %add3A_960 = arith.constant 1 : i32
        %add3A_961 = arith.addi %add3A_806, %add3A_960 : i32
        %get3A_962 = arith.constant 0 : i32
        %get3A_963 = arith.constant 0 : i32
        %get3A_964 = tpu.memref_slice %arg7[%scan3A_301, %get3A_962, %get3A_963] : memref<8x50x128xf32, #tpu.memory_space<vmem>> -> memref<1x50x128xf32, #tpu.memory_space<vmem>>
        %get3A_965 = tpu.memref_squeeze %get3A_964 : memref<1x50x128xf32, #tpu.memory_space<vmem>> -> memref<50x128xf32, #tpu.memory_space<vmem>>
        %get3A_966 = arith.index_cast %add3A_961 : i32 to index
        %get3A_967 = arith.constant 96 : index
        %get3A_968 = tpu.vector_load %get3A_965[%get3A_966, %get3A_967] {strides = array<i32>} : memref<50x128xf32, #tpu.memory_space<vmem>>, vector<1x16xf32>,
        %get3A_969 = vector.shape_cast %get3A_968 : vector<1x16xf32> to vector<16xf32>
        %add3A_970 = arith.addf %add3A_882, %get3A_969 : vector<16xf32>
        %add3A_971 = arith.constant 1 : i32
        %add3A_972 = arith.addi %add3A_806, %add3A_971 : i32
        %get3A_973 = arith.constant 0 : i32
        %get3A_974 = arith.constant 0 : i32
        %get3A_975 = tpu.memref_slice %arg7[%scan3A_301, %get3A_973, %get3A_974] : memref<8x50x128xf32, #tpu.memory_space<vmem>> -> memref<1x50x128xf32, #tpu.memory_space<vmem>>
        %get3A_976 = tpu.memref_squeeze %get3A_975 : memref<1x50x128xf32, #tpu.memory_space<vmem>> -> memref<50x128xf32, #tpu.memory_space<vmem>>
        %get3A_977 = arith.index_cast %add3A_972 : i32 to index
        %get3A_978 = arith.constant 112 : index
        %get3A_979 = tpu.vector_load %get3A_976[%get3A_977, %get3A_978] {strides = array<i32>} : memref<50x128xf32, #tpu.memory_space<vmem>>, vector<1x16xf32>,
        %get3A_980 = vector.shape_cast %get3A_979 : vector<1x16xf32> to vector<16xf32>
        %add3A_981 = arith.addf %add3A_893, %get3A_980 : vector<16xf32>
        %add3A_982 = arith.constant 2 : i32
        %add3A_983 = arith.addi %add3A_806, %add3A_982 : i32
        %get3A_984 = arith.constant 0 : i32
        %get3A_985 = arith.constant 0 : i32
        %get3A_986 = tpu.memref_slice %arg7[%scan3A_301, %get3A_984, %get3A_985] : memref<8x50x128xf32, #tpu.memory_space<vmem>> -> memref<1x50x128xf32, #tpu.memory_space<vmem>>
        %get3A_987 = tpu.memref_squeeze %get3A_986 : memref<1x50x128xf32, #tpu.memory_space<vmem>> -> memref<50x128xf32, #tpu.memory_space<vmem>>
        %get3A_988 = arith.index_cast %add3A_983 : i32 to index
        %get3A_989 = arith.constant 0 : index
        %get3A_990 = tpu.vector_load %get3A_987[%get3A_988, %get3A_989] {strides = array<i32>} : memref<50x128xf32, #tpu.memory_space<vmem>>, vector<1x16xf32>,
        %get3A_991 = vector.shape_cast %get3A_990 : vector<1x16xf32> to vector<16xf32>
        %add3A_992 = arith.addf %add3A_904, %get3A_991 : vector<16xf32>
        %add3A_993 = arith.constant 2 : i32
        %add3A_994 = arith.addi %add3A_806, %add3A_993 : i32
        %get3A_995 = arith.constant 0 : i32
        %get3A_996 = arith.constant 0 : i32
        %get3A_997 = tpu.memref_slice %arg7[%scan3A_301, %get3A_995, %get3A_996] : memref<8x50x128xf32, #tpu.memory_space<vmem>> -> memref<1x50x128xf32, #tpu.memory_space<vmem>>
        %get3A_998 = tpu.memref_squeeze %get3A_997 : memref<1x50x128xf32, #tpu.memory_space<vmem>> -> memref<50x128xf32, #tpu.memory_space<vmem>>
        %get3A_999 = arith.index_cast %add3A_994 : i32 to index
        %get3A_1000 = arith.constant 16 : index
        %get3A_1001 = tpu.vector_load %get3A_998[%get3A_999, %get3A_1000] {strides = array<i32>} : memref<50x128xf32, #tpu.memory_space<vmem>>, vector<1x16xf32>,
        %get3A_1002 = vector.shape_cast %get3A_1001 : vector<1x16xf32> to vector<16xf32>
        %add3A_1003 = arith.addf %add3A_915, %get3A_1002 : vector<16xf32>
        %add3A_1004 = arith.constant 2 : i32
        %add3A_1005 = arith.addi %add3A_806, %add3A_1004 : i32
        %get3A_1006 = arith.constant 0 : i32
        %get3A_1007 = arith.constant 0 : i32
        %get3A_1008 = tpu.memref_slice %arg7[%scan3A_301, %get3A_1006, %get3A_1007] : memref<8x50x128xf32, #tpu.memory_space<vmem>> -> memref<1x50x128xf32, #tpu.memory_space<vmem>>
        %get3A_1009 = tpu.memref_squeeze %get3A_1008 : memref<1x50x128xf32, #tpu.memory_space<vmem>> -> memref<50x128xf32, #tpu.memory_space<vmem>>
        %get3A_1010 = arith.index_cast %add3A_1005 : i32 to index
        %get3A_1011 = arith.constant 32 : index
        %get3A_1012 = tpu.vector_load %get3A_1009[%get3A_1010, %get3A_1011] {strides = array<i32>} : memref<50x128xf32, #tpu.memory_space<vmem>>, vector<1x16xf32>,
        %get3A_1013 = vector.shape_cast %get3A_1012 : vector<1x16xf32> to vector<16xf32>
        %add3A_1014 = arith.addf %add3A_926, %get3A_1013 : vector<16xf32>
        %add3A_1015 = arith.constant 2 : i32
        %add3A_1016 = arith.addi %add3A_806, %add3A_1015 : i32
        %get3A_1017 = arith.constant 0 : i32
        %get3A_1018 = arith.constant 0 : i32
        %get3A_1019 = tpu.memref_slice %arg7[%scan3A_301, %get3A_1017, %get3A_1018] : memref<8x50x128xf32, #tpu.memory_space<vmem>> -> memref<1x50x128xf32, #tpu.memory_space<vmem>>
        %get3A_1020 = tpu.memref_squeeze %get3A_1019 : memref<1x50x128xf32, #tpu.memory_space<vmem>> -> memref<50x128xf32, #tpu.memory_space<vmem>>
        %get3A_1021 = arith.index_cast %add3A_1016 : i32 to index
        %get3A_1022 = arith.constant 48 : index
        %get3A_1023 = tpu.vector_load %get3A_1020[%get3A_1021, %get3A_1022] {strides = array<i32>} : memref<50x128xf32, #tpu.memory_space<vmem>>, vector<1x16xf32>,
        %get3A_1024 = vector.shape_cast %get3A_1023 : vector<1x16xf32> to vector<16xf32>
        %add3A_1025 = arith.addf %add3A_937, %get3A_1024 : vector<16xf32>
        %add3A_1026 = arith.constant 2 : i32
        %add3A_1027 = arith.addi %add3A_806, %add3A_1026 : i32
        %get3A_1028 = arith.constant 0 : i32
        %get3A_1029 = arith.constant 0 : i32
        %get3A_1030 = tpu.memref_slice %arg7[%scan3A_301, %get3A_1028, %get3A_1029] : memref<8x50x128xf32, #tpu.memory_space<vmem>> -> memref<1x50x128xf32, #tpu.memory_space<vmem>>
        %get3A_1031 = tpu.memref_squeeze %get3A_1030 : memref<1x50x128xf32, #tpu.memory_space<vmem>> -> memref<50x128xf32, #tpu.memory_space<vmem>>
        %get3A_1032 = arith.index_cast %add3A_1027 : i32 to index
        %get3A_1033 = arith.constant 64 : index
        %get3A_1034 = tpu.vector_load %get3A_1031[%get3A_1032, %get3A_1033] {strides = array<i32>} : memref<50x128xf32, #tpu.memory_space<vmem>>, vector<1x16xf32>,
        %get3A_1035 = vector.shape_cast %get3A_1034 : vector<1x16xf32> to vector<16xf32>
        %add3A_1036 = arith.addf %add3A_948, %get3A_1035 : vector<16xf32>
        %add3A_1037 = arith.constant 2 : i32
        %add3A_1038 = arith.addi %add3A_806, %add3A_1037 : i32
        %get3A_1039 = arith.constant 0 : i32
        %get3A_1040 = arith.constant 0 : i32
        %get3A_1041 = tpu.memref_slice %arg7[%scan3A_301, %get3A_1039, %get3A_1040] : memref<8x50x128xf32, #tpu.memory_space<vmem>> -> memref<1x50x128xf32, #tpu.memory_space<vmem>>
        %get3A_1042 = tpu.memref_squeeze %get3A_1041 : memref<1x50x128xf32, #tpu.memory_space<vmem>> -> memref<50x128xf32, #tpu.memory_space<vmem>>
        %get3A_1043 = arith.index_cast %add3A_1038 : i32 to index
        %get3A_1044 = arith.constant 80 : index
        %get3A_1045 = tpu.vector_load %get3A_1042[%get3A_1043, %get3A_1044] {strides = array<i32>} : memref<50x128xf32, #tpu.memory_space<vmem>>, vector<1x16xf32>,
        %get3A_1046 = vector.shape_cast %get3A_1045 : vector<1x16xf32> to vector<16xf32>
        %add3A_1047 = arith.addf %add3A_959, %get3A_1046 : vector<16xf32>
        %add3A_1048 = arith.constant 2 : i32
        %add3A_1049 = arith.addi %add3A_806, %add3A_1048 : i32
        %get3A_1050 = arith.constant 0 : i32
        %get3A_1051 = arith.constant 0 : i32
        %get3A_1052 = tpu.memref_slice %arg7[%scan3A_301, %get3A_1050, %get3A_1051] : memref<8x50x128xf32, #tpu.memory_space<vmem>> -> memref<1x50x128xf32, #tpu.memory_space<vmem>>
        %get3A_1053 = tpu.memref_squeeze %get3A_1052 : memref<1x50x128xf32, #tpu.memory_space<vmem>> -> memref<50x128xf32, #tpu.memory_space<vmem>>
        %get3A_1054 = arith.index_cast %add3A_1049 : i32 to index
        %get3A_1055 = arith.constant 96 : index
        %get3A_1056 = tpu.vector_load %get3A_1053[%get3A_1054, %get3A_1055] {strides = array<i32>} : memref<50x128xf32, #tpu.memory_space<vmem>>, vector<1x16xf32>,
        %get3A_1057 = vector.shape_cast %get3A_1056 : vector<1x16xf32> to vector<16xf32>
        %add3A_1058 = arith.addf %add3A_970, %get3A_1057 : vector<16xf32>
        %add3A_1059 = arith.constant 2 : i32
        %add3A_1060 = arith.addi %add3A_806, %add3A_1059 : i32
        %get3A_1061 = arith.constant 0 : i32
        %get3A_1062 = arith.constant 0 : i32
        %get3A_1063 = tpu.memref_slice %arg7[%scan3A_301, %get3A_1061, %get3A_1062] : memref<8x50x128xf32, #tpu.memory_space<vmem>> -> memref<1x50x128xf32, #tpu.memory_space<vmem>>
        %get3A_1064 = tpu.memref_squeeze %get3A_1063 : memref<1x50x128xf32, #tpu.memory_space<vmem>> -> memref<50x128xf32, #tpu.memory_space<vmem>>
        %get3A_1065 = arith.index_cast %add3A_1060 : i32 to index
        %get3A_1066 = arith.constant 112 : index
        %get3A_1067 = tpu.vector_load %get3A_1064[%get3A_1065, %get3A_1066] {strides = array<i32>} : memref<50x128xf32, #tpu.memory_space<vmem>>, vector<1x16xf32>,
        %get3A_1068 = vector.shape_cast %get3A_1067 : vector<1x16xf32> to vector<16xf32>
        %add3A_1069 = arith.addf %add3A_981, %get3A_1068 : vector<16xf32>
        %add3A_1070 = arith.constant 3 : i32
        %add3A_1071 = arith.addi %add3A_806, %add3A_1070 : i32
        %get3A_1072 = arith.constant 0 : i32
        %get3A_1073 = arith.constant 0 : i32
        %get3A_1074 = tpu.memref_slice %arg7[%scan3A_301, %get3A_1072, %get3A_1073] : memref<8x50x128xf32, #tpu.memory_space<vmem>> -> memref<1x50x128xf32, #tpu.memory_space<vmem>>
        %get3A_1075 = tpu.memref_squeeze %get3A_1074 : memref<1x50x128xf32, #tpu.memory_space<vmem>> -> memref<50x128xf32, #tpu.memory_space<vmem>>
        %get3A_1076 = arith.index_cast %add3A_1071 : i32 to index
        %get3A_1077 = arith.constant 0 : index
        %get3A_1078 = tpu.vector_load %get3A_1075[%get3A_1076, %get3A_1077] {strides = array<i32>} : memref<50x128xf32, #tpu.memory_space<vmem>>, vector<1x16xf32>,
        %get3A_1079 = vector.shape_cast %get3A_1078 : vector<1x16xf32> to vector<16xf32>
        %add3A_1080 = arith.addf %add3A_992, %get3A_1079 : vector<16xf32>
        %add3A_1081 = arith.constant 3 : i32
        %add3A_1082 = arith.addi %add3A_806, %add3A_1081 : i32
        %get3A_1083 = arith.constant 0 : i32
        %get3A_1084 = arith.constant 0 : i32
        %get3A_1085 = tpu.memref_slice %arg7[%scan3A_301, %get3A_1083, %get3A_1084] : memref<8x50x128xf32, #tpu.memory_space<vmem>> -> memref<1x50x128xf32, #tpu.memory_space<vmem>>
        %get3A_1086 = tpu.memref_squeeze %get3A_1085 : memref<1x50x128xf32, #tpu.memory_space<vmem>> -> memref<50x128xf32, #tpu.memory_space<vmem>>
        %get3A_1087 = arith.index_cast %add3A_1082 : i32 to index
        %get3A_1088 = arith.constant 16 : index
        %get3A_1089 = tpu.vector_load %get3A_1086[%get3A_1087, %get3A_1088] {strides = array<i32>} : memref<50x128xf32, #tpu.memory_space<vmem>>, vector<1x16xf32>,
        %get3A_1090 = vector.shape_cast %get3A_1089 : vector<1x16xf32> to vector<16xf32>
        %add3A_1091 = arith.addf %add3A_1003, %get3A_1090 : vector<16xf32>
        %add3A_1092 = arith.constant 3 : i32
        %add3A_1093 = arith.addi %add3A_806, %add3A_1092 : i32
        %get3A_1094 = arith.constant 0 : i32
        %get3A_1095 = arith.constant 0 : i32
        %get3A_1096 = tpu.memref_slice %arg7[%scan3A_301, %get3A_1094, %get3A_1095] : memref<8x50x128xf32, #tpu.memory_space<vmem>> -> memref<1x50x128xf32, #tpu.memory_space<vmem>>
        %get3A_1097 = tpu.memref_squeeze %get3A_1096 : memref<1x50x128xf32, #tpu.memory_space<vmem>> -> memref<50x128xf32, #tpu.memory_space<vmem>>
        %get3A_1098 = arith.index_cast %add3A_1093 : i32 to index
        %get3A_1099 = arith.constant 32 : index
        %get3A_1100 = tpu.vector_load %get3A_1097[%get3A_1098, %get3A_1099] {strides = array<i32>} : memref<50x128xf32, #tpu.memory_space<vmem>>, vector<1x16xf32>,
        %get3A_1101 = vector.shape_cast %get3A_1100 : vector<1x16xf32> to vector<16xf32>
        %add3A_1102 = arith.addf %add3A_1014, %get3A_1101 : vector<16xf32>
        %add3A_1103 = arith.constant 3 : i32
        %add3A_1104 = arith.addi %add3A_806, %add3A_1103 : i32
        %get3A_1105 = arith.constant 0 : i32
        %get3A_1106 = arith.constant 0 : i32
        %get3A_1107 = tpu.memref_slice %arg7[%scan3A_301, %get3A_1105, %get3A_1106] : memref<8x50x128xf32, #tpu.memory_space<vmem>> -> memref<1x50x128xf32, #tpu.memory_space<vmem>>
        %get3A_1108 = tpu.memref_squeeze %get3A_1107 : memref<1x50x128xf32, #tpu.memory_space<vmem>> -> memref<50x128xf32, #tpu.memory_space<vmem>>
        %get3A_1109 = arith.index_cast %add3A_1104 : i32 to index
        %get3A_1110 = arith.constant 48 : index
        %get3A_1111 = tpu.vector_load %get3A_1108[%get3A_1109, %get3A_1110] {strides = array<i32>} : memref<50x128xf32, #tpu.memory_space<vmem>>, vector<1x16xf32>,
        %get3A_1112 = vector.shape_cast %get3A_1111 : vector<1x16xf32> to vector<16xf32>
        %add3A_1113 = arith.addf %add3A_1025, %get3A_1112 : vector<16xf32>
        %add3A_1114 = arith.constant 3 : i32
        %add3A_1115 = arith.addi %add3A_806, %add3A_1114 : i32
        %get3A_1116 = arith.constant 0 : i32
        %get3A_1117 = arith.constant 0 : i32
        %get3A_1118 = tpu.memref_slice %arg7[%scan3A_301, %get3A_1116, %get3A_1117] : memref<8x50x128xf32, #tpu.memory_space<vmem>> -> memref<1x50x128xf32, #tpu.memory_space<vmem>>
        %get3A_1119 = tpu.memref_squeeze %get3A_1118 : memref<1x50x128xf32, #tpu.memory_space<vmem>> -> memref<50x128xf32, #tpu.memory_space<vmem>>
        %get3A_1120 = arith.index_cast %add3A_1115 : i32 to index
        %get3A_1121 = arith.constant 64 : index
        %get3A_1122 = tpu.vector_load %get3A_1119[%get3A_1120, %get3A_1121] {strides = array<i32>} : memref<50x128xf32, #tpu.memory_space<vmem>>, vector<1x16xf32>,
        %get3A_1123 = vector.shape_cast %get3A_1122 : vector<1x16xf32> to vector<16xf32>
        %add3A_1124 = arith.addf %add3A_1036, %get3A_1123 : vector<16xf32>
        %add3A_1125 = arith.constant 3 : i32
        %add3A_1126 = arith.addi %add3A_806, %add3A_1125 : i32
        %get3A_1127 = arith.constant 0 : i32
        %get3A_1128 = arith.constant 0 : i32
        %get3A_1129 = tpu.memref_slice %arg7[%scan3A_301, %get3A_1127, %get3A_1128] : memref<8x50x128xf32, #tpu.memory_space<vmem>> -> memref<1x50x128xf32, #tpu.memory_space<vmem>>
        %get3A_1130 = tpu.memref_squeeze %get3A_1129 : memref<1x50x128xf32, #tpu.memory_space<vmem>> -> memref<50x128xf32, #tpu.memory_space<vmem>>
        %get3A_1131 = arith.index_cast %add3A_1126 : i32 to index
        %get3A_1132 = arith.constant 80 : index
        %get3A_1133 = tpu.vector_load %get3A_1130[%get3A_1131, %get3A_1132] {strides = array<i32>} : memref<50x128xf32, #tpu.memory_space<vmem>>, vector<1x16xf32>,
        %get3A_1134 = vector.shape_cast %get3A_1133 : vector<1x16xf32> to vector<16xf32>
        %add3A_1135 = arith.addf %add3A_1047, %get3A_1134 : vector<16xf32>
        %add3A_1136 = arith.constant 3 : i32
        %add3A_1137 = arith.addi %add3A_806, %add3A_1136 : i32
        %get3A_1138 = arith.constant 0 : i32
        %get3A_1139 = arith.constant 0 : i32
        %get3A_1140 = tpu.memref_slice %arg7[%scan3A_301, %get3A_1138, %get3A_1139] : memref<8x50x128xf32, #tpu.memory_space<vmem>> -> memref<1x50x128xf32, #tpu.memory_space<vmem>>
        %get3A_1141 = tpu.memref_squeeze %get3A_1140 : memref<1x50x128xf32, #tpu.memory_space<vmem>> -> memref<50x128xf32, #tpu.memory_space<vmem>>
        %get3A_1142 = arith.index_cast %add3A_1137 : i32 to index
        %get3A_1143 = arith.constant 96 : index
        %get3A_1144 = tpu.vector_load %get3A_1141[%get3A_1142, %get3A_1143] {strides = array<i32>} : memref<50x128xf32, #tpu.memory_space<vmem>>, vector<1x16xf32>,
        %get3A_1145 = vector.shape_cast %get3A_1144 : vector<1x16xf32> to vector<16xf32>
        %add3A_1146 = arith.addf %add3A_1058, %get3A_1145 : vector<16xf32>
        %add3A_1147 = arith.constant 3 : i32
        %add3A_1148 = arith.addi %add3A_806, %add3A_1147 : i32
        %get3A_1149 = arith.constant 0 : i32
        %get3A_1150 = arith.constant 0 : i32
        %get3A_1151 = tpu.memref_slice %arg7[%scan3A_301, %get3A_1149, %get3A_1150] : memref<8x50x128xf32, #tpu.memory_space<vmem>> -> memref<1x50x128xf32, #tpu.memory_space<vmem>>
        %get3A_1152 = tpu.memref_squeeze %get3A_1151 : memref<1x50x128xf32, #tpu.memory_space<vmem>> -> memref<50x128xf32, #tpu.memory_space<vmem>>
        %get3A_1153 = arith.index_cast %add3A_1148 : i32 to index
        %get3A_1154 = arith.constant 112 : index
        %get3A_1155 = tpu.vector_load %get3A_1152[%get3A_1153, %get3A_1154] {strides = array<i32>} : memref<50x128xf32, #tpu.memory_space<vmem>>, vector<1x16xf32>,
        %get3A_1156 = vector.shape_cast %get3A_1155 : vector<1x16xf32> to vector<16xf32>
        %add3A_1157 = arith.addf %add3A_1069, %get3A_1156 : vector<16xf32>
        %add3A_1158 = arith.constant 4 : i32
        %add3A_1159 = arith.addi %add3A_806, %add3A_1158 : i32
        %get3A_1160 = arith.constant 0 : i32
        %get3A_1161 = arith.constant 0 : i32
        %get3A_1162 = tpu.memref_slice %arg7[%scan3A_301, %get3A_1160, %get3A_1161] : memref<8x50x128xf32, #tpu.memory_space<vmem>> -> memref<1x50x128xf32, #tpu.memory_space<vmem>>
        %get3A_1163 = tpu.memref_squeeze %get3A_1162 : memref<1x50x128xf32, #tpu.memory_space<vmem>> -> memref<50x128xf32, #tpu.memory_space<vmem>>
        %get3A_1164 = arith.index_cast %add3A_1159 : i32 to index
        %get3A_1165 = arith.constant 0 : index
        %get3A_1166 = tpu.vector_load %get3A_1163[%get3A_1164, %get3A_1165] {strides = array<i32>} : memref<50x128xf32, #tpu.memory_space<vmem>>, vector<1x16xf32>,
        %get3A_1167 = vector.shape_cast %get3A_1166 : vector<1x16xf32> to vector<16xf32>
        %add3A_1168 = arith.addf %add3A_1080, %get3A_1167 : vector<16xf32>
        %add3A_1169 = arith.constant 4 : i32
        %add3A_1170 = arith.addi %add3A_806, %add3A_1169 : i32
        %get3A_1171 = arith.constant 0 : i32
        %get3A_1172 = arith.constant 0 : i32
        %get3A_1173 = tpu.memref_slice %arg7[%scan3A_301, %get3A_1171, %get3A_1172] : memref<8x50x128xf32, #tpu.memory_space<vmem>> -> memref<1x50x128xf32, #tpu.memory_space<vmem>>
        %get3A_1174 = tpu.memref_squeeze %get3A_1173 : memref<1x50x128xf32, #tpu.memory_space<vmem>> -> memref<50x128xf32, #tpu.memory_space<vmem>>
        %get3A_1175 = arith.index_cast %add3A_1170 : i32 to index
        %get3A_1176 = arith.constant 16 : index
        %get3A_1177 = tpu.vector_load %get3A_1174[%get3A_1175, %get3A_1176] {strides = array<i32>} : memref<50x128xf32, #tpu.memory_space<vmem>>, vector<1x16xf32>,
        %get3A_1178 = vector.shape_cast %get3A_1177 : vector<1x16xf32> to vector<16xf32>
        %add3A_1179 = arith.addf %add3A_1091, %get3A_1178 : vector<16xf32>
        %add3A_1180 = arith.constant 4 : i32
        %add3A_1181 = arith.addi %add3A_806, %add3A_1180 : i32
        %get3A_1182 = arith.constant 0 : i32
        %get3A_1183 = arith.constant 0 : i32
        %get3A_1184 = tpu.memref_slice %arg7[%scan3A_301, %get3A_1182, %get3A_1183] : memref<8x50x128xf32, #tpu.memory_space<vmem>> -> memref<1x50x128xf32, #tpu.memory_space<vmem>>
        %get3A_1185 = tpu.memref_squeeze %get3A_1184 : memref<1x50x128xf32, #tpu.memory_space<vmem>> -> memref<50x128xf32, #tpu.memory_space<vmem>>
        %get3A_1186 = arith.index_cast %add3A_1181 : i32 to index
        %get3A_1187 = arith.constant 32 : index
        %get3A_1188 = tpu.vector_load %get3A_1185[%get3A_1186, %get3A_1187] {strides = array<i32>} : memref<50x128xf32, #tpu.memory_space<vmem>>, vector<1x16xf32>,
        %get3A_1189 = vector.shape_cast %get3A_1188 : vector<1x16xf32> to vector<16xf32>
        %add3A_1190 = arith.addf %add3A_1102, %get3A_1189 : vector<16xf32>
        %add3A_1191 = arith.constant 4 : i32
        %add3A_1192 = arith.addi %add3A_806, %add3A_1191 : i32
        %get3A_1193 = arith.constant 0 : i32
        %get3A_1194 = arith.constant 0 : i32
        %get3A_1195 = tpu.memref_slice %arg7[%scan3A_301, %get3A_1193, %get3A_1194] : memref<8x50x128xf32, #tpu.memory_space<vmem>> -> memref<1x50x128xf32, #tpu.memory_space<vmem>>
        %get3A_1196 = tpu.memref_squeeze %get3A_1195 : memref<1x50x128xf32, #tpu.memory_space<vmem>> -> memref<50x128xf32, #tpu.memory_space<vmem>>
        %get3A_1197 = arith.index_cast %add3A_1192 : i32 to index
        %get3A_1198 = arith.constant 48 : index
        %get3A_1199 = tpu.vector_load %get3A_1196[%get3A_1197, %get3A_1198] {strides = array<i32>} : memref<50x128xf32, #tpu.memory_space<vmem>>, vector<1x16xf32>,
        %get3A_1200 = vector.shape_cast %get3A_1199 : vector<1x16xf32> to vector<16xf32>
        %add3A_1201 = arith.addf %add3A_1113, %get3A_1200 : vector<16xf32>
        %add3A_1202 = arith.constant 4 : i32
        %add3A_1203 = arith.addi %add3A_806, %add3A_1202 : i32
        %get3A_1204 = arith.constant 0 : i32
        %get3A_1205 = arith.constant 0 : i32
        %get3A_1206 = tpu.memref_slice %arg7[%scan3A_301, %get3A_1204, %get3A_1205] : memref<8x50x128xf32, #tpu.memory_space<vmem>> -> memref<1x50x128xf32, #tpu.memory_space<vmem>>
        %get3A_1207 = tpu.memref_squeeze %get3A_1206 : memref<1x50x128xf32, #tpu.memory_space<vmem>> -> memref<50x128xf32, #tpu.memory_space<vmem>>
        %get3A_1208 = arith.index_cast %add3A_1203 : i32 to index
        %get3A_1209 = arith.constant 64 : index
        %get3A_1210 = tpu.vector_load %get3A_1207[%get3A_1208, %get3A_1209] {strides = array<i32>} : memref<50x128xf32, #tpu.memory_space<vmem>>, vector<1x16xf32>,
        %get3A_1211 = vector.shape_cast %get3A_1210 : vector<1x16xf32> to vector<16xf32>
        %add3A_1212 = arith.addf %add3A_1124, %get3A_1211 : vector<16xf32>
        %add3A_1213 = arith.constant 4 : i32
        %add3A_1214 = arith.addi %add3A_806, %add3A_1213 : i32
        %get3A_1215 = arith.constant 0 : i32
        %get3A_1216 = arith.constant 0 : i32
        %get3A_1217 = tpu.memref_slice %arg7[%scan3A_301, %get3A_1215, %get3A_1216] : memref<8x50x128xf32, #tpu.memory_space<vmem>> -> memref<1x50x128xf32, #tpu.memory_space<vmem>>
        %get3A_1218 = tpu.memref_squeeze %get3A_1217 : memref<1x50x128xf32, #tpu.memory_space<vmem>> -> memref<50x128xf32, #tpu.memory_space<vmem>>
        %get3A_1219 = arith.index_cast %add3A_1214 : i32 to index
        %get3A_1220 = arith.constant 80 : index
        %get3A_1221 = tpu.vector_load %get3A_1218[%get3A_1219, %get3A_1220] {strides = array<i32>} : memref<50x128xf32, #tpu.memory_space<vmem>>, vector<1x16xf32>,
        %get3A_1222 = vector.shape_cast %get3A_1221 : vector<1x16xf32> to vector<16xf32>
        %add3A_1223 = arith.addf %add3A_1135, %get3A_1222 : vector<16xf32>
        %add3A_1224 = arith.constant 4 : i32
        %add3A_1225 = arith.addi %add3A_806, %add3A_1224 : i32
        %get3A_1226 = arith.constant 0 : i32
        %get3A_1227 = arith.constant 0 : i32
        %get3A_1228 = tpu.memref_slice %arg7[%scan3A_301, %get3A_1226, %get3A_1227] : memref<8x50x128xf32, #tpu.memory_space<vmem>> -> memref<1x50x128xf32, #tpu.memory_space<vmem>>
        %get3A_1229 = tpu.memref_squeeze %get3A_1228 : memref<1x50x128xf32, #tpu.memory_space<vmem>> -> memref<50x128xf32, #tpu.memory_space<vmem>>
        %get3A_1230 = arith.index_cast %add3A_1225 : i32 to index
        %get3A_1231 = arith.constant 96 : index
        %get3A_1232 = tpu.vector_load %get3A_1229[%get3A_1230, %get3A_1231] {strides = array<i32>} : memref<50x128xf32, #tpu.memory_space<vmem>>, vector<1x16xf32>,
        %get3A_1233 = vector.shape_cast %get3A_1232 : vector<1x16xf32> to vector<16xf32>
        %add3A_1234 = arith.addf %add3A_1146, %get3A_1233 : vector<16xf32>
        %add3A_1235 = arith.constant 4 : i32
        %add3A_1236 = arith.addi %add3A_806, %add3A_1235 : i32
        %get3A_1237 = arith.constant 0 : i32
        %get3A_1238 = arith.constant 0 : i32
        %get3A_1239 = tpu.memref_slice %arg7[%scan3A_301, %get3A_1237, %get3A_1238] : memref<8x50x128xf32, #tpu.memory_space<vmem>> -> memref<1x50x128xf32, #tpu.memory_space<vmem>>
        %get3A_1240 = tpu.memref_squeeze %get3A_1239 : memref<1x50x128xf32, #tpu.memory_space<vmem>> -> memref<50x128xf32, #tpu.memory_space<vmem>>
        %get3A_1241 = arith.index_cast %add3A_1236 : i32 to index
        %get3A_1242 = arith.constant 112 : index
        %get3A_1243 = tpu.vector_load %get3A_1240[%get3A_1241, %get3A_1242] {strides = array<i32>} : memref<50x128xf32, #tpu.memory_space<vmem>>, vector<1x16xf32>,
        %get3A_1244 = vector.shape_cast %get3A_1243 : vector<1x16xf32> to vector<16xf32>
        %add3A_1245 = arith.addf %add3A_1157, %get3A_1244 : vector<16xf32>
        scf.yield %add3A_1168, %add3A_1179, %add3A_1190, %add3A_1201, %add3A_1212, %add3A_1223, %add3A_1234, %add3A_1245 : vector<16xf32>, vector<16xf32>, vector<16xf32>, vector<16xf32>, vector<16xf32>, vector<16xf32>, vector<16xf32>, vector<16xf32>
      }
      %scan3A_307 = arith.constant 10 : i32
      %mul3A_308 = arith.constant 1 : i32
      %mul3A_309 = arith.muli %add3A_275, %mul3A_308 : i32
      %add3A_310 = arith.constant 0 : i32
      %add3A_311 = arith.addi %mul3A_309, %add3A_310 : i32
      %swap3A_312 = arith.index_cast %add3A_311 : i32 to index
      %swap3A_313 = arith.constant 0 : index
      %swap3A_314 = tpu.vector_load %arg8[%swap3A_312, %swap3A_313] {strides = array<i32>} : memref<128x128xf32, #tpu.memory_space<vmem>>, vector<1x16xf32>,
      %swap3A_315 = vector.shape_cast %swap3A_314 : vector<1x16xf32> to vector<16xf32>
      %swap3A_316 = vector.shape_cast %scan3A_306#0 : vector<16xf32> to vector<1x16xf32>
      tpu.vector_store %arg8[%swap3A_312, %swap3A_313], %swap3A_316 {strides = array<i32>} : memref<128x128xf32, #tpu.memory_space<vmem>>, vector<1x16xf32>,
      %swap3A_317 = arith.index_cast %add3A_311 : i32 to index
      %swap3A_318 = arith.constant 16 : index
      %swap3A_319 = tpu.vector_load %arg8[%swap3A_317, %swap3A_318] {strides = array<i32>} : memref<128x128xf32, #tpu.memory_space<vmem>>, vector<1x16xf32>,
      %swap3A_320 = vector.shape_cast %swap3A_319 : vector<1x16xf32> to vector<16xf32>
      %swap3A_321 = vector.shape_cast %scan3A_306#1 : vector<16xf32> to vector<1x16xf32>
      tpu.vector_store %arg8[%swap3A_317, %swap3A_318], %swap3A_321 {strides = array<i32>} : memref<128x128xf32, #tpu.memory_space<vmem>>, vector<1x16xf32>,
      %swap3A_322 = arith.index_cast %add3A_311 : i32 to index
      %swap3A_323 = arith.constant 32 : index
      %swap3A_324 = tpu.vector_load %arg8[%swap3A_322, %swap3A_323] {strides = array<i32>} : memref<128x128xf32, #tpu.memory_space<vmem>>, vector<1x16xf32>,
      %swap3A_325 = vector.shape_cast %swap3A_324 : vector<1x16xf32> to vector<16xf32>
      %swap3A_326 = vector.shape_cast %scan3A_306#2 : vector<16xf32> to vector<1x16xf32>
      tpu.vector_store %arg8[%swap3A_322, %swap3A_323], %swap3A_326 {strides = array<i32>} : memref<128x128xf32, #tpu.memory_space<vmem>>, vector<1x16xf32>,
      %swap3A_327 = arith.index_cast %add3A_311 : i32 to index
      %swap3A_328 = arith.constant 48 : index
      %swap3A_329 = tpu.vector_load %arg8[%swap3A_327, %swap3A_328] {strides = array<i32>} : memref<128x128xf32, #tpu.memory_space<vmem>>, vector<1x16xf32>,
      %swap3A_330 = vector.shape_cast %swap3A_329 : vector<1x16xf32> to vector<16xf32>
      %swap3A_331 = vector.shape_cast %scan3A_306#3 : vector<16xf32> to vector<1x16xf32>
      tpu.vector_store %arg8[%swap3A_327, %swap3A_328], %swap3A_331 {strides = array<i32>} : memref<128x128xf32, #tpu.memory_space<vmem>>, vector<1x16xf32>,
      %swap3A_332 = arith.index_cast %add3A_311 : i32 to index
      %swap3A_333 = arith.constant 64 : index
      %swap3A_334 = tpu.vector_load %arg8[%swap3A_332, %swap3A_333] {strides = array<i32>} : memref<128x128xf32, #tpu.memory_space<vmem>>, vector<1x16xf32>,
      %swap3A_335 = vector.shape_cast %swap3A_334 : vector<1x16xf32> to vector<16xf32>
      %swap3A_336 = vector.shape_cast %scan3A_306#4 : vector<16xf32> to vector<1x16xf32>
      tpu.vector_store %arg8[%swap3A_332, %swap3A_333], %swap3A_336 {strides = array<i32>} : memref<128x128xf32, #tpu.memory_space<vmem>>, vector<1x16xf32>,
      %swap3A_337 = arith.index_cast %add3A_311 : i32 to index
      %swap3A_338 = arith.constant 80 : index
      %swap3A_339 = tpu.vector_load %arg8[%swap3A_337, %swap3A_338] {strides = array<i32>} : memref<128x128xf32, #tpu.memory_space<vmem>>, vector<1x16xf32>,
      %swap3A_340 = vector.shape_cast %swap3A_339 : vector<1x16xf32> to vector<16xf32>
      %swap3A_341 = vector.shape_cast %scan3A_306#5 : vector<16xf32> to vector<1x16xf32>
      tpu.vector_store %arg8[%swap3A_337, %swap3A_338], %swap3A_341 {strides = array<i32>} : memref<128x128xf32, #tpu.memory_space<vmem>>, vector<1x16xf32>,
      %swap3A_342 = arith.index_cast %add3A_311 : i32 to index
      %swap3A_343 = arith.constant 96 : index
      %swap3A_344 = tpu.vector_load %arg8[%swap3A_342, %swap3A_343] {strides = array<i32>} : memref<128x128xf32, #tpu.memory_space<vmem>>, vector<1x16xf32>,
      %swap3A_345 = vector.shape_cast %swap3A_344 : vector<1x16xf32> to vector<16xf32>
      %swap3A_346 = vector.shape_cast %scan3A_306#6 : vector<16xf32> to vector<1x16xf32>
      tpu.vector_store %arg8[%swap3A_342, %swap3A_343], %swap3A_346 {strides = array<i32>} : memref<128x128xf32, #tpu.memory_space<vmem>>, vector<1x16xf32>,
      %swap3A_347 = arith.index_cast %add3A_311 : i32 to index
      %swap3A_348 = arith.constant 112 : index
      %swap3A_349 = tpu.vector_load %arg8[%swap3A_347, %swap3A_348] {strides = array<i32>} : memref<128x128xf32, #tpu.memory_space<vmem>>, vector<1x16xf32>,
      %swap3A_350 = vector.shape_cast %swap3A_349 : vector<1x16xf32> to vector<16xf32>
      %swap3A_351 = vector.shape_cast %scan3A_306#7 : vector<16xf32> to vector<1x16xf32>
      tpu.vector_store %arg8[%swap3A_347, %swap3A_348], %swap3A_351 {strides = array<i32>} : memref<128x128xf32, #tpu.memory_space<vmem>>, vector<1x16xf32>,
      %add3A_352 = arith.constant 8 : i32
      %add3A_353 = arith.addi %add3A_275, %add3A_352 : i32
      %lt3A_354 = arith.constant 128 : i32
      %lt3A_355 = arith.cmpi slt, %add3A_353, %lt3A_354 : i32
      %convert_element_type3A_356 = arith.extui %lt3A_355 : i1 to i32
      %cond3A_357 = arith.constant 0 : i32
      %cond3A_358 = arith.cmpi ne, %convert_element_type3A_356, %cond3A_357 : i32
      scf.if %cond3A_358 {
        %add3A_794 = arith.constant 8 : i32
        %add3A_795 = arith.addi %add3A_275, %add3A_794 : i32
        %dma_start3A_796 = arith.constant 2 : i32
        %dma_start3A_797 = arith.constant 0 : i32
        %dma_start3A_798 = arith.constant 0 : i32
        %dma_start3A_799 = tpu.memref_slice %arg7[%dma_start3A_796, %dma_start3A_797, %dma_start3A_798] : memref<8x50x128xf32, #tpu.memory_space<vmem>> -> memref<1x50x128xf32, #tpu.memory_space<vmem>>
        %dma_start3A_800 = tpu.memref_squeeze %dma_start3A_799 : memref<1x50x128xf32, #tpu.memory_space<vmem>> -> memref<50x128xf32, #tpu.memory_space<vmem>>
        %dma_start3A_801 = arith.constant 0 : i32
        %dma_start3A_802 = tpu.memref_slice %arg6[%add3A_795, %dma_start3A_801] : memref<128x50xi32, #tpu.memory_space<vmem>> -> memref<1x50xi32, #tpu.memory_space<vmem>>
        %dma_start3A_803 = tpu.memref_squeeze %dma_start3A_802 : memref<1x50xi32, #tpu.memory_space<vmem>> -> memref<50xi32, #tpu.memory_space<vmem>>
        %dma_start3A_804 = arith.constant 0 : i32
        %dma_start3A_805 = arith.constant 0 : i32
        %dma_start3A_806 = tpu.memref_slice %arg3[%dma_start3A_804, %dma_start3A_805] : memref<100000x128xf32, #tpu.memory_space<hbm>> -> memref<100000x128xf32, #tpu.memory_space<hbm>>
        tpu.enqueue_indirect_dma source(%dma_start3A_806 : memref<100000x128xf32, #tpu.memory_space<hbm>>) target(%dma_start3A_800 : memref<50x128xf32, #tpu.memory_space<vmem>>) offsets(%dma_start3A_803 : memref<50xi32, #tpu.memory_space<vmem>>) semaphore(%arg11 : memref<!tpu.dma_semaphore, #tpu.memory_space<semaphore_mem>>)
      } else {
      }
      %mul3A_359 = arith.constant 8 : i32
      %mul3A_360 = arith.muli %scan3A_103, %mul3A_359 : i32
      %add3A_361 = arith.constant 3 : i32
      %add3A_362 = arith.addi %mul3A_360, %add3A_361 : i32
      %dma_wait3A_363 = arith.constant 3 : i32
      %dma_wait3A_364 = arith.constant 0 : i32
      %dma_wait3A_365 = arith.constant 0 : i32
      %dma_wait3A_366 = tpu.memref_slice %arg7[%dma_wait3A_363, %dma_wait3A_364, %dma_wait3A_365] : memref<8x50x128xf32, #tpu.memory_space<vmem>> -> memref<1x50x128xf32, #tpu.memory_space<vmem>>
      %dma_wait3A_367 = tpu.memref_squeeze %dma_wait3A_366 : memref<1x50x128xf32, #tpu.memory_space<vmem>> -> memref<50x128xf32, #tpu.memory_space<vmem>>
      %dma_wait3A_368 = arith.constant 0 : i32
      %dma_wait3A_369 = arith.constant 0 : i32
      %dma_wait3A_370 = tpu.memref_slice %arg7[%dma_wait3A_363, %dma_wait3A_368, %dma_wait3A_369] : memref<8x50x128xf32, #tpu.memory_space<vmem>> -> memref<1x50x128xf32, #tpu.memory_space<vmem>>
      %dma_wait3A_371 = tpu.memref_squeeze %dma_wait3A_370 : memref<1x50x128xf32, #tpu.memory_space<vmem>> -> memref<50x128xf32, #tpu.memory_space<vmem>>
      tpu.wait_dma2 semaphore(%arg12 : memref<!tpu.dma_semaphore, #tpu.memory_space<semaphore_mem>>) src(%arg4 : memref<50x128xf32, #tpu.memory_space<hbm>>) dst(%dma_wait3A_371 : memref<50x128xf32, #tpu.memory_space<vmem>>)
      %broadcast_in_dim3A_372 = arith.constant 0.000000e+00 : f32
      %broadcast_in_dim3A_373 = vector.broadcast %broadcast_in_dim3A_372 : f32 to vector<16xf32>
      %broadcast_in_dim3A_374 = arith.constant 0.000000e+00 : f32
      %broadcast_in_dim3A_375 = vector.broadcast %broadcast_in_dim3A_374 : f32 to vector<16xf32>
      %broadcast_in_dim3A_376 = arith.constant 0.000000e+00 : f32
      %broadcast_in_dim3A_377 = vector.broadcast %broadcast_in_dim3A_376 : f32 to vector<16xf32>
      %broadcast_in_dim3A_378 = arith.constant 0.000000e+00 : f32
      %broadcast_in_dim3A_379 = vector.broadcast %broadcast_in_dim3A_378 : f32 to vector<16xf32>
      %broadcast_in_dim3A_380 = arith.constant 0.000000e+00 : f32
      %broadcast_in_dim3A_381 = vector.broadcast %broadcast_in_dim3A_380 : f32 to vector<16xf32>
      %broadcast_in_dim3A_382 = arith.constant 0.000000e+00 : f32
      %broadcast_in_dim3A_383 = vector.broadcast %broadcast_in_dim3A_382 : f32 to vector<16xf32>
      %broadcast_in_dim3A_384 = arith.constant 0.000000e+00 : f32
      %broadcast_in_dim3A_385 = vector.broadcast %broadcast_in_dim3A_384 : f32 to vector<16xf32>
      %broadcast_in_dim3A_386 = arith.constant 0.000000e+00 : f32
      %broadcast_in_dim3A_387 = vector.broadcast %broadcast_in_dim3A_386 : f32 to vector<16xf32>
      %scan3A_388 = arith.constant 3 : i32
      %scan3A_389 = arith.constant 0 : i32
      %scan3A_390 = arith.constant 10 : i32
      %scan3A_391 = arith.addi %scan3A_389, %scan3A_390 : i32
      %scan3A_392 = arith.constant 1 : i32
      %scan3A_393:8 = scf.for %scan3A_794 = %scan3A_389 to %scan3A_391 step %scan3A_392 iter_args(%scan3A_795 = %broadcast_in_dim3A_373, %scan3A_796 = %broadcast_in_dim3A_375, %scan3A_797 = %broadcast_in_dim3A_377, %scan3A_798 = %broadcast_in_dim3A_379, %scan3A_799 = %broadcast_in_dim3A_381, %scan3A_800 = %broadcast_in_dim3A_383, %scan3A_801 = %broadcast_in_dim3A_385, %scan3A_802 = %broadcast_in_dim3A_387) -> (vector<16xf32>, vector<16xf32>, vector<16xf32>, vector<16xf32>, vector<16xf32>, vector<16xf32>, vector<16xf32>, vector<16xf32>)  : i32 {
        %mul3A_803 = arith.constant 5 : i32
        %mul3A_804 = arith.muli %scan3A_794, %mul3A_803 : i32
        %add3A_805 = arith.constant 0 : i32
        %add3A_806 = arith.addi %add3A_805, %mul3A_804 : i32
        %add3A_807 = arith.constant 0 : i32
        %add3A_808 = arith.addi %add3A_806, %add3A_807 : i32
        %get3A = arith.constant 0 : i32
        %get3A_809 = arith.constant 0 : i32
        %get3A_810 = tpu.memref_slice %arg7[%scan3A_388, %get3A, %get3A_809] : memref<8x50x128xf32, #tpu.memory_space<vmem>> -> memref<1x50x128xf32, #tpu.memory_space<vmem>>
        %get3A_811 = tpu.memref_squeeze %get3A_810 : memref<1x50x128xf32, #tpu.memory_space<vmem>> -> memref<50x128xf32, #tpu.memory_space<vmem>>
        %get3A_812 = arith.index_cast %add3A_808 : i32 to index
        %get3A_813 = arith.constant 0 : index
        %get3A_814 = tpu.vector_load %get3A_811[%get3A_812, %get3A_813] {strides = array<i32>} : memref<50x128xf32, #tpu.memory_space<vmem>>, vector<1x16xf32>,
        %get3A_815 = vector.shape_cast %get3A_814 : vector<1x16xf32> to vector<16xf32>
        %add3A_816 = arith.addf %scan3A_795, %get3A_815 : vector<16xf32>
        %add3A_817 = arith.constant 0 : i32
        %add3A_818 = arith.addi %add3A_806, %add3A_817 : i32
        %get3A_819 = arith.constant 0 : i32
        %get3A_820 = arith.constant 0 : i32
        %get3A_821 = tpu.memref_slice %arg7[%scan3A_388, %get3A_819, %get3A_820] : memref<8x50x128xf32, #tpu.memory_space<vmem>> -> memref<1x50x128xf32, #tpu.memory_space<vmem>>
        %get3A_822 = tpu.memref_squeeze %get3A_821 : memref<1x50x128xf32, #tpu.memory_space<vmem>> -> memref<50x128xf32, #tpu.memory_space<vmem>>
        %get3A_823 = arith.index_cast %add3A_818 : i32 to index
        %get3A_824 = arith.constant 16 : index
        %get3A_825 = tpu.vector_load %get3A_822[%get3A_823, %get3A_824] {strides = array<i32>} : memref<50x128xf32, #tpu.memory_space<vmem>>, vector<1x16xf32>,
        %get3A_826 = vector.shape_cast %get3A_825 : vector<1x16xf32> to vector<16xf32>
        %add3A_827 = arith.addf %scan3A_796, %get3A_826 : vector<16xf32>
        %add3A_828 = arith.constant 0 : i32
        %add3A_829 = arith.addi %add3A_806, %add3A_828 : i32
        %get3A_830 = arith.constant 0 : i32
        %get3A_831 = arith.constant 0 : i32
        %get3A_832 = tpu.memref_slice %arg7[%scan3A_388, %get3A_830, %get3A_831] : memref<8x50x128xf32, #tpu.memory_space<vmem>> -> memref<1x50x128xf32, #tpu.memory_space<vmem>>
        %get3A_833 = tpu.memref_squeeze %get3A_832 : memref<1x50x128xf32, #tpu.memory_space<vmem>> -> memref<50x128xf32, #tpu.memory_space<vmem>>
        %get3A_834 = arith.index_cast %add3A_829 : i32 to index
        %get3A_835 = arith.constant 32 : index
        %get3A_836 = tpu.vector_load %get3A_833[%get3A_834, %get3A_835] {strides = array<i32>} : memref<50x128xf32, #tpu.memory_space<vmem>>, vector<1x16xf32>,
        %get3A_837 = vector.shape_cast %get3A_836 : vector<1x16xf32> to vector<16xf32>
        %add3A_838 = arith.addf %scan3A_797, %get3A_837 : vector<16xf32>
        %add3A_839 = arith.constant 0 : i32
        %add3A_840 = arith.addi %add3A_806, %add3A_839 : i32
        %get3A_841 = arith.constant 0 : i32
        %get3A_842 = arith.constant 0 : i32
        %get3A_843 = tpu.memref_slice %arg7[%scan3A_388, %get3A_841, %get3A_842] : memref<8x50x128xf32, #tpu.memory_space<vmem>> -> memref<1x50x128xf32, #tpu.memory_space<vmem>>
        %get3A_844 = tpu.memref_squeeze %get3A_843 : memref<1x50x128xf32, #tpu.memory_space<vmem>> -> memref<50x128xf32, #tpu.memory_space<vmem>>
        %get3A_845 = arith.index_cast %add3A_840 : i32 to index
        %get3A_846 = arith.constant 48 : index
        %get3A_847 = tpu.vector_load %get3A_844[%get3A_845, %get3A_846] {strides = array<i32>} : memref<50x128xf32, #tpu.memory_space<vmem>>, vector<1x16xf32>,
        %get3A_848 = vector.shape_cast %get3A_847 : vector<1x16xf32> to vector<16xf32>
        %add3A_849 = arith.addf %scan3A_798, %get3A_848 : vector<16xf32>
        %add3A_850 = arith.constant 0 : i32
        %add3A_851 = arith.addi %add3A_806, %add3A_850 : i32
        %get3A_852 = arith.constant 0 : i32
        %get3A_853 = arith.constant 0 : i32
        %get3A_854 = tpu.memref_slice %arg7[%scan3A_388, %get3A_852, %get3A_853] : memref<8x50x128xf32, #tpu.memory_space<vmem>> -> memref<1x50x128xf32, #tpu.memory_space<vmem>>
        %get3A_855 = tpu.memref_squeeze %get3A_854 : memref<1x50x128xf32, #tpu.memory_space<vmem>> -> memref<50x128xf32, #tpu.memory_space<vmem>>
        %get3A_856 = arith.index_cast %add3A_851 : i32 to index
        %get3A_857 = arith.constant 64 : index
        %get3A_858 = tpu.vector_load %get3A_855[%get3A_856, %get3A_857] {strides = array<i32>} : memref<50x128xf32, #tpu.memory_space<vmem>>, vector<1x16xf32>,
        %get3A_859 = vector.shape_cast %get3A_858 : vector<1x16xf32> to vector<16xf32>
        %add3A_860 = arith.addf %scan3A_799, %get3A_859 : vector<16xf32>
        %add3A_861 = arith.constant 0 : i32
        %add3A_862 = arith.addi %add3A_806, %add3A_861 : i32
        %get3A_863 = arith.constant 0 : i32
        %get3A_864 = arith.constant 0 : i32
        %get3A_865 = tpu.memref_slice %arg7[%scan3A_388, %get3A_863, %get3A_864] : memref<8x50x128xf32, #tpu.memory_space<vmem>> -> memref<1x50x128xf32, #tpu.memory_space<vmem>>
        %get3A_866 = tpu.memref_squeeze %get3A_865 : memref<1x50x128xf32, #tpu.memory_space<vmem>> -> memref<50x128xf32, #tpu.memory_space<vmem>>
        %get3A_867 = arith.index_cast %add3A_862 : i32 to index
        %get3A_868 = arith.constant 80 : index
        %get3A_869 = tpu.vector_load %get3A_866[%get3A_867, %get3A_868] {strides = array<i32>} : memref<50x128xf32, #tpu.memory_space<vmem>>, vector<1x16xf32>,
        %get3A_870 = vector.shape_cast %get3A_869 : vector<1x16xf32> to vector<16xf32>
        %add3A_871 = arith.addf %scan3A_800, %get3A_870 : vector<16xf32>
        %add3A_872 = arith.constant 0 : i32
        %add3A_873 = arith.addi %add3A_806, %add3A_872 : i32
        %get3A_874 = arith.constant 0 : i32
        %get3A_875 = arith.constant 0 : i32
        %get3A_876 = tpu.memref_slice %arg7[%scan3A_388, %get3A_874, %get3A_875] : memref<8x50x128xf32, #tpu.memory_space<vmem>> -> memref<1x50x128xf32, #tpu.memory_space<vmem>>
        %get3A_877 = tpu.memref_squeeze %get3A_876 : memref<1x50x128xf32, #tpu.memory_space<vmem>> -> memref<50x128xf32, #tpu.memory_space<vmem>>
        %get3A_878 = arith.index_cast %add3A_873 : i32 to index
        %get3A_879 = arith.constant 96 : index
        %get3A_880 = tpu.vector_load %get3A_877[%get3A_878, %get3A_879] {strides = array<i32>} : memref<50x128xf32, #tpu.memory_space<vmem>>, vector<1x16xf32>,
        %get3A_881 = vector.shape_cast %get3A_880 : vector<1x16xf32> to vector<16xf32>
        %add3A_882 = arith.addf %scan3A_801, %get3A_881 : vector<16xf32>
        %add3A_883 = arith.constant 0 : i32
        %add3A_884 = arith.addi %add3A_806, %add3A_883 : i32
        %get3A_885 = arith.constant 0 : i32
        %get3A_886 = arith.constant 0 : i32
        %get3A_887 = tpu.memref_slice %arg7[%scan3A_388, %get3A_885, %get3A_886] : memref<8x50x128xf32, #tpu.memory_space<vmem>> -> memref<1x50x128xf32, #tpu.memory_space<vmem>>
        %get3A_888 = tpu.memref_squeeze %get3A_887 : memref<1x50x128xf32, #tpu.memory_space<vmem>> -> memref<50x128xf32, #tpu.memory_space<vmem>>
        %get3A_889 = arith.index_cast %add3A_884 : i32 to index
        %get3A_890 = arith.constant 112 : index
        %get3A_891 = tpu.vector_load %get3A_888[%get3A_889, %get3A_890] {strides = array<i32>} : memref<50x128xf32, #tpu.memory_space<vmem>>, vector<1x16xf32>,
        %get3A_892 = vector.shape_cast %get3A_891 : vector<1x16xf32> to vector<16xf32>
        %add3A_893 = arith.addf %scan3A_802, %get3A_892 : vector<16xf32>
        %add3A_894 = arith.constant 1 : i32
        %add3A_895 = arith.addi %add3A_806, %add3A_894 : i32
        %get3A_896 = arith.constant 0 : i32
        %get3A_897 = arith.constant 0 : i32
        %get3A_898 = tpu.memref_slice %arg7[%scan3A_388, %get3A_896, %get3A_897] : memref<8x50x128xf32, #tpu.memory_space<vmem>> -> memref<1x50x128xf32, #tpu.memory_space<vmem>>
        %get3A_899 = tpu.memref_squeeze %get3A_898 : memref<1x50x128xf32, #tpu.memory_space<vmem>> -> memref<50x128xf32, #tpu.memory_space<vmem>>
        %get3A_900 = arith.index_cast %add3A_895 : i32 to index
        %get3A_901 = arith.constant 0 : index
        %get3A_902 = tpu.vector_load %get3A_899[%get3A_900, %get3A_901] {strides = array<i32>} : memref<50x128xf32, #tpu.memory_space<vmem>>, vector<1x16xf32>,
        %get3A_903 = vector.shape_cast %get3A_902 : vector<1x16xf32> to vector<16xf32>
        %add3A_904 = arith.addf %add3A_816, %get3A_903 : vector<16xf32>
        %add3A_905 = arith.constant 1 : i32
        %add3A_906 = arith.addi %add3A_806, %add3A_905 : i32
        %get3A_907 = arith.constant 0 : i32
        %get3A_908 = arith.constant 0 : i32
        %get3A_909 = tpu.memref_slice %arg7[%scan3A_388, %get3A_907, %get3A_908] : memref<8x50x128xf32, #tpu.memory_space<vmem>> -> memref<1x50x128xf32, #tpu.memory_space<vmem>>
        %get3A_910 = tpu.memref_squeeze %get3A_909 : memref<1x50x128xf32, #tpu.memory_space<vmem>> -> memref<50x128xf32, #tpu.memory_space<vmem>>
        %get3A_911 = arith.index_cast %add3A_906 : i32 to index
        %get3A_912 = arith.constant 16 : index
        %get3A_913 = tpu.vector_load %get3A_910[%get3A_911, %get3A_912] {strides = array<i32>} : memref<50x128xf32, #tpu.memory_space<vmem>>, vector<1x16xf32>,
        %get3A_914 = vector.shape_cast %get3A_913 : vector<1x16xf32> to vector<16xf32>
        %add3A_915 = arith.addf %add3A_827, %get3A_914 : vector<16xf32>
        %add3A_916 = arith.constant 1 : i32
        %add3A_917 = arith.addi %add3A_806, %add3A_916 : i32
        %get3A_918 = arith.constant 0 : i32
        %get3A_919 = arith.constant 0 : i32
        %get3A_920 = tpu.memref_slice %arg7[%scan3A_388, %get3A_918, %get3A_919] : memref<8x50x128xf32, #tpu.memory_space<vmem>> -> memref<1x50x128xf32, #tpu.memory_space<vmem>>
        %get3A_921 = tpu.memref_squeeze %get3A_920 : memref<1x50x128xf32, #tpu.memory_space<vmem>> -> memref<50x128xf32, #tpu.memory_space<vmem>>
        %get3A_922 = arith.index_cast %add3A_917 : i32 to index
        %get3A_923 = arith.constant 32 : index
        %get3A_924 = tpu.vector_load %get3A_921[%get3A_922, %get3A_923] {strides = array<i32>} : memref<50x128xf32, #tpu.memory_space<vmem>>, vector<1x16xf32>,
        %get3A_925 = vector.shape_cast %get3A_924 : vector<1x16xf32> to vector<16xf32>
        %add3A_926 = arith.addf %add3A_838, %get3A_925 : vector<16xf32>
        %add3A_927 = arith.constant 1 : i32
        %add3A_928 = arith.addi %add3A_806, %add3A_927 : i32
        %get3A_929 = arith.constant 0 : i32
        %get3A_930 = arith.constant 0 : i32
        %get3A_931 = tpu.memref_slice %arg7[%scan3A_388, %get3A_929, %get3A_930] : memref<8x50x128xf32, #tpu.memory_space<vmem>> -> memref<1x50x128xf32, #tpu.memory_space<vmem>>
        %get3A_932 = tpu.memref_squeeze %get3A_931 : memref<1x50x128xf32, #tpu.memory_space<vmem>> -> memref<50x128xf32, #tpu.memory_space<vmem>>
        %get3A_933 = arith.index_cast %add3A_928 : i32 to index
        %get3A_934 = arith.constant 48 : index
        %get3A_935 = tpu.vector_load %get3A_932[%get3A_933, %get3A_934] {strides = array<i32>} : memref<50x128xf32, #tpu.memory_space<vmem>>, vector<1x16xf32>,
        %get3A_936 = vector.shape_cast %get3A_935 : vector<1x16xf32> to vector<16xf32>
        %add3A_937 = arith.addf %add3A_849, %get3A_936 : vector<16xf32>
        %add3A_938 = arith.constant 1 : i32
        %add3A_939 = arith.addi %add3A_806, %add3A_938 : i32
        %get3A_940 = arith.constant 0 : i32
        %get3A_941 = arith.constant 0 : i32
        %get3A_942 = tpu.memref_slice %arg7[%scan3A_388, %get3A_940, %get3A_941] : memref<8x50x128xf32, #tpu.memory_space<vmem>> -> memref<1x50x128xf32, #tpu.memory_space<vmem>>
        %get3A_943 = tpu.memref_squeeze %get3A_942 : memref<1x50x128xf32, #tpu.memory_space<vmem>> -> memref<50x128xf32, #tpu.memory_space<vmem>>
        %get3A_944 = arith.index_cast %add3A_939 : i32 to index
        %get3A_945 = arith.constant 64 : index
        %get3A_946 = tpu.vector_load %get3A_943[%get3A_944, %get3A_945] {strides = array<i32>} : memref<50x128xf32, #tpu.memory_space<vmem>>, vector<1x16xf32>,
        %get3A_947 = vector.shape_cast %get3A_946 : vector<1x16xf32> to vector<16xf32>
        %add3A_948 = arith.addf %add3A_860, %get3A_947 : vector<16xf32>
        %add3A_949 = arith.constant 1 : i32
        %add3A_950 = arith.addi %add3A_806, %add3A_949 : i32
        %get3A_951 = arith.constant 0 : i32
        %get3A_952 = arith.constant 0 : i32
        %get3A_953 = tpu.memref_slice %arg7[%scan3A_388, %get3A_951, %get3A_952] : memref<8x50x128xf32, #tpu.memory_space<vmem>> -> memref<1x50x128xf32, #tpu.memory_space<vmem>>
        %get3A_954 = tpu.memref_squeeze %get3A_953 : memref<1x50x128xf32, #tpu.memory_space<vmem>> -> memref<50x128xf32, #tpu.memory_space<vmem>>
        %get3A_955 = arith.index_cast %add3A_950 : i32 to index
        %get3A_956 = arith.constant 80 : index
        %get3A_957 = tpu.vector_load %get3A_954[%get3A_955, %get3A_956] {strides = array<i32>} : memref<50x128xf32, #tpu.memory_space<vmem>>, vector<1x16xf32>,
        %get3A_958 = vector.shape_cast %get3A_957 : vector<1x16xf32> to vector<16xf32>
        %add3A_959 = arith.addf %add3A_871, %get3A_958 : vector<16xf32>
        %add3A_960 = arith.constant 1 : i32
        %add3A_961 = arith.addi %add3A_806, %add3A_960 : i32
        %get3A_962 = arith.constant 0 : i32
        %get3A_963 = arith.constant 0 : i32
        %get3A_964 = tpu.memref_slice %arg7[%scan3A_388, %get3A_962, %get3A_963] : memref<8x50x128xf32, #tpu.memory_space<vmem>> -> memref<1x50x128xf32, #tpu.memory_space<vmem>>
        %get3A_965 = tpu.memref_squeeze %get3A_964 : memref<1x50x128xf32, #tpu.memory_space<vmem>> -> memref<50x128xf32, #tpu.memory_space<vmem>>
        %get3A_966 = arith.index_cast %add3A_961 : i32 to index
        %get3A_967 = arith.constant 96 : index
        %get3A_968 = tpu.vector_load %get3A_965[%get3A_966, %get3A_967] {strides = array<i32>} : memref<50x128xf32, #tpu.memory_space<vmem>>, vector<1x16xf32>,
        %get3A_969 = vector.shape_cast %get3A_968 : vector<1x16xf32> to vector<16xf32>
        %add3A_970 = arith.addf %add3A_882, %get3A_969 : vector<16xf32>
        %add3A_971 = arith.constant 1 : i32
        %add3A_972 = arith.addi %add3A_806, %add3A_971 : i32
        %get3A_973 = arith.constant 0 : i32
        %get3A_974 = arith.constant 0 : i32
        %get3A_975 = tpu.memref_slice %arg7[%scan3A_388, %get3A_973, %get3A_974] : memref<8x50x128xf32, #tpu.memory_space<vmem>> -> memref<1x50x128xf32, #tpu.memory_space<vmem>>
        %get3A_976 = tpu.memref_squeeze %get3A_975 : memref<1x50x128xf32, #tpu.memory_space<vmem>> -> memref<50x128xf32, #tpu.memory_space<vmem>>
        %get3A_977 = arith.index_cast %add3A_972 : i32 to index
        %get3A_978 = arith.constant 112 : index
        %get3A_979 = tpu.vector_load %get3A_976[%get3A_977, %get3A_978] {strides = array<i32>} : memref<50x128xf32, #tpu.memory_space<vmem>>, vector<1x16xf32>,
        %get3A_980 = vector.shape_cast %get3A_979 : vector<1x16xf32> to vector<16xf32>
        %add3A_981 = arith.addf %add3A_893, %get3A_980 : vector<16xf32>
        %add3A_982 = arith.constant 2 : i32
        %add3A_983 = arith.addi %add3A_806, %add3A_982 : i32
        %get3A_984 = arith.constant 0 : i32
        %get3A_985 = arith.constant 0 : i32
        %get3A_986 = tpu.memref_slice %arg7[%scan3A_388, %get3A_984, %get3A_985] : memref<8x50x128xf32, #tpu.memory_space<vmem>> -> memref<1x50x128xf32, #tpu.memory_space<vmem>>
        %get3A_987 = tpu.memref_squeeze %get3A_986 : memref<1x50x128xf32, #tpu.memory_space<vmem>> -> memref<50x128xf32, #tpu.memory_space<vmem>>
        %get3A_988 = arith.index_cast %add3A_983 : i32 to index
        %get3A_989 = arith.constant 0 : index
        %get3A_990 = tpu.vector_load %get3A_987[%get3A_988, %get3A_989] {strides = array<i32>} : memref<50x128xf32, #tpu.memory_space<vmem>>, vector<1x16xf32>,
        %get3A_991 = vector.shape_cast %get3A_990 : vector<1x16xf32> to vector<16xf32>
        %add3A_992 = arith.addf %add3A_904, %get3A_991 : vector<16xf32>
        %add3A_993 = arith.constant 2 : i32
        %add3A_994 = arith.addi %add3A_806, %add3A_993 : i32
        %get3A_995 = arith.constant 0 : i32
        %get3A_996 = arith.constant 0 : i32
        %get3A_997 = tpu.memref_slice %arg7[%scan3A_388, %get3A_995, %get3A_996] : memref<8x50x128xf32, #tpu.memory_space<vmem>> -> memref<1x50x128xf32, #tpu.memory_space<vmem>>
        %get3A_998 = tpu.memref_squeeze %get3A_997 : memref<1x50x128xf32, #tpu.memory_space<vmem>> -> memref<50x128xf32, #tpu.memory_space<vmem>>
        %get3A_999 = arith.index_cast %add3A_994 : i32 to index
        %get3A_1000 = arith.constant 16 : index
        %get3A_1001 = tpu.vector_load %get3A_998[%get3A_999, %get3A_1000] {strides = array<i32>} : memref<50x128xf32, #tpu.memory_space<vmem>>, vector<1x16xf32>,
        %get3A_1002 = vector.shape_cast %get3A_1001 : vector<1x16xf32> to vector<16xf32>
        %add3A_1003 = arith.addf %add3A_915, %get3A_1002 : vector<16xf32>
        %add3A_1004 = arith.constant 2 : i32
        %add3A_1005 = arith.addi %add3A_806, %add3A_1004 : i32
        %get3A_1006 = arith.constant 0 : i32
        %get3A_1007 = arith.constant 0 : i32
        %get3A_1008 = tpu.memref_slice %arg7[%scan3A_388, %get3A_1006, %get3A_1007] : memref<8x50x128xf32, #tpu.memory_space<vmem>> -> memref<1x50x128xf32, #tpu.memory_space<vmem>>
        %get3A_1009 = tpu.memref_squeeze %get3A_1008 : memref<1x50x128xf32, #tpu.memory_space<vmem>> -> memref<50x128xf32, #tpu.memory_space<vmem>>
        %get3A_1010 = arith.index_cast %add3A_1005 : i32 to index
        %get3A_1011 = arith.constant 32 : index
        %get3A_1012 = tpu.vector_load %get3A_1009[%get3A_1010, %get3A_1011] {strides = array<i32>} : memref<50x128xf32, #tpu.memory_space<vmem>>, vector<1x16xf32>,
        %get3A_1013 = vector.shape_cast %get3A_1012 : vector<1x16xf32> to vector<16xf32>
        %add3A_1014 = arith.addf %add3A_926, %get3A_1013 : vector<16xf32>
        %add3A_1015 = arith.constant 2 : i32
        %add3A_1016 = arith.addi %add3A_806, %add3A_1015 : i32
        %get3A_1017 = arith.constant 0 : i32
        %get3A_1018 = arith.constant 0 : i32
        %get3A_1019 = tpu.memref_slice %arg7[%scan3A_388, %get3A_1017, %get3A_1018] : memref<8x50x128xf32, #tpu.memory_space<vmem>> -> memref<1x50x128xf32, #tpu.memory_space<vmem>>
        %get3A_1020 = tpu.memref_squeeze %get3A_1019 : memref<1x50x128xf32, #tpu.memory_space<vmem>> -> memref<50x128xf32, #tpu.memory_space<vmem>>
        %get3A_1021 = arith.index_cast %add3A_1016 : i32 to index
        %get3A_1022 = arith.constant 48 : index
        %get3A_1023 = tpu.vector_load %get3A_1020[%get3A_1021, %get3A_1022] {strides = array<i32>} : memref<50x128xf32, #tpu.memory_space<vmem>>, vector<1x16xf32>,
        %get3A_1024 = vector.shape_cast %get3A_1023 : vector<1x16xf32> to vector<16xf32>
        %add3A_1025 = arith.addf %add3A_937, %get3A_1024 : vector<16xf32>
        %add3A_1026 = arith.constant 2 : i32
        %add3A_1027 = arith.addi %add3A_806, %add3A_1026 : i32
        %get3A_1028 = arith.constant 0 : i32
        %get3A_1029 = arith.constant 0 : i32
        %get3A_1030 = tpu.memref_slice %arg7[%scan3A_388, %get3A_1028, %get3A_1029] : memref<8x50x128xf32, #tpu.memory_space<vmem>> -> memref<1x50x128xf32, #tpu.memory_space<vmem>>
        %get3A_1031 = tpu.memref_squeeze %get3A_1030 : memref<1x50x128xf32, #tpu.memory_space<vmem>> -> memref<50x128xf32, #tpu.memory_space<vmem>>
        %get3A_1032 = arith.index_cast %add3A_1027 : i32 to index
        %get3A_1033 = arith.constant 64 : index
        %get3A_1034 = tpu.vector_load %get3A_1031[%get3A_1032, %get3A_1033] {strides = array<i32>} : memref<50x128xf32, #tpu.memory_space<vmem>>, vector<1x16xf32>,
        %get3A_1035 = vector.shape_cast %get3A_1034 : vector<1x16xf32> to vector<16xf32>
        %add3A_1036 = arith.addf %add3A_948, %get3A_1035 : vector<16xf32>
        %add3A_1037 = arith.constant 2 : i32
        %add3A_1038 = arith.addi %add3A_806, %add3A_1037 : i32
        %get3A_1039 = arith.constant 0 : i32
        %get3A_1040 = arith.constant 0 : i32
        %get3A_1041 = tpu.memref_slice %arg7[%scan3A_388, %get3A_1039, %get3A_1040] : memref<8x50x128xf32, #tpu.memory_space<vmem>> -> memref<1x50x128xf32, #tpu.memory_space<vmem>>
        %get3A_1042 = tpu.memref_squeeze %get3A_1041 : memref<1x50x128xf32, #tpu.memory_space<vmem>> -> memref<50x128xf32, #tpu.memory_space<vmem>>
        %get3A_1043 = arith.index_cast %add3A_1038 : i32 to index
        %get3A_1044 = arith.constant 80 : index
        %get3A_1045 = tpu.vector_load %get3A_1042[%get3A_1043, %get3A_1044] {strides = array<i32>} : memref<50x128xf32, #tpu.memory_space<vmem>>, vector<1x16xf32>,
        %get3A_1046 = vector.shape_cast %get3A_1045 : vector<1x16xf32> to vector<16xf32>
        %add3A_1047 = arith.addf %add3A_959, %get3A_1046 : vector<16xf32>
        %add3A_1048 = arith.constant 2 : i32
        %add3A_1049 = arith.addi %add3A_806, %add3A_1048 : i32
        %get3A_1050 = arith.constant 0 : i32
        %get3A_1051 = arith.constant 0 : i32
        %get3A_1052 = tpu.memref_slice %arg7[%scan3A_388, %get3A_1050, %get3A_1051] : memref<8x50x128xf32, #tpu.memory_space<vmem>> -> memref<1x50x128xf32, #tpu.memory_space<vmem>>
        %get3A_1053 = tpu.memref_squeeze %get3A_1052 : memref<1x50x128xf32, #tpu.memory_space<vmem>> -> memref<50x128xf32, #tpu.memory_space<vmem>>
        %get3A_1054 = arith.index_cast %add3A_1049 : i32 to index
        %get3A_1055 = arith.constant 96 : index
        %get3A_1056 = tpu.vector_load %get3A_1053[%get3A_1054, %get3A_1055] {strides = array<i32>} : memref<50x128xf32, #tpu.memory_space<vmem>>, vector<1x16xf32>,
        %get3A_1057 = vector.shape_cast %get3A_1056 : vector<1x16xf32> to vector<16xf32>
        %add3A_1058 = arith.addf %add3A_970, %get3A_1057 : vector<16xf32>
        %add3A_1059 = arith.constant 2 : i32
        %add3A_1060 = arith.addi %add3A_806, %add3A_1059 : i32
        %get3A_1061 = arith.constant 0 : i32
        %get3A_1062 = arith.constant 0 : i32
        %get3A_1063 = tpu.memref_slice %arg7[%scan3A_388, %get3A_1061, %get3A_1062] : memref<8x50x128xf32, #tpu.memory_space<vmem>> -> memref<1x50x128xf32, #tpu.memory_space<vmem>>
        %get3A_1064 = tpu.memref_squeeze %get3A_1063 : memref<1x50x128xf32, #tpu.memory_space<vmem>> -> memref<50x128xf32, #tpu.memory_space<vmem>>
        %get3A_1065 = arith.index_cast %add3A_1060 : i32 to index
        %get3A_1066 = arith.constant 112 : index
        %get3A_1067 = tpu.vector_load %get3A_1064[%get3A_1065, %get3A_1066] {strides = array<i32>} : memref<50x128xf32, #tpu.memory_space<vmem>>, vector<1x16xf32>,
        %get3A_1068 = vector.shape_cast %get3A_1067 : vector<1x16xf32> to vector<16xf32>
        %add3A_1069 = arith.addf %add3A_981, %get3A_1068 : vector<16xf32>
        %add3A_1070 = arith.constant 3 : i32
        %add3A_1071 = arith.addi %add3A_806, %add3A_1070 : i32
        %get3A_1072 = arith.constant 0 : i32
        %get3A_1073 = arith.constant 0 : i32
        %get3A_1074 = tpu.memref_slice %arg7[%scan3A_388, %get3A_1072, %get3A_1073] : memref<8x50x128xf32, #tpu.memory_space<vmem>> -> memref<1x50x128xf32, #tpu.memory_space<vmem>>
        %get3A_1075 = tpu.memref_squeeze %get3A_1074 : memref<1x50x128xf32, #tpu.memory_space<vmem>> -> memref<50x128xf32, #tpu.memory_space<vmem>>
        %get3A_1076 = arith.index_cast %add3A_1071 : i32 to index
        %get3A_1077 = arith.constant 0 : index
        %get3A_1078 = tpu.vector_load %get3A_1075[%get3A_1076, %get3A_1077] {strides = array<i32>} : memref<50x128xf32, #tpu.memory_space<vmem>>, vector<1x16xf32>,
        %get3A_1079 = vector.shape_cast %get3A_1078 : vector<1x16xf32> to vector<16xf32>
        %add3A_1080 = arith.addf %add3A_992, %get3A_1079 : vector<16xf32>
        %add3A_1081 = arith.constant 3 : i32
        %add3A_1082 = arith.addi %add3A_806, %add3A_1081 : i32
        %get3A_1083 = arith.constant 0 : i32
        %get3A_1084 = arith.constant 0 : i32
        %get3A_1085 = tpu.memref_slice %arg7[%scan3A_388, %get3A_1083, %get3A_1084] : memref<8x50x128xf32, #tpu.memory_space<vmem>> -> memref<1x50x128xf32, #tpu.memory_space<vmem>>
        %get3A_1086 = tpu.memref_squeeze %get3A_1085 : memref<1x50x128xf32, #tpu.memory_space<vmem>> -> memref<50x128xf32, #tpu.memory_space<vmem>>
        %get3A_1087 = arith.index_cast %add3A_1082 : i32 to index
        %get3A_1088 = arith.constant 16 : index
        %get3A_1089 = tpu.vector_load %get3A_1086[%get3A_1087, %get3A_1088] {strides = array<i32>} : memref<50x128xf32, #tpu.memory_space<vmem>>, vector<1x16xf32>,
        %get3A_1090 = vector.shape_cast %get3A_1089 : vector<1x16xf32> to vector<16xf32>
        %add3A_1091 = arith.addf %add3A_1003, %get3A_1090 : vector<16xf32>
        %add3A_1092 = arith.constant 3 : i32
        %add3A_1093 = arith.addi %add3A_806, %add3A_1092 : i32
        %get3A_1094 = arith.constant 0 : i32
        %get3A_1095 = arith.constant 0 : i32
        %get3A_1096 = tpu.memref_slice %arg7[%scan3A_388, %get3A_1094, %get3A_1095] : memref<8x50x128xf32, #tpu.memory_space<vmem>> -> memref<1x50x128xf32, #tpu.memory_space<vmem>>
        %get3A_1097 = tpu.memref_squeeze %get3A_1096 : memref<1x50x128xf32, #tpu.memory_space<vmem>> -> memref<50x128xf32, #tpu.memory_space<vmem>>
        %get3A_1098 = arith.index_cast %add3A_1093 : i32 to index
        %get3A_1099 = arith.constant 32 : index
        %get3A_1100 = tpu.vector_load %get3A_1097[%get3A_1098, %get3A_1099] {strides = array<i32>} : memref<50x128xf32, #tpu.memory_space<vmem>>, vector<1x16xf32>,
        %get3A_1101 = vector.shape_cast %get3A_1100 : vector<1x16xf32> to vector<16xf32>
        %add3A_1102 = arith.addf %add3A_1014, %get3A_1101 : vector<16xf32>
        %add3A_1103 = arith.constant 3 : i32
        %add3A_1104 = arith.addi %add3A_806, %add3A_1103 : i32
        %get3A_1105 = arith.constant 0 : i32
        %get3A_1106 = arith.constant 0 : i32
        %get3A_1107 = tpu.memref_slice %arg7[%scan3A_388, %get3A_1105, %get3A_1106] : memref<8x50x128xf32, #tpu.memory_space<vmem>> -> memref<1x50x128xf32, #tpu.memory_space<vmem>>
        %get3A_1108 = tpu.memref_squeeze %get3A_1107 : memref<1x50x128xf32, #tpu.memory_space<vmem>> -> memref<50x128xf32, #tpu.memory_space<vmem>>
        %get3A_1109 = arith.index_cast %add3A_1104 : i32 to index
        %get3A_1110 = arith.constant 48 : index
        %get3A_1111 = tpu.vector_load %get3A_1108[%get3A_1109, %get3A_1110] {strides = array<i32>} : memref<50x128xf32, #tpu.memory_space<vmem>>, vector<1x16xf32>,
        %get3A_1112 = vector.shape_cast %get3A_1111 : vector<1x16xf32> to vector<16xf32>
        %add3A_1113 = arith.addf %add3A_1025, %get3A_1112 : vector<16xf32>
        %add3A_1114 = arith.constant 3 : i32
        %add3A_1115 = arith.addi %add3A_806, %add3A_1114 : i32
        %get3A_1116 = arith.constant 0 : i32
        %get3A_1117 = arith.constant 0 : i32
        %get3A_1118 = tpu.memref_slice %arg7[%scan3A_388, %get3A_1116, %get3A_1117] : memref<8x50x128xf32, #tpu.memory_space<vmem>> -> memref<1x50x128xf32, #tpu.memory_space<vmem>>
        %get3A_1119 = tpu.memref_squeeze %get3A_1118 : memref<1x50x128xf32, #tpu.memory_space<vmem>> -> memref<50x128xf32, #tpu.memory_space<vmem>>
        %get3A_1120 = arith.index_cast %add3A_1115 : i32 to index
        %get3A_1121 = arith.constant 64 : index
        %get3A_1122 = tpu.vector_load %get3A_1119[%get3A_1120, %get3A_1121] {strides = array<i32>} : memref<50x128xf32, #tpu.memory_space<vmem>>, vector<1x16xf32>,
        %get3A_1123 = vector.shape_cast %get3A_1122 : vector<1x16xf32> to vector<16xf32>
        %add3A_1124 = arith.addf %add3A_1036, %get3A_1123 : vector<16xf32>
        %add3A_1125 = arith.constant 3 : i32
        %add3A_1126 = arith.addi %add3A_806, %add3A_1125 : i32
        %get3A_1127 = arith.constant 0 : i32
        %get3A_1128 = arith.constant 0 : i32
        %get3A_1129 = tpu.memref_slice %arg7[%scan3A_388, %get3A_1127, %get3A_1128] : memref<8x50x128xf32, #tpu.memory_space<vmem>> -> memref<1x50x128xf32, #tpu.memory_space<vmem>>
        %get3A_1130 = tpu.memref_squeeze %get3A_1129 : memref<1x50x128xf32, #tpu.memory_space<vmem>> -> memref<50x128xf32, #tpu.memory_space<vmem>>
        %get3A_1131 = arith.index_cast %add3A_1126 : i32 to index
        %get3A_1132 = arith.constant 80 : index
        %get3A_1133 = tpu.vector_load %get3A_1130[%get3A_1131, %get3A_1132] {strides = array<i32>} : memref<50x128xf32, #tpu.memory_space<vmem>>, vector<1x16xf32>,
        %get3A_1134 = vector.shape_cast %get3A_1133 : vector<1x16xf32> to vector<16xf32>
        %add3A_1135 = arith.addf %add3A_1047, %get3A_1134 : vector<16xf32>
        %add3A_1136 = arith.constant 3 : i32
        %add3A_1137 = arith.addi %add3A_806, %add3A_1136 : i32
        %get3A_1138 = arith.constant 0 : i32
        %get3A_1139 = arith.constant 0 : i32
        %get3A_1140 = tpu.memref_slice %arg7[%scan3A_388, %get3A_1138, %get3A_1139] : memref<8x50x128xf32, #tpu.memory_space<vmem>> -> memref<1x50x128xf32, #tpu.memory_space<vmem>>
        %get3A_1141 = tpu.memref_squeeze %get3A_1140 : memref<1x50x128xf32, #tpu.memory_space<vmem>> -> memref<50x128xf32, #tpu.memory_space<vmem>>
        %get3A_1142 = arith.index_cast %add3A_1137 : i32 to index
        %get3A_1143 = arith.constant 96 : index
        %get3A_1144 = tpu.vector_load %get3A_1141[%get3A_1142, %get3A_1143] {strides = array<i32>} : memref<50x128xf32, #tpu.memory_space<vmem>>, vector<1x16xf32>,
        %get3A_1145 = vector.shape_cast %get3A_1144 : vector<1x16xf32> to vector<16xf32>
        %add3A_1146 = arith.addf %add3A_1058, %get3A_1145 : vector<16xf32>
        %add3A_1147 = arith.constant 3 : i32
        %add3A_1148 = arith.addi %add3A_806, %add3A_1147 : i32
        %get3A_1149 = arith.constant 0 : i32
        %get3A_1150 = arith.constant 0 : i32
        %get3A_1151 = tpu.memref_slice %arg7[%scan3A_388, %get3A_1149, %get3A_1150] : memref<8x50x128xf32, #tpu.memory_space<vmem>> -> memref<1x50x128xf32, #tpu.memory_space<vmem>>
        %get3A_1152 = tpu.memref_squeeze %get3A_1151 : memref<1x50x128xf32, #tpu.memory_space<vmem>> -> memref<50x128xf32, #tpu.memory_space<vmem>>
        %get3A_1153 = arith.index_cast %add3A_1148 : i32 to index
        %get3A_1154 = arith.constant 112 : index
        %get3A_1155 = tpu.vector_load %get3A_1152[%get3A_1153, %get3A_1154] {strides = array<i32>} : memref<50x128xf32, #tpu.memory_space<vmem>>, vector<1x16xf32>,
        %get3A_1156 = vector.shape_cast %get3A_1155 : vector<1x16xf32> to vector<16xf32>
        %add3A_1157 = arith.addf %add3A_1069, %get3A_1156 : vector<16xf32>
        %add3A_1158 = arith.constant 4 : i32
        %add3A_1159 = arith.addi %add3A_806, %add3A_1158 : i32
        %get3A_1160 = arith.constant 0 : i32
        %get3A_1161 = arith.constant 0 : i32
        %get3A_1162 = tpu.memref_slice %arg7[%scan3A_388, %get3A_1160, %get3A_1161] : memref<8x50x128xf32, #tpu.memory_space<vmem>> -> memref<1x50x128xf32, #tpu.memory_space<vmem>>
        %get3A_1163 = tpu.memref_squeeze %get3A_1162 : memref<1x50x128xf32, #tpu.memory_space<vmem>> -> memref<50x128xf32, #tpu.memory_space<vmem>>
        %get3A_1164 = arith.index_cast %add3A_1159 : i32 to index
        %get3A_1165 = arith.constant 0 : index
        %get3A_1166 = tpu.vector_load %get3A_1163[%get3A_1164, %get3A_1165] {strides = array<i32>} : memref<50x128xf32, #tpu.memory_space<vmem>>, vector<1x16xf32>,
        %get3A_1167 = vector.shape_cast %get3A_1166 : vector<1x16xf32> to vector<16xf32>
        %add3A_1168 = arith.addf %add3A_1080, %get3A_1167 : vector<16xf32>
        %add3A_1169 = arith.constant 4 : i32
        %add3A_1170 = arith.addi %add3A_806, %add3A_1169 : i32
        %get3A_1171 = arith.constant 0 : i32
        %get3A_1172 = arith.constant 0 : i32
        %get3A_1173 = tpu.memref_slice %arg7[%scan3A_388, %get3A_1171, %get3A_1172] : memref<8x50x128xf32, #tpu.memory_space<vmem>> -> memref<1x50x128xf32, #tpu.memory_space<vmem>>
        %get3A_1174 = tpu.memref_squeeze %get3A_1173 : memref<1x50x128xf32, #tpu.memory_space<vmem>> -> memref<50x128xf32, #tpu.memory_space<vmem>>
        %get3A_1175 = arith.index_cast %add3A_1170 : i32 to index
        %get3A_1176 = arith.constant 16 : index
        %get3A_1177 = tpu.vector_load %get3A_1174[%get3A_1175, %get3A_1176] {strides = array<i32>} : memref<50x128xf32, #tpu.memory_space<vmem>>, vector<1x16xf32>,
        %get3A_1178 = vector.shape_cast %get3A_1177 : vector<1x16xf32> to vector<16xf32>
        %add3A_1179 = arith.addf %add3A_1091, %get3A_1178 : vector<16xf32>
        %add3A_1180 = arith.constant 4 : i32
        %add3A_1181 = arith.addi %add3A_806, %add3A_1180 : i32
        %get3A_1182 = arith.constant 0 : i32
        %get3A_1183 = arith.constant 0 : i32
        %get3A_1184 = tpu.memref_slice %arg7[%scan3A_388, %get3A_1182, %get3A_1183] : memref<8x50x128xf32, #tpu.memory_space<vmem>> -> memref<1x50x128xf32, #tpu.memory_space<vmem>>
        %get3A_1185 = tpu.memref_squeeze %get3A_1184 : memref<1x50x128xf32, #tpu.memory_space<vmem>> -> memref<50x128xf32, #tpu.memory_space<vmem>>
        %get3A_1186 = arith.index_cast %add3A_1181 : i32 to index
        %get3A_1187 = arith.constant 32 : index
        %get3A_1188 = tpu.vector_load %get3A_1185[%get3A_1186, %get3A_1187] {strides = array<i32>} : memref<50x128xf32, #tpu.memory_space<vmem>>, vector<1x16xf32>,
        %get3A_1189 = vector.shape_cast %get3A_1188 : vector<1x16xf32> to vector<16xf32>
        %add3A_1190 = arith.addf %add3A_1102, %get3A_1189 : vector<16xf32>
        %add3A_1191 = arith.constant 4 : i32
        %add3A_1192 = arith.addi %add3A_806, %add3A_1191 : i32
        %get3A_1193 = arith.constant 0 : i32
        %get3A_1194 = arith.constant 0 : i32
        %get3A_1195 = tpu.memref_slice %arg7[%scan3A_388, %get3A_1193, %get3A_1194] : memref<8x50x128xf32, #tpu.memory_space<vmem>> -> memref<1x50x128xf32, #tpu.memory_space<vmem>>
        %get3A_1196 = tpu.memref_squeeze %get3A_1195 : memref<1x50x128xf32, #tpu.memory_space<vmem>> -> memref<50x128xf32, #tpu.memory_space<vmem>>
        %get3A_1197 = arith.index_cast %add3A_1192 : i32 to index
        %get3A_1198 = arith.constant 48 : index
        %get3A_1199 = tpu.vector_load %get3A_1196[%get3A_1197, %get3A_1198] {strides = array<i32>} : memref<50x128xf32, #tpu.memory_space<vmem>>, vector<1x16xf32>,
        %get3A_1200 = vector.shape_cast %get3A_1199 : vector<1x16xf32> to vector<16xf32>
        %add3A_1201 = arith.addf %add3A_1113, %get3A_1200 : vector<16xf32>
        %add3A_1202 = arith.constant 4 : i32
        %add3A_1203 = arith.addi %add3A_806, %add3A_1202 : i32
        %get3A_1204 = arith.constant 0 : i32
        %get3A_1205 = arith.constant 0 : i32
        %get3A_1206 = tpu.memref_slice %arg7[%scan3A_388, %get3A_1204, %get3A_1205] : memref<8x50x128xf32, #tpu.memory_space<vmem>> -> memref<1x50x128xf32, #tpu.memory_space<vmem>>
        %get3A_1207 = tpu.memref_squeeze %get3A_1206 : memref<1x50x128xf32, #tpu.memory_space<vmem>> -> memref<50x128xf32, #tpu.memory_space<vmem>>
        %get3A_1208 = arith.index_cast %add3A_1203 : i32 to index
        %get3A_1209 = arith.constant 64 : index
        %get3A_1210 = tpu.vector_load %get3A_1207[%get3A_1208, %get3A_1209] {strides = array<i32>} : memref<50x128xf32, #tpu.memory_space<vmem>>, vector<1x16xf32>,
        %get3A_1211 = vector.shape_cast %get3A_1210 : vector<1x16xf32> to vector<16xf32>
        %add3A_1212 = arith.addf %add3A_1124, %get3A_1211 : vector<16xf32>
        %add3A_1213 = arith.constant 4 : i32
        %add3A_1214 = arith.addi %add3A_806, %add3A_1213 : i32
        %get3A_1215 = arith.constant 0 : i32
        %get3A_1216 = arith.constant 0 : i32
        %get3A_1217 = tpu.memref_slice %arg7[%scan3A_388, %get3A_1215, %get3A_1216] : memref<8x50x128xf32, #tpu.memory_space<vmem>> -> memref<1x50x128xf32, #tpu.memory_space<vmem>>
        %get3A_1218 = tpu.memref_squeeze %get3A_1217 : memref<1x50x128xf32, #tpu.memory_space<vmem>> -> memref<50x128xf32, #tpu.memory_space<vmem>>
        %get3A_1219 = arith.index_cast %add3A_1214 : i32 to index
        %get3A_1220 = arith.constant 80 : index
        %get3A_1221 = tpu.vector_load %get3A_1218[%get3A_1219, %get3A_1220] {strides = array<i32>} : memref<50x128xf32, #tpu.memory_space<vmem>>, vector<1x16xf32>,
        %get3A_1222 = vector.shape_cast %get3A_1221 : vector<1x16xf32> to vector<16xf32>
        %add3A_1223 = arith.addf %add3A_1135, %get3A_1222 : vector<16xf32>
        %add3A_1224 = arith.constant 4 : i32
        %add3A_1225 = arith.addi %add3A_806, %add3A_1224 : i32
        %get3A_1226 = arith.constant 0 : i32
        %get3A_1227 = arith.constant 0 : i32
        %get3A_1228 = tpu.memref_slice %arg7[%scan3A_388, %get3A_1226, %get3A_1227] : memref<8x50x128xf32, #tpu.memory_space<vmem>> -> memref<1x50x128xf32, #tpu.memory_space<vmem>>
        %get3A_1229 = tpu.memref_squeeze %get3A_1228 : memref<1x50x128xf32, #tpu.memory_space<vmem>> -> memref<50x128xf32, #tpu.memory_space<vmem>>
        %get3A_1230 = arith.index_cast %add3A_1225 : i32 to index
        %get3A_1231 = arith.constant 96 : index
        %get3A_1232 = tpu.vector_load %get3A_1229[%get3A_1230, %get3A_1231] {strides = array<i32>} : memref<50x128xf32, #tpu.memory_space<vmem>>, vector<1x16xf32>,
        %get3A_1233 = vector.shape_cast %get3A_1232 : vector<1x16xf32> to vector<16xf32>
        %add3A_1234 = arith.addf %add3A_1146, %get3A_1233 : vector<16xf32>
        %add3A_1235 = arith.constant 4 : i32
        %add3A_1236 = arith.addi %add3A_806, %add3A_1235 : i32
        %get3A_1237 = arith.constant 0 : i32
        %get3A_1238 = arith.constant 0 : i32
        %get3A_1239 = tpu.memref_slice %arg7[%scan3A_388, %get3A_1237, %get3A_1238] : memref<8x50x128xf32, #tpu.memory_space<vmem>> -> memref<1x50x128xf32, #tpu.memory_space<vmem>>
        %get3A_1240 = tpu.memref_squeeze %get3A_1239 : memref<1x50x128xf32, #tpu.memory_space<vmem>> -> memref<50x128xf32, #tpu.memory_space<vmem>>
        %get3A_1241 = arith.index_cast %add3A_1236 : i32 to index
        %get3A_1242 = arith.constant 112 : index
        %get3A_1243 = tpu.vector_load %get3A_1240[%get3A_1241, %get3A_1242] {strides = array<i32>} : memref<50x128xf32, #tpu.memory_space<vmem>>, vector<1x16xf32>,
        %get3A_1244 = vector.shape_cast %get3A_1243 : vector<1x16xf32> to vector<16xf32>
        %add3A_1245 = arith.addf %add3A_1157, %get3A_1244 : vector<16xf32>
        scf.yield %add3A_1168, %add3A_1179, %add3A_1190, %add3A_1201, %add3A_1212, %add3A_1223, %add3A_1234, %add3A_1245 : vector<16xf32>, vector<16xf32>, vector<16xf32>, vector<16xf32>, vector<16xf32>, vector<16xf32>, vector<16xf32>, vector<16xf32>
      }
      %scan3A_394 = arith.constant 10 : i32
      %mul3A_395 = arith.constant 1 : i32
      %mul3A_396 = arith.muli %add3A_362, %mul3A_395 : i32
      %add3A_397 = arith.constant 0 : i32
      %add3A_398 = arith.addi %mul3A_396, %add3A_397 : i32
      %swap3A_399 = arith.index_cast %add3A_398 : i32 to index
      %swap3A_400 = arith.constant 0 : index
      %swap3A_401 = tpu.vector_load %arg8[%swap3A_399, %swap3A_400] {strides = array<i32>} : memref<128x128xf32, #tpu.memory_space<vmem>>, vector<1x16xf32>,
      %swap3A_402 = vector.shape_cast %swap3A_401 : vector<1x16xf32> to vector<16xf32>
      %swap3A_403 = vector.shape_cast %scan3A_393#0 : vector<16xf32> to vector<1x16xf32>
      tpu.vector_store %arg8[%swap3A_399, %swap3A_400], %swap3A_403 {strides = array<i32>} : memref<128x128xf32, #tpu.memory_space<vmem>>, vector<1x16xf32>,
      %swap3A_404 = arith.index_cast %add3A_398 : i32 to index
      %swap3A_405 = arith.constant 16 : index
      %swap3A_406 = tpu.vector_load %arg8[%swap3A_404, %swap3A_405] {strides = array<i32>} : memref<128x128xf32, #tpu.memory_space<vmem>>, vector<1x16xf32>,
      %swap3A_407 = vector.shape_cast %swap3A_406 : vector<1x16xf32> to vector<16xf32>
      %swap3A_408 = vector.shape_cast %scan3A_393#1 : vector<16xf32> to vector<1x16xf32>
      tpu.vector_store %arg8[%swap3A_404, %swap3A_405], %swap3A_408 {strides = array<i32>} : memref<128x128xf32, #tpu.memory_space<vmem>>, vector<1x16xf32>,
      %swap3A_409 = arith.index_cast %add3A_398 : i32 to index
      %swap3A_410 = arith.constant 32 : index
      %swap3A_411 = tpu.vector_load %arg8[%swap3A_409, %swap3A_410] {strides = array<i32>} : memref<128x128xf32, #tpu.memory_space<vmem>>, vector<1x16xf32>,
      %swap3A_412 = vector.shape_cast %swap3A_411 : vector<1x16xf32> to vector<16xf32>
      %swap3A_413 = vector.shape_cast %scan3A_393#2 : vector<16xf32> to vector<1x16xf32>
      tpu.vector_store %arg8[%swap3A_409, %swap3A_410], %swap3A_413 {strides = array<i32>} : memref<128x128xf32, #tpu.memory_space<vmem>>, vector<1x16xf32>,
      %swap3A_414 = arith.index_cast %add3A_398 : i32 to index
      %swap3A_415 = arith.constant 48 : index
      %swap3A_416 = tpu.vector_load %arg8[%swap3A_414, %swap3A_415] {strides = array<i32>} : memref<128x128xf32, #tpu.memory_space<vmem>>, vector<1x16xf32>,
      %swap3A_417 = vector.shape_cast %swap3A_416 : vector<1x16xf32> to vector<16xf32>
      %swap3A_418 = vector.shape_cast %scan3A_393#3 : vector<16xf32> to vector<1x16xf32>
      tpu.vector_store %arg8[%swap3A_414, %swap3A_415], %swap3A_418 {strides = array<i32>} : memref<128x128xf32, #tpu.memory_space<vmem>>, vector<1x16xf32>,
      %swap3A_419 = arith.index_cast %add3A_398 : i32 to index
      %swap3A_420 = arith.constant 64 : index
      %swap3A_421 = tpu.vector_load %arg8[%swap3A_419, %swap3A_420] {strides = array<i32>} : memref<128x128xf32, #tpu.memory_space<vmem>>, vector<1x16xf32>,
      %swap3A_422 = vector.shape_cast %swap3A_421 : vector<1x16xf32> to vector<16xf32>
      %swap3A_423 = vector.shape_cast %scan3A_393#4 : vector<16xf32> to vector<1x16xf32>
      tpu.vector_store %arg8[%swap3A_419, %swap3A_420], %swap3A_423 {strides = array<i32>} : memref<128x128xf32, #tpu.memory_space<vmem>>, vector<1x16xf32>,
      %swap3A_424 = arith.index_cast %add3A_398 : i32 to index
      %swap3A_425 = arith.constant 80 : index
      %swap3A_426 = tpu.vector_load %arg8[%swap3A_424, %swap3A_425] {strides = array<i32>} : memref<128x128xf32, #tpu.memory_space<vmem>>, vector<1x16xf32>,
      %swap3A_427 = vector.shape_cast %swap3A_426 : vector<1x16xf32> to vector<16xf32>
      %swap3A_428 = vector.shape_cast %scan3A_393#5 : vector<16xf32> to vector<1x16xf32>
      tpu.vector_store %arg8[%swap3A_424, %swap3A_425], %swap3A_428 {strides = array<i32>} : memref<128x128xf32, #tpu.memory_space<vmem>>, vector<1x16xf32>,
      %swap3A_429 = arith.index_cast %add3A_398 : i32 to index
      %swap3A_430 = arith.constant 96 : index
      %swap3A_431 = tpu.vector_load %arg8[%swap3A_429, %swap3A_430] {strides = array<i32>} : memref<128x128xf32, #tpu.memory_space<vmem>>, vector<1x16xf32>,
      %swap3A_432 = vector.shape_cast %swap3A_431 : vector<1x16xf32> to vector<16xf32>
      %swap3A_433 = vector.shape_cast %scan3A_393#6 : vector<16xf32> to vector<1x16xf32>
      tpu.vector_store %arg8[%swap3A_429, %swap3A_430], %swap3A_433 {strides = array<i32>} : memref<128x128xf32, #tpu.memory_space<vmem>>, vector<1x16xf32>,
      %swap3A_434 = arith.index_cast %add3A_398 : i32 to index
      %swap3A_435 = arith.constant 112 : index
      %swap3A_436 = tpu.vector_load %arg8[%swap3A_434, %swap3A_435] {strides = array<i32>} : memref<128x128xf32, #tpu.memory_space<vmem>>, vector<1x16xf32>,
      %swap3A_437 = vector.shape_cast %swap3A_436 : vector<1x16xf32> to vector<16xf32>
      %swap3A_438 = vector.shape_cast %scan3A_393#7 : vector<16xf32> to vector<1x16xf32>
      tpu.vector_store %arg8[%swap3A_434, %swap3A_435], %swap3A_438 {strides = array<i32>} : memref<128x128xf32, #tpu.memory_space<vmem>>, vector<1x16xf32>,
      %add3A_439 = arith.constant 8 : i32
      %add3A_440 = arith.addi %add3A_362, %add3A_439 : i32
      %lt3A_441 = arith.constant 128 : i32
      %lt3A_442 = arith.cmpi slt, %add3A_440, %lt3A_441 : i32
      %convert_element_type3A_443 = arith.extui %lt3A_442 : i1 to i32
      %cond3A_444 = arith.constant 0 : i32
      %cond3A_445 = arith.cmpi ne, %convert_element_type3A_443, %cond3A_444 : i32
      scf.if %cond3A_445 {
        %add3A_794 = arith.constant 8 : i32
        %add3A_795 = arith.addi %add3A_362, %add3A_794 : i32
        %dma_start3A_796 = arith.constant 3 : i32
        %dma_start3A_797 = arith.constant 0 : i32
        %dma_start3A_798 = arith.constant 0 : i32
        %dma_start3A_799 = tpu.memref_slice %arg7[%dma_start3A_796, %dma_start3A_797, %dma_start3A_798] : memref<8x50x128xf32, #tpu.memory_space<vmem>> -> memref<1x50x128xf32, #tpu.memory_space<vmem>>
        %dma_start3A_800 = tpu.memref_squeeze %dma_start3A_799 : memref<1x50x128xf32, #tpu.memory_space<vmem>> -> memref<50x128xf32, #tpu.memory_space<vmem>>
        %dma_start3A_801 = arith.constant 0 : i32
        %dma_start3A_802 = tpu.memref_slice %arg6[%add3A_795, %dma_start3A_801] : memref<128x50xi32, #tpu.memory_space<vmem>> -> memref<1x50xi32, #tpu.memory_space<vmem>>
        %dma_start3A_803 = tpu.memref_squeeze %dma_start3A_802 : memref<1x50xi32, #tpu.memory_space<vmem>> -> memref<50xi32, #tpu.memory_space<vmem>>
        %dma_start3A_804 = arith.constant 0 : i32
        %dma_start3A_805 = arith.constant 0 : i32
        %dma_start3A_806 = tpu.memref_slice %arg3[%dma_start3A_804, %dma_start3A_805] : memref<100000x128xf32, #tpu.memory_space<hbm>> -> memref<100000x128xf32, #tpu.memory_space<hbm>>
        tpu.enqueue_indirect_dma source(%dma_start3A_806 : memref<100000x128xf32, #tpu.memory_space<hbm>>) target(%dma_start3A_800 : memref<50x128xf32, #tpu.memory_space<vmem>>) offsets(%dma_start3A_803 : memref<50xi32, #tpu.memory_space<vmem>>) semaphore(%arg12 : memref<!tpu.dma_semaphore, #tpu.memory_space<semaphore_mem>>)
      } else {
      }
      %mul3A_446 = arith.constant 8 : i32
      %mul3A_447 = arith.muli %scan3A_103, %mul3A_446 : i32
      %add3A_448 = arith.constant 4 : i32
      %add3A_449 = arith.addi %mul3A_447, %add3A_448 : i32
      %dma_wait3A_450 = arith.constant 4 : i32
      %dma_wait3A_451 = arith.constant 0 : i32
      %dma_wait3A_452 = arith.constant 0 : i32
      %dma_wait3A_453 = tpu.memref_slice %arg7[%dma_wait3A_450, %dma_wait3A_451, %dma_wait3A_452] : memref<8x50x128xf32, #tpu.memory_space<vmem>> -> memref<1x50x128xf32, #tpu.memory_space<vmem>>
      %dma_wait3A_454 = tpu.memref_squeeze %dma_wait3A_453 : memref<1x50x128xf32, #tpu.memory_space<vmem>> -> memref<50x128xf32, #tpu.memory_space<vmem>>
      %dma_wait3A_455 = arith.constant 0 : i32
      %dma_wait3A_456 = arith.constant 0 : i32
      %dma_wait3A_457 = tpu.memref_slice %arg7[%dma_wait3A_450, %dma_wait3A_455, %dma_wait3A_456] : memref<8x50x128xf32, #tpu.memory_space<vmem>> -> memref<1x50x128xf32, #tpu.memory_space<vmem>>
      %dma_wait3A_458 = tpu.memref_squeeze %dma_wait3A_457 : memref<1x50x128xf32, #tpu.memory_space<vmem>> -> memref<50x128xf32, #tpu.memory_space<vmem>>
      tpu.wait_dma2 semaphore(%arg13 : memref<!tpu.dma_semaphore, #tpu.memory_space<semaphore_mem>>) src(%arg4 : memref<50x128xf32, #tpu.memory_space<hbm>>) dst(%dma_wait3A_458 : memref<50x128xf32, #tpu.memory_space<vmem>>)
      %broadcast_in_dim3A_459 = arith.constant 0.000000e+00 : f32
      %broadcast_in_dim3A_460 = vector.broadcast %broadcast_in_dim3A_459 : f32 to vector<16xf32>
      %broadcast_in_dim3A_461 = arith.constant 0.000000e+00 : f32
      %broadcast_in_dim3A_462 = vector.broadcast %broadcast_in_dim3A_461 : f32 to vector<16xf32>
      %broadcast_in_dim3A_463 = arith.constant 0.000000e+00 : f32
      %broadcast_in_dim3A_464 = vector.broadcast %broadcast_in_dim3A_463 : f32 to vector<16xf32>
      %broadcast_in_dim3A_465 = arith.constant 0.000000e+00 : f32
      %broadcast_in_dim3A_466 = vector.broadcast %broadcast_in_dim3A_465 : f32 to vector<16xf32>
      %broadcast_in_dim3A_467 = arith.constant 0.000000e+00 : f32
      %broadcast_in_dim3A_468 = vector.broadcast %broadcast_in_dim3A_467 : f32 to vector<16xf32>
      %broadcast_in_dim3A_469 = arith.constant 0.000000e+00 : f32
      %broadcast_in_dim3A_470 = vector.broadcast %broadcast_in_dim3A_469 : f32 to vector<16xf32>
      %broadcast_in_dim3A_471 = arith.constant 0.000000e+00 : f32
      %broadcast_in_dim3A_472 = vector.broadcast %broadcast_in_dim3A_471 : f32 to vector<16xf32>
      %broadcast_in_dim3A_473 = arith.constant 0.000000e+00 : f32
      %broadcast_in_dim3A_474 = vector.broadcast %broadcast_in_dim3A_473 : f32 to vector<16xf32>
      %scan3A_475 = arith.constant 4 : i32
      %scan3A_476 = arith.constant 0 : i32
      %scan3A_477 = arith.constant 10 : i32
      %scan3A_478 = arith.addi %scan3A_476, %scan3A_477 : i32
      %scan3A_479 = arith.constant 1 : i32
      %scan3A_480:8 = scf.for %scan3A_794 = %scan3A_476 to %scan3A_478 step %scan3A_479 iter_args(%scan3A_795 = %broadcast_in_dim3A_460, %scan3A_796 = %broadcast_in_dim3A_462, %scan3A_797 = %broadcast_in_dim3A_464, %scan3A_798 = %broadcast_in_dim3A_466, %scan3A_799 = %broadcast_in_dim3A_468, %scan3A_800 = %broadcast_in_dim3A_470, %scan3A_801 = %broadcast_in_dim3A_472, %scan3A_802 = %broadcast_in_dim3A_474) -> (vector<16xf32>, vector<16xf32>, vector<16xf32>, vector<16xf32>, vector<16xf32>, vector<16xf32>, vector<16xf32>, vector<16xf32>)  : i32 {
        %mul3A_803 = arith.constant 5 : i32
        %mul3A_804 = arith.muli %scan3A_794, %mul3A_803 : i32
        %add3A_805 = arith.constant 0 : i32
        %add3A_806 = arith.addi %add3A_805, %mul3A_804 : i32
        %add3A_807 = arith.constant 0 : i32
        %add3A_808 = arith.addi %add3A_806, %add3A_807 : i32
        %get3A = arith.constant 0 : i32
        %get3A_809 = arith.constant 0 : i32
        %get3A_810 = tpu.memref_slice %arg7[%scan3A_475, %get3A, %get3A_809] : memref<8x50x128xf32, #tpu.memory_space<vmem>> -> memref<1x50x128xf32, #tpu.memory_space<vmem>>
        %get3A_811 = tpu.memref_squeeze %get3A_810 : memref<1x50x128xf32, #tpu.memory_space<vmem>> -> memref<50x128xf32, #tpu.memory_space<vmem>>
        %get3A_812 = arith.index_cast %add3A_808 : i32 to index
        %get3A_813 = arith.constant 0 : index
        %get3A_814 = tpu.vector_load %get3A_811[%get3A_812, %get3A_813] {strides = array<i32>} : memref<50x128xf32, #tpu.memory_space<vmem>>, vector<1x16xf32>,
        %get3A_815 = vector.shape_cast %get3A_814 : vector<1x16xf32> to vector<16xf32>
        %add3A_816 = arith.addf %scan3A_795, %get3A_815 : vector<16xf32>
        %add3A_817 = arith.constant 0 : i32
        %add3A_818 = arith.addi %add3A_806, %add3A_817 : i32
        %get3A_819 = arith.constant 0 : i32
        %get3A_820 = arith.constant 0 : i32
        %get3A_821 = tpu.memref_slice %arg7[%scan3A_475, %get3A_819, %get3A_820] : memref<8x50x128xf32, #tpu.memory_space<vmem>> -> memref<1x50x128xf32, #tpu.memory_space<vmem>>
        %get3A_822 = tpu.memref_squeeze %get3A_821 : memref<1x50x128xf32, #tpu.memory_space<vmem>> -> memref<50x128xf32, #tpu.memory_space<vmem>>
        %get3A_823 = arith.index_cast %add3A_818 : i32 to index
        %get3A_824 = arith.constant 16 : index
        %get3A_825 = tpu.vector_load %get3A_822[%get3A_823, %get3A_824] {strides = array<i32>} : memref<50x128xf32, #tpu.memory_space<vmem>>, vector<1x16xf32>,
        %get3A_826 = vector.shape_cast %get3A_825 : vector<1x16xf32> to vector<16xf32>
        %add3A_827 = arith.addf %scan3A_796, %get3A_826 : vector<16xf32>
        %add3A_828 = arith.constant 0 : i32
        %add3A_829 = arith.addi %add3A_806, %add3A_828 : i32
        %get3A_830 = arith.constant 0 : i32
        %get3A_831 = arith.constant 0 : i32
        %get3A_832 = tpu.memref_slice %arg7[%scan3A_475, %get3A_830, %get3A_831] : memref<8x50x128xf32, #tpu.memory_space<vmem>> -> memref<1x50x128xf32, #tpu.memory_space<vmem>>
        %get3A_833 = tpu.memref_squeeze %get3A_832 : memref<1x50x128xf32, #tpu.memory_space<vmem>> -> memref<50x128xf32, #tpu.memory_space<vmem>>
        %get3A_834 = arith.index_cast %add3A_829 : i32 to index
        %get3A_835 = arith.constant 32 : index
        %get3A_836 = tpu.vector_load %get3A_833[%get3A_834, %get3A_835] {strides = array<i32>} : memref<50x128xf32, #tpu.memory_space<vmem>>, vector<1x16xf32>,
        %get3A_837 = vector.shape_cast %get3A_836 : vector<1x16xf32> to vector<16xf32>
        %add3A_838 = arith.addf %scan3A_797, %get3A_837 : vector<16xf32>
        %add3A_839 = arith.constant 0 : i32
        %add3A_840 = arith.addi %add3A_806, %add3A_839 : i32
        %get3A_841 = arith.constant 0 : i32
        %get3A_842 = arith.constant 0 : i32
        %get3A_843 = tpu.memref_slice %arg7[%scan3A_475, %get3A_841, %get3A_842] : memref<8x50x128xf32, #tpu.memory_space<vmem>> -> memref<1x50x128xf32, #tpu.memory_space<vmem>>
        %get3A_844 = tpu.memref_squeeze %get3A_843 : memref<1x50x128xf32, #tpu.memory_space<vmem>> -> memref<50x128xf32, #tpu.memory_space<vmem>>
        %get3A_845 = arith.index_cast %add3A_840 : i32 to index
        %get3A_846 = arith.constant 48 : index
        %get3A_847 = tpu.vector_load %get3A_844[%get3A_845, %get3A_846] {strides = array<i32>} : memref<50x128xf32, #tpu.memory_space<vmem>>, vector<1x16xf32>,
        %get3A_848 = vector.shape_cast %get3A_847 : vector<1x16xf32> to vector<16xf32>
        %add3A_849 = arith.addf %scan3A_798, %get3A_848 : vector<16xf32>
        %add3A_850 = arith.constant 0 : i32
        %add3A_851 = arith.addi %add3A_806, %add3A_850 : i32
        %get3A_852 = arith.constant 0 : i32
        %get3A_853 = arith.constant 0 : i32
        %get3A_854 = tpu.memref_slice %arg7[%scan3A_475, %get3A_852, %get3A_853] : memref<8x50x128xf32, #tpu.memory_space<vmem>> -> memref<1x50x128xf32, #tpu.memory_space<vmem>>
        %get3A_855 = tpu.memref_squeeze %get3A_854 : memref<1x50x128xf32, #tpu.memory_space<vmem>> -> memref<50x128xf32, #tpu.memory_space<vmem>>
        %get3A_856 = arith.index_cast %add3A_851 : i32 to index
        %get3A_857 = arith.constant 64 : index
        %get3A_858 = tpu.vector_load %get3A_855[%get3A_856, %get3A_857] {strides = array<i32>} : memref<50x128xf32, #tpu.memory_space<vmem>>, vector<1x16xf32>,
        %get3A_859 = vector.shape_cast %get3A_858 : vector<1x16xf32> to vector<16xf32>
        %add3A_860 = arith.addf %scan3A_799, %get3A_859 : vector<16xf32>
        %add3A_861 = arith.constant 0 : i32
        %add3A_862 = arith.addi %add3A_806, %add3A_861 : i32
        %get3A_863 = arith.constant 0 : i32
        %get3A_864 = arith.constant 0 : i32
        %get3A_865 = tpu.memref_slice %arg7[%scan3A_475, %get3A_863, %get3A_864] : memref<8x50x128xf32, #tpu.memory_space<vmem>> -> memref<1x50x128xf32, #tpu.memory_space<vmem>>
        %get3A_866 = tpu.memref_squeeze %get3A_865 : memref<1x50x128xf32, #tpu.memory_space<vmem>> -> memref<50x128xf32, #tpu.memory_space<vmem>>
        %get3A_867 = arith.index_cast %add3A_862 : i32 to index
        %get3A_868 = arith.constant 80 : index
        %get3A_869 = tpu.vector_load %get3A_866[%get3A_867, %get3A_868] {strides = array<i32>} : memref<50x128xf32, #tpu.memory_space<vmem>>, vector<1x16xf32>,
        %get3A_870 = vector.shape_cast %get3A_869 : vector<1x16xf32> to vector<16xf32>
        %add3A_871 = arith.addf %scan3A_800, %get3A_870 : vector<16xf32>
        %add3A_872 = arith.constant 0 : i32
        %add3A_873 = arith.addi %add3A_806, %add3A_872 : i32
        %get3A_874 = arith.constant 0 : i32
        %get3A_875 = arith.constant 0 : i32
        %get3A_876 = tpu.memref_slice %arg7[%scan3A_475, %get3A_874, %get3A_875] : memref<8x50x128xf32, #tpu.memory_space<vmem>> -> memref<1x50x128xf32, #tpu.memory_space<vmem>>
        %get3A_877 = tpu.memref_squeeze %get3A_876 : memref<1x50x128xf32, #tpu.memory_space<vmem>> -> memref<50x128xf32, #tpu.memory_space<vmem>>
        %get3A_878 = arith.index_cast %add3A_873 : i32 to index
        %get3A_879 = arith.constant 96 : index
        %get3A_880 = tpu.vector_load %get3A_877[%get3A_878, %get3A_879] {strides = array<i32>} : memref<50x128xf32, #tpu.memory_space<vmem>>, vector<1x16xf32>,
        %get3A_881 = vector.shape_cast %get3A_880 : vector<1x16xf32> to vector<16xf32>
        %add3A_882 = arith.addf %scan3A_801, %get3A_881 : vector<16xf32>
        %add3A_883 = arith.constant 0 : i32
        %add3A_884 = arith.addi %add3A_806, %add3A_883 : i32
        %get3A_885 = arith.constant 0 : i32
        %get3A_886 = arith.constant 0 : i32
        %get3A_887 = tpu.memref_slice %arg7[%scan3A_475, %get3A_885, %get3A_886] : memref<8x50x128xf32, #tpu.memory_space<vmem>> -> memref<1x50x128xf32, #tpu.memory_space<vmem>>
        %get3A_888 = tpu.memref_squeeze %get3A_887 : memref<1x50x128xf32, #tpu.memory_space<vmem>> -> memref<50x128xf32, #tpu.memory_space<vmem>>
        %get3A_889 = arith.index_cast %add3A_884 : i32 to index
        %get3A_890 = arith.constant 112 : index
        %get3A_891 = tpu.vector_load %get3A_888[%get3A_889, %get3A_890] {strides = array<i32>} : memref<50x128xf32, #tpu.memory_space<vmem>>, vector<1x16xf32>,
        %get3A_892 = vector.shape_cast %get3A_891 : vector<1x16xf32> to vector<16xf32>
        %add3A_893 = arith.addf %scan3A_802, %get3A_892 : vector<16xf32>
        %add3A_894 = arith.constant 1 : i32
        %add3A_895 = arith.addi %add3A_806, %add3A_894 : i32
        %get3A_896 = arith.constant 0 : i32
        %get3A_897 = arith.constant 0 : i32
        %get3A_898 = tpu.memref_slice %arg7[%scan3A_475, %get3A_896, %get3A_897] : memref<8x50x128xf32, #tpu.memory_space<vmem>> -> memref<1x50x128xf32, #tpu.memory_space<vmem>>
        %get3A_899 = tpu.memref_squeeze %get3A_898 : memref<1x50x128xf32, #tpu.memory_space<vmem>> -> memref<50x128xf32, #tpu.memory_space<vmem>>
        %get3A_900 = arith.index_cast %add3A_895 : i32 to index
        %get3A_901 = arith.constant 0 : index
        %get3A_902 = tpu.vector_load %get3A_899[%get3A_900, %get3A_901] {strides = array<i32>} : memref<50x128xf32, #tpu.memory_space<vmem>>, vector<1x16xf32>,
        %get3A_903 = vector.shape_cast %get3A_902 : vector<1x16xf32> to vector<16xf32>
        %add3A_904 = arith.addf %add3A_816, %get3A_903 : vector<16xf32>
        %add3A_905 = arith.constant 1 : i32
        %add3A_906 = arith.addi %add3A_806, %add3A_905 : i32
        %get3A_907 = arith.constant 0 : i32
        %get3A_908 = arith.constant 0 : i32
        %get3A_909 = tpu.memref_slice %arg7[%scan3A_475, %get3A_907, %get3A_908] : memref<8x50x128xf32, #tpu.memory_space<vmem>> -> memref<1x50x128xf32, #tpu.memory_space<vmem>>
        %get3A_910 = tpu.memref_squeeze %get3A_909 : memref<1x50x128xf32, #tpu.memory_space<vmem>> -> memref<50x128xf32, #tpu.memory_space<vmem>>
        %get3A_911 = arith.index_cast %add3A_906 : i32 to index
        %get3A_912 = arith.constant 16 : index
        %get3A_913 = tpu.vector_load %get3A_910[%get3A_911, %get3A_912] {strides = array<i32>} : memref<50x128xf32, #tpu.memory_space<vmem>>, vector<1x16xf32>,
        %get3A_914 = vector.shape_cast %get3A_913 : vector<1x16xf32> to vector<16xf32>
        %add3A_915 = arith.addf %add3A_827, %get3A_914 : vector<16xf32>
        %add3A_916 = arith.constant 1 : i32
        %add3A_917 = arith.addi %add3A_806, %add3A_916 : i32
        %get3A_918 = arith.constant 0 : i32
        %get3A_919 = arith.constant 0 : i32
        %get3A_920 = tpu.memref_slice %arg7[%scan3A_475, %get3A_918, %get3A_919] : memref<8x50x128xf32, #tpu.memory_space<vmem>> -> memref<1x50x128xf32, #tpu.memory_space<vmem>>
        %get3A_921 = tpu.memref_squeeze %get3A_920 : memref<1x50x128xf32, #tpu.memory_space<vmem>> -> memref<50x128xf32, #tpu.memory_space<vmem>>
        %get3A_922 = arith.index_cast %add3A_917 : i32 to index
        %get3A_923 = arith.constant 32 : index
        %get3A_924 = tpu.vector_load %get3A_921[%get3A_922, %get3A_923] {strides = array<i32>} : memref<50x128xf32, #tpu.memory_space<vmem>>, vector<1x16xf32>,
        %get3A_925 = vector.shape_cast %get3A_924 : vector<1x16xf32> to vector<16xf32>
        %add3A_926 = arith.addf %add3A_838, %get3A_925 : vector<16xf32>
        %add3A_927 = arith.constant 1 : i32
        %add3A_928 = arith.addi %add3A_806, %add3A_927 : i32
        %get3A_929 = arith.constant 0 : i32
        %get3A_930 = arith.constant 0 : i32
        %get3A_931 = tpu.memref_slice %arg7[%scan3A_475, %get3A_929, %get3A_930] : memref<8x50x128xf32, #tpu.memory_space<vmem>> -> memref<1x50x128xf32, #tpu.memory_space<vmem>>
        %get3A_932 = tpu.memref_squeeze %get3A_931 : memref<1x50x128xf32, #tpu.memory_space<vmem>> -> memref<50x128xf32, #tpu.memory_space<vmem>>
        %get3A_933 = arith.index_cast %add3A_928 : i32 to index
        %get3A_934 = arith.constant 48 : index
        %get3A_935 = tpu.vector_load %get3A_932[%get3A_933, %get3A_934] {strides = array<i32>} : memref<50x128xf32, #tpu.memory_space<vmem>>, vector<1x16xf32>,
        %get3A_936 = vector.shape_cast %get3A_935 : vector<1x16xf32> to vector<16xf32>
        %add3A_937 = arith.addf %add3A_849, %get3A_936 : vector<16xf32>
        %add3A_938 = arith.constant 1 : i32
        %add3A_939 = arith.addi %add3A_806, %add3A_938 : i32
        %get3A_940 = arith.constant 0 : i32
        %get3A_941 = arith.constant 0 : i32
        %get3A_942 = tpu.memref_slice %arg7[%scan3A_475, %get3A_940, %get3A_941] : memref<8x50x128xf32, #tpu.memory_space<vmem>> -> memref<1x50x128xf32, #tpu.memory_space<vmem>>
        %get3A_943 = tpu.memref_squeeze %get3A_942 : memref<1x50x128xf32, #tpu.memory_space<vmem>> -> memref<50x128xf32, #tpu.memory_space<vmem>>
        %get3A_944 = arith.index_cast %add3A_939 : i32 to index
        %get3A_945 = arith.constant 64 : index
        %get3A_946 = tpu.vector_load %get3A_943[%get3A_944, %get3A_945] {strides = array<i32>} : memref<50x128xf32, #tpu.memory_space<vmem>>, vector<1x16xf32>,
        %get3A_947 = vector.shape_cast %get3A_946 : vector<1x16xf32> to vector<16xf32>
        %add3A_948 = arith.addf %add3A_860, %get3A_947 : vector<16xf32>
        %add3A_949 = arith.constant 1 : i32
        %add3A_950 = arith.addi %add3A_806, %add3A_949 : i32
        %get3A_951 = arith.constant 0 : i32
        %get3A_952 = arith.constant 0 : i32
        %get3A_953 = tpu.memref_slice %arg7[%scan3A_475, %get3A_951, %get3A_952] : memref<8x50x128xf32, #tpu.memory_space<vmem>> -> memref<1x50x128xf32, #tpu.memory_space<vmem>>
        %get3A_954 = tpu.memref_squeeze %get3A_953 : memref<1x50x128xf32, #tpu.memory_space<vmem>> -> memref<50x128xf32, #tpu.memory_space<vmem>>
        %get3A_955 = arith.index_cast %add3A_950 : i32 to index
        %get3A_956 = arith.constant 80 : index
        %get3A_957 = tpu.vector_load %get3A_954[%get3A_955, %get3A_956] {strides = array<i32>} : memref<50x128xf32, #tpu.memory_space<vmem>>, vector<1x16xf32>,
        %get3A_958 = vector.shape_cast %get3A_957 : vector<1x16xf32> to vector<16xf32>
        %add3A_959 = arith.addf %add3A_871, %get3A_958 : vector<16xf32>
        %add3A_960 = arith.constant 1 : i32
        %add3A_961 = arith.addi %add3A_806, %add3A_960 : i32
        %get3A_962 = arith.constant 0 : i32
        %get3A_963 = arith.constant 0 : i32
        %get3A_964 = tpu.memref_slice %arg7[%scan3A_475, %get3A_962, %get3A_963] : memref<8x50x128xf32, #tpu.memory_space<vmem>> -> memref<1x50x128xf32, #tpu.memory_space<vmem>>
        %get3A_965 = tpu.memref_squeeze %get3A_964 : memref<1x50x128xf32, #tpu.memory_space<vmem>> -> memref<50x128xf32, #tpu.memory_space<vmem>>
        %get3A_966 = arith.index_cast %add3A_961 : i32 to index
        %get3A_967 = arith.constant 96 : index
        %get3A_968 = tpu.vector_load %get3A_965[%get3A_966, %get3A_967] {strides = array<i32>} : memref<50x128xf32, #tpu.memory_space<vmem>>, vector<1x16xf32>,
        %get3A_969 = vector.shape_cast %get3A_968 : vector<1x16xf32> to vector<16xf32>
        %add3A_970 = arith.addf %add3A_882, %get3A_969 : vector<16xf32>
        %add3A_971 = arith.constant 1 : i32
        %add3A_972 = arith.addi %add3A_806, %add3A_971 : i32
        %get3A_973 = arith.constant 0 : i32
        %get3A_974 = arith.constant 0 : i32
        %get3A_975 = tpu.memref_slice %arg7[%scan3A_475, %get3A_973, %get3A_974] : memref<8x50x128xf32, #tpu.memory_space<vmem>> -> memref<1x50x128xf32, #tpu.memory_space<vmem>>
        %get3A_976 = tpu.memref_squeeze %get3A_975 : memref<1x50x128xf32, #tpu.memory_space<vmem>> -> memref<50x128xf32, #tpu.memory_space<vmem>>
        %get3A_977 = arith.index_cast %add3A_972 : i32 to index
        %get3A_978 = arith.constant 112 : index
        %get3A_979 = tpu.vector_load %get3A_976[%get3A_977, %get3A_978] {strides = array<i32>} : memref<50x128xf32, #tpu.memory_space<vmem>>, vector<1x16xf32>,
        %get3A_980 = vector.shape_cast %get3A_979 : vector<1x16xf32> to vector<16xf32>
        %add3A_981 = arith.addf %add3A_893, %get3A_980 : vector<16xf32>
        %add3A_982 = arith.constant 2 : i32
        %add3A_983 = arith.addi %add3A_806, %add3A_982 : i32
        %get3A_984 = arith.constant 0 : i32
        %get3A_985 = arith.constant 0 : i32
        %get3A_986 = tpu.memref_slice %arg7[%scan3A_475, %get3A_984, %get3A_985] : memref<8x50x128xf32, #tpu.memory_space<vmem>> -> memref<1x50x128xf32, #tpu.memory_space<vmem>>
        %get3A_987 = tpu.memref_squeeze %get3A_986 : memref<1x50x128xf32, #tpu.memory_space<vmem>> -> memref<50x128xf32, #tpu.memory_space<vmem>>
        %get3A_988 = arith.index_cast %add3A_983 : i32 to index
        %get3A_989 = arith.constant 0 : index
        %get3A_990 = tpu.vector_load %get3A_987[%get3A_988, %get3A_989] {strides = array<i32>} : memref<50x128xf32, #tpu.memory_space<vmem>>, vector<1x16xf32>,
        %get3A_991 = vector.shape_cast %get3A_990 : vector<1x16xf32> to vector<16xf32>
        %add3A_992 = arith.addf %add3A_904, %get3A_991 : vector<16xf32>
        %add3A_993 = arith.constant 2 : i32
        %add3A_994 = arith.addi %add3A_806, %add3A_993 : i32
        %get3A_995 = arith.constant 0 : i32
        %get3A_996 = arith.constant 0 : i32
        %get3A_997 = tpu.memref_slice %arg7[%scan3A_475, %get3A_995, %get3A_996] : memref<8x50x128xf32, #tpu.memory_space<vmem>> -> memref<1x50x128xf32, #tpu.memory_space<vmem>>
        %get3A_998 = tpu.memref_squeeze %get3A_997 : memref<1x50x128xf32, #tpu.memory_space<vmem>> -> memref<50x128xf32, #tpu.memory_space<vmem>>
        %get3A_999 = arith.index_cast %add3A_994 : i32 to index
        %get3A_1000 = arith.constant 16 : index
        %get3A_1001 = tpu.vector_load %get3A_998[%get3A_999, %get3A_1000] {strides = array<i32>} : memref<50x128xf32, #tpu.memory_space<vmem>>, vector<1x16xf32>,
        %get3A_1002 = vector.shape_cast %get3A_1001 : vector<1x16xf32> to vector<16xf32>
        %add3A_1003 = arith.addf %add3A_915, %get3A_1002 : vector<16xf32>
        %add3A_1004 = arith.constant 2 : i32
        %add3A_1005 = arith.addi %add3A_806, %add3A_1004 : i32
        %get3A_1006 = arith.constant 0 : i32
        %get3A_1007 = arith.constant 0 : i32
        %get3A_1008 = tpu.memref_slice %arg7[%scan3A_475, %get3A_1006, %get3A_1007] : memref<8x50x128xf32, #tpu.memory_space<vmem>> -> memref<1x50x128xf32, #tpu.memory_space<vmem>>
        %get3A_1009 = tpu.memref_squeeze %get3A_1008 : memref<1x50x128xf32, #tpu.memory_space<vmem>> -> memref<50x128xf32, #tpu.memory_space<vmem>>
        %get3A_1010 = arith.index_cast %add3A_1005 : i32 to index
        %get3A_1011 = arith.constant 32 : index
        %get3A_1012 = tpu.vector_load %get3A_1009[%get3A_1010, %get3A_1011] {strides = array<i32>} : memref<50x128xf32, #tpu.memory_space<vmem>>, vector<1x16xf32>,
        %get3A_1013 = vector.shape_cast %get3A_1012 : vector<1x16xf32> to vector<16xf32>
        %add3A_1014 = arith.addf %add3A_926, %get3A_1013 : vector<16xf32>
        %add3A_1015 = arith.constant 2 : i32
        %add3A_1016 = arith.addi %add3A_806, %add3A_1015 : i32
        %get3A_1017 = arith.constant 0 : i32
        %get3A_1018 = arith.constant 0 : i32
        %get3A_1019 = tpu.memref_slice %arg7[%scan3A_475, %get3A_1017, %get3A_1018] : memref<8x50x128xf32, #tpu.memory_space<vmem>> -> memref<1x50x128xf32, #tpu.memory_space<vmem>>
        %get3A_1020 = tpu.memref_squeeze %get3A_1019 : memref<1x50x128xf32, #tpu.memory_space<vmem>> -> memref<50x128xf32, #tpu.memory_space<vmem>>
        %get3A_1021 = arith.index_cast %add3A_1016 : i32 to index
        %get3A_1022 = arith.constant 48 : index
        %get3A_1023 = tpu.vector_load %get3A_1020[%get3A_1021, %get3A_1022] {strides = array<i32>} : memref<50x128xf32, #tpu.memory_space<vmem>>, vector<1x16xf32>,
        %get3A_1024 = vector.shape_cast %get3A_1023 : vector<1x16xf32> to vector<16xf32>
        %add3A_1025 = arith.addf %add3A_937, %get3A_1024 : vector<16xf32>
        %add3A_1026 = arith.constant 2 : i32
        %add3A_1027 = arith.addi %add3A_806, %add3A_1026 : i32
        %get3A_1028 = arith.constant 0 : i32
        %get3A_1029 = arith.constant 0 : i32
        %get3A_1030 = tpu.memref_slice %arg7[%scan3A_475, %get3A_1028, %get3A_1029] : memref<8x50x128xf32, #tpu.memory_space<vmem>> -> memref<1x50x128xf32, #tpu.memory_space<vmem>>
        %get3A_1031 = tpu.memref_squeeze %get3A_1030 : memref<1x50x128xf32, #tpu.memory_space<vmem>> -> memref<50x128xf32, #tpu.memory_space<vmem>>
        %get3A_1032 = arith.index_cast %add3A_1027 : i32 to index
        %get3A_1033 = arith.constant 64 : index
        %get3A_1034 = tpu.vector_load %get3A_1031[%get3A_1032, %get3A_1033] {strides = array<i32>} : memref<50x128xf32, #tpu.memory_space<vmem>>, vector<1x16xf32>,
        %get3A_1035 = vector.shape_cast %get3A_1034 : vector<1x16xf32> to vector<16xf32>
        %add3A_1036 = arith.addf %add3A_948, %get3A_1035 : vector<16xf32>
        %add3A_1037 = arith.constant 2 : i32
        %add3A_1038 = arith.addi %add3A_806, %add3A_1037 : i32
        %get3A_1039 = arith.constant 0 : i32
        %get3A_1040 = arith.constant 0 : i32
        %get3A_1041 = tpu.memref_slice %arg7[%scan3A_475, %get3A_1039, %get3A_1040] : memref<8x50x128xf32, #tpu.memory_space<vmem>> -> memref<1x50x128xf32, #tpu.memory_space<vmem>>
        %get3A_1042 = tpu.memref_squeeze %get3A_1041 : memref<1x50x128xf32, #tpu.memory_space<vmem>> -> memref<50x128xf32, #tpu.memory_space<vmem>>
        %get3A_1043 = arith.index_cast %add3A_1038 : i32 to index
        %get3A_1044 = arith.constant 80 : index
        %get3A_1045 = tpu.vector_load %get3A_1042[%get3A_1043, %get3A_1044] {strides = array<i32>} : memref<50x128xf32, #tpu.memory_space<vmem>>, vector<1x16xf32>,
        %get3A_1046 = vector.shape_cast %get3A_1045 : vector<1x16xf32> to vector<16xf32>
        %add3A_1047 = arith.addf %add3A_959, %get3A_1046 : vector<16xf32>
        %add3A_1048 = arith.constant 2 : i32
        %add3A_1049 = arith.addi %add3A_806, %add3A_1048 : i32
        %get3A_1050 = arith.constant 0 : i32
        %get3A_1051 = arith.constant 0 : i32
        %get3A_1052 = tpu.memref_slice %arg7[%scan3A_475, %get3A_1050, %get3A_1051] : memref<8x50x128xf32, #tpu.memory_space<vmem>> -> memref<1x50x128xf32, #tpu.memory_space<vmem>>
        %get3A_1053 = tpu.memref_squeeze %get3A_1052 : memref<1x50x128xf32, #tpu.memory_space<vmem>> -> memref<50x128xf32, #tpu.memory_space<vmem>>
        %get3A_1054 = arith.index_cast %add3A_1049 : i32 to index
        %get3A_1055 = arith.constant 96 : index
        %get3A_1056 = tpu.vector_load %get3A_1053[%get3A_1054, %get3A_1055] {strides = array<i32>} : memref<50x128xf32, #tpu.memory_space<vmem>>, vector<1x16xf32>,
        %get3A_1057 = vector.shape_cast %get3A_1056 : vector<1x16xf32> to vector<16xf32>
        %add3A_1058 = arith.addf %add3A_970, %get3A_1057 : vector<16xf32>
        %add3A_1059 = arith.constant 2 : i32
        %add3A_1060 = arith.addi %add3A_806, %add3A_1059 : i32
        %get3A_1061 = arith.constant 0 : i32
        %get3A_1062 = arith.constant 0 : i32
        %get3A_1063 = tpu.memref_slice %arg7[%scan3A_475, %get3A_1061, %get3A_1062] : memref<8x50x128xf32, #tpu.memory_space<vmem>> -> memref<1x50x128xf32, #tpu.memory_space<vmem>>
        %get3A_1064 = tpu.memref_squeeze %get3A_1063 : memref<1x50x128xf32, #tpu.memory_space<vmem>> -> memref<50x128xf32, #tpu.memory_space<vmem>>
        %get3A_1065 = arith.index_cast %add3A_1060 : i32 to index
        %get3A_1066 = arith.constant 112 : index
        %get3A_1067 = tpu.vector_load %get3A_1064[%get3A_1065, %get3A_1066] {strides = array<i32>} : memref<50x128xf32, #tpu.memory_space<vmem>>, vector<1x16xf32>,
        %get3A_1068 = vector.shape_cast %get3A_1067 : vector<1x16xf32> to vector<16xf32>
        %add3A_1069 = arith.addf %add3A_981, %get3A_1068 : vector<16xf32>
        %add3A_1070 = arith.constant 3 : i32
        %add3A_1071 = arith.addi %add3A_806, %add3A_1070 : i32
        %get3A_1072 = arith.constant 0 : i32
        %get3A_1073 = arith.constant 0 : i32
        %get3A_1074 = tpu.memref_slice %arg7[%scan3A_475, %get3A_1072, %get3A_1073] : memref<8x50x128xf32, #tpu.memory_space<vmem>> -> memref<1x50x128xf32, #tpu.memory_space<vmem>>
        %get3A_1075 = tpu.memref_squeeze %get3A_1074 : memref<1x50x128xf32, #tpu.memory_space<vmem>> -> memref<50x128xf32, #tpu.memory_space<vmem>>
        %get3A_1076 = arith.index_cast %add3A_1071 : i32 to index
        %get3A_1077 = arith.constant 0 : index
        %get3A_1078 = tpu.vector_load %get3A_1075[%get3A_1076, %get3A_1077] {strides = array<i32>} : memref<50x128xf32, #tpu.memory_space<vmem>>, vector<1x16xf32>,
        %get3A_1079 = vector.shape_cast %get3A_1078 : vector<1x16xf32> to vector<16xf32>
        %add3A_1080 = arith.addf %add3A_992, %get3A_1079 : vector<16xf32>
        %add3A_1081 = arith.constant 3 : i32
        %add3A_1082 = arith.addi %add3A_806, %add3A_1081 : i32
        %get3A_1083 = arith.constant 0 : i32
        %get3A_1084 = arith.constant 0 : i32
        %get3A_1085 = tpu.memref_slice %arg7[%scan3A_475, %get3A_1083, %get3A_1084] : memref<8x50x128xf32, #tpu.memory_space<vmem>> -> memref<1x50x128xf32, #tpu.memory_space<vmem>>
        %get3A_1086 = tpu.memref_squeeze %get3A_1085 : memref<1x50x128xf32, #tpu.memory_space<vmem>> -> memref<50x128xf32, #tpu.memory_space<vmem>>
        %get3A_1087 = arith.index_cast %add3A_1082 : i32 to index
        %get3A_1088 = arith.constant 16 : index
        %get3A_1089 = tpu.vector_load %get3A_1086[%get3A_1087, %get3A_1088] {strides = array<i32>} : memref<50x128xf32, #tpu.memory_space<vmem>>, vector<1x16xf32>,
        %get3A_1090 = vector.shape_cast %get3A_1089 : vector<1x16xf32> to vector<16xf32>
        %add3A_1091 = arith.addf %add3A_1003, %get3A_1090 : vector<16xf32>
        %add3A_1092 = arith.constant 3 : i32
        %add3A_1093 = arith.addi %add3A_806, %add3A_1092 : i32
        %get3A_1094 = arith.constant 0 : i32
        %get3A_1095 = arith.constant 0 : i32
        %get3A_1096 = tpu.memref_slice %arg7[%scan3A_475, %get3A_1094, %get3A_1095] : memref<8x50x128xf32, #tpu.memory_space<vmem>> -> memref<1x50x128xf32, #tpu.memory_space<vmem>>
        %get3A_1097 = tpu.memref_squeeze %get3A_1096 : memref<1x50x128xf32, #tpu.memory_space<vmem>> -> memref<50x128xf32, #tpu.memory_space<vmem>>
        %get3A_1098 = arith.index_cast %add3A_1093 : i32 to index
        %get3A_1099 = arith.constant 32 : index
        %get3A_1100 = tpu.vector_load %get3A_1097[%get3A_1098, %get3A_1099] {strides = array<i32>} : memref<50x128xf32, #tpu.memory_space<vmem>>, vector<1x16xf32>,
        %get3A_1101 = vector.shape_cast %get3A_1100 : vector<1x16xf32> to vector<16xf32>
        %add3A_1102 = arith.addf %add3A_1014, %get3A_1101 : vector<16xf32>
        %add3A_1103 = arith.constant 3 : i32
        %add3A_1104 = arith.addi %add3A_806, %add3A_1103 : i32
        %get3A_1105 = arith.constant 0 : i32
        %get3A_1106 = arith.constant 0 : i32
        %get3A_1107 = tpu.memref_slice %arg7[%scan3A_475, %get3A_1105, %get3A_1106] : memref<8x50x128xf32, #tpu.memory_space<vmem>> -> memref<1x50x128xf32, #tpu.memory_space<vmem>>
        %get3A_1108 = tpu.memref_squeeze %get3A_1107 : memref<1x50x128xf32, #tpu.memory_space<vmem>> -> memref<50x128xf32, #tpu.memory_space<vmem>>
        %get3A_1109 = arith.index_cast %add3A_1104 : i32 to index
        %get3A_1110 = arith.constant 48 : index
        %get3A_1111 = tpu.vector_load %get3A_1108[%get3A_1109, %get3A_1110] {strides = array<i32>} : memref<50x128xf32, #tpu.memory_space<vmem>>, vector<1x16xf32>,
        %get3A_1112 = vector.shape_cast %get3A_1111 : vector<1x16xf32> to vector<16xf32>
        %add3A_1113 = arith.addf %add3A_1025, %get3A_1112 : vector<16xf32>
        %add3A_1114 = arith.constant 3 : i32
        %add3A_1115 = arith.addi %add3A_806, %add3A_1114 : i32
        %get3A_1116 = arith.constant 0 : i32
        %get3A_1117 = arith.constant 0 : i32
        %get3A_1118 = tpu.memref_slice %arg7[%scan3A_475, %get3A_1116, %get3A_1117] : memref<8x50x128xf32, #tpu.memory_space<vmem>> -> memref<1x50x128xf32, #tpu.memory_space<vmem>>
        %get3A_1119 = tpu.memref_squeeze %get3A_1118 : memref<1x50x128xf32, #tpu.memory_space<vmem>> -> memref<50x128xf32, #tpu.memory_space<vmem>>
        %get3A_1120 = arith.index_cast %add3A_1115 : i32 to index
        %get3A_1121 = arith.constant 64 : index
        %get3A_1122 = tpu.vector_load %get3A_1119[%get3A_1120, %get3A_1121] {strides = array<i32>} : memref<50x128xf32, #tpu.memory_space<vmem>>, vector<1x16xf32>,
        %get3A_1123 = vector.shape_cast %get3A_1122 : vector<1x16xf32> to vector<16xf32>
        %add3A_1124 = arith.addf %add3A_1036, %get3A_1123 : vector<16xf32>
        %add3A_1125 = arith.constant 3 : i32
        %add3A_1126 = arith.addi %add3A_806, %add3A_1125 : i32
        %get3A_1127 = arith.constant 0 : i32
        %get3A_1128 = arith.constant 0 : i32
        %get3A_1129 = tpu.memref_slice %arg7[%scan3A_475, %get3A_1127, %get3A_1128] : memref<8x50x128xf32, #tpu.memory_space<vmem>> -> memref<1x50x128xf32, #tpu.memory_space<vmem>>
        %get3A_1130 = tpu.memref_squeeze %get3A_1129 : memref<1x50x128xf32, #tpu.memory_space<vmem>> -> memref<50x128xf32, #tpu.memory_space<vmem>>
        %get3A_1131 = arith.index_cast %add3A_1126 : i32 to index
        %get3A_1132 = arith.constant 80 : index
        %get3A_1133 = tpu.vector_load %get3A_1130[%get3A_1131, %get3A_1132] {strides = array<i32>} : memref<50x128xf32, #tpu.memory_space<vmem>>, vector<1x16xf32>,
        %get3A_1134 = vector.shape_cast %get3A_1133 : vector<1x16xf32> to vector<16xf32>
        %add3A_1135 = arith.addf %add3A_1047, %get3A_1134 : vector<16xf32>
        %add3A_1136 = arith.constant 3 : i32
        %add3A_1137 = arith.addi %add3A_806, %add3A_1136 : i32
        %get3A_1138 = arith.constant 0 : i32
        %get3A_1139 = arith.constant 0 : i32
        %get3A_1140 = tpu.memref_slice %arg7[%scan3A_475, %get3A_1138, %get3A_1139] : memref<8x50x128xf32, #tpu.memory_space<vmem>> -> memref<1x50x128xf32, #tpu.memory_space<vmem>>
        %get3A_1141 = tpu.memref_squeeze %get3A_1140 : memref<1x50x128xf32, #tpu.memory_space<vmem>> -> memref<50x128xf32, #tpu.memory_space<vmem>>
        %get3A_1142 = arith.index_cast %add3A_1137 : i32 to index
        %get3A_1143 = arith.constant 96 : index
        %get3A_1144 = tpu.vector_load %get3A_1141[%get3A_1142, %get3A_1143] {strides = array<i32>} : memref<50x128xf32, #tpu.memory_space<vmem>>, vector<1x16xf32>,
        %get3A_1145 = vector.shape_cast %get3A_1144 : vector<1x16xf32> to vector<16xf32>
        %add3A_1146 = arith.addf %add3A_1058, %get3A_1145 : vector<16xf32>
        %add3A_1147 = arith.constant 3 : i32
        %add3A_1148 = arith.addi %add3A_806, %add3A_1147 : i32
        %get3A_1149 = arith.constant 0 : i32
        %get3A_1150 = arith.constant 0 : i32
        %get3A_1151 = tpu.memref_slice %arg7[%scan3A_475, %get3A_1149, %get3A_1150] : memref<8x50x128xf32, #tpu.memory_space<vmem>> -> memref<1x50x128xf32, #tpu.memory_space<vmem>>
        %get3A_1152 = tpu.memref_squeeze %get3A_1151 : memref<1x50x128xf32, #tpu.memory_space<vmem>> -> memref<50x128xf32, #tpu.memory_space<vmem>>
        %get3A_1153 = arith.index_cast %add3A_1148 : i32 to index
        %get3A_1154 = arith.constant 112 : index
        %get3A_1155 = tpu.vector_load %get3A_1152[%get3A_1153, %get3A_1154] {strides = array<i32>} : memref<50x128xf32, #tpu.memory_space<vmem>>, vector<1x16xf32>,
        %get3A_1156 = vector.shape_cast %get3A_1155 : vector<1x16xf32> to vector<16xf32>
        %add3A_1157 = arith.addf %add3A_1069, %get3A_1156 : vector<16xf32>
        %add3A_1158 = arith.constant 4 : i32
        %add3A_1159 = arith.addi %add3A_806, %add3A_1158 : i32
        %get3A_1160 = arith.constant 0 : i32
        %get3A_1161 = arith.constant 0 : i32
        %get3A_1162 = tpu.memref_slice %arg7[%scan3A_475, %get3A_1160, %get3A_1161] : memref<8x50x128xf32, #tpu.memory_space<vmem>> -> memref<1x50x128xf32, #tpu.memory_space<vmem>>
        %get3A_1163 = tpu.memref_squeeze %get3A_1162 : memref<1x50x128xf32, #tpu.memory_space<vmem>> -> memref<50x128xf32, #tpu.memory_space<vmem>>
        %get3A_1164 = arith.index_cast %add3A_1159 : i32 to index
        %get3A_1165 = arith.constant 0 : index
        %get3A_1166 = tpu.vector_load %get3A_1163[%get3A_1164, %get3A_1165] {strides = array<i32>} : memref<50x128xf32, #tpu.memory_space<vmem>>, vector<1x16xf32>,
        %get3A_1167 = vector.shape_cast %get3A_1166 : vector<1x16xf32> to vector<16xf32>
        %add3A_1168 = arith.addf %add3A_1080, %get3A_1167 : vector<16xf32>
        %add3A_1169 = arith.constant 4 : i32
        %add3A_1170 = arith.addi %add3A_806, %add3A_1169 : i32
        %get3A_1171 = arith.constant 0 : i32
        %get3A_1172 = arith.constant 0 : i32
        %get3A_1173 = tpu.memref_slice %arg7[%scan3A_475, %get3A_1171, %get3A_1172] : memref<8x50x128xf32, #tpu.memory_space<vmem>> -> memref<1x50x128xf32, #tpu.memory_space<vmem>>
        %get3A_1174 = tpu.memref_squeeze %get3A_1173 : memref<1x50x128xf32, #tpu.memory_space<vmem>> -> memref<50x128xf32, #tpu.memory_space<vmem>>
        %get3A_1175 = arith.index_cast %add3A_1170 : i32 to index
        %get3A_1176 = arith.constant 16 : index
        %get3A_1177 = tpu.vector_load %get3A_1174[%get3A_1175, %get3A_1176] {strides = array<i32>} : memref<50x128xf32, #tpu.memory_space<vmem>>, vector<1x16xf32>,
        %get3A_1178 = vector.shape_cast %get3A_1177 : vector<1x16xf32> to vector<16xf32>
        %add3A_1179 = arith.addf %add3A_1091, %get3A_1178 : vector<16xf32>
        %add3A_1180 = arith.constant 4 : i32
        %add3A_1181 = arith.addi %add3A_806, %add3A_1180 : i32
        %get3A_1182 = arith.constant 0 : i32
        %get3A_1183 = arith.constant 0 : i32
        %get3A_1184 = tpu.memref_slice %arg7[%scan3A_475, %get3A_1182, %get3A_1183] : memref<8x50x128xf32, #tpu.memory_space<vmem>> -> memref<1x50x128xf32, #tpu.memory_space<vmem>>
        %get3A_1185 = tpu.memref_squeeze %get3A_1184 : memref<1x50x128xf32, #tpu.memory_space<vmem>> -> memref<50x128xf32, #tpu.memory_space<vmem>>
        %get3A_1186 = arith.index_cast %add3A_1181 : i32 to index
        %get3A_1187 = arith.constant 32 : index
        %get3A_1188 = tpu.vector_load %get3A_1185[%get3A_1186, %get3A_1187] {strides = array<i32>} : memref<50x128xf32, #tpu.memory_space<vmem>>, vector<1x16xf32>,
        %get3A_1189 = vector.shape_cast %get3A_1188 : vector<1x16xf32> to vector<16xf32>
        %add3A_1190 = arith.addf %add3A_1102, %get3A_1189 : vector<16xf32>
        %add3A_1191 = arith.constant 4 : i32
        %add3A_1192 = arith.addi %add3A_806, %add3A_1191 : i32
        %get3A_1193 = arith.constant 0 : i32
        %get3A_1194 = arith.constant 0 : i32
        %get3A_1195 = tpu.memref_slice %arg7[%scan3A_475, %get3A_1193, %get3A_1194] : memref<8x50x128xf32, #tpu.memory_space<vmem>> -> memref<1x50x128xf32, #tpu.memory_space<vmem>>
        %get3A_1196 = tpu.memref_squeeze %get3A_1195 : memref<1x50x128xf32, #tpu.memory_space<vmem>> -> memref<50x128xf32, #tpu.memory_space<vmem>>
        %get3A_1197 = arith.index_cast %add3A_1192 : i32 to index
        %get3A_1198 = arith.constant 48 : index
        %get3A_1199 = tpu.vector_load %get3A_1196[%get3A_1197, %get3A_1198] {strides = array<i32>} : memref<50x128xf32, #tpu.memory_space<vmem>>, vector<1x16xf32>,
        %get3A_1200 = vector.shape_cast %get3A_1199 : vector<1x16xf32> to vector<16xf32>
        %add3A_1201 = arith.addf %add3A_1113, %get3A_1200 : vector<16xf32>
        %add3A_1202 = arith.constant 4 : i32
        %add3A_1203 = arith.addi %add3A_806, %add3A_1202 : i32
        %get3A_1204 = arith.constant 0 : i32
        %get3A_1205 = arith.constant 0 : i32
        %get3A_1206 = tpu.memref_slice %arg7[%scan3A_475, %get3A_1204, %get3A_1205] : memref<8x50x128xf32, #tpu.memory_space<vmem>> -> memref<1x50x128xf32, #tpu.memory_space<vmem>>
        %get3A_1207 = tpu.memref_squeeze %get3A_1206 : memref<1x50x128xf32, #tpu.memory_space<vmem>> -> memref<50x128xf32, #tpu.memory_space<vmem>>
        %get3A_1208 = arith.index_cast %add3A_1203 : i32 to index
        %get3A_1209 = arith.constant 64 : index
        %get3A_1210 = tpu.vector_load %get3A_1207[%get3A_1208, %get3A_1209] {strides = array<i32>} : memref<50x128xf32, #tpu.memory_space<vmem>>, vector<1x16xf32>,
        %get3A_1211 = vector.shape_cast %get3A_1210 : vector<1x16xf32> to vector<16xf32>
        %add3A_1212 = arith.addf %add3A_1124, %get3A_1211 : vector<16xf32>
        %add3A_1213 = arith.constant 4 : i32
        %add3A_1214 = arith.addi %add3A_806, %add3A_1213 : i32
        %get3A_1215 = arith.constant 0 : i32
        %get3A_1216 = arith.constant 0 : i32
        %get3A_1217 = tpu.memref_slice %arg7[%scan3A_475, %get3A_1215, %get3A_1216] : memref<8x50x128xf32, #tpu.memory_space<vmem>> -> memref<1x50x128xf32, #tpu.memory_space<vmem>>
        %get3A_1218 = tpu.memref_squeeze %get3A_1217 : memref<1x50x128xf32, #tpu.memory_space<vmem>> -> memref<50x128xf32, #tpu.memory_space<vmem>>
        %get3A_1219 = arith.index_cast %add3A_1214 : i32 to index
        %get3A_1220 = arith.constant 80 : index
        %get3A_1221 = tpu.vector_load %get3A_1218[%get3A_1219, %get3A_1220] {strides = array<i32>} : memref<50x128xf32, #tpu.memory_space<vmem>>, vector<1x16xf32>,
        %get3A_1222 = vector.shape_cast %get3A_1221 : vector<1x16xf32> to vector<16xf32>
        %add3A_1223 = arith.addf %add3A_1135, %get3A_1222 : vector<16xf32>
        %add3A_1224 = arith.constant 4 : i32
        %add3A_1225 = arith.addi %add3A_806, %add3A_1224 : i32
        %get3A_1226 = arith.constant 0 : i32
        %get3A_1227 = arith.constant 0 : i32
        %get3A_1228 = tpu.memref_slice %arg7[%scan3A_475, %get3A_1226, %get3A_1227] : memref<8x50x128xf32, #tpu.memory_space<vmem>> -> memref<1x50x128xf32, #tpu.memory_space<vmem>>
        %get3A_1229 = tpu.memref_squeeze %get3A_1228 : memref<1x50x128xf32, #tpu.memory_space<vmem>> -> memref<50x128xf32, #tpu.memory_space<vmem>>
        %get3A_1230 = arith.index_cast %add3A_1225 : i32 to index
        %get3A_1231 = arith.constant 96 : index
        %get3A_1232 = tpu.vector_load %get3A_1229[%get3A_1230, %get3A_1231] {strides = array<i32>} : memref<50x128xf32, #tpu.memory_space<vmem>>, vector<1x16xf32>,
        %get3A_1233 = vector.shape_cast %get3A_1232 : vector<1x16xf32> to vector<16xf32>
        %add3A_1234 = arith.addf %add3A_1146, %get3A_1233 : vector<16xf32>
        %add3A_1235 = arith.constant 4 : i32
        %add3A_1236 = arith.addi %add3A_806, %add3A_1235 : i32
        %get3A_1237 = arith.constant 0 : i32
        %get3A_1238 = arith.constant 0 : i32
        %get3A_1239 = tpu.memref_slice %arg7[%scan3A_475, %get3A_1237, %get3A_1238] : memref<8x50x128xf32, #tpu.memory_space<vmem>> -> memref<1x50x128xf32, #tpu.memory_space<vmem>>
        %get3A_1240 = tpu.memref_squeeze %get3A_1239 : memref<1x50x128xf32, #tpu.memory_space<vmem>> -> memref<50x128xf32, #tpu.memory_space<vmem>>
        %get3A_1241 = arith.index_cast %add3A_1236 : i32 to index
        %get3A_1242 = arith.constant 112 : index
        %get3A_1243 = tpu.vector_load %get3A_1240[%get3A_1241, %get3A_1242] {strides = array<i32>} : memref<50x128xf32, #tpu.memory_space<vmem>>, vector<1x16xf32>,
        %get3A_1244 = vector.shape_cast %get3A_1243 : vector<1x16xf32> to vector<16xf32>
        %add3A_1245 = arith.addf %add3A_1157, %get3A_1244 : vector<16xf32>
        scf.yield %add3A_1168, %add3A_1179, %add3A_1190, %add3A_1201, %add3A_1212, %add3A_1223, %add3A_1234, %add3A_1245 : vector<16xf32>, vector<16xf32>, vector<16xf32>, vector<16xf32>, vector<16xf32>, vector<16xf32>, vector<16xf32>, vector<16xf32>
      }
      %scan3A_481 = arith.constant 10 : i32
      %mul3A_482 = arith.constant 1 : i32
      %mul3A_483 = arith.muli %add3A_449, %mul3A_482 : i32
      %add3A_484 = arith.constant 0 : i32
      %add3A_485 = arith.addi %mul3A_483, %add3A_484 : i32
      %swap3A_486 = arith.index_cast %add3A_485 : i32 to index
      %swap3A_487 = arith.constant 0 : index
      %swap3A_488 = tpu.vector_load %arg8[%swap3A_486, %swap3A_487] {strides = array<i32>} : memref<128x128xf32, #tpu.memory_space<vmem>>, vector<1x16xf32>,
      %swap3A_489 = vector.shape_cast %swap3A_488 : vector<1x16xf32> to vector<16xf32>
      %swap3A_490 = vector.shape_cast %scan3A_480#0 : vector<16xf32> to vector<1x16xf32>
      tpu.vector_store %arg8[%swap3A_486, %swap3A_487], %swap3A_490 {strides = array<i32>} : memref<128x128xf32, #tpu.memory_space<vmem>>, vector<1x16xf32>,
      %swap3A_491 = arith.index_cast %add3A_485 : i32 to index
      %swap3A_492 = arith.constant 16 : index
      %swap3A_493 = tpu.vector_load %arg8[%swap3A_491, %swap3A_492] {strides = array<i32>} : memref<128x128xf32, #tpu.memory_space<vmem>>, vector<1x16xf32>,
      %swap3A_494 = vector.shape_cast %swap3A_493 : vector<1x16xf32> to vector<16xf32>
      %swap3A_495 = vector.shape_cast %scan3A_480#1 : vector<16xf32> to vector<1x16xf32>
      tpu.vector_store %arg8[%swap3A_491, %swap3A_492], %swap3A_495 {strides = array<i32>} : memref<128x128xf32, #tpu.memory_space<vmem>>, vector<1x16xf32>,
      %swap3A_496 = arith.index_cast %add3A_485 : i32 to index
      %swap3A_497 = arith.constant 32 : index
      %swap3A_498 = tpu.vector_load %arg8[%swap3A_496, %swap3A_497] {strides = array<i32>} : memref<128x128xf32, #tpu.memory_space<vmem>>, vector<1x16xf32>,
      %swap3A_499 = vector.shape_cast %swap3A_498 : vector<1x16xf32> to vector<16xf32>
      %swap3A_500 = vector.shape_cast %scan3A_480#2 : vector<16xf32> to vector<1x16xf32>
      tpu.vector_store %arg8[%swap3A_496, %swap3A_497], %swap3A_500 {strides = array<i32>} : memref<128x128xf32, #tpu.memory_space<vmem>>, vector<1x16xf32>,
      %swap3A_501 = arith.index_cast %add3A_485 : i32 to index
      %swap3A_502 = arith.constant 48 : index
      %swap3A_503 = tpu.vector_load %arg8[%swap3A_501, %swap3A_502] {strides = array<i32>} : memref<128x128xf32, #tpu.memory_space<vmem>>, vector<1x16xf32>,
      %swap3A_504 = vector.shape_cast %swap3A_503 : vector<1x16xf32> to vector<16xf32>
      %swap3A_505 = vector.shape_cast %scan3A_480#3 : vector<16xf32> to vector<1x16xf32>
      tpu.vector_store %arg8[%swap3A_501, %swap3A_502], %swap3A_505 {strides = array<i32>} : memref<128x128xf32, #tpu.memory_space<vmem>>, vector<1x16xf32>,
      %swap3A_506 = arith.index_cast %add3A_485 : i32 to index
      %swap3A_507 = arith.constant 64 : index
      %swap3A_508 = tpu.vector_load %arg8[%swap3A_506, %swap3A_507] {strides = array<i32>} : memref<128x128xf32, #tpu.memory_space<vmem>>, vector<1x16xf32>,
      %swap3A_509 = vector.shape_cast %swap3A_508 : vector<1x16xf32> to vector<16xf32>
      %swap3A_510 = vector.shape_cast %scan3A_480#4 : vector<16xf32> to vector<1x16xf32>
      tpu.vector_store %arg8[%swap3A_506, %swap3A_507], %swap3A_510 {strides = array<i32>} : memref<128x128xf32, #tpu.memory_space<vmem>>, vector<1x16xf32>,
      %swap3A_511 = arith.index_cast %add3A_485 : i32 to index
      %swap3A_512 = arith.constant 80 : index
      %swap3A_513 = tpu.vector_load %arg8[%swap3A_511, %swap3A_512] {strides = array<i32>} : memref<128x128xf32, #tpu.memory_space<vmem>>, vector<1x16xf32>,
      %swap3A_514 = vector.shape_cast %swap3A_513 : vector<1x16xf32> to vector<16xf32>
      %swap3A_515 = vector.shape_cast %scan3A_480#5 : vector<16xf32> to vector<1x16xf32>
      tpu.vector_store %arg8[%swap3A_511, %swap3A_512], %swap3A_515 {strides = array<i32>} : memref<128x128xf32, #tpu.memory_space<vmem>>, vector<1x16xf32>,
      %swap3A_516 = arith.index_cast %add3A_485 : i32 to index
      %swap3A_517 = arith.constant 96 : index
      %swap3A_518 = tpu.vector_load %arg8[%swap3A_516, %swap3A_517] {strides = array<i32>} : memref<128x128xf32, #tpu.memory_space<vmem>>, vector<1x16xf32>,
      %swap3A_519 = vector.shape_cast %swap3A_518 : vector<1x16xf32> to vector<16xf32>
      %swap3A_520 = vector.shape_cast %scan3A_480#6 : vector<16xf32> to vector<1x16xf32>
      tpu.vector_store %arg8[%swap3A_516, %swap3A_517], %swap3A_520 {strides = array<i32>} : memref<128x128xf32, #tpu.memory_space<vmem>>, vector<1x16xf32>,
      %swap3A_521 = arith.index_cast %add3A_485 : i32 to index
      %swap3A_522 = arith.constant 112 : index
      %swap3A_523 = tpu.vector_load %arg8[%swap3A_521, %swap3A_522] {strides = array<i32>} : memref<128x128xf32, #tpu.memory_space<vmem>>, vector<1x16xf32>,
      %swap3A_524 = vector.shape_cast %swap3A_523 : vector<1x16xf32> to vector<16xf32>
      %swap3A_525 = vector.shape_cast %scan3A_480#7 : vector<16xf32> to vector<1x16xf32>
      tpu.vector_store %arg8[%swap3A_521, %swap3A_522], %swap3A_525 {strides = array<i32>} : memref<128x128xf32, #tpu.memory_space<vmem>>, vector<1x16xf32>,
      %add3A_526 = arith.constant 8 : i32
      %add3A_527 = arith.addi %add3A_449, %add3A_526 : i32
      %lt3A_528 = arith.constant 128 : i32
      %lt3A_529 = arith.cmpi slt, %add3A_527, %lt3A_528 : i32
      %convert_element_type3A_530 = arith.extui %lt3A_529 : i1 to i32
      %cond3A_531 = arith.constant 0 : i32
      %cond3A_532 = arith.cmpi ne, %convert_element_type3A_530, %cond3A_531 : i32
      scf.if %cond3A_532 {
        %add3A_794 = arith.constant 8 : i32
        %add3A_795 = arith.addi %add3A_449, %add3A_794 : i32
        %dma_start3A_796 = arith.constant 4 : i32
        %dma_start3A_797 = arith.constant 0 : i32
        %dma_start3A_798 = arith.constant 0 : i32
        %dma_start3A_799 = tpu.memref_slice %arg7[%dma_start3A_796, %dma_start3A_797, %dma_start3A_798] : memref<8x50x128xf32, #tpu.memory_space<vmem>> -> memref<1x50x128xf32, #tpu.memory_space<vmem>>
        %dma_start3A_800 = tpu.memref_squeeze %dma_start3A_799 : memref<1x50x128xf32, #tpu.memory_space<vmem>> -> memref<50x128xf32, #tpu.memory_space<vmem>>
        %dma_start3A_801 = arith.constant 0 : i32
        %dma_start3A_802 = tpu.memref_slice %arg6[%add3A_795, %dma_start3A_801] : memref<128x50xi32, #tpu.memory_space<vmem>> -> memref<1x50xi32, #tpu.memory_space<vmem>>
        %dma_start3A_803 = tpu.memref_squeeze %dma_start3A_802 : memref<1x50xi32, #tpu.memory_space<vmem>> -> memref<50xi32, #tpu.memory_space<vmem>>
        %dma_start3A_804 = arith.constant 0 : i32
        %dma_start3A_805 = arith.constant 0 : i32
        %dma_start3A_806 = tpu.memref_slice %arg3[%dma_start3A_804, %dma_start3A_805] : memref<100000x128xf32, #tpu.memory_space<hbm>> -> memref<100000x128xf32, #tpu.memory_space<hbm>>
        tpu.enqueue_indirect_dma source(%dma_start3A_806 : memref<100000x128xf32, #tpu.memory_space<hbm>>) target(%dma_start3A_800 : memref<50x128xf32, #tpu.memory_space<vmem>>) offsets(%dma_start3A_803 : memref<50xi32, #tpu.memory_space<vmem>>) semaphore(%arg13 : memref<!tpu.dma_semaphore, #tpu.memory_space<semaphore_mem>>)
      } else {
      }
      %mul3A_533 = arith.constant 8 : i32
      %mul3A_534 = arith.muli %scan3A_103, %mul3A_533 : i32
      %add3A_535 = arith.constant 5 : i32
      %add3A_536 = arith.addi %mul3A_534, %add3A_535 : i32
      %dma_wait3A_537 = arith.constant 5 : i32
      %dma_wait3A_538 = arith.constant 0 : i32
      %dma_wait3A_539 = arith.constant 0 : i32
      %dma_wait3A_540 = tpu.memref_slice %arg7[%dma_wait3A_537, %dma_wait3A_538, %dma_wait3A_539] : memref<8x50x128xf32, #tpu.memory_space<vmem>> -> memref<1x50x128xf32, #tpu.memory_space<vmem>>
      %dma_wait3A_541 = tpu.memref_squeeze %dma_wait3A_540 : memref<1x50x128xf32, #tpu.memory_space<vmem>> -> memref<50x128xf32, #tpu.memory_space<vmem>>
      %dma_wait3A_542 = arith.constant 0 : i32
      %dma_wait3A_543 = arith.constant 0 : i32
      %dma_wait3A_544 = tpu.memref_slice %arg7[%dma_wait3A_537, %dma_wait3A_542, %dma_wait3A_543] : memref<8x50x128xf32, #tpu.memory_space<vmem>> -> memref<1x50x128xf32, #tpu.memory_space<vmem>>
      %dma_wait3A_545 = tpu.memref_squeeze %dma_wait3A_544 : memref<1x50x128xf32, #tpu.memory_space<vmem>> -> memref<50x128xf32, #tpu.memory_space<vmem>>
      tpu.wait_dma2 semaphore(%arg14 : memref<!tpu.dma_semaphore, #tpu.memory_space<semaphore_mem>>) src(%arg4 : memref<50x128xf32, #tpu.memory_space<hbm>>) dst(%dma_wait3A_545 : memref<50x128xf32, #tpu.memory_space<vmem>>)
      %broadcast_in_dim3A_546 = arith.constant 0.000000e+00 : f32
      %broadcast_in_dim3A_547 = vector.broadcast %broadcast_in_dim3A_546 : f32 to vector<16xf32>
      %broadcast_in_dim3A_548 = arith.constant 0.000000e+00 : f32
      %broadcast_in_dim3A_549 = vector.broadcast %broadcast_in_dim3A_548 : f32 to vector<16xf32>
      %broadcast_in_dim3A_550 = arith.constant 0.000000e+00 : f32
      %broadcast_in_dim3A_551 = vector.broadcast %broadcast_in_dim3A_550 : f32 to vector<16xf32>
      %broadcast_in_dim3A_552 = arith.constant 0.000000e+00 : f32
      %broadcast_in_dim3A_553 = vector.broadcast %broadcast_in_dim3A_552 : f32 to vector<16xf32>
      %broadcast_in_dim3A_554 = arith.constant 0.000000e+00 : f32
      %broadcast_in_dim3A_555 = vector.broadcast %broadcast_in_dim3A_554 : f32 to vector<16xf32>
      %broadcast_in_dim3A_556 = arith.constant 0.000000e+00 : f32
      %broadcast_in_dim3A_557 = vector.broadcast %broadcast_in_dim3A_556 : f32 to vector<16xf32>
      %broadcast_in_dim3A_558 = arith.constant 0.000000e+00 : f32
      %broadcast_in_dim3A_559 = vector.broadcast %broadcast_in_dim3A_558 : f32 to vector<16xf32>
      %broadcast_in_dim3A_560 = arith.constant 0.000000e+00 : f32
      %broadcast_in_dim3A_561 = vector.broadcast %broadcast_in_dim3A_560 : f32 to vector<16xf32>
      %scan3A_562 = arith.constant 5 : i32
      %scan3A_563 = arith.constant 0 : i32
      %scan3A_564 = arith.constant 10 : i32
      %scan3A_565 = arith.addi %scan3A_563, %scan3A_564 : i32
      %scan3A_566 = arith.constant 1 : i32
      %scan3A_567:8 = scf.for %scan3A_794 = %scan3A_563 to %scan3A_565 step %scan3A_566 iter_args(%scan3A_795 = %broadcast_in_dim3A_547, %scan3A_796 = %broadcast_in_dim3A_549, %scan3A_797 = %broadcast_in_dim3A_551, %scan3A_798 = %broadcast_in_dim3A_553, %scan3A_799 = %broadcast_in_dim3A_555, %scan3A_800 = %broadcast_in_dim3A_557, %scan3A_801 = %broadcast_in_dim3A_559, %scan3A_802 = %broadcast_in_dim3A_561) -> (vector<16xf32>, vector<16xf32>, vector<16xf32>, vector<16xf32>, vector<16xf32>, vector<16xf32>, vector<16xf32>, vector<16xf32>)  : i32 {
        %mul3A_803 = arith.constant 5 : i32
        %mul3A_804 = arith.muli %scan3A_794, %mul3A_803 : i32
        %add3A_805 = arith.constant 0 : i32
        %add3A_806 = arith.addi %add3A_805, %mul3A_804 : i32
        %add3A_807 = arith.constant 0 : i32
        %add3A_808 = arith.addi %add3A_806, %add3A_807 : i32
        %get3A = arith.constant 0 : i32
        %get3A_809 = arith.constant 0 : i32
        %get3A_810 = tpu.memref_slice %arg7[%scan3A_562, %get3A, %get3A_809] : memref<8x50x128xf32, #tpu.memory_space<vmem>> -> memref<1x50x128xf32, #tpu.memory_space<vmem>>
        %get3A_811 = tpu.memref_squeeze %get3A_810 : memref<1x50x128xf32, #tpu.memory_space<vmem>> -> memref<50x128xf32, #tpu.memory_space<vmem>>
        %get3A_812 = arith.index_cast %add3A_808 : i32 to index
        %get3A_813 = arith.constant 0 : index
        %get3A_814 = tpu.vector_load %get3A_811[%get3A_812, %get3A_813] {strides = array<i32>} : memref<50x128xf32, #tpu.memory_space<vmem>>, vector<1x16xf32>,
        %get3A_815 = vector.shape_cast %get3A_814 : vector<1x16xf32> to vector<16xf32>
        %add3A_816 = arith.addf %scan3A_795, %get3A_815 : vector<16xf32>
        %add3A_817 = arith.constant 0 : i32
        %add3A_818 = arith.addi %add3A_806, %add3A_817 : i32
        %get3A_819 = arith.constant 0 : i32
        %get3A_820 = arith.constant 0 : i32
        %get3A_821 = tpu.memref_slice %arg7[%scan3A_562, %get3A_819, %get3A_820] : memref<8x50x128xf32, #tpu.memory_space<vmem>> -> memref<1x50x128xf32, #tpu.memory_space<vmem>>
        %get3A_822 = tpu.memref_squeeze %get3A_821 : memref<1x50x128xf32, #tpu.memory_space<vmem>> -> memref<50x128xf32, #tpu.memory_space<vmem>>
        %get3A_823 = arith.index_cast %add3A_818 : i32 to index
        %get3A_824 = arith.constant 16 : index
        %get3A_825 = tpu.vector_load %get3A_822[%get3A_823, %get3A_824] {strides = array<i32>} : memref<50x128xf32, #tpu.memory_space<vmem>>, vector<1x16xf32>,
        %get3A_826 = vector.shape_cast %get3A_825 : vector<1x16xf32> to vector<16xf32>
        %add3A_827 = arith.addf %scan3A_796, %get3A_826 : vector<16xf32>
        %add3A_828 = arith.constant 0 : i32
        %add3A_829 = arith.addi %add3A_806, %add3A_828 : i32
        %get3A_830 = arith.constant 0 : i32
        %get3A_831 = arith.constant 0 : i32
        %get3A_832 = tpu.memref_slice %arg7[%scan3A_562, %get3A_830, %get3A_831] : memref<8x50x128xf32, #tpu.memory_space<vmem>> -> memref<1x50x128xf32, #tpu.memory_space<vmem>>
        %get3A_833 = tpu.memref_squeeze %get3A_832 : memref<1x50x128xf32, #tpu.memory_space<vmem>> -> memref<50x128xf32, #tpu.memory_space<vmem>>
        %get3A_834 = arith.index_cast %add3A_829 : i32 to index
        %get3A_835 = arith.constant 32 : index
        %get3A_836 = tpu.vector_load %get3A_833[%get3A_834, %get3A_835] {strides = array<i32>} : memref<50x128xf32, #tpu.memory_space<vmem>>, vector<1x16xf32>,
        %get3A_837 = vector.shape_cast %get3A_836 : vector<1x16xf32> to vector<16xf32>
        %add3A_838 = arith.addf %scan3A_797, %get3A_837 : vector<16xf32>
        %add3A_839 = arith.constant 0 : i32
        %add3A_840 = arith.addi %add3A_806, %add3A_839 : i32
        %get3A_841 = arith.constant 0 : i32
        %get3A_842 = arith.constant 0 : i32
        %get3A_843 = tpu.memref_slice %arg7[%scan3A_562, %get3A_841, %get3A_842] : memref<8x50x128xf32, #tpu.memory_space<vmem>> -> memref<1x50x128xf32, #tpu.memory_space<vmem>>
        %get3A_844 = tpu.memref_squeeze %get3A_843 : memref<1x50x128xf32, #tpu.memory_space<vmem>> -> memref<50x128xf32, #tpu.memory_space<vmem>>
        %get3A_845 = arith.index_cast %add3A_840 : i32 to index
        %get3A_846 = arith.constant 48 : index
        %get3A_847 = tpu.vector_load %get3A_844[%get3A_845, %get3A_846] {strides = array<i32>} : memref<50x128xf32, #tpu.memory_space<vmem>>, vector<1x16xf32>,
        %get3A_848 = vector.shape_cast %get3A_847 : vector<1x16xf32> to vector<16xf32>
        %add3A_849 = arith.addf %scan3A_798, %get3A_848 : vector<16xf32>
        %add3A_850 = arith.constant 0 : i32
        %add3A_851 = arith.addi %add3A_806, %add3A_850 : i32
        %get3A_852 = arith.constant 0 : i32
        %get3A_853 = arith.constant 0 : i32
        %get3A_854 = tpu.memref_slice %arg7[%scan3A_562, %get3A_852, %get3A_853] : memref<8x50x128xf32, #tpu.memory_space<vmem>> -> memref<1x50x128xf32, #tpu.memory_space<vmem>>
        %get3A_855 = tpu.memref_squeeze %get3A_854 : memref<1x50x128xf32, #tpu.memory_space<vmem>> -> memref<50x128xf32, #tpu.memory_space<vmem>>
        %get3A_856 = arith.index_cast %add3A_851 : i32 to index
        %get3A_857 = arith.constant 64 : index
        %get3A_858 = tpu.vector_load %get3A_855[%get3A_856, %get3A_857] {strides = array<i32>} : memref<50x128xf32, #tpu.memory_space<vmem>>, vector<1x16xf32>,
        %get3A_859 = vector.shape_cast %get3A_858 : vector<1x16xf32> to vector<16xf32>
        %add3A_860 = arith.addf %scan3A_799, %get3A_859 : vector<16xf32>
        %add3A_861 = arith.constant 0 : i32
        %add3A_862 = arith.addi %add3A_806, %add3A_861 : i32
        %get3A_863 = arith.constant 0 : i32
        %get3A_864 = arith.constant 0 : i32
        %get3A_865 = tpu.memref_slice %arg7[%scan3A_562, %get3A_863, %get3A_864] : memref<8x50x128xf32, #tpu.memory_space<vmem>> -> memref<1x50x128xf32, #tpu.memory_space<vmem>>
        %get3A_866 = tpu.memref_squeeze %get3A_865 : memref<1x50x128xf32, #tpu.memory_space<vmem>> -> memref<50x128xf32, #tpu.memory_space<vmem>>
        %get3A_867 = arith.index_cast %add3A_862 : i32 to index
        %get3A_868 = arith.constant 80 : index
        %get3A_869 = tpu.vector_load %get3A_866[%get3A_867, %get3A_868] {strides = array<i32>} : memref<50x128xf32, #tpu.memory_space<vmem>>, vector<1x16xf32>,
        %get3A_870 = vector.shape_cast %get3A_869 : vector<1x16xf32> to vector<16xf32>
        %add3A_871 = arith.addf %scan3A_800, %get3A_870 : vector<16xf32>
        %add3A_872 = arith.constant 0 : i32
        %add3A_873 = arith.addi %add3A_806, %add3A_872 : i32
        %get3A_874 = arith.constant 0 : i32
        %get3A_875 = arith.constant 0 : i32
        %get3A_876 = tpu.memref_slice %arg7[%scan3A_562, %get3A_874, %get3A_875] : memref<8x50x128xf32, #tpu.memory_space<vmem>> -> memref<1x50x128xf32, #tpu.memory_space<vmem>>
        %get3A_877 = tpu.memref_squeeze %get3A_876 : memref<1x50x128xf32, #tpu.memory_space<vmem>> -> memref<50x128xf32, #tpu.memory_space<vmem>>
        %get3A_878 = arith.index_cast %add3A_873 : i32 to index
        %get3A_879 = arith.constant 96 : index
        %get3A_880 = tpu.vector_load %get3A_877[%get3A_878, %get3A_879] {strides = array<i32>} : memref<50x128xf32, #tpu.memory_space<vmem>>, vector<1x16xf32>,
        %get3A_881 = vector.shape_cast %get3A_880 : vector<1x16xf32> to vector<16xf32>
        %add3A_882 = arith.addf %scan3A_801, %get3A_881 : vector<16xf32>
        %add3A_883 = arith.constant 0 : i32
        %add3A_884 = arith.addi %add3A_806, %add3A_883 : i32
        %get3A_885 = arith.constant 0 : i32
        %get3A_886 = arith.constant 0 : i32
        %get3A_887 = tpu.memref_slice %arg7[%scan3A_562, %get3A_885, %get3A_886] : memref<8x50x128xf32, #tpu.memory_space<vmem>> -> memref<1x50x128xf32, #tpu.memory_space<vmem>>
        %get3A_888 = tpu.memref_squeeze %get3A_887 : memref<1x50x128xf32, #tpu.memory_space<vmem>> -> memref<50x128xf32, #tpu.memory_space<vmem>>
        %get3A_889 = arith.index_cast %add3A_884 : i32 to index
        %get3A_890 = arith.constant 112 : index
        %get3A_891 = tpu.vector_load %get3A_888[%get3A_889, %get3A_890] {strides = array<i32>} : memref<50x128xf32, #tpu.memory_space<vmem>>, vector<1x16xf32>,
        %get3A_892 = vector.shape_cast %get3A_891 : vector<1x16xf32> to vector<16xf32>
        %add3A_893 = arith.addf %scan3A_802, %get3A_892 : vector<16xf32>
        %add3A_894 = arith.constant 1 : i32
        %add3A_895 = arith.addi %add3A_806, %add3A_894 : i32
        %get3A_896 = arith.constant 0 : i32
        %get3A_897 = arith.constant 0 : i32
        %get3A_898 = tpu.memref_slice %arg7[%scan3A_562, %get3A_896, %get3A_897] : memref<8x50x128xf32, #tpu.memory_space<vmem>> -> memref<1x50x128xf32, #tpu.memory_space<vmem>>
        %get3A_899 = tpu.memref_squeeze %get3A_898 : memref<1x50x128xf32, #tpu.memory_space<vmem>> -> memref<50x128xf32, #tpu.memory_space<vmem>>
        %get3A_900 = arith.index_cast %add3A_895 : i32 to index
        %get3A_901 = arith.constant 0 : index
        %get3A_902 = tpu.vector_load %get3A_899[%get3A_900, %get3A_901] {strides = array<i32>} : memref<50x128xf32, #tpu.memory_space<vmem>>, vector<1x16xf32>,
        %get3A_903 = vector.shape_cast %get3A_902 : vector<1x16xf32> to vector<16xf32>
        %add3A_904 = arith.addf %add3A_816, %get3A_903 : vector<16xf32>
        %add3A_905 = arith.constant 1 : i32
        %add3A_906 = arith.addi %add3A_806, %add3A_905 : i32
        %get3A_907 = arith.constant 0 : i32
        %get3A_908 = arith.constant 0 : i32
        %get3A_909 = tpu.memref_slice %arg7[%scan3A_562, %get3A_907, %get3A_908] : memref<8x50x128xf32, #tpu.memory_space<vmem>> -> memref<1x50x128xf32, #tpu.memory_space<vmem>>
        %get3A_910 = tpu.memref_squeeze %get3A_909 : memref<1x50x128xf32, #tpu.memory_space<vmem>> -> memref<50x128xf32, #tpu.memory_space<vmem>>
        %get3A_911 = arith.index_cast %add3A_906 : i32 to index
        %get3A_912 = arith.constant 16 : index
        %get3A_913 = tpu.vector_load %get3A_910[%get3A_911, %get3A_912] {strides = array<i32>} : memref<50x128xf32, #tpu.memory_space<vmem>>, vector<1x16xf32>,
        %get3A_914 = vector.shape_cast %get3A_913 : vector<1x16xf32> to vector<16xf32>
        %add3A_915 = arith.addf %add3A_827, %get3A_914 : vector<16xf32>
        %add3A_916 = arith.constant 1 : i32
        %add3A_917 = arith.addi %add3A_806, %add3A_916 : i32
        %get3A_918 = arith.constant 0 : i32
        %get3A_919 = arith.constant 0 : i32
        %get3A_920 = tpu.memref_slice %arg7[%scan3A_562, %get3A_918, %get3A_919] : memref<8x50x128xf32, #tpu.memory_space<vmem>> -> memref<1x50x128xf32, #tpu.memory_space<vmem>>
        %get3A_921 = tpu.memref_squeeze %get3A_920 : memref<1x50x128xf32, #tpu.memory_space<vmem>> -> memref<50x128xf32, #tpu.memory_space<vmem>>
        %get3A_922 = arith.index_cast %add3A_917 : i32 to index
        %get3A_923 = arith.constant 32 : index
        %get3A_924 = tpu.vector_load %get3A_921[%get3A_922, %get3A_923] {strides = array<i32>} : memref<50x128xf32, #tpu.memory_space<vmem>>, vector<1x16xf32>,
        %get3A_925 = vector.shape_cast %get3A_924 : vector<1x16xf32> to vector<16xf32>
        %add3A_926 = arith.addf %add3A_838, %get3A_925 : vector<16xf32>
        %add3A_927 = arith.constant 1 : i32
        %add3A_928 = arith.addi %add3A_806, %add3A_927 : i32
        %get3A_929 = arith.constant 0 : i32
        %get3A_930 = arith.constant 0 : i32
        %get3A_931 = tpu.memref_slice %arg7[%scan3A_562, %get3A_929, %get3A_930] : memref<8x50x128xf32, #tpu.memory_space<vmem>> -> memref<1x50x128xf32, #tpu.memory_space<vmem>>
        %get3A_932 = tpu.memref_squeeze %get3A_931 : memref<1x50x128xf32, #tpu.memory_space<vmem>> -> memref<50x128xf32, #tpu.memory_space<vmem>>
        %get3A_933 = arith.index_cast %add3A_928 : i32 to index
        %get3A_934 = arith.constant 48 : index
        %get3A_935 = tpu.vector_load %get3A_932[%get3A_933, %get3A_934] {strides = array<i32>} : memref<50x128xf32, #tpu.memory_space<vmem>>, vector<1x16xf32>,
        %get3A_936 = vector.shape_cast %get3A_935 : vector<1x16xf32> to vector<16xf32>
        %add3A_937 = arith.addf %add3A_849, %get3A_936 : vector<16xf32>
        %add3A_938 = arith.constant 1 : i32
        %add3A_939 = arith.addi %add3A_806, %add3A_938 : i32
        %get3A_940 = arith.constant 0 : i32
        %get3A_941 = arith.constant 0 : i32
        %get3A_942 = tpu.memref_slice %arg7[%scan3A_562, %get3A_940, %get3A_941] : memref<8x50x128xf32, #tpu.memory_space<vmem>> -> memref<1x50x128xf32, #tpu.memory_space<vmem>>
        %get3A_943 = tpu.memref_squeeze %get3A_942 : memref<1x50x128xf32, #tpu.memory_space<vmem>> -> memref<50x128xf32, #tpu.memory_space<vmem>>
        %get3A_944 = arith.index_cast %add3A_939 : i32 to index
        %get3A_945 = arith.constant 64 : index
        %get3A_946 = tpu.vector_load %get3A_943[%get3A_944, %get3A_945] {strides = array<i32>} : memref<50x128xf32, #tpu.memory_space<vmem>>, vector<1x16xf32>,
        %get3A_947 = vector.shape_cast %get3A_946 : vector<1x16xf32> to vector<16xf32>
        %add3A_948 = arith.addf %add3A_860, %get3A_947 : vector<16xf32>
        %add3A_949 = arith.constant 1 : i32
        %add3A_950 = arith.addi %add3A_806, %add3A_949 : i32
        %get3A_951 = arith.constant 0 : i32
        %get3A_952 = arith.constant 0 : i32
        %get3A_953 = tpu.memref_slice %arg7[%scan3A_562, %get3A_951, %get3A_952] : memref<8x50x128xf32, #tpu.memory_space<vmem>> -> memref<1x50x128xf32, #tpu.memory_space<vmem>>
        %get3A_954 = tpu.memref_squeeze %get3A_953 : memref<1x50x128xf32, #tpu.memory_space<vmem>> -> memref<50x128xf32, #tpu.memory_space<vmem>>
        %get3A_955 = arith.index_cast %add3A_950 : i32 to index
        %get3A_956 = arith.constant 80 : index
        %get3A_957 = tpu.vector_load %get3A_954[%get3A_955, %get3A_956] {strides = array<i32>} : memref<50x128xf32, #tpu.memory_space<vmem>>, vector<1x16xf32>,
        %get3A_958 = vector.shape_cast %get3A_957 : vector<1x16xf32> to vector<16xf32>
        %add3A_959 = arith.addf %add3A_871, %get3A_958 : vector<16xf32>
        %add3A_960 = arith.constant 1 : i32
        %add3A_961 = arith.addi %add3A_806, %add3A_960 : i32
        %get3A_962 = arith.constant 0 : i32
        %get3A_963 = arith.constant 0 : i32
        %get3A_964 = tpu.memref_slice %arg7[%scan3A_562, %get3A_962, %get3A_963] : memref<8x50x128xf32, #tpu.memory_space<vmem>> -> memref<1x50x128xf32, #tpu.memory_space<vmem>>
        %get3A_965 = tpu.memref_squeeze %get3A_964 : memref<1x50x128xf32, #tpu.memory_space<vmem>> -> memref<50x128xf32, #tpu.memory_space<vmem>>
        %get3A_966 = arith.index_cast %add3A_961 : i32 to index
        %get3A_967 = arith.constant 96 : index
        %get3A_968 = tpu.vector_load %get3A_965[%get3A_966, %get3A_967] {strides = array<i32>} : memref<50x128xf32, #tpu.memory_space<vmem>>, vector<1x16xf32>,
        %get3A_969 = vector.shape_cast %get3A_968 : vector<1x16xf32> to vector<16xf32>
        %add3A_970 = arith.addf %add3A_882, %get3A_969 : vector<16xf32>
        %add3A_971 = arith.constant 1 : i32
        %add3A_972 = arith.addi %add3A_806, %add3A_971 : i32
        %get3A_973 = arith.constant 0 : i32
        %get3A_974 = arith.constant 0 : i32
        %get3A_975 = tpu.memref_slice %arg7[%scan3A_562, %get3A_973, %get3A_974] : memref<8x50x128xf32, #tpu.memory_space<vmem>> -> memref<1x50x128xf32, #tpu.memory_space<vmem>>
        %get3A_976 = tpu.memref_squeeze %get3A_975 : memref<1x50x128xf32, #tpu.memory_space<vmem>> -> memref<50x128xf32, #tpu.memory_space<vmem>>
        %get3A_977 = arith.index_cast %add3A_972 : i32 to index
        %get3A_978 = arith.constant 112 : index
        %get3A_979 = tpu.vector_load %get3A_976[%get3A_977, %get3A_978] {strides = array<i32>} : memref<50x128xf32, #tpu.memory_space<vmem>>, vector<1x16xf32>,
        %get3A_980 = vector.shape_cast %get3A_979 : vector<1x16xf32> to vector<16xf32>
        %add3A_981 = arith.addf %add3A_893, %get3A_980 : vector<16xf32>
        %add3A_982 = arith.constant 2 : i32
        %add3A_983 = arith.addi %add3A_806, %add3A_982 : i32
        %get3A_984 = arith.constant 0 : i32
        %get3A_985 = arith.constant 0 : i32
        %get3A_986 = tpu.memref_slice %arg7[%scan3A_562, %get3A_984, %get3A_985] : memref<8x50x128xf32, #tpu.memory_space<vmem>> -> memref<1x50x128xf32, #tpu.memory_space<vmem>>
        %get3A_987 = tpu.memref_squeeze %get3A_986 : memref<1x50x128xf32, #tpu.memory_space<vmem>> -> memref<50x128xf32, #tpu.memory_space<vmem>>
        %get3A_988 = arith.index_cast %add3A_983 : i32 to index
        %get3A_989 = arith.constant 0 : index
        %get3A_990 = tpu.vector_load %get3A_987[%get3A_988, %get3A_989] {strides = array<i32>} : memref<50x128xf32, #tpu.memory_space<vmem>>, vector<1x16xf32>,
        %get3A_991 = vector.shape_cast %get3A_990 : vector<1x16xf32> to vector<16xf32>
        %add3A_992 = arith.addf %add3A_904, %get3A_991 : vector<16xf32>
        %add3A_993 = arith.constant 2 : i32
        %add3A_994 = arith.addi %add3A_806, %add3A_993 : i32
        %get3A_995 = arith.constant 0 : i32
        %get3A_996 = arith.constant 0 : i32
        %get3A_997 = tpu.memref_slice %arg7[%scan3A_562, %get3A_995, %get3A_996] : memref<8x50x128xf32, #tpu.memory_space<vmem>> -> memref<1x50x128xf32, #tpu.memory_space<vmem>>
        %get3A_998 = tpu.memref_squeeze %get3A_997 : memref<1x50x128xf32, #tpu.memory_space<vmem>> -> memref<50x128xf32, #tpu.memory_space<vmem>>
        %get3A_999 = arith.index_cast %add3A_994 : i32 to index
        %get3A_1000 = arith.constant 16 : index
        %get3A_1001 = tpu.vector_load %get3A_998[%get3A_999, %get3A_1000] {strides = array<i32>} : memref<50x128xf32, #tpu.memory_space<vmem>>, vector<1x16xf32>,
        %get3A_1002 = vector.shape_cast %get3A_1001 : vector<1x16xf32> to vector<16xf32>
        %add3A_1003 = arith.addf %add3A_915, %get3A_1002 : vector<16xf32>
        %add3A_1004 = arith.constant 2 : i32
        %add3A_1005 = arith.addi %add3A_806, %add3A_1004 : i32
        %get3A_1006 = arith.constant 0 : i32
        %get3A_1007 = arith.constant 0 : i32
        %get3A_1008 = tpu.memref_slice %arg7[%scan3A_562, %get3A_1006, %get3A_1007] : memref<8x50x128xf32, #tpu.memory_space<vmem>> -> memref<1x50x128xf32, #tpu.memory_space<vmem>>
        %get3A_1009 = tpu.memref_squeeze %get3A_1008 : memref<1x50x128xf32, #tpu.memory_space<vmem>> -> memref<50x128xf32, #tpu.memory_space<vmem>>
        %get3A_1010 = arith.index_cast %add3A_1005 : i32 to index
        %get3A_1011 = arith.constant 32 : index
        %get3A_1012 = tpu.vector_load %get3A_1009[%get3A_1010, %get3A_1011] {strides = array<i32>} : memref<50x128xf32, #tpu.memory_space<vmem>>, vector<1x16xf32>,
        %get3A_1013 = vector.shape_cast %get3A_1012 : vector<1x16xf32> to vector<16xf32>
        %add3A_1014 = arith.addf %add3A_926, %get3A_1013 : vector<16xf32>
        %add3A_1015 = arith.constant 2 : i32
        %add3A_1016 = arith.addi %add3A_806, %add3A_1015 : i32
        %get3A_1017 = arith.constant 0 : i32
        %get3A_1018 = arith.constant 0 : i32
        %get3A_1019 = tpu.memref_slice %arg7[%scan3A_562, %get3A_1017, %get3A_1018] : memref<8x50x128xf32, #tpu.memory_space<vmem>> -> memref<1x50x128xf32, #tpu.memory_space<vmem>>
        %get3A_1020 = tpu.memref_squeeze %get3A_1019 : memref<1x50x128xf32, #tpu.memory_space<vmem>> -> memref<50x128xf32, #tpu.memory_space<vmem>>
        %get3A_1021 = arith.index_cast %add3A_1016 : i32 to index
        %get3A_1022 = arith.constant 48 : index
        %get3A_1023 = tpu.vector_load %get3A_1020[%get3A_1021, %get3A_1022] {strides = array<i32>} : memref<50x128xf32, #tpu.memory_space<vmem>>, vector<1x16xf32>,
        %get3A_1024 = vector.shape_cast %get3A_1023 : vector<1x16xf32> to vector<16xf32>
        %add3A_1025 = arith.addf %add3A_937, %get3A_1024 : vector<16xf32>
        %add3A_1026 = arith.constant 2 : i32
        %add3A_1027 = arith.addi %add3A_806, %add3A_1026 : i32
        %get3A_1028 = arith.constant 0 : i32
        %get3A_1029 = arith.constant 0 : i32
        %get3A_1030 = tpu.memref_slice %arg7[%scan3A_562, %get3A_1028, %get3A_1029] : memref<8x50x128xf32, #tpu.memory_space<vmem>> -> memref<1x50x128xf32, #tpu.memory_space<vmem>>
        %get3A_1031 = tpu.memref_squeeze %get3A_1030 : memref<1x50x128xf32, #tpu.memory_space<vmem>> -> memref<50x128xf32, #tpu.memory_space<vmem>>
        %get3A_1032 = arith.index_cast %add3A_1027 : i32 to index
        %get3A_1033 = arith.constant 64 : index
        %get3A_1034 = tpu.vector_load %get3A_1031[%get3A_1032, %get3A_1033] {strides = array<i32>} : memref<50x128xf32, #tpu.memory_space<vmem>>, vector<1x16xf32>,
        %get3A_1035 = vector.shape_cast %get3A_1034 : vector<1x16xf32> to vector<16xf32>
        %add3A_1036 = arith.addf %add3A_948, %get3A_1035 : vector<16xf32>
        %add3A_1037 = arith.constant 2 : i32
        %add3A_1038 = arith.addi %add3A_806, %add3A_1037 : i32
        %get3A_1039 = arith.constant 0 : i32
        %get3A_1040 = arith.constant 0 : i32
        %get3A_1041 = tpu.memref_slice %arg7[%scan3A_562, %get3A_1039, %get3A_1040] : memref<8x50x128xf32, #tpu.memory_space<vmem>> -> memref<1x50x128xf32, #tpu.memory_space<vmem>>
        %get3A_1042 = tpu.memref_squeeze %get3A_1041 : memref<1x50x128xf32, #tpu.memory_space<vmem>> -> memref<50x128xf32, #tpu.memory_space<vmem>>
        %get3A_1043 = arith.index_cast %add3A_1038 : i32 to index
        %get3A_1044 = arith.constant 80 : index
        %get3A_1045 = tpu.vector_load %get3A_1042[%get3A_1043, %get3A_1044] {strides = array<i32>} : memref<50x128xf32, #tpu.memory_space<vmem>>, vector<1x16xf32>,
        %get3A_1046 = vector.shape_cast %get3A_1045 : vector<1x16xf32> to vector<16xf32>
        %add3A_1047 = arith.addf %add3A_959, %get3A_1046 : vector<16xf32>
        %add3A_1048 = arith.constant 2 : i32
        %add3A_1049 = arith.addi %add3A_806, %add3A_1048 : i32
        %get3A_1050 = arith.constant 0 : i32
        %get3A_1051 = arith.constant 0 : i32
        %get3A_1052 = tpu.memref_slice %arg7[%scan3A_562, %get3A_1050, %get3A_1051] : memref<8x50x128xf32, #tpu.memory_space<vmem>> -> memref<1x50x128xf32, #tpu.memory_space<vmem>>
        %get3A_1053 = tpu.memref_squeeze %get3A_1052 : memref<1x50x128xf32, #tpu.memory_space<vmem>> -> memref<50x128xf32, #tpu.memory_space<vmem>>
        %get3A_1054 = arith.index_cast %add3A_1049 : i32 to index
        %get3A_1055 = arith.constant 96 : index
        %get3A_1056 = tpu.vector_load %get3A_1053[%get3A_1054, %get3A_1055] {strides = array<i32>} : memref<50x128xf32, #tpu.memory_space<vmem>>, vector<1x16xf32>,
        %get3A_1057 = vector.shape_cast %get3A_1056 : vector<1x16xf32> to vector<16xf32>
        %add3A_1058 = arith.addf %add3A_970, %get3A_1057 : vector<16xf32>
        %add3A_1059 = arith.constant 2 : i32
        %add3A_1060 = arith.addi %add3A_806, %add3A_1059 : i32
        %get3A_1061 = arith.constant 0 : i32
        %get3A_1062 = arith.constant 0 : i32
        %get3A_1063 = tpu.memref_slice %arg7[%scan3A_562, %get3A_1061, %get3A_1062] : memref<8x50x128xf32, #tpu.memory_space<vmem>> -> memref<1x50x128xf32, #tpu.memory_space<vmem>>
        %get3A_1064 = tpu.memref_squeeze %get3A_1063 : memref<1x50x128xf32, #tpu.memory_space<vmem>> -> memref<50x128xf32, #tpu.memory_space<vmem>>
        %get3A_1065 = arith.index_cast %add3A_1060 : i32 to index
        %get3A_1066 = arith.constant 112 : index
        %get3A_1067 = tpu.vector_load %get3A_1064[%get3A_1065, %get3A_1066] {strides = array<i32>} : memref<50x128xf32, #tpu.memory_space<vmem>>, vector<1x16xf32>,
        %get3A_1068 = vector.shape_cast %get3A_1067 : vector<1x16xf32> to vector<16xf32>
        %add3A_1069 = arith.addf %add3A_981, %get3A_1068 : vector<16xf32>
        %add3A_1070 = arith.constant 3 : i32
        %add3A_1071 = arith.addi %add3A_806, %add3A_1070 : i32
        %get3A_1072 = arith.constant 0 : i32
        %get3A_1073 = arith.constant 0 : i32
        %get3A_1074 = tpu.memref_slice %arg7[%scan3A_562, %get3A_1072, %get3A_1073] : memref<8x50x128xf32, #tpu.memory_space<vmem>> -> memref<1x50x128xf32, #tpu.memory_space<vmem>>
        %get3A_1075 = tpu.memref_squeeze %get3A_1074 : memref<1x50x128xf32, #tpu.memory_space<vmem>> -> memref<50x128xf32, #tpu.memory_space<vmem>>
        %get3A_1076 = arith.index_cast %add3A_1071 : i32 to index
        %get3A_1077 = arith.constant 0 : index
        %get3A_1078 = tpu.vector_load %get3A_1075[%get3A_1076, %get3A_1077] {strides = array<i32>} : memref<50x128xf32, #tpu.memory_space<vmem>>, vector<1x16xf32>,
        %get3A_1079 = vector.shape_cast %get3A_1078 : vector<1x16xf32> to vector<16xf32>
        %add3A_1080 = arith.addf %add3A_992, %get3A_1079 : vector<16xf32>
        %add3A_1081 = arith.constant 3 : i32
        %add3A_1082 = arith.addi %add3A_806, %add3A_1081 : i32
        %get3A_1083 = arith.constant 0 : i32
        %get3A_1084 = arith.constant 0 : i32
        %get3A_1085 = tpu.memref_slice %arg7[%scan3A_562, %get3A_1083, %get3A_1084] : memref<8x50x128xf32, #tpu.memory_space<vmem>> -> memref<1x50x128xf32, #tpu.memory_space<vmem>>
        %get3A_1086 = tpu.memref_squeeze %get3A_1085 : memref<1x50x128xf32, #tpu.memory_space<vmem>> -> memref<50x128xf32, #tpu.memory_space<vmem>>
        %get3A_1087 = arith.index_cast %add3A_1082 : i32 to index
        %get3A_1088 = arith.constant 16 : index
        %get3A_1089 = tpu.vector_load %get3A_1086[%get3A_1087, %get3A_1088] {strides = array<i32>} : memref<50x128xf32, #tpu.memory_space<vmem>>, vector<1x16xf32>,
        %get3A_1090 = vector.shape_cast %get3A_1089 : vector<1x16xf32> to vector<16xf32>
        %add3A_1091 = arith.addf %add3A_1003, %get3A_1090 : vector<16xf32>
        %add3A_1092 = arith.constant 3 : i32
        %add3A_1093 = arith.addi %add3A_806, %add3A_1092 : i32
        %get3A_1094 = arith.constant 0 : i32
        %get3A_1095 = arith.constant 0 : i32
        %get3A_1096 = tpu.memref_slice %arg7[%scan3A_562, %get3A_1094, %get3A_1095] : memref<8x50x128xf32, #tpu.memory_space<vmem>> -> memref<1x50x128xf32, #tpu.memory_space<vmem>>
        %get3A_1097 = tpu.memref_squeeze %get3A_1096 : memref<1x50x128xf32, #tpu.memory_space<vmem>> -> memref<50x128xf32, #tpu.memory_space<vmem>>
        %get3A_1098 = arith.index_cast %add3A_1093 : i32 to index
        %get3A_1099 = arith.constant 32 : index
        %get3A_1100 = tpu.vector_load %get3A_1097[%get3A_1098, %get3A_1099] {strides = array<i32>} : memref<50x128xf32, #tpu.memory_space<vmem>>, vector<1x16xf32>,
        %get3A_1101 = vector.shape_cast %get3A_1100 : vector<1x16xf32> to vector<16xf32>
        %add3A_1102 = arith.addf %add3A_1014, %get3A_1101 : vector<16xf32>
        %add3A_1103 = arith.constant 3 : i32
        %add3A_1104 = arith.addi %add3A_806, %add3A_1103 : i32
        %get3A_1105 = arith.constant 0 : i32
        %get3A_1106 = arith.constant 0 : i32
        %get3A_1107 = tpu.memref_slice %arg7[%scan3A_562, %get3A_1105, %get3A_1106] : memref<8x50x128xf32, #tpu.memory_space<vmem>> -> memref<1x50x128xf32, #tpu.memory_space<vmem>>
        %get3A_1108 = tpu.memref_squeeze %get3A_1107 : memref<1x50x128xf32, #tpu.memory_space<vmem>> -> memref<50x128xf32, #tpu.memory_space<vmem>>
        %get3A_1109 = arith.index_cast %add3A_1104 : i32 to index
        %get3A_1110 = arith.constant 48 : index
        %get3A_1111 = tpu.vector_load %get3A_1108[%get3A_1109, %get3A_1110] {strides = array<i32>} : memref<50x128xf32, #tpu.memory_space<vmem>>, vector<1x16xf32>,
        %get3A_1112 = vector.shape_cast %get3A_1111 : vector<1x16xf32> to vector<16xf32>
        %add3A_1113 = arith.addf %add3A_1025, %get3A_1112 : vector<16xf32>
        %add3A_1114 = arith.constant 3 : i32
        %add3A_1115 = arith.addi %add3A_806, %add3A_1114 : i32
        %get3A_1116 = arith.constant 0 : i32
        %get3A_1117 = arith.constant 0 : i32
        %get3A_1118 = tpu.memref_slice %arg7[%scan3A_562, %get3A_1116, %get3A_1117] : memref<8x50x128xf32, #tpu.memory_space<vmem>> -> memref<1x50x128xf32, #tpu.memory_space<vmem>>
        %get3A_1119 = tpu.memref_squeeze %get3A_1118 : memref<1x50x128xf32, #tpu.memory_space<vmem>> -> memref<50x128xf32, #tpu.memory_space<vmem>>
        %get3A_1120 = arith.index_cast %add3A_1115 : i32 to index
        %get3A_1121 = arith.constant 64 : index
        %get3A_1122 = tpu.vector_load %get3A_1119[%get3A_1120, %get3A_1121] {strides = array<i32>} : memref<50x128xf32, #tpu.memory_space<vmem>>, vector<1x16xf32>,
        %get3A_1123 = vector.shape_cast %get3A_1122 : vector<1x16xf32> to vector<16xf32>
        %add3A_1124 = arith.addf %add3A_1036, %get3A_1123 : vector<16xf32>
        %add3A_1125 = arith.constant 3 : i32
        %add3A_1126 = arith.addi %add3A_806, %add3A_1125 : i32
        %get3A_1127 = arith.constant 0 : i32
        %get3A_1128 = arith.constant 0 : i32
        %get3A_1129 = tpu.memref_slice %arg7[%scan3A_562, %get3A_1127, %get3A_1128] : memref<8x50x128xf32, #tpu.memory_space<vmem>> -> memref<1x50x128xf32, #tpu.memory_space<vmem>>
        %get3A_1130 = tpu.memref_squeeze %get3A_1129 : memref<1x50x128xf32, #tpu.memory_space<vmem>> -> memref<50x128xf32, #tpu.memory_space<vmem>>
        %get3A_1131 = arith.index_cast %add3A_1126 : i32 to index
        %get3A_1132 = arith.constant 80 : index
        %get3A_1133 = tpu.vector_load %get3A_1130[%get3A_1131, %get3A_1132] {strides = array<i32>} : memref<50x128xf32, #tpu.memory_space<vmem>>, vector<1x16xf32>,
        %get3A_1134 = vector.shape_cast %get3A_1133 : vector<1x16xf32> to vector<16xf32>
        %add3A_1135 = arith.addf %add3A_1047, %get3A_1134 : vector<16xf32>
        %add3A_1136 = arith.constant 3 : i32
        %add3A_1137 = arith.addi %add3A_806, %add3A_1136 : i32
        %get3A_1138 = arith.constant 0 : i32
        %get3A_1139 = arith.constant 0 : i32
        %get3A_1140 = tpu.memref_slice %arg7[%scan3A_562, %get3A_1138, %get3A_1139] : memref<8x50x128xf32, #tpu.memory_space<vmem>> -> memref<1x50x128xf32, #tpu.memory_space<vmem>>
        %get3A_1141 = tpu.memref_squeeze %get3A_1140 : memref<1x50x128xf32, #tpu.memory_space<vmem>> -> memref<50x128xf32, #tpu.memory_space<vmem>>
        %get3A_1142 = arith.index_cast %add3A_1137 : i32 to index
        %get3A_1143 = arith.constant 96 : index
        %get3A_1144 = tpu.vector_load %get3A_1141[%get3A_1142, %get3A_1143] {strides = array<i32>} : memref<50x128xf32, #tpu.memory_space<vmem>>, vector<1x16xf32>,
        %get3A_1145 = vector.shape_cast %get3A_1144 : vector<1x16xf32> to vector<16xf32>
        %add3A_1146 = arith.addf %add3A_1058, %get3A_1145 : vector<16xf32>
        %add3A_1147 = arith.constant 3 : i32
        %add3A_1148 = arith.addi %add3A_806, %add3A_1147 : i32
        %get3A_1149 = arith.constant 0 : i32
        %get3A_1150 = arith.constant 0 : i32
        %get3A_1151 = tpu.memref_slice %arg7[%scan3A_562, %get3A_1149, %get3A_1150] : memref<8x50x128xf32, #tpu.memory_space<vmem>> -> memref<1x50x128xf32, #tpu.memory_space<vmem>>
        %get3A_1152 = tpu.memref_squeeze %get3A_1151 : memref<1x50x128xf32, #tpu.memory_space<vmem>> -> memref<50x128xf32, #tpu.memory_space<vmem>>
        %get3A_1153 = arith.index_cast %add3A_1148 : i32 to index
        %get3A_1154 = arith.constant 112 : index
        %get3A_1155 = tpu.vector_load %get3A_1152[%get3A_1153, %get3A_1154] {strides = array<i32>} : memref<50x128xf32, #tpu.memory_space<vmem>>, vector<1x16xf32>,
        %get3A_1156 = vector.shape_cast %get3A_1155 : vector<1x16xf32> to vector<16xf32>
        %add3A_1157 = arith.addf %add3A_1069, %get3A_1156 : vector<16xf32>
        %add3A_1158 = arith.constant 4 : i32
        %add3A_1159 = arith.addi %add3A_806, %add3A_1158 : i32
        %get3A_1160 = arith.constant 0 : i32
        %get3A_1161 = arith.constant 0 : i32
        %get3A_1162 = tpu.memref_slice %arg7[%scan3A_562, %get3A_1160, %get3A_1161] : memref<8x50x128xf32, #tpu.memory_space<vmem>> -> memref<1x50x128xf32, #tpu.memory_space<vmem>>
        %get3A_1163 = tpu.memref_squeeze %get3A_1162 : memref<1x50x128xf32, #tpu.memory_space<vmem>> -> memref<50x128xf32, #tpu.memory_space<vmem>>
        %get3A_1164 = arith.index_cast %add3A_1159 : i32 to index
        %get3A_1165 = arith.constant 0 : index
        %get3A_1166 = tpu.vector_load %get3A_1163[%get3A_1164, %get3A_1165] {strides = array<i32>} : memref<50x128xf32, #tpu.memory_space<vmem>>, vector<1x16xf32>,
        %get3A_1167 = vector.shape_cast %get3A_1166 : vector<1x16xf32> to vector<16xf32>
        %add3A_1168 = arith.addf %add3A_1080, %get3A_1167 : vector<16xf32>
        %add3A_1169 = arith.constant 4 : i32
        %add3A_1170 = arith.addi %add3A_806, %add3A_1169 : i32
        %get3A_1171 = arith.constant 0 : i32
        %get3A_1172 = arith.constant 0 : i32
        %get3A_1173 = tpu.memref_slice %arg7[%scan3A_562, %get3A_1171, %get3A_1172] : memref<8x50x128xf32, #tpu.memory_space<vmem>> -> memref<1x50x128xf32, #tpu.memory_space<vmem>>
        %get3A_1174 = tpu.memref_squeeze %get3A_1173 : memref<1x50x128xf32, #tpu.memory_space<vmem>> -> memref<50x128xf32, #tpu.memory_space<vmem>>
        %get3A_1175 = arith.index_cast %add3A_1170 : i32 to index
        %get3A_1176 = arith.constant 16 : index
        %get3A_1177 = tpu.vector_load %get3A_1174[%get3A_1175, %get3A_1176] {strides = array<i32>} : memref<50x128xf32, #tpu.memory_space<vmem>>, vector<1x16xf32>,
        %get3A_1178 = vector.shape_cast %get3A_1177 : vector<1x16xf32> to vector<16xf32>
        %add3A_1179 = arith.addf %add3A_1091, %get3A_1178 : vector<16xf32>
        %add3A_1180 = arith.constant 4 : i32
        %add3A_1181 = arith.addi %add3A_806, %add3A_1180 : i32
        %get3A_1182 = arith.constant 0 : i32
        %get3A_1183 = arith.constant 0 : i32
        %get3A_1184 = tpu.memref_slice %arg7[%scan3A_562, %get3A_1182, %get3A_1183] : memref<8x50x128xf32, #tpu.memory_space<vmem>> -> memref<1x50x128xf32, #tpu.memory_space<vmem>>
        %get3A_1185 = tpu.memref_squeeze %get3A_1184 : memref<1x50x128xf32, #tpu.memory_space<vmem>> -> memref<50x128xf32, #tpu.memory_space<vmem>>
        %get3A_1186 = arith.index_cast %add3A_1181 : i32 to index
        %get3A_1187 = arith.constant 32 : index
        %get3A_1188 = tpu.vector_load %get3A_1185[%get3A_1186, %get3A_1187] {strides = array<i32>} : memref<50x128xf32, #tpu.memory_space<vmem>>, vector<1x16xf32>,
        %get3A_1189 = vector.shape_cast %get3A_1188 : vector<1x16xf32> to vector<16xf32>
        %add3A_1190 = arith.addf %add3A_1102, %get3A_1189 : vector<16xf32>
        %add3A_1191 = arith.constant 4 : i32
        %add3A_1192 = arith.addi %add3A_806, %add3A_1191 : i32
        %get3A_1193 = arith.constant 0 : i32
        %get3A_1194 = arith.constant 0 : i32
        %get3A_1195 = tpu.memref_slice %arg7[%scan3A_562, %get3A_1193, %get3A_1194] : memref<8x50x128xf32, #tpu.memory_space<vmem>> -> memref<1x50x128xf32, #tpu.memory_space<vmem>>
        %get3A_1196 = tpu.memref_squeeze %get3A_1195 : memref<1x50x128xf32, #tpu.memory_space<vmem>> -> memref<50x128xf32, #tpu.memory_space<vmem>>
        %get3A_1197 = arith.index_cast %add3A_1192 : i32 to index
        %get3A_1198 = arith.constant 48 : index
        %get3A_1199 = tpu.vector_load %get3A_1196[%get3A_1197, %get3A_1198] {strides = array<i32>} : memref<50x128xf32, #tpu.memory_space<vmem>>, vector<1x16xf32>,
        %get3A_1200 = vector.shape_cast %get3A_1199 : vector<1x16xf32> to vector<16xf32>
        %add3A_1201 = arith.addf %add3A_1113, %get3A_1200 : vector<16xf32>
        %add3A_1202 = arith.constant 4 : i32
        %add3A_1203 = arith.addi %add3A_806, %add3A_1202 : i32
        %get3A_1204 = arith.constant 0 : i32
        %get3A_1205 = arith.constant 0 : i32
        %get3A_1206 = tpu.memref_slice %arg7[%scan3A_562, %get3A_1204, %get3A_1205] : memref<8x50x128xf32, #tpu.memory_space<vmem>> -> memref<1x50x128xf32, #tpu.memory_space<vmem>>
        %get3A_1207 = tpu.memref_squeeze %get3A_1206 : memref<1x50x128xf32, #tpu.memory_space<vmem>> -> memref<50x128xf32, #tpu.memory_space<vmem>>
        %get3A_1208 = arith.index_cast %add3A_1203 : i32 to index
        %get3A_1209 = arith.constant 64 : index
        %get3A_1210 = tpu.vector_load %get3A_1207[%get3A_1208, %get3A_1209] {strides = array<i32>} : memref<50x128xf32, #tpu.memory_space<vmem>>, vector<1x16xf32>,
        %get3A_1211 = vector.shape_cast %get3A_1210 : vector<1x16xf32> to vector<16xf32>
        %add3A_1212 = arith.addf %add3A_1124, %get3A_1211 : vector<16xf32>
        %add3A_1213 = arith.constant 4 : i32
        %add3A_1214 = arith.addi %add3A_806, %add3A_1213 : i32
        %get3A_1215 = arith.constant 0 : i32
        %get3A_1216 = arith.constant 0 : i32
        %get3A_1217 = tpu.memref_slice %arg7[%scan3A_562, %get3A_1215, %get3A_1216] : memref<8x50x128xf32, #tpu.memory_space<vmem>> -> memref<1x50x128xf32, #tpu.memory_space<vmem>>
        %get3A_1218 = tpu.memref_squeeze %get3A_1217 : memref<1x50x128xf32, #tpu.memory_space<vmem>> -> memref<50x128xf32, #tpu.memory_space<vmem>>
        %get3A_1219 = arith.index_cast %add3A_1214 : i32 to index
        %get3A_1220 = arith.constant 80 : index
        %get3A_1221 = tpu.vector_load %get3A_1218[%get3A_1219, %get3A_1220] {strides = array<i32>} : memref<50x128xf32, #tpu.memory_space<vmem>>, vector<1x16xf32>,
        %get3A_1222 = vector.shape_cast %get3A_1221 : vector<1x16xf32> to vector<16xf32>
        %add3A_1223 = arith.addf %add3A_1135, %get3A_1222 : vector<16xf32>
        %add3A_1224 = arith.constant 4 : i32
        %add3A_1225 = arith.addi %add3A_806, %add3A_1224 : i32
        %get3A_1226 = arith.constant 0 : i32
        %get3A_1227 = arith.constant 0 : i32
        %get3A_1228 = tpu.memref_slice %arg7[%scan3A_562, %get3A_1226, %get3A_1227] : memref<8x50x128xf32, #tpu.memory_space<vmem>> -> memref<1x50x128xf32, #tpu.memory_space<vmem>>
        %get3A_1229 = tpu.memref_squeeze %get3A_1228 : memref<1x50x128xf32, #tpu.memory_space<vmem>> -> memref<50x128xf32, #tpu.memory_space<vmem>>
        %get3A_1230 = arith.index_cast %add3A_1225 : i32 to index
        %get3A_1231 = arith.constant 96 : index
        %get3A_1232 = tpu.vector_load %get3A_1229[%get3A_1230, %get3A_1231] {strides = array<i32>} : memref<50x128xf32, #tpu.memory_space<vmem>>, vector<1x16xf32>,
        %get3A_1233 = vector.shape_cast %get3A_1232 : vector<1x16xf32> to vector<16xf32>
        %add3A_1234 = arith.addf %add3A_1146, %get3A_1233 : vector<16xf32>
        %add3A_1235 = arith.constant 4 : i32
        %add3A_1236 = arith.addi %add3A_806, %add3A_1235 : i32
        %get3A_1237 = arith.constant 0 : i32
        %get3A_1238 = arith.constant 0 : i32
        %get3A_1239 = tpu.memref_slice %arg7[%scan3A_562, %get3A_1237, %get3A_1238] : memref<8x50x128xf32, #tpu.memory_space<vmem>> -> memref<1x50x128xf32, #tpu.memory_space<vmem>>
        %get3A_1240 = tpu.memref_squeeze %get3A_1239 : memref<1x50x128xf32, #tpu.memory_space<vmem>> -> memref<50x128xf32, #tpu.memory_space<vmem>>
        %get3A_1241 = arith.index_cast %add3A_1236 : i32 to index
        %get3A_1242 = arith.constant 112 : index
        %get3A_1243 = tpu.vector_load %get3A_1240[%get3A_1241, %get3A_1242] {strides = array<i32>} : memref<50x128xf32, #tpu.memory_space<vmem>>, vector<1x16xf32>,
        %get3A_1244 = vector.shape_cast %get3A_1243 : vector<1x16xf32> to vector<16xf32>
        %add3A_1245 = arith.addf %add3A_1157, %get3A_1244 : vector<16xf32>
        scf.yield %add3A_1168, %add3A_1179, %add3A_1190, %add3A_1201, %add3A_1212, %add3A_1223, %add3A_1234, %add3A_1245 : vector<16xf32>, vector<16xf32>, vector<16xf32>, vector<16xf32>, vector<16xf32>, vector<16xf32>, vector<16xf32>, vector<16xf32>
      }
      %scan3A_568 = arith.constant 10 : i32
      %mul3A_569 = arith.constant 1 : i32
      %mul3A_570 = arith.muli %add3A_536, %mul3A_569 : i32
      %add3A_571 = arith.constant 0 : i32
      %add3A_572 = arith.addi %mul3A_570, %add3A_571 : i32
      %swap3A_573 = arith.index_cast %add3A_572 : i32 to index
      %swap3A_574 = arith.constant 0 : index
      %swap3A_575 = tpu.vector_load %arg8[%swap3A_573, %swap3A_574] {strides = array<i32>} : memref<128x128xf32, #tpu.memory_space<vmem>>, vector<1x16xf32>,
      %swap3A_576 = vector.shape_cast %swap3A_575 : vector<1x16xf32> to vector<16xf32>
      %swap3A_577 = vector.shape_cast %scan3A_567#0 : vector<16xf32> to vector<1x16xf32>
      tpu.vector_store %arg8[%swap3A_573, %swap3A_574], %swap3A_577 {strides = array<i32>} : memref<128x128xf32, #tpu.memory_space<vmem>>, vector<1x16xf32>,
      %swap3A_578 = arith.index_cast %add3A_572 : i32 to index
      %swap3A_579 = arith.constant 16 : index
      %swap3A_580 = tpu.vector_load %arg8[%swap3A_578, %swap3A_579] {strides = array<i32>} : memref<128x128xf32, #tpu.memory_space<vmem>>, vector<1x16xf32>,
      %swap3A_581 = vector.shape_cast %swap3A_580 : vector<1x16xf32> to vector<16xf32>
      %swap3A_582 = vector.shape_cast %scan3A_567#1 : vector<16xf32> to vector<1x16xf32>
      tpu.vector_store %arg8[%swap3A_578, %swap3A_579], %swap3A_582 {strides = array<i32>} : memref<128x128xf32, #tpu.memory_space<vmem>>, vector<1x16xf32>,
      %swap3A_583 = arith.index_cast %add3A_572 : i32 to index
      %swap3A_584 = arith.constant 32 : index
      %swap3A_585 = tpu.vector_load %arg8[%swap3A_583, %swap3A_584] {strides = array<i32>} : memref<128x128xf32, #tpu.memory_space<vmem>>, vector<1x16xf32>,
      %swap3A_586 = vector.shape_cast %swap3A_585 : vector<1x16xf32> to vector<16xf32>
      %swap3A_587 = vector.shape_cast %scan3A_567#2 : vector<16xf32> to vector<1x16xf32>
      tpu.vector_store %arg8[%swap3A_583, %swap3A_584], %swap3A_587 {strides = array<i32>} : memref<128x128xf32, #tpu.memory_space<vmem>>, vector<1x16xf32>,
      %swap3A_588 = arith.index_cast %add3A_572 : i32 to index
      %swap3A_589 = arith.constant 48 : index
      %swap3A_590 = tpu.vector_load %arg8[%swap3A_588, %swap3A_589] {strides = array<i32>} : memref<128x128xf32, #tpu.memory_space<vmem>>, vector<1x16xf32>,
      %swap3A_591 = vector.shape_cast %swap3A_590 : vector<1x16xf32> to vector<16xf32>
      %swap3A_592 = vector.shape_cast %scan3A_567#3 : vector<16xf32> to vector<1x16xf32>
      tpu.vector_store %arg8[%swap3A_588, %swap3A_589], %swap3A_592 {strides = array<i32>} : memref<128x128xf32, #tpu.memory_space<vmem>>, vector<1x16xf32>,
      %swap3A_593 = arith.index_cast %add3A_572 : i32 to index
      %swap3A_594 = arith.constant 64 : index
      %swap3A_595 = tpu.vector_load %arg8[%swap3A_593, %swap3A_594] {strides = array<i32>} : memref<128x128xf32, #tpu.memory_space<vmem>>, vector<1x16xf32>,
      %swap3A_596 = vector.shape_cast %swap3A_595 : vector<1x16xf32> to vector<16xf32>
      %swap3A_597 = vector.shape_cast %scan3A_567#4 : vector<16xf32> to vector<1x16xf32>
      tpu.vector_store %arg8[%swap3A_593, %swap3A_594], %swap3A_597 {strides = array<i32>} : memref<128x128xf32, #tpu.memory_space<vmem>>, vector<1x16xf32>,
      %swap3A_598 = arith.index_cast %add3A_572 : i32 to index
      %swap3A_599 = arith.constant 80 : index
      %swap3A_600 = tpu.vector_load %arg8[%swap3A_598, %swap3A_599] {strides = array<i32>} : memref<128x128xf32, #tpu.memory_space<vmem>>, vector<1x16xf32>,
      %swap3A_601 = vector.shape_cast %swap3A_600 : vector<1x16xf32> to vector<16xf32>
      %swap3A_602 = vector.shape_cast %scan3A_567#5 : vector<16xf32> to vector<1x16xf32>
      tpu.vector_store %arg8[%swap3A_598, %swap3A_599], %swap3A_602 {strides = array<i32>} : memref<128x128xf32, #tpu.memory_space<vmem>>, vector<1x16xf32>,
      %swap3A_603 = arith.index_cast %add3A_572 : i32 to index
      %swap3A_604 = arith.constant 96 : index
      %swap3A_605 = tpu.vector_load %arg8[%swap3A_603, %swap3A_604] {strides = array<i32>} : memref<128x128xf32, #tpu.memory_space<vmem>>, vector<1x16xf32>,
      %swap3A_606 = vector.shape_cast %swap3A_605 : vector<1x16xf32> to vector<16xf32>
      %swap3A_607 = vector.shape_cast %scan3A_567#6 : vector<16xf32> to vector<1x16xf32>
      tpu.vector_store %arg8[%swap3A_603, %swap3A_604], %swap3A_607 {strides = array<i32>} : memref<128x128xf32, #tpu.memory_space<vmem>>, vector<1x16xf32>,
      %swap3A_608 = arith.index_cast %add3A_572 : i32 to index
      %swap3A_609 = arith.constant 112 : index
      %swap3A_610 = tpu.vector_load %arg8[%swap3A_608, %swap3A_609] {strides = array<i32>} : memref<128x128xf32, #tpu.memory_space<vmem>>, vector<1x16xf32>,
      %swap3A_611 = vector.shape_cast %swap3A_610 : vector<1x16xf32> to vector<16xf32>
      %swap3A_612 = vector.shape_cast %scan3A_567#7 : vector<16xf32> to vector<1x16xf32>
      tpu.vector_store %arg8[%swap3A_608, %swap3A_609], %swap3A_612 {strides = array<i32>} : memref<128x128xf32, #tpu.memory_space<vmem>>, vector<1x16xf32>,
      %add3A_613 = arith.constant 8 : i32
      %add3A_614 = arith.addi %add3A_536, %add3A_613 : i32
      %lt3A_615 = arith.constant 128 : i32
      %lt3A_616 = arith.cmpi slt, %add3A_614, %lt3A_615 : i32
      %convert_element_type3A_617 = arith.extui %lt3A_616 : i1 to i32
      %cond3A_618 = arith.constant 0 : i32
      %cond3A_619 = arith.cmpi ne, %convert_element_type3A_617, %cond3A_618 : i32
      scf.if %cond3A_619 {
        %add3A_794 = arith.constant 8 : i32
        %add3A_795 = arith.addi %add3A_536, %add3A_794 : i32
        %dma_start3A_796 = arith.constant 5 : i32
        %dma_start3A_797 = arith.constant 0 : i32
        %dma_start3A_798 = arith.constant 0 : i32
        %dma_start3A_799 = tpu.memref_slice %arg7[%dma_start3A_796, %dma_start3A_797, %dma_start3A_798] : memref<8x50x128xf32, #tpu.memory_space<vmem>> -> memref<1x50x128xf32, #tpu.memory_space<vmem>>
        %dma_start3A_800 = tpu.memref_squeeze %dma_start3A_799 : memref<1x50x128xf32, #tpu.memory_space<vmem>> -> memref<50x128xf32, #tpu.memory_space<vmem>>
        %dma_start3A_801 = arith.constant 0 : i32
        %dma_start3A_802 = tpu.memref_slice %arg6[%add3A_795, %dma_start3A_801] : memref<128x50xi32, #tpu.memory_space<vmem>> -> memref<1x50xi32, #tpu.memory_space<vmem>>
        %dma_start3A_803 = tpu.memref_squeeze %dma_start3A_802 : memref<1x50xi32, #tpu.memory_space<vmem>> -> memref<50xi32, #tpu.memory_space<vmem>>
        %dma_start3A_804 = arith.constant 0 : i32
        %dma_start3A_805 = arith.constant 0 : i32
        %dma_start3A_806 = tpu.memref_slice %arg3[%dma_start3A_804, %dma_start3A_805] : memref<100000x128xf32, #tpu.memory_space<hbm>> -> memref<100000x128xf32, #tpu.memory_space<hbm>>
        tpu.enqueue_indirect_dma source(%dma_start3A_806 : memref<100000x128xf32, #tpu.memory_space<hbm>>) target(%dma_start3A_800 : memref<50x128xf32, #tpu.memory_space<vmem>>) offsets(%dma_start3A_803 : memref<50xi32, #tpu.memory_space<vmem>>) semaphore(%arg14 : memref<!tpu.dma_semaphore, #tpu.memory_space<semaphore_mem>>)
      } else {
      }
      %mul3A_620 = arith.constant 8 : i32
      %mul3A_621 = arith.muli %scan3A_103, %mul3A_620 : i32
      %add3A_622 = arith.constant 6 : i32
      %add3A_623 = arith.addi %mul3A_621, %add3A_622 : i32
      %dma_wait3A_624 = arith.constant 6 : i32
      %dma_wait3A_625 = arith.constant 0 : i32
      %dma_wait3A_626 = arith.constant 0 : i32
      %dma_wait3A_627 = tpu.memref_slice %arg7[%dma_wait3A_624, %dma_wait3A_625, %dma_wait3A_626] : memref<8x50x128xf32, #tpu.memory_space<vmem>> -> memref<1x50x128xf32, #tpu.memory_space<vmem>>
      %dma_wait3A_628 = tpu.memref_squeeze %dma_wait3A_627 : memref<1x50x128xf32, #tpu.memory_space<vmem>> -> memref<50x128xf32, #tpu.memory_space<vmem>>
      %dma_wait3A_629 = arith.constant 0 : i32
      %dma_wait3A_630 = arith.constant 0 : i32
      %dma_wait3A_631 = tpu.memref_slice %arg7[%dma_wait3A_624, %dma_wait3A_629, %dma_wait3A_630] : memref<8x50x128xf32, #tpu.memory_space<vmem>> -> memref<1x50x128xf32, #tpu.memory_space<vmem>>
      %dma_wait3A_632 = tpu.memref_squeeze %dma_wait3A_631 : memref<1x50x128xf32, #tpu.memory_space<vmem>> -> memref<50x128xf32, #tpu.memory_space<vmem>>
      tpu.wait_dma2 semaphore(%arg15 : memref<!tpu.dma_semaphore, #tpu.memory_space<semaphore_mem>>) src(%arg4 : memref<50x128xf32, #tpu.memory_space<hbm>>) dst(%dma_wait3A_632 : memref<50x128xf32, #tpu.memory_space<vmem>>)
      %broadcast_in_dim3A_633 = arith.constant 0.000000e+00 : f32
      %broadcast_in_dim3A_634 = vector.broadcast %broadcast_in_dim3A_633 : f32 to vector<16xf32>
      %broadcast_in_dim3A_635 = arith.constant 0.000000e+00 : f32
      %broadcast_in_dim3A_636 = vector.broadcast %broadcast_in_dim3A_635 : f32 to vector<16xf32>
      %broadcast_in_dim3A_637 = arith.constant 0.000000e+00 : f32
      %broadcast_in_dim3A_638 = vector.broadcast %broadcast_in_dim3A_637 : f32 to vector<16xf32>
      %broadcast_in_dim3A_639 = arith.constant 0.000000e+00 : f32
      %broadcast_in_dim3A_640 = vector.broadcast %broadcast_in_dim3A_639 : f32 to vector<16xf32>
      %broadcast_in_dim3A_641 = arith.constant 0.000000e+00 : f32
      %broadcast_in_dim3A_642 = vector.broadcast %broadcast_in_dim3A_641 : f32 to vector<16xf32>
      %broadcast_in_dim3A_643 = arith.constant 0.000000e+00 : f32
      %broadcast_in_dim3A_644 = vector.broadcast %broadcast_in_dim3A_643 : f32 to vector<16xf32>
      %broadcast_in_dim3A_645 = arith.constant 0.000000e+00 : f32
      %broadcast_in_dim3A_646 = vector.broadcast %broadcast_in_dim3A_645 : f32 to vector<16xf32>
      %broadcast_in_dim3A_647 = arith.constant 0.000000e+00 : f32
      %broadcast_in_dim3A_648 = vector.broadcast %broadcast_in_dim3A_647 : f32 to vector<16xf32>
      %scan3A_649 = arith.constant 6 : i32
      %scan3A_650 = arith.constant 0 : i32
      %scan3A_651 = arith.constant 10 : i32
      %scan3A_652 = arith.addi %scan3A_650, %scan3A_651 : i32
      %scan3A_653 = arith.constant 1 : i32
      %scan3A_654:8 = scf.for %scan3A_794 = %scan3A_650 to %scan3A_652 step %scan3A_653 iter_args(%scan3A_795 = %broadcast_in_dim3A_634, %scan3A_796 = %broadcast_in_dim3A_636, %scan3A_797 = %broadcast_in_dim3A_638, %scan3A_798 = %broadcast_in_dim3A_640, %scan3A_799 = %broadcast_in_dim3A_642, %scan3A_800 = %broadcast_in_dim3A_644, %scan3A_801 = %broadcast_in_dim3A_646, %scan3A_802 = %broadcast_in_dim3A_648) -> (vector<16xf32>, vector<16xf32>, vector<16xf32>, vector<16xf32>, vector<16xf32>, vector<16xf32>, vector<16xf32>, vector<16xf32>)  : i32 {
        %mul3A_803 = arith.constant 5 : i32
        %mul3A_804 = arith.muli %scan3A_794, %mul3A_803 : i32
        %add3A_805 = arith.constant 0 : i32
        %add3A_806 = arith.addi %add3A_805, %mul3A_804 : i32
        %add3A_807 = arith.constant 0 : i32
        %add3A_808 = arith.addi %add3A_806, %add3A_807 : i32
        %get3A = arith.constant 0 : i32
        %get3A_809 = arith.constant 0 : i32
        %get3A_810 = tpu.memref_slice %arg7[%scan3A_649, %get3A, %get3A_809] : memref<8x50x128xf32, #tpu.memory_space<vmem>> -> memref<1x50x128xf32, #tpu.memory_space<vmem>>
        %get3A_811 = tpu.memref_squeeze %get3A_810 : memref<1x50x128xf32, #tpu.memory_space<vmem>> -> memref<50x128xf32, #tpu.memory_space<vmem>>
        %get3A_812 = arith.index_cast %add3A_808 : i32 to index
        %get3A_813 = arith.constant 0 : index
        %get3A_814 = tpu.vector_load %get3A_811[%get3A_812, %get3A_813] {strides = array<i32>} : memref<50x128xf32, #tpu.memory_space<vmem>>, vector<1x16xf32>,
        %get3A_815 = vector.shape_cast %get3A_814 : vector<1x16xf32> to vector<16xf32>
        %add3A_816 = arith.addf %scan3A_795, %get3A_815 : vector<16xf32>
        %add3A_817 = arith.constant 0 : i32
        %add3A_818 = arith.addi %add3A_806, %add3A_817 : i32
        %get3A_819 = arith.constant 0 : i32
        %get3A_820 = arith.constant 0 : i32
        %get3A_821 = tpu.memref_slice %arg7[%scan3A_649, %get3A_819, %get3A_820] : memref<8x50x128xf32, #tpu.memory_space<vmem>> -> memref<1x50x128xf32, #tpu.memory_space<vmem>>
        %get3A_822 = tpu.memref_squeeze %get3A_821 : memref<1x50x128xf32, #tpu.memory_space<vmem>> -> memref<50x128xf32, #tpu.memory_space<vmem>>
        %get3A_823 = arith.index_cast %add3A_818 : i32 to index
        %get3A_824 = arith.constant 16 : index
        %get3A_825 = tpu.vector_load %get3A_822[%get3A_823, %get3A_824] {strides = array<i32>} : memref<50x128xf32, #tpu.memory_space<vmem>>, vector<1x16xf32>,
        %get3A_826 = vector.shape_cast %get3A_825 : vector<1x16xf32> to vector<16xf32>
        %add3A_827 = arith.addf %scan3A_796, %get3A_826 : vector<16xf32>
        %add3A_828 = arith.constant 0 : i32
        %add3A_829 = arith.addi %add3A_806, %add3A_828 : i32
        %get3A_830 = arith.constant 0 : i32
        %get3A_831 = arith.constant 0 : i32
        %get3A_832 = tpu.memref_slice %arg7[%scan3A_649, %get3A_830, %get3A_831] : memref<8x50x128xf32, #tpu.memory_space<vmem>> -> memref<1x50x128xf32, #tpu.memory_space<vmem>>
        %get3A_833 = tpu.memref_squeeze %get3A_832 : memref<1x50x128xf32, #tpu.memory_space<vmem>> -> memref<50x128xf32, #tpu.memory_space<vmem>>
        %get3A_834 = arith.index_cast %add3A_829 : i32 to index
        %get3A_835 = arith.constant 32 : index
        %get3A_836 = tpu.vector_load %get3A_833[%get3A_834, %get3A_835] {strides = array<i32>} : memref<50x128xf32, #tpu.memory_space<vmem>>, vector<1x16xf32>,
        %get3A_837 = vector.shape_cast %get3A_836 : vector<1x16xf32> to vector<16xf32>
        %add3A_838 = arith.addf %scan3A_797, %get3A_837 : vector<16xf32>
        %add3A_839 = arith.constant 0 : i32
        %add3A_840 = arith.addi %add3A_806, %add3A_839 : i32
        %get3A_841 = arith.constant 0 : i32
        %get3A_842 = arith.constant 0 : i32
        %get3A_843 = tpu.memref_slice %arg7[%scan3A_649, %get3A_841, %get3A_842] : memref<8x50x128xf32, #tpu.memory_space<vmem>> -> memref<1x50x128xf32, #tpu.memory_space<vmem>>
        %get3A_844 = tpu.memref_squeeze %get3A_843 : memref<1x50x128xf32, #tpu.memory_space<vmem>> -> memref<50x128xf32, #tpu.memory_space<vmem>>
        %get3A_845 = arith.index_cast %add3A_840 : i32 to index
        %get3A_846 = arith.constant 48 : index
        %get3A_847 = tpu.vector_load %get3A_844[%get3A_845, %get3A_846] {strides = array<i32>} : memref<50x128xf32, #tpu.memory_space<vmem>>, vector<1x16xf32>,
        %get3A_848 = vector.shape_cast %get3A_847 : vector<1x16xf32> to vector<16xf32>
        %add3A_849 = arith.addf %scan3A_798, %get3A_848 : vector<16xf32>
        %add3A_850 = arith.constant 0 : i32
        %add3A_851 = arith.addi %add3A_806, %add3A_850 : i32
        %get3A_852 = arith.constant 0 : i32
        %get3A_853 = arith.constant 0 : i32
        %get3A_854 = tpu.memref_slice %arg7[%scan3A_649, %get3A_852, %get3A_853] : memref<8x50x128xf32, #tpu.memory_space<vmem>> -> memref<1x50x128xf32, #tpu.memory_space<vmem>>
        %get3A_855 = tpu.memref_squeeze %get3A_854 : memref<1x50x128xf32, #tpu.memory_space<vmem>> -> memref<50x128xf32, #tpu.memory_space<vmem>>
        %get3A_856 = arith.index_cast %add3A_851 : i32 to index
        %get3A_857 = arith.constant 64 : index
        %get3A_858 = tpu.vector_load %get3A_855[%get3A_856, %get3A_857] {strides = array<i32>} : memref<50x128xf32, #tpu.memory_space<vmem>>, vector<1x16xf32>,
        %get3A_859 = vector.shape_cast %get3A_858 : vector<1x16xf32> to vector<16xf32>
        %add3A_860 = arith.addf %scan3A_799, %get3A_859 : vector<16xf32>
        %add3A_861 = arith.constant 0 : i32
        %add3A_862 = arith.addi %add3A_806, %add3A_861 : i32
        %get3A_863 = arith.constant 0 : i32
        %get3A_864 = arith.constant 0 : i32
        %get3A_865 = tpu.memref_slice %arg7[%scan3A_649, %get3A_863, %get3A_864] : memref<8x50x128xf32, #tpu.memory_space<vmem>> -> memref<1x50x128xf32, #tpu.memory_space<vmem>>
        %get3A_866 = tpu.memref_squeeze %get3A_865 : memref<1x50x128xf32, #tpu.memory_space<vmem>> -> memref<50x128xf32, #tpu.memory_space<vmem>>
        %get3A_867 = arith.index_cast %add3A_862 : i32 to index
        %get3A_868 = arith.constant 80 : index
        %get3A_869 = tpu.vector_load %get3A_866[%get3A_867, %get3A_868] {strides = array<i32>} : memref<50x128xf32, #tpu.memory_space<vmem>>, vector<1x16xf32>,
        %get3A_870 = vector.shape_cast %get3A_869 : vector<1x16xf32> to vector<16xf32>
        %add3A_871 = arith.addf %scan3A_800, %get3A_870 : vector<16xf32>
        %add3A_872 = arith.constant 0 : i32
        %add3A_873 = arith.addi %add3A_806, %add3A_872 : i32
        %get3A_874 = arith.constant 0 : i32
        %get3A_875 = arith.constant 0 : i32
        %get3A_876 = tpu.memref_slice %arg7[%scan3A_649, %get3A_874, %get3A_875] : memref<8x50x128xf32, #tpu.memory_space<vmem>> -> memref<1x50x128xf32, #tpu.memory_space<vmem>>
        %get3A_877 = tpu.memref_squeeze %get3A_876 : memref<1x50x128xf32, #tpu.memory_space<vmem>> -> memref<50x128xf32, #tpu.memory_space<vmem>>
        %get3A_878 = arith.index_cast %add3A_873 : i32 to index
        %get3A_879 = arith.constant 96 : index
        %get3A_880 = tpu.vector_load %get3A_877[%get3A_878, %get3A_879] {strides = array<i32>} : memref<50x128xf32, #tpu.memory_space<vmem>>, vector<1x16xf32>,
        %get3A_881 = vector.shape_cast %get3A_880 : vector<1x16xf32> to vector<16xf32>
        %add3A_882 = arith.addf %scan3A_801, %get3A_881 : vector<16xf32>
        %add3A_883 = arith.constant 0 : i32
        %add3A_884 = arith.addi %add3A_806, %add3A_883 : i32
        %get3A_885 = arith.constant 0 : i32
        %get3A_886 = arith.constant 0 : i32
        %get3A_887 = tpu.memref_slice %arg7[%scan3A_649, %get3A_885, %get3A_886] : memref<8x50x128xf32, #tpu.memory_space<vmem>> -> memref<1x50x128xf32, #tpu.memory_space<vmem>>
        %get3A_888 = tpu.memref_squeeze %get3A_887 : memref<1x50x128xf32, #tpu.memory_space<vmem>> -> memref<50x128xf32, #tpu.memory_space<vmem>>
        %get3A_889 = arith.index_cast %add3A_884 : i32 to index
        %get3A_890 = arith.constant 112 : index
        %get3A_891 = tpu.vector_load %get3A_888[%get3A_889, %get3A_890] {strides = array<i32>} : memref<50x128xf32, #tpu.memory_space<vmem>>, vector<1x16xf32>,
        %get3A_892 = vector.shape_cast %get3A_891 : vector<1x16xf32> to vector<16xf32>
        %add3A_893 = arith.addf %scan3A_802, %get3A_892 : vector<16xf32>
        %add3A_894 = arith.constant 1 : i32
        %add3A_895 = arith.addi %add3A_806, %add3A_894 : i32
        %get3A_896 = arith.constant 0 : i32
        %get3A_897 = arith.constant 0 : i32
        %get3A_898 = tpu.memref_slice %arg7[%scan3A_649, %get3A_896, %get3A_897] : memref<8x50x128xf32, #tpu.memory_space<vmem>> -> memref<1x50x128xf32, #tpu.memory_space<vmem>>
        %get3A_899 = tpu.memref_squeeze %get3A_898 : memref<1x50x128xf32, #tpu.memory_space<vmem>> -> memref<50x128xf32, #tpu.memory_space<vmem>>
        %get3A_900 = arith.index_cast %add3A_895 : i32 to index
        %get3A_901 = arith.constant 0 : index
        %get3A_902 = tpu.vector_load %get3A_899[%get3A_900, %get3A_901] {strides = array<i32>} : memref<50x128xf32, #tpu.memory_space<vmem>>, vector<1x16xf32>,
        %get3A_903 = vector.shape_cast %get3A_902 : vector<1x16xf32> to vector<16xf32>
        %add3A_904 = arith.addf %add3A_816, %get3A_903 : vector<16xf32>
        %add3A_905 = arith.constant 1 : i32
        %add3A_906 = arith.addi %add3A_806, %add3A_905 : i32
        %get3A_907 = arith.constant 0 : i32
        %get3A_908 = arith.constant 0 : i32
        %get3A_909 = tpu.memref_slice %arg7[%scan3A_649, %get3A_907, %get3A_908] : memref<8x50x128xf32, #tpu.memory_space<vmem>> -> memref<1x50x128xf32, #tpu.memory_space<vmem>>
        %get3A_910 = tpu.memref_squeeze %get3A_909 : memref<1x50x128xf32, #tpu.memory_space<vmem>> -> memref<50x128xf32, #tpu.memory_space<vmem>>
        %get3A_911 = arith.index_cast %add3A_906 : i32 to index
        %get3A_912 = arith.constant 16 : index
        %get3A_913 = tpu.vector_load %get3A_910[%get3A_911, %get3A_912] {strides = array<i32>} : memref<50x128xf32, #tpu.memory_space<vmem>>, vector<1x16xf32>,
        %get3A_914 = vector.shape_cast %get3A_913 : vector<1x16xf32> to vector<16xf32>
        %add3A_915 = arith.addf %add3A_827, %get3A_914 : vector<16xf32>
        %add3A_916 = arith.constant 1 : i32
        %add3A_917 = arith.addi %add3A_806, %add3A_916 : i32
        %get3A_918 = arith.constant 0 : i32
        %get3A_919 = arith.constant 0 : i32
        %get3A_920 = tpu.memref_slice %arg7[%scan3A_649, %get3A_918, %get3A_919] : memref<8x50x128xf32, #tpu.memory_space<vmem>> -> memref<1x50x128xf32, #tpu.memory_space<vmem>>
        %get3A_921 = tpu.memref_squeeze %get3A_920 : memref<1x50x128xf32, #tpu.memory_space<vmem>> -> memref<50x128xf32, #tpu.memory_space<vmem>>
        %get3A_922 = arith.index_cast %add3A_917 : i32 to index
        %get3A_923 = arith.constant 32 : index
        %get3A_924 = tpu.vector_load %get3A_921[%get3A_922, %get3A_923] {strides = array<i32>} : memref<50x128xf32, #tpu.memory_space<vmem>>, vector<1x16xf32>,
        %get3A_925 = vector.shape_cast %get3A_924 : vector<1x16xf32> to vector<16xf32>
        %add3A_926 = arith.addf %add3A_838, %get3A_925 : vector<16xf32>
        %add3A_927 = arith.constant 1 : i32
        %add3A_928 = arith.addi %add3A_806, %add3A_927 : i32
        %get3A_929 = arith.constant 0 : i32
        %get3A_930 = arith.constant 0 : i32
        %get3A_931 = tpu.memref_slice %arg7[%scan3A_649, %get3A_929, %get3A_930] : memref<8x50x128xf32, #tpu.memory_space<vmem>> -> memref<1x50x128xf32, #tpu.memory_space<vmem>>
        %get3A_932 = tpu.memref_squeeze %get3A_931 : memref<1x50x128xf32, #tpu.memory_space<vmem>> -> memref<50x128xf32, #tpu.memory_space<vmem>>
        %get3A_933 = arith.index_cast %add3A_928 : i32 to index
        %get3A_934 = arith.constant 48 : index
        %get3A_935 = tpu.vector_load %get3A_932[%get3A_933, %get3A_934] {strides = array<i32>} : memref<50x128xf32, #tpu.memory_space<vmem>>, vector<1x16xf32>,
        %get3A_936 = vector.shape_cast %get3A_935 : vector<1x16xf32> to vector<16xf32>
        %add3A_937 = arith.addf %add3A_849, %get3A_936 : vector<16xf32>
        %add3A_938 = arith.constant 1 : i32
        %add3A_939 = arith.addi %add3A_806, %add3A_938 : i32
        %get3A_940 = arith.constant 0 : i32
        %get3A_941 = arith.constant 0 : i32
        %get3A_942 = tpu.memref_slice %arg7[%scan3A_649, %get3A_940, %get3A_941] : memref<8x50x128xf32, #tpu.memory_space<vmem>> -> memref<1x50x128xf32, #tpu.memory_space<vmem>>
        %get3A_943 = tpu.memref_squeeze %get3A_942 : memref<1x50x128xf32, #tpu.memory_space<vmem>> -> memref<50x128xf32, #tpu.memory_space<vmem>>
        %get3A_944 = arith.index_cast %add3A_939 : i32 to index
        %get3A_945 = arith.constant 64 : index
        %get3A_946 = tpu.vector_load %get3A_943[%get3A_944, %get3A_945] {strides = array<i32>} : memref<50x128xf32, #tpu.memory_space<vmem>>, vector<1x16xf32>,
        %get3A_947 = vector.shape_cast %get3A_946 : vector<1x16xf32> to vector<16xf32>
        %add3A_948 = arith.addf %add3A_860, %get3A_947 : vector<16xf32>
        %add3A_949 = arith.constant 1 : i32
        %add3A_950 = arith.addi %add3A_806, %add3A_949 : i32
        %get3A_951 = arith.constant 0 : i32
        %get3A_952 = arith.constant 0 : i32
        %get3A_953 = tpu.memref_slice %arg7[%scan3A_649, %get3A_951, %get3A_952] : memref<8x50x128xf32, #tpu.memory_space<vmem>> -> memref<1x50x128xf32, #tpu.memory_space<vmem>>
        %get3A_954 = tpu.memref_squeeze %get3A_953 : memref<1x50x128xf32, #tpu.memory_space<vmem>> -> memref<50x128xf32, #tpu.memory_space<vmem>>
        %get3A_955 = arith.index_cast %add3A_950 : i32 to index
        %get3A_956 = arith.constant 80 : index
        %get3A_957 = tpu.vector_load %get3A_954[%get3A_955, %get3A_956] {strides = array<i32>} : memref<50x128xf32, #tpu.memory_space<vmem>>, vector<1x16xf32>,
        %get3A_958 = vector.shape_cast %get3A_957 : vector<1x16xf32> to vector<16xf32>
        %add3A_959 = arith.addf %add3A_871, %get3A_958 : vector<16xf32>
        %add3A_960 = arith.constant 1 : i32
        %add3A_961 = arith.addi %add3A_806, %add3A_960 : i32
        %get3A_962 = arith.constant 0 : i32
        %get3A_963 = arith.constant 0 : i32
        %get3A_964 = tpu.memref_slice %arg7[%scan3A_649, %get3A_962, %get3A_963] : memref<8x50x128xf32, #tpu.memory_space<vmem>> -> memref<1x50x128xf32, #tpu.memory_space<vmem>>
        %get3A_965 = tpu.memref_squeeze %get3A_964 : memref<1x50x128xf32, #tpu.memory_space<vmem>> -> memref<50x128xf32, #tpu.memory_space<vmem>>
        %get3A_966 = arith.index_cast %add3A_961 : i32 to index
        %get3A_967 = arith.constant 96 : index
        %get3A_968 = tpu.vector_load %get3A_965[%get3A_966, %get3A_967] {strides = array<i32>} : memref<50x128xf32, #tpu.memory_space<vmem>>, vector<1x16xf32>,
        %get3A_969 = vector.shape_cast %get3A_968 : vector<1x16xf32> to vector<16xf32>
        %add3A_970 = arith.addf %add3A_882, %get3A_969 : vector<16xf32>
        %add3A_971 = arith.constant 1 : i32
        %add3A_972 = arith.addi %add3A_806, %add3A_971 : i32
        %get3A_973 = arith.constant 0 : i32
        %get3A_974 = arith.constant 0 : i32
        %get3A_975 = tpu.memref_slice %arg7[%scan3A_649, %get3A_973, %get3A_974] : memref<8x50x128xf32, #tpu.memory_space<vmem>> -> memref<1x50x128xf32, #tpu.memory_space<vmem>>
        %get3A_976 = tpu.memref_squeeze %get3A_975 : memref<1x50x128xf32, #tpu.memory_space<vmem>> -> memref<50x128xf32, #tpu.memory_space<vmem>>
        %get3A_977 = arith.index_cast %add3A_972 : i32 to index
        %get3A_978 = arith.constant 112 : index
        %get3A_979 = tpu.vector_load %get3A_976[%get3A_977, %get3A_978] {strides = array<i32>} : memref<50x128xf32, #tpu.memory_space<vmem>>, vector<1x16xf32>,
        %get3A_980 = vector.shape_cast %get3A_979 : vector<1x16xf32> to vector<16xf32>
        %add3A_981 = arith.addf %add3A_893, %get3A_980 : vector<16xf32>
        %add3A_982 = arith.constant 2 : i32
        %add3A_983 = arith.addi %add3A_806, %add3A_982 : i32
        %get3A_984 = arith.constant 0 : i32
        %get3A_985 = arith.constant 0 : i32
        %get3A_986 = tpu.memref_slice %arg7[%scan3A_649, %get3A_984, %get3A_985] : memref<8x50x128xf32, #tpu.memory_space<vmem>> -> memref<1x50x128xf32, #tpu.memory_space<vmem>>
        %get3A_987 = tpu.memref_squeeze %get3A_986 : memref<1x50x128xf32, #tpu.memory_space<vmem>> -> memref<50x128xf32, #tpu.memory_space<vmem>>
        %get3A_988 = arith.index_cast %add3A_983 : i32 to index
        %get3A_989 = arith.constant 0 : index
        %get3A_990 = tpu.vector_load %get3A_987[%get3A_988, %get3A_989] {strides = array<i32>} : memref<50x128xf32, #tpu.memory_space<vmem>>, vector<1x16xf32>,
        %get3A_991 = vector.shape_cast %get3A_990 : vector<1x16xf32> to vector<16xf32>
        %add3A_992 = arith.addf %add3A_904, %get3A_991 : vector<16xf32>
        %add3A_993 = arith.constant 2 : i32
        %add3A_994 = arith.addi %add3A_806, %add3A_993 : i32
        %get3A_995 = arith.constant 0 : i32
        %get3A_996 = arith.constant 0 : i32
        %get3A_997 = tpu.memref_slice %arg7[%scan3A_649, %get3A_995, %get3A_996] : memref<8x50x128xf32, #tpu.memory_space<vmem>> -> memref<1x50x128xf32, #tpu.memory_space<vmem>>
        %get3A_998 = tpu.memref_squeeze %get3A_997 : memref<1x50x128xf32, #tpu.memory_space<vmem>> -> memref<50x128xf32, #tpu.memory_space<vmem>>
        %get3A_999 = arith.index_cast %add3A_994 : i32 to index
        %get3A_1000 = arith.constant 16 : index
        %get3A_1001 = tpu.vector_load %get3A_998[%get3A_999, %get3A_1000] {strides = array<i32>} : memref<50x128xf32, #tpu.memory_space<vmem>>, vector<1x16xf32>,
        %get3A_1002 = vector.shape_cast %get3A_1001 : vector<1x16xf32> to vector<16xf32>
        %add3A_1003 = arith.addf %add3A_915, %get3A_1002 : vector<16xf32>
        %add3A_1004 = arith.constant 2 : i32
        %add3A_1005 = arith.addi %add3A_806, %add3A_1004 : i32
        %get3A_1006 = arith.constant 0 : i32
        %get3A_1007 = arith.constant 0 : i32
        %get3A_1008 = tpu.memref_slice %arg7[%scan3A_649, %get3A_1006, %get3A_1007] : memref<8x50x128xf32, #tpu.memory_space<vmem>> -> memref<1x50x128xf32, #tpu.memory_space<vmem>>
        %get3A_1009 = tpu.memref_squeeze %get3A_1008 : memref<1x50x128xf32, #tpu.memory_space<vmem>> -> memref<50x128xf32, #tpu.memory_space<vmem>>
        %get3A_1010 = arith.index_cast %add3A_1005 : i32 to index
        %get3A_1011 = arith.constant 32 : index
        %get3A_1012 = tpu.vector_load %get3A_1009[%get3A_1010, %get3A_1011] {strides = array<i32>} : memref<50x128xf32, #tpu.memory_space<vmem>>, vector<1x16xf32>,
        %get3A_1013 = vector.shape_cast %get3A_1012 : vector<1x16xf32> to vector<16xf32>
        %add3A_1014 = arith.addf %add3A_926, %get3A_1013 : vector<16xf32>
        %add3A_1015 = arith.constant 2 : i32
        %add3A_1016 = arith.addi %add3A_806, %add3A_1015 : i32
        %get3A_1017 = arith.constant 0 : i32
        %get3A_1018 = arith.constant 0 : i32
        %get3A_1019 = tpu.memref_slice %arg7[%scan3A_649, %get3A_1017, %get3A_1018] : memref<8x50x128xf32, #tpu.memory_space<vmem>> -> memref<1x50x128xf32, #tpu.memory_space<vmem>>
        %get3A_1020 = tpu.memref_squeeze %get3A_1019 : memref<1x50x128xf32, #tpu.memory_space<vmem>> -> memref<50x128xf32, #tpu.memory_space<vmem>>
        %get3A_1021 = arith.index_cast %add3A_1016 : i32 to index
        %get3A_1022 = arith.constant 48 : index
        %get3A_1023 = tpu.vector_load %get3A_1020[%get3A_1021, %get3A_1022] {strides = array<i32>} : memref<50x128xf32, #tpu.memory_space<vmem>>, vector<1x16xf32>,
        %get3A_1024 = vector.shape_cast %get3A_1023 : vector<1x16xf32> to vector<16xf32>
        %add3A_1025 = arith.addf %add3A_937, %get3A_1024 : vector<16xf32>
        %add3A_1026 = arith.constant 2 : i32
        %add3A_1027 = arith.addi %add3A_806, %add3A_1026 : i32
        %get3A_1028 = arith.constant 0 : i32
        %get3A_1029 = arith.constant 0 : i32
        %get3A_1030 = tpu.memref_slice %arg7[%scan3A_649, %get3A_1028, %get3A_1029] : memref<8x50x128xf32, #tpu.memory_space<vmem>> -> memref<1x50x128xf32, #tpu.memory_space<vmem>>
        %get3A_1031 = tpu.memref_squeeze %get3A_1030 : memref<1x50x128xf32, #tpu.memory_space<vmem>> -> memref<50x128xf32, #tpu.memory_space<vmem>>
        %get3A_1032 = arith.index_cast %add3A_1027 : i32 to index
        %get3A_1033 = arith.constant 64 : index
        %get3A_1034 = tpu.vector_load %get3A_1031[%get3A_1032, %get3A_1033] {strides = array<i32>} : memref<50x128xf32, #tpu.memory_space<vmem>>, vector<1x16xf32>,
        %get3A_1035 = vector.shape_cast %get3A_1034 : vector<1x16xf32> to vector<16xf32>
        %add3A_1036 = arith.addf %add3A_948, %get3A_1035 : vector<16xf32>
        %add3A_1037 = arith.constant 2 : i32
        %add3A_1038 = arith.addi %add3A_806, %add3A_1037 : i32
        %get3A_1039 = arith.constant 0 : i32
        %get3A_1040 = arith.constant 0 : i32
        %get3A_1041 = tpu.memref_slice %arg7[%scan3A_649, %get3A_1039, %get3A_1040] : memref<8x50x128xf32, #tpu.memory_space<vmem>> -> memref<1x50x128xf32, #tpu.memory_space<vmem>>
        %get3A_1042 = tpu.memref_squeeze %get3A_1041 : memref<1x50x128xf32, #tpu.memory_space<vmem>> -> memref<50x128xf32, #tpu.memory_space<vmem>>
        %get3A_1043 = arith.index_cast %add3A_1038 : i32 to index
        %get3A_1044 = arith.constant 80 : index
        %get3A_1045 = tpu.vector_load %get3A_1042[%get3A_1043, %get3A_1044] {strides = array<i32>} : memref<50x128xf32, #tpu.memory_space<vmem>>, vector<1x16xf32>,
        %get3A_1046 = vector.shape_cast %get3A_1045 : vector<1x16xf32> to vector<16xf32>
        %add3A_1047 = arith.addf %add3A_959, %get3A_1046 : vector<16xf32>
        %add3A_1048 = arith.constant 2 : i32
        %add3A_1049 = arith.addi %add3A_806, %add3A_1048 : i32
        %get3A_1050 = arith.constant 0 : i32
        %get3A_1051 = arith.constant 0 : i32
        %get3A_1052 = tpu.memref_slice %arg7[%scan3A_649, %get3A_1050, %get3A_1051] : memref<8x50x128xf32, #tpu.memory_space<vmem>> -> memref<1x50x128xf32, #tpu.memory_space<vmem>>
        %get3A_1053 = tpu.memref_squeeze %get3A_1052 : memref<1x50x128xf32, #tpu.memory_space<vmem>> -> memref<50x128xf32, #tpu.memory_space<vmem>>
        %get3A_1054 = arith.index_cast %add3A_1049 : i32 to index
        %get3A_1055 = arith.constant 96 : index
        %get3A_1056 = tpu.vector_load %get3A_1053[%get3A_1054, %get3A_1055] {strides = array<i32>} : memref<50x128xf32, #tpu.memory_space<vmem>>, vector<1x16xf32>,
        %get3A_1057 = vector.shape_cast %get3A_1056 : vector<1x16xf32> to vector<16xf32>
        %add3A_1058 = arith.addf %add3A_970, %get3A_1057 : vector<16xf32>
        %add3A_1059 = arith.constant 2 : i32
        %add3A_1060 = arith.addi %add3A_806, %add3A_1059 : i32
        %get3A_1061 = arith.constant 0 : i32
        %get3A_1062 = arith.constant 0 : i32
        %get3A_1063 = tpu.memref_slice %arg7[%scan3A_649, %get3A_1061, %get3A_1062] : memref<8x50x128xf32, #tpu.memory_space<vmem>> -> memref<1x50x128xf32, #tpu.memory_space<vmem>>
        %get3A_1064 = tpu.memref_squeeze %get3A_1063 : memref<1x50x128xf32, #tpu.memory_space<vmem>> -> memref<50x128xf32, #tpu.memory_space<vmem>>
        %get3A_1065 = arith.index_cast %add3A_1060 : i32 to index
        %get3A_1066 = arith.constant 112 : index
        %get3A_1067 = tpu.vector_load %get3A_1064[%get3A_1065, %get3A_1066] {strides = array<i32>} : memref<50x128xf32, #tpu.memory_space<vmem>>, vector<1x16xf32>,
        %get3A_1068 = vector.shape_cast %get3A_1067 : vector<1x16xf32> to vector<16xf32>
        %add3A_1069 = arith.addf %add3A_981, %get3A_1068 : vector<16xf32>
        %add3A_1070 = arith.constant 3 : i32
        %add3A_1071 = arith.addi %add3A_806, %add3A_1070 : i32
        %get3A_1072 = arith.constant 0 : i32
        %get3A_1073 = arith.constant 0 : i32
        %get3A_1074 = tpu.memref_slice %arg7[%scan3A_649, %get3A_1072, %get3A_1073] : memref<8x50x128xf32, #tpu.memory_space<vmem>> -> memref<1x50x128xf32, #tpu.memory_space<vmem>>
        %get3A_1075 = tpu.memref_squeeze %get3A_1074 : memref<1x50x128xf32, #tpu.memory_space<vmem>> -> memref<50x128xf32, #tpu.memory_space<vmem>>
        %get3A_1076 = arith.index_cast %add3A_1071 : i32 to index
        %get3A_1077 = arith.constant 0 : index
        %get3A_1078 = tpu.vector_load %get3A_1075[%get3A_1076, %get3A_1077] {strides = array<i32>} : memref<50x128xf32, #tpu.memory_space<vmem>>, vector<1x16xf32>,
        %get3A_1079 = vector.shape_cast %get3A_1078 : vector<1x16xf32> to vector<16xf32>
        %add3A_1080 = arith.addf %add3A_992, %get3A_1079 : vector<16xf32>
        %add3A_1081 = arith.constant 3 : i32
        %add3A_1082 = arith.addi %add3A_806, %add3A_1081 : i32
        %get3A_1083 = arith.constant 0 : i32
        %get3A_1084 = arith.constant 0 : i32
        %get3A_1085 = tpu.memref_slice %arg7[%scan3A_649, %get3A_1083, %get3A_1084] : memref<8x50x128xf32, #tpu.memory_space<vmem>> -> memref<1x50x128xf32, #tpu.memory_space<vmem>>
        %get3A_1086 = tpu.memref_squeeze %get3A_1085 : memref<1x50x128xf32, #tpu.memory_space<vmem>> -> memref<50x128xf32, #tpu.memory_space<vmem>>
        %get3A_1087 = arith.index_cast %add3A_1082 : i32 to index
        %get3A_1088 = arith.constant 16 : index
        %get3A_1089 = tpu.vector_load %get3A_1086[%get3A_1087, %get3A_1088] {strides = array<i32>} : memref<50x128xf32, #tpu.memory_space<vmem>>, vector<1x16xf32>,
        %get3A_1090 = vector.shape_cast %get3A_1089 : vector<1x16xf32> to vector<16xf32>
        %add3A_1091 = arith.addf %add3A_1003, %get3A_1090 : vector<16xf32>
        %add3A_1092 = arith.constant 3 : i32
        %add3A_1093 = arith.addi %add3A_806, %add3A_1092 : i32
        %get3A_1094 = arith.constant 0 : i32
        %get3A_1095 = arith.constant 0 : i32
        %get3A_1096 = tpu.memref_slice %arg7[%scan3A_649, %get3A_1094, %get3A_1095] : memref<8x50x128xf32, #tpu.memory_space<vmem>> -> memref<1x50x128xf32, #tpu.memory_space<vmem>>
        %get3A_1097 = tpu.memref_squeeze %get3A_1096 : memref<1x50x128xf32, #tpu.memory_space<vmem>> -> memref<50x128xf32, #tpu.memory_space<vmem>>
        %get3A_1098 = arith.index_cast %add3A_1093 : i32 to index
        %get3A_1099 = arith.constant 32 : index
        %get3A_1100 = tpu.vector_load %get3A_1097[%get3A_1098, %get3A_1099] {strides = array<i32>} : memref<50x128xf32, #tpu.memory_space<vmem>>, vector<1x16xf32>,
        %get3A_1101 = vector.shape_cast %get3A_1100 : vector<1x16xf32> to vector<16xf32>
        %add3A_1102 = arith.addf %add3A_1014, %get3A_1101 : vector<16xf32>
        %add3A_1103 = arith.constant 3 : i32
        %add3A_1104 = arith.addi %add3A_806, %add3A_1103 : i32
        %get3A_1105 = arith.constant 0 : i32
        %get3A_1106 = arith.constant 0 : i32
        %get3A_1107 = tpu.memref_slice %arg7[%scan3A_649, %get3A_1105, %get3A_1106] : memref<8x50x128xf32, #tpu.memory_space<vmem>> -> memref<1x50x128xf32, #tpu.memory_space<vmem>>
        %get3A_1108 = tpu.memref_squeeze %get3A_1107 : memref<1x50x128xf32, #tpu.memory_space<vmem>> -> memref<50x128xf32, #tpu.memory_space<vmem>>
        %get3A_1109 = arith.index_cast %add3A_1104 : i32 to index
        %get3A_1110 = arith.constant 48 : index
        %get3A_1111 = tpu.vector_load %get3A_1108[%get3A_1109, %get3A_1110] {strides = array<i32>} : memref<50x128xf32, #tpu.memory_space<vmem>>, vector<1x16xf32>,
        %get3A_1112 = vector.shape_cast %get3A_1111 : vector<1x16xf32> to vector<16xf32>
        %add3A_1113 = arith.addf %add3A_1025, %get3A_1112 : vector<16xf32>
        %add3A_1114 = arith.constant 3 : i32
        %add3A_1115 = arith.addi %add3A_806, %add3A_1114 : i32
        %get3A_1116 = arith.constant 0 : i32
        %get3A_1117 = arith.constant 0 : i32
        %get3A_1118 = tpu.memref_slice %arg7[%scan3A_649, %get3A_1116, %get3A_1117] : memref<8x50x128xf32, #tpu.memory_space<vmem>> -> memref<1x50x128xf32, #tpu.memory_space<vmem>>
        %get3A_1119 = tpu.memref_squeeze %get3A_1118 : memref<1x50x128xf32, #tpu.memory_space<vmem>> -> memref<50x128xf32, #tpu.memory_space<vmem>>
        %get3A_1120 = arith.index_cast %add3A_1115 : i32 to index
        %get3A_1121 = arith.constant 64 : index
        %get3A_1122 = tpu.vector_load %get3A_1119[%get3A_1120, %get3A_1121] {strides = array<i32>} : memref<50x128xf32, #tpu.memory_space<vmem>>, vector<1x16xf32>,
        %get3A_1123 = vector.shape_cast %get3A_1122 : vector<1x16xf32> to vector<16xf32>
        %add3A_1124 = arith.addf %add3A_1036, %get3A_1123 : vector<16xf32>
        %add3A_1125 = arith.constant 3 : i32
        %add3A_1126 = arith.addi %add3A_806, %add3A_1125 : i32
        %get3A_1127 = arith.constant 0 : i32
        %get3A_1128 = arith.constant 0 : i32
        %get3A_1129 = tpu.memref_slice %arg7[%scan3A_649, %get3A_1127, %get3A_1128] : memref<8x50x128xf32, #tpu.memory_space<vmem>> -> memref<1x50x128xf32, #tpu.memory_space<vmem>>
        %get3A_1130 = tpu.memref_squeeze %get3A_1129 : memref<1x50x128xf32, #tpu.memory_space<vmem>> -> memref<50x128xf32, #tpu.memory_space<vmem>>
        %get3A_1131 = arith.index_cast %add3A_1126 : i32 to index
        %get3A_1132 = arith.constant 80 : index
        %get3A_1133 = tpu.vector_load %get3A_1130[%get3A_1131, %get3A_1132] {strides = array<i32>} : memref<50x128xf32, #tpu.memory_space<vmem>>, vector<1x16xf32>,
        %get3A_1134 = vector.shape_cast %get3A_1133 : vector<1x16xf32> to vector<16xf32>
        %add3A_1135 = arith.addf %add3A_1047, %get3A_1134 : vector<16xf32>
        %add3A_1136 = arith.constant 3 : i32
        %add3A_1137 = arith.addi %add3A_806, %add3A_1136 : i32
        %get3A_1138 = arith.constant 0 : i32
        %get3A_1139 = arith.constant 0 : i32
        %get3A_1140 = tpu.memref_slice %arg7[%scan3A_649, %get3A_1138, %get3A_1139] : memref<8x50x128xf32, #tpu.memory_space<vmem>> -> memref<1x50x128xf32, #tpu.memory_space<vmem>>
        %get3A_1141 = tpu.memref_squeeze %get3A_1140 : memref<1x50x128xf32, #tpu.memory_space<vmem>> -> memref<50x128xf32, #tpu.memory_space<vmem>>
        %get3A_1142 = arith.index_cast %add3A_1137 : i32 to index
        %get3A_1143 = arith.constant 96 : index
        %get3A_1144 = tpu.vector_load %get3A_1141[%get3A_1142, %get3A_1143] {strides = array<i32>} : memref<50x128xf32, #tpu.memory_space<vmem>>, vector<1x16xf32>,
        %get3A_1145 = vector.shape_cast %get3A_1144 : vector<1x16xf32> to vector<16xf32>
        %add3A_1146 = arith.addf %add3A_1058, %get3A_1145 : vector<16xf32>
        %add3A_1147 = arith.constant 3 : i32
        %add3A_1148 = arith.addi %add3A_806, %add3A_1147 : i32
        %get3A_1149 = arith.constant 0 : i32
        %get3A_1150 = arith.constant 0 : i32
        %get3A_1151 = tpu.memref_slice %arg7[%scan3A_649, %get3A_1149, %get3A_1150] : memref<8x50x128xf32, #tpu.memory_space<vmem>> -> memref<1x50x128xf32, #tpu.memory_space<vmem>>
        %get3A_1152 = tpu.memref_squeeze %get3A_1151 : memref<1x50x128xf32, #tpu.memory_space<vmem>> -> memref<50x128xf32, #tpu.memory_space<vmem>>
        %get3A_1153 = arith.index_cast %add3A_1148 : i32 to index
        %get3A_1154 = arith.constant 112 : index
        %get3A_1155 = tpu.vector_load %get3A_1152[%get3A_1153, %get3A_1154] {strides = array<i32>} : memref<50x128xf32, #tpu.memory_space<vmem>>, vector<1x16xf32>,
        %get3A_1156 = vector.shape_cast %get3A_1155 : vector<1x16xf32> to vector<16xf32>
        %add3A_1157 = arith.addf %add3A_1069, %get3A_1156 : vector<16xf32>
        %add3A_1158 = arith.constant 4 : i32
        %add3A_1159 = arith.addi %add3A_806, %add3A_1158 : i32
        %get3A_1160 = arith.constant 0 : i32
        %get3A_1161 = arith.constant 0 : i32
        %get3A_1162 = tpu.memref_slice %arg7[%scan3A_649, %get3A_1160, %get3A_1161] : memref<8x50x128xf32, #tpu.memory_space<vmem>> -> memref<1x50x128xf32, #tpu.memory_space<vmem>>
        %get3A_1163 = tpu.memref_squeeze %get3A_1162 : memref<1x50x128xf32, #tpu.memory_space<vmem>> -> memref<50x128xf32, #tpu.memory_space<vmem>>
        %get3A_1164 = arith.index_cast %add3A_1159 : i32 to index
        %get3A_1165 = arith.constant 0 : index
        %get3A_1166 = tpu.vector_load %get3A_1163[%get3A_1164, %get3A_1165] {strides = array<i32>} : memref<50x128xf32, #tpu.memory_space<vmem>>, vector<1x16xf32>,
        %get3A_1167 = vector.shape_cast %get3A_1166 : vector<1x16xf32> to vector<16xf32>
        %add3A_1168 = arith.addf %add3A_1080, %get3A_1167 : vector<16xf32>
        %add3A_1169 = arith.constant 4 : i32
        %add3A_1170 = arith.addi %add3A_806, %add3A_1169 : i32
        %get3A_1171 = arith.constant 0 : i32
        %get3A_1172 = arith.constant 0 : i32
        %get3A_1173 = tpu.memref_slice %arg7[%scan3A_649, %get3A_1171, %get3A_1172] : memref<8x50x128xf32, #tpu.memory_space<vmem>> -> memref<1x50x128xf32, #tpu.memory_space<vmem>>
        %get3A_1174 = tpu.memref_squeeze %get3A_1173 : memref<1x50x128xf32, #tpu.memory_space<vmem>> -> memref<50x128xf32, #tpu.memory_space<vmem>>
        %get3A_1175 = arith.index_cast %add3A_1170 : i32 to index
        %get3A_1176 = arith.constant 16 : index
        %get3A_1177 = tpu.vector_load %get3A_1174[%get3A_1175, %get3A_1176] {strides = array<i32>} : memref<50x128xf32, #tpu.memory_space<vmem>>, vector<1x16xf32>,
        %get3A_1178 = vector.shape_cast %get3A_1177 : vector<1x16xf32> to vector<16xf32>
        %add3A_1179 = arith.addf %add3A_1091, %get3A_1178 : vector<16xf32>
        %add3A_1180 = arith.constant 4 : i32
        %add3A_1181 = arith.addi %add3A_806, %add3A_1180 : i32
        %get3A_1182 = arith.constant 0 : i32
        %get3A_1183 = arith.constant 0 : i32
        %get3A_1184 = tpu.memref_slice %arg7[%scan3A_649, %get3A_1182, %get3A_1183] : memref<8x50x128xf32, #tpu.memory_space<vmem>> -> memref<1x50x128xf32, #tpu.memory_space<vmem>>
        %get3A_1185 = tpu.memref_squeeze %get3A_1184 : memref<1x50x128xf32, #tpu.memory_space<vmem>> -> memref<50x128xf32, #tpu.memory_space<vmem>>
        %get3A_1186 = arith.index_cast %add3A_1181 : i32 to index
        %get3A_1187 = arith.constant 32 : index
        %get3A_1188 = tpu.vector_load %get3A_1185[%get3A_1186, %get3A_1187] {strides = array<i32>} : memref<50x128xf32, #tpu.memory_space<vmem>>, vector<1x16xf32>,
        %get3A_1189 = vector.shape_cast %get3A_1188 : vector<1x16xf32> to vector<16xf32>
        %add3A_1190 = arith.addf %add3A_1102, %get3A_1189 : vector<16xf32>
        %add3A_1191 = arith.constant 4 : i32
        %add3A_1192 = arith.addi %add3A_806, %add3A_1191 : i32
        %get3A_1193 = arith.constant 0 : i32
        %get3A_1194 = arith.constant 0 : i32
        %get3A_1195 = tpu.memref_slice %arg7[%scan3A_649, %get3A_1193, %get3A_1194] : memref<8x50x128xf32, #tpu.memory_space<vmem>> -> memref<1x50x128xf32, #tpu.memory_space<vmem>>
        %get3A_1196 = tpu.memref_squeeze %get3A_1195 : memref<1x50x128xf32, #tpu.memory_space<vmem>> -> memref<50x128xf32, #tpu.memory_space<vmem>>
        %get3A_1197 = arith.index_cast %add3A_1192 : i32 to index
        %get3A_1198 = arith.constant 48 : index
        %get3A_1199 = tpu.vector_load %get3A_1196[%get3A_1197, %get3A_1198] {strides = array<i32>} : memref<50x128xf32, #tpu.memory_space<vmem>>, vector<1x16xf32>,
        %get3A_1200 = vector.shape_cast %get3A_1199 : vector<1x16xf32> to vector<16xf32>
        %add3A_1201 = arith.addf %add3A_1113, %get3A_1200 : vector<16xf32>
        %add3A_1202 = arith.constant 4 : i32
        %add3A_1203 = arith.addi %add3A_806, %add3A_1202 : i32
        %get3A_1204 = arith.constant 0 : i32
        %get3A_1205 = arith.constant 0 : i32
        %get3A_1206 = tpu.memref_slice %arg7[%scan3A_649, %get3A_1204, %get3A_1205] : memref<8x50x128xf32, #tpu.memory_space<vmem>> -> memref<1x50x128xf32, #tpu.memory_space<vmem>>
        %get3A_1207 = tpu.memref_squeeze %get3A_1206 : memref<1x50x128xf32, #tpu.memory_space<vmem>> -> memref<50x128xf32, #tpu.memory_space<vmem>>
        %get3A_1208 = arith.index_cast %add3A_1203 : i32 to index
        %get3A_1209 = arith.constant 64 : index
        %get3A_1210 = tpu.vector_load %get3A_1207[%get3A_1208, %get3A_1209] {strides = array<i32>} : memref<50x128xf32, #tpu.memory_space<vmem>>, vector<1x16xf32>,
        %get3A_1211 = vector.shape_cast %get3A_1210 : vector<1x16xf32> to vector<16xf32>
        %add3A_1212 = arith.addf %add3A_1124, %get3A_1211 : vector<16xf32>
        %add3A_1213 = arith.constant 4 : i32
        %add3A_1214 = arith.addi %add3A_806, %add3A_1213 : i32
        %get3A_1215 = arith.constant 0 : i32
        %get3A_1216 = arith.constant 0 : i32
        %get3A_1217 = tpu.memref_slice %arg7[%scan3A_649, %get3A_1215, %get3A_1216] : memref<8x50x128xf32, #tpu.memory_space<vmem>> -> memref<1x50x128xf32, #tpu.memory_space<vmem>>
        %get3A_1218 = tpu.memref_squeeze %get3A_1217 : memref<1x50x128xf32, #tpu.memory_space<vmem>> -> memref<50x128xf32, #tpu.memory_space<vmem>>
        %get3A_1219 = arith.index_cast %add3A_1214 : i32 to index
        %get3A_1220 = arith.constant 80 : index
        %get3A_1221 = tpu.vector_load %get3A_1218[%get3A_1219, %get3A_1220] {strides = array<i32>} : memref<50x128xf32, #tpu.memory_space<vmem>>, vector<1x16xf32>,
        %get3A_1222 = vector.shape_cast %get3A_1221 : vector<1x16xf32> to vector<16xf32>
        %add3A_1223 = arith.addf %add3A_1135, %get3A_1222 : vector<16xf32>
        %add3A_1224 = arith.constant 4 : i32
        %add3A_1225 = arith.addi %add3A_806, %add3A_1224 : i32
        %get3A_1226 = arith.constant 0 : i32
        %get3A_1227 = arith.constant 0 : i32
        %get3A_1228 = tpu.memref_slice %arg7[%scan3A_649, %get3A_1226, %get3A_1227] : memref<8x50x128xf32, #tpu.memory_space<vmem>> -> memref<1x50x128xf32, #tpu.memory_space<vmem>>
        %get3A_1229 = tpu.memref_squeeze %get3A_1228 : memref<1x50x128xf32, #tpu.memory_space<vmem>> -> memref<50x128xf32, #tpu.memory_space<vmem>>
        %get3A_1230 = arith.index_cast %add3A_1225 : i32 to index
        %get3A_1231 = arith.constant 96 : index
        %get3A_1232 = tpu.vector_load %get3A_1229[%get3A_1230, %get3A_1231] {strides = array<i32>} : memref<50x128xf32, #tpu.memory_space<vmem>>, vector<1x16xf32>,
        %get3A_1233 = vector.shape_cast %get3A_1232 : vector<1x16xf32> to vector<16xf32>
        %add3A_1234 = arith.addf %add3A_1146, %get3A_1233 : vector<16xf32>
        %add3A_1235 = arith.constant 4 : i32
        %add3A_1236 = arith.addi %add3A_806, %add3A_1235 : i32
        %get3A_1237 = arith.constant 0 : i32
        %get3A_1238 = arith.constant 0 : i32
        %get3A_1239 = tpu.memref_slice %arg7[%scan3A_649, %get3A_1237, %get3A_1238] : memref<8x50x128xf32, #tpu.memory_space<vmem>> -> memref<1x50x128xf32, #tpu.memory_space<vmem>>
        %get3A_1240 = tpu.memref_squeeze %get3A_1239 : memref<1x50x128xf32, #tpu.memory_space<vmem>> -> memref<50x128xf32, #tpu.memory_space<vmem>>
        %get3A_1241 = arith.index_cast %add3A_1236 : i32 to index
        %get3A_1242 = arith.constant 112 : index
        %get3A_1243 = tpu.vector_load %get3A_1240[%get3A_1241, %get3A_1242] {strides = array<i32>} : memref<50x128xf32, #tpu.memory_space<vmem>>, vector<1x16xf32>,
        %get3A_1244 = vector.shape_cast %get3A_1243 : vector<1x16xf32> to vector<16xf32>
        %add3A_1245 = arith.addf %add3A_1157, %get3A_1244 : vector<16xf32>
        scf.yield %add3A_1168, %add3A_1179, %add3A_1190, %add3A_1201, %add3A_1212, %add3A_1223, %add3A_1234, %add3A_1245 : vector<16xf32>, vector<16xf32>, vector<16xf32>, vector<16xf32>, vector<16xf32>, vector<16xf32>, vector<16xf32>, vector<16xf32>
      }
      %scan3A_655 = arith.constant 10 : i32
      %mul3A_656 = arith.constant 1 : i32
      %mul3A_657 = arith.muli %add3A_623, %mul3A_656 : i32
      %add3A_658 = arith.constant 0 : i32
      %add3A_659 = arith.addi %mul3A_657, %add3A_658 : i32
      %swap3A_660 = arith.index_cast %add3A_659 : i32 to index
      %swap3A_661 = arith.constant 0 : index
      %swap3A_662 = tpu.vector_load %arg8[%swap3A_660, %swap3A_661] {strides = array<i32>} : memref<128x128xf32, #tpu.memory_space<vmem>>, vector<1x16xf32>,
      %swap3A_663 = vector.shape_cast %swap3A_662 : vector<1x16xf32> to vector<16xf32>
      %swap3A_664 = vector.shape_cast %scan3A_654#0 : vector<16xf32> to vector<1x16xf32>
      tpu.vector_store %arg8[%swap3A_660, %swap3A_661], %swap3A_664 {strides = array<i32>} : memref<128x128xf32, #tpu.memory_space<vmem>>, vector<1x16xf32>,
      %swap3A_665 = arith.index_cast %add3A_659 : i32 to index
      %swap3A_666 = arith.constant 16 : index
      %swap3A_667 = tpu.vector_load %arg8[%swap3A_665, %swap3A_666] {strides = array<i32>} : memref<128x128xf32, #tpu.memory_space<vmem>>, vector<1x16xf32>,
      %swap3A_668 = vector.shape_cast %swap3A_667 : vector<1x16xf32> to vector<16xf32>
      %swap3A_669 = vector.shape_cast %scan3A_654#1 : vector<16xf32> to vector<1x16xf32>
      tpu.vector_store %arg8[%swap3A_665, %swap3A_666], %swap3A_669 {strides = array<i32>} : memref<128x128xf32, #tpu.memory_space<vmem>>, vector<1x16xf32>,
      %swap3A_670 = arith.index_cast %add3A_659 : i32 to index
      %swap3A_671 = arith.constant 32 : index
      %swap3A_672 = tpu.vector_load %arg8[%swap3A_670, %swap3A_671] {strides = array<i32>} : memref<128x128xf32, #tpu.memory_space<vmem>>, vector<1x16xf32>,
      %swap3A_673 = vector.shape_cast %swap3A_672 : vector<1x16xf32> to vector<16xf32>
      %swap3A_674 = vector.shape_cast %scan3A_654#2 : vector<16xf32> to vector<1x16xf32>
      tpu.vector_store %arg8[%swap3A_670, %swap3A_671], %swap3A_674 {strides = array<i32>} : memref<128x128xf32, #tpu.memory_space<vmem>>, vector<1x16xf32>,
      %swap3A_675 = arith.index_cast %add3A_659 : i32 to index
      %swap3A_676 = arith.constant 48 : index
      %swap3A_677 = tpu.vector_load %arg8[%swap3A_675, %swap3A_676] {strides = array<i32>} : memref<128x128xf32, #tpu.memory_space<vmem>>, vector<1x16xf32>,
      %swap3A_678 = vector.shape_cast %swap3A_677 : vector<1x16xf32> to vector<16xf32>
      %swap3A_679 = vector.shape_cast %scan3A_654#3 : vector<16xf32> to vector<1x16xf32>
      tpu.vector_store %arg8[%swap3A_675, %swap3A_676], %swap3A_679 {strides = array<i32>} : memref<128x128xf32, #tpu.memory_space<vmem>>, vector<1x16xf32>,
      %swap3A_680 = arith.index_cast %add3A_659 : i32 to index
      %swap3A_681 = arith.constant 64 : index
      %swap3A_682 = tpu.vector_load %arg8[%swap3A_680, %swap3A_681] {strides = array<i32>} : memref<128x128xf32, #tpu.memory_space<vmem>>, vector<1x16xf32>,
      %swap3A_683 = vector.shape_cast %swap3A_682 : vector<1x16xf32> to vector<16xf32>
      %swap3A_684 = vector.shape_cast %scan3A_654#4 : vector<16xf32> to vector<1x16xf32>
      tpu.vector_store %arg8[%swap3A_680, %swap3A_681], %swap3A_684 {strides = array<i32>} : memref<128x128xf32, #tpu.memory_space<vmem>>, vector<1x16xf32>,
      %swap3A_685 = arith.index_cast %add3A_659 : i32 to index
      %swap3A_686 = arith.constant 80 : index
      %swap3A_687 = tpu.vector_load %arg8[%swap3A_685, %swap3A_686] {strides = array<i32>} : memref<128x128xf32, #tpu.memory_space<vmem>>, vector<1x16xf32>,
      %swap3A_688 = vector.shape_cast %swap3A_687 : vector<1x16xf32> to vector<16xf32>
      %swap3A_689 = vector.shape_cast %scan3A_654#5 : vector<16xf32> to vector<1x16xf32>
      tpu.vector_store %arg8[%swap3A_685, %swap3A_686], %swap3A_689 {strides = array<i32>} : memref<128x128xf32, #tpu.memory_space<vmem>>, vector<1x16xf32>,
      %swap3A_690 = arith.index_cast %add3A_659 : i32 to index
      %swap3A_691 = arith.constant 96 : index
      %swap3A_692 = tpu.vector_load %arg8[%swap3A_690, %swap3A_691] {strides = array<i32>} : memref<128x128xf32, #tpu.memory_space<vmem>>, vector<1x16xf32>,
      %swap3A_693 = vector.shape_cast %swap3A_692 : vector<1x16xf32> to vector<16xf32>
      %swap3A_694 = vector.shape_cast %scan3A_654#6 : vector<16xf32> to vector<1x16xf32>
      tpu.vector_store %arg8[%swap3A_690, %swap3A_691], %swap3A_694 {strides = array<i32>} : memref<128x128xf32, #tpu.memory_space<vmem>>, vector<1x16xf32>,
      %swap3A_695 = arith.index_cast %add3A_659 : i32 to index
      %swap3A_696 = arith.constant 112 : index
      %swap3A_697 = tpu.vector_load %arg8[%swap3A_695, %swap3A_696] {strides = array<i32>} : memref<128x128xf32, #tpu.memory_space<vmem>>, vector<1x16xf32>,
      %swap3A_698 = vector.shape_cast %swap3A_697 : vector<1x16xf32> to vector<16xf32>
      %swap3A_699 = vector.shape_cast %scan3A_654#7 : vector<16xf32> to vector<1x16xf32>
      tpu.vector_store %arg8[%swap3A_695, %swap3A_696], %swap3A_699 {strides = array<i32>} : memref<128x128xf32, #tpu.memory_space<vmem>>, vector<1x16xf32>,
      %add3A_700 = arith.constant 8 : i32
      %add3A_701 = arith.addi %add3A_623, %add3A_700 : i32
      %lt3A_702 = arith.constant 128 : i32
      %lt3A_703 = arith.cmpi slt, %add3A_701, %lt3A_702 : i32
      %convert_element_type3A_704 = arith.extui %lt3A_703 : i1 to i32
      %cond3A_705 = arith.constant 0 : i32
      %cond3A_706 = arith.cmpi ne, %convert_element_type3A_704, %cond3A_705 : i32
      scf.if %cond3A_706 {
        %add3A_794 = arith.constant 8 : i32
        %add3A_795 = arith.addi %add3A_623, %add3A_794 : i32
        %dma_start3A_796 = arith.constant 6 : i32
        %dma_start3A_797 = arith.constant 0 : i32
        %dma_start3A_798 = arith.constant 0 : i32
        %dma_start3A_799 = tpu.memref_slice %arg7[%dma_start3A_796, %dma_start3A_797, %dma_start3A_798] : memref<8x50x128xf32, #tpu.memory_space<vmem>> -> memref<1x50x128xf32, #tpu.memory_space<vmem>>
        %dma_start3A_800 = tpu.memref_squeeze %dma_start3A_799 : memref<1x50x128xf32, #tpu.memory_space<vmem>> -> memref<50x128xf32, #tpu.memory_space<vmem>>
        %dma_start3A_801 = arith.constant 0 : i32
        %dma_start3A_802 = tpu.memref_slice %arg6[%add3A_795, %dma_start3A_801] : memref<128x50xi32, #tpu.memory_space<vmem>> -> memref<1x50xi32, #tpu.memory_space<vmem>>
        %dma_start3A_803 = tpu.memref_squeeze %dma_start3A_802 : memref<1x50xi32, #tpu.memory_space<vmem>> -> memref<50xi32, #tpu.memory_space<vmem>>
        %dma_start3A_804 = arith.constant 0 : i32
        %dma_start3A_805 = arith.constant 0 : i32
        %dma_start3A_806 = tpu.memref_slice %arg3[%dma_start3A_804, %dma_start3A_805] : memref<100000x128xf32, #tpu.memory_space<hbm>> -> memref<100000x128xf32, #tpu.memory_space<hbm>>
        tpu.enqueue_indirect_dma source(%dma_start3A_806 : memref<100000x128xf32, #tpu.memory_space<hbm>>) target(%dma_start3A_800 : memref<50x128xf32, #tpu.memory_space<vmem>>) offsets(%dma_start3A_803 : memref<50xi32, #tpu.memory_space<vmem>>) semaphore(%arg15 : memref<!tpu.dma_semaphore, #tpu.memory_space<semaphore_mem>>)
      } else {
      }
      %mul3A_707 = arith.constant 8 : i32
      %mul3A_708 = arith.muli %scan3A_103, %mul3A_707 : i32
      %add3A_709 = arith.constant 7 : i32
      %add3A_710 = arith.addi %mul3A_708, %add3A_709 : i32
      %dma_wait3A_711 = arith.constant 7 : i32
      %dma_wait3A_712 = arith.constant 0 : i32
      %dma_wait3A_713 = arith.constant 0 : i32
      %dma_wait3A_714 = tpu.memref_slice %arg7[%dma_wait3A_711, %dma_wait3A_712, %dma_wait3A_713] : memref<8x50x128xf32, #tpu.memory_space<vmem>> -> memref<1x50x128xf32, #tpu.memory_space<vmem>>
      %dma_wait3A_715 = tpu.memref_squeeze %dma_wait3A_714 : memref<1x50x128xf32, #tpu.memory_space<vmem>> -> memref<50x128xf32, #tpu.memory_space<vmem>>
      %dma_wait3A_716 = arith.constant 0 : i32
      %dma_wait3A_717 = arith.constant 0 : i32
      %dma_wait3A_718 = tpu.memref_slice %arg7[%dma_wait3A_711, %dma_wait3A_716, %dma_wait3A_717] : memref<8x50x128xf32, #tpu.memory_space<vmem>> -> memref<1x50x128xf32, #tpu.memory_space<vmem>>
      %dma_wait3A_719 = tpu.memref_squeeze %dma_wait3A_718 : memref<1x50x128xf32, #tpu.memory_space<vmem>> -> memref<50x128xf32, #tpu.memory_space<vmem>>
      tpu.wait_dma2 semaphore(%arg16 : memref<!tpu.dma_semaphore, #tpu.memory_space<semaphore_mem>>) src(%arg4 : memref<50x128xf32, #tpu.memory_space<hbm>>) dst(%dma_wait3A_719 : memref<50x128xf32, #tpu.memory_space<vmem>>)
      %broadcast_in_dim3A_720 = arith.constant 0.000000e+00 : f32
      %broadcast_in_dim3A_721 = vector.broadcast %broadcast_in_dim3A_720 : f32 to vector<16xf32>
      %broadcast_in_dim3A_722 = arith.constant 0.000000e+00 : f32
      %broadcast_in_dim3A_723 = vector.broadcast %broadcast_in_dim3A_722 : f32 to vector<16xf32>
      %broadcast_in_dim3A_724 = arith.constant 0.000000e+00 : f32
      %broadcast_in_dim3A_725 = vector.broadcast %broadcast_in_dim3A_724 : f32 to vector<16xf32>
      %broadcast_in_dim3A_726 = arith.constant 0.000000e+00 : f32
      %broadcast_in_dim3A_727 = vector.broadcast %broadcast_in_dim3A_726 : f32 to vector<16xf32>
      %broadcast_in_dim3A_728 = arith.constant 0.000000e+00 : f32
      %broadcast_in_dim3A_729 = vector.broadcast %broadcast_in_dim3A_728 : f32 to vector<16xf32>
      %broadcast_in_dim3A_730 = arith.constant 0.000000e+00 : f32
      %broadcast_in_dim3A_731 = vector.broadcast %broadcast_in_dim3A_730 : f32 to vector<16xf32>
      %broadcast_in_dim3A_732 = arith.constant 0.000000e+00 : f32
      %broadcast_in_dim3A_733 = vector.broadcast %broadcast_in_dim3A_732 : f32 to vector<16xf32>
      %broadcast_in_dim3A_734 = arith.constant 0.000000e+00 : f32
      %broadcast_in_dim3A_735 = vector.broadcast %broadcast_in_dim3A_734 : f32 to vector<16xf32>
      %scan3A_736 = arith.constant 7 : i32
      %scan3A_737 = arith.constant 0 : i32
      %scan3A_738 = arith.constant 10 : i32
      %scan3A_739 = arith.addi %scan3A_737, %scan3A_738 : i32
      %scan3A_740 = arith.constant 1 : i32
      %scan3A_741:8 = scf.for %scan3A_794 = %scan3A_737 to %scan3A_739 step %scan3A_740 iter_args(%scan3A_795 = %broadcast_in_dim3A_721, %scan3A_796 = %broadcast_in_dim3A_723, %scan3A_797 = %broadcast_in_dim3A_725, %scan3A_798 = %broadcast_in_dim3A_727, %scan3A_799 = %broadcast_in_dim3A_729, %scan3A_800 = %broadcast_in_dim3A_731, %scan3A_801 = %broadcast_in_dim3A_733, %scan3A_802 = %broadcast_in_dim3A_735) -> (vector<16xf32>, vector<16xf32>, vector<16xf32>, vector<16xf32>, vector<16xf32>, vector<16xf32>, vector<16xf32>, vector<16xf32>)  : i32 {
        %mul3A_803 = arith.constant 5 : i32
        %mul3A_804 = arith.muli %scan3A_794, %mul3A_803 : i32
        %add3A_805 = arith.constant 0 : i32
        %add3A_806 = arith.addi %add3A_805, %mul3A_804 : i32
        %add3A_807 = arith.constant 0 : i32
        %add3A_808 = arith.addi %add3A_806, %add3A_807 : i32
        %get3A = arith.constant 0 : i32
        %get3A_809 = arith.constant 0 : i32
        %get3A_810 = tpu.memref_slice %arg7[%scan3A_736, %get3A, %get3A_809] : memref<8x50x128xf32, #tpu.memory_space<vmem>> -> memref<1x50x128xf32, #tpu.memory_space<vmem>>
        %get3A_811 = tpu.memref_squeeze %get3A_810 : memref<1x50x128xf32, #tpu.memory_space<vmem>> -> memref<50x128xf32, #tpu.memory_space<vmem>>
        %get3A_812 = arith.index_cast %add3A_808 : i32 to index
        %get3A_813 = arith.constant 0 : index
        %get3A_814 = tpu.vector_load %get3A_811[%get3A_812, %get3A_813] {strides = array<i32>} : memref<50x128xf32, #tpu.memory_space<vmem>>, vector<1x16xf32>,
        %get3A_815 = vector.shape_cast %get3A_814 : vector<1x16xf32> to vector<16xf32>
        %add3A_816 = arith.addf %scan3A_795, %get3A_815 : vector<16xf32>
        %add3A_817 = arith.constant 0 : i32
        %add3A_818 = arith.addi %add3A_806, %add3A_817 : i32
        %get3A_819 = arith.constant 0 : i32
        %get3A_820 = arith.constant 0 : i32
        %get3A_821 = tpu.memref_slice %arg7[%scan3A_736, %get3A_819, %get3A_820] : memref<8x50x128xf32, #tpu.memory_space<vmem>> -> memref<1x50x128xf32, #tpu.memory_space<vmem>>
        %get3A_822 = tpu.memref_squeeze %get3A_821 : memref<1x50x128xf32, #tpu.memory_space<vmem>> -> memref<50x128xf32, #tpu.memory_space<vmem>>
        %get3A_823 = arith.index_cast %add3A_818 : i32 to index
        %get3A_824 = arith.constant 16 : index
        %get3A_825 = tpu.vector_load %get3A_822[%get3A_823, %get3A_824] {strides = array<i32>} : memref<50x128xf32, #tpu.memory_space<vmem>>, vector<1x16xf32>,
        %get3A_826 = vector.shape_cast %get3A_825 : vector<1x16xf32> to vector<16xf32>
        %add3A_827 = arith.addf %scan3A_796, %get3A_826 : vector<16xf32>
        %add3A_828 = arith.constant 0 : i32
        %add3A_829 = arith.addi %add3A_806, %add3A_828 : i32
        %get3A_830 = arith.constant 0 : i32
        %get3A_831 = arith.constant 0 : i32
        %get3A_832 = tpu.memref_slice %arg7[%scan3A_736, %get3A_830, %get3A_831] : memref<8x50x128xf32, #tpu.memory_space<vmem>> -> memref<1x50x128xf32, #tpu.memory_space<vmem>>
        %get3A_833 = tpu.memref_squeeze %get3A_832 : memref<1x50x128xf32, #tpu.memory_space<vmem>> -> memref<50x128xf32, #tpu.memory_space<vmem>>
        %get3A_834 = arith.index_cast %add3A_829 : i32 to index
        %get3A_835 = arith.constant 32 : index
        %get3A_836 = tpu.vector_load %get3A_833[%get3A_834, %get3A_835] {strides = array<i32>} : memref<50x128xf32, #tpu.memory_space<vmem>>, vector<1x16xf32>,
        %get3A_837 = vector.shape_cast %get3A_836 : vector<1x16xf32> to vector<16xf32>
        %add3A_838 = arith.addf %scan3A_797, %get3A_837 : vector<16xf32>
        %add3A_839 = arith.constant 0 : i32
        %add3A_840 = arith.addi %add3A_806, %add3A_839 : i32
        %get3A_841 = arith.constant 0 : i32
        %get3A_842 = arith.constant 0 : i32
        %get3A_843 = tpu.memref_slice %arg7[%scan3A_736, %get3A_841, %get3A_842] : memref<8x50x128xf32, #tpu.memory_space<vmem>> -> memref<1x50x128xf32, #tpu.memory_space<vmem>>
        %get3A_844 = tpu.memref_squeeze %get3A_843 : memref<1x50x128xf32, #tpu.memory_space<vmem>> -> memref<50x128xf32, #tpu.memory_space<vmem>>
        %get3A_845 = arith.index_cast %add3A_840 : i32 to index
        %get3A_846 = arith.constant 48 : index
        %get3A_847 = tpu.vector_load %get3A_844[%get3A_845, %get3A_846] {strides = array<i32>} : memref<50x128xf32, #tpu.memory_space<vmem>>, vector<1x16xf32>,
        %get3A_848 = vector.shape_cast %get3A_847 : vector<1x16xf32> to vector<16xf32>
        %add3A_849 = arith.addf %scan3A_798, %get3A_848 : vector<16xf32>
        %add3A_850 = arith.constant 0 : i32
        %add3A_851 = arith.addi %add3A_806, %add3A_850 : i32
        %get3A_852 = arith.constant 0 : i32
        %get3A_853 = arith.constant 0 : i32
        %get3A_854 = tpu.memref_slice %arg7[%scan3A_736, %get3A_852, %get3A_853] : memref<8x50x128xf32, #tpu.memory_space<vmem>> -> memref<1x50x128xf32, #tpu.memory_space<vmem>>
        %get3A_855 = tpu.memref_squeeze %get3A_854 : memref<1x50x128xf32, #tpu.memory_space<vmem>> -> memref<50x128xf32, #tpu.memory_space<vmem>>
        %get3A_856 = arith.index_cast %add3A_851 : i32 to index
        %get3A_857 = arith.constant 64 : index
        %get3A_858 = tpu.vector_load %get3A_855[%get3A_856, %get3A_857] {strides = array<i32>} : memref<50x128xf32, #tpu.memory_space<vmem>>, vector<1x16xf32>,
        %get3A_859 = vector.shape_cast %get3A_858 : vector<1x16xf32> to vector<16xf32>
        %add3A_860 = arith.addf %scan3A_799, %get3A_859 : vector<16xf32>
        %add3A_861 = arith.constant 0 : i32
        %add3A_862 = arith.addi %add3A_806, %add3A_861 : i32
        %get3A_863 = arith.constant 0 : i32
        %get3A_864 = arith.constant 0 : i32
        %get3A_865 = tpu.memref_slice %arg7[%scan3A_736, %get3A_863, %get3A_864] : memref<8x50x128xf32, #tpu.memory_space<vmem>> -> memref<1x50x128xf32, #tpu.memory_space<vmem>>
        %get3A_866 = tpu.memref_squeeze %get3A_865 : memref<1x50x128xf32, #tpu.memory_space<vmem>> -> memref<50x128xf32, #tpu.memory_space<vmem>>
        %get3A_867 = arith.index_cast %add3A_862 : i32 to index
        %get3A_868 = arith.constant 80 : index
        %get3A_869 = tpu.vector_load %get3A_866[%get3A_867, %get3A_868] {strides = array<i32>} : memref<50x128xf32, #tpu.memory_space<vmem>>, vector<1x16xf32>,
        %get3A_870 = vector.shape_cast %get3A_869 : vector<1x16xf32> to vector<16xf32>
        %add3A_871 = arith.addf %scan3A_800, %get3A_870 : vector<16xf32>
        %add3A_872 = arith.constant 0 : i32
        %add3A_873 = arith.addi %add3A_806, %add3A_872 : i32
        %get3A_874 = arith.constant 0 : i32
        %get3A_875 = arith.constant 0 : i32
        %get3A_876 = tpu.memref_slice %arg7[%scan3A_736, %get3A_874, %get3A_875] : memref<8x50x128xf32, #tpu.memory_space<vmem>> -> memref<1x50x128xf32, #tpu.memory_space<vmem>>
        %get3A_877 = tpu.memref_squeeze %get3A_876 : memref<1x50x128xf32, #tpu.memory_space<vmem>> -> memref<50x128xf32, #tpu.memory_space<vmem>>
        %get3A_878 = arith.index_cast %add3A_873 : i32 to index
        %get3A_879 = arith.constant 96 : index
        %get3A_880 = tpu.vector_load %get3A_877[%get3A_878, %get3A_879] {strides = array<i32>} : memref<50x128xf32, #tpu.memory_space<vmem>>, vector<1x16xf32>,
        %get3A_881 = vector.shape_cast %get3A_880 : vector<1x16xf32> to vector<16xf32>
        %add3A_882 = arith.addf %scan3A_801, %get3A_881 : vector<16xf32>
        %add3A_883 = arith.constant 0 : i32
        %add3A_884 = arith.addi %add3A_806, %add3A_883 : i32
        %get3A_885 = arith.constant 0 : i32
        %get3A_886 = arith.constant 0 : i32
        %get3A_887 = tpu.memref_slice %arg7[%scan3A_736, %get3A_885, %get3A_886] : memref<8x50x128xf32, #tpu.memory_space<vmem>> -> memref<1x50x128xf32, #tpu.memory_space<vmem>>
        %get3A_888 = tpu.memref_squeeze %get3A_887 : memref<1x50x128xf32, #tpu.memory_space<vmem>> -> memref<50x128xf32, #tpu.memory_space<vmem>>
        %get3A_889 = arith.index_cast %add3A_884 : i32 to index
        %get3A_890 = arith.constant 112 : index
        %get3A_891 = tpu.vector_load %get3A_888[%get3A_889, %get3A_890] {strides = array<i32>} : memref<50x128xf32, #tpu.memory_space<vmem>>, vector<1x16xf32>,
        %get3A_892 = vector.shape_cast %get3A_891 : vector<1x16xf32> to vector<16xf32>
        %add3A_893 = arith.addf %scan3A_802, %get3A_892 : vector<16xf32>
        %add3A_894 = arith.constant 1 : i32
        %add3A_895 = arith.addi %add3A_806, %add3A_894 : i32
        %get3A_896 = arith.constant 0 : i32
        %get3A_897 = arith.constant 0 : i32
        %get3A_898 = tpu.memref_slice %arg7[%scan3A_736, %get3A_896, %get3A_897] : memref<8x50x128xf32, #tpu.memory_space<vmem>> -> memref<1x50x128xf32, #tpu.memory_space<vmem>>
        %get3A_899 = tpu.memref_squeeze %get3A_898 : memref<1x50x128xf32, #tpu.memory_space<vmem>> -> memref<50x128xf32, #tpu.memory_space<vmem>>
        %get3A_900 = arith.index_cast %add3A_895 : i32 to index
        %get3A_901 = arith.constant 0 : index
        %get3A_902 = tpu.vector_load %get3A_899[%get3A_900, %get3A_901] {strides = array<i32>} : memref<50x128xf32, #tpu.memory_space<vmem>>, vector<1x16xf32>,
        %get3A_903 = vector.shape_cast %get3A_902 : vector<1x16xf32> to vector<16xf32>
        %add3A_904 = arith.addf %add3A_816, %get3A_903 : vector<16xf32>
        %add3A_905 = arith.constant 1 : i32
        %add3A_906 = arith.addi %add3A_806, %add3A_905 : i32
        %get3A_907 = arith.constant 0 : i32
        %get3A_908 = arith.constant 0 : i32
        %get3A_909 = tpu.memref_slice %arg7[%scan3A_736, %get3A_907, %get3A_908] : memref<8x50x128xf32, #tpu.memory_space<vmem>> -> memref<1x50x128xf32, #tpu.memory_space<vmem>>
        %get3A_910 = tpu.memref_squeeze %get3A_909 : memref<1x50x128xf32, #tpu.memory_space<vmem>> -> memref<50x128xf32, #tpu.memory_space<vmem>>
        %get3A_911 = arith.index_cast %add3A_906 : i32 to index
        %get3A_912 = arith.constant 16 : index
        %get3A_913 = tpu.vector_load %get3A_910[%get3A_911, %get3A_912] {strides = array<i32>} : memref<50x128xf32, #tpu.memory_space<vmem>>, vector<1x16xf32>,
        %get3A_914 = vector.shape_cast %get3A_913 : vector<1x16xf32> to vector<16xf32>
        %add3A_915 = arith.addf %add3A_827, %get3A_914 : vector<16xf32>
        %add3A_916 = arith.constant 1 : i32
        %add3A_917 = arith.addi %add3A_806, %add3A_916 : i32
        %get3A_918 = arith.constant 0 : i32
        %get3A_919 = arith.constant 0 : i32
        %get3A_920 = tpu.memref_slice %arg7[%scan3A_736, %get3A_918, %get3A_919] : memref<8x50x128xf32, #tpu.memory_space<vmem>> -> memref<1x50x128xf32, #tpu.memory_space<vmem>>
        %get3A_921 = tpu.memref_squeeze %get3A_920 : memref<1x50x128xf32, #tpu.memory_space<vmem>> -> memref<50x128xf32, #tpu.memory_space<vmem>>
        %get3A_922 = arith.index_cast %add3A_917 : i32 to index
        %get3A_923 = arith.constant 32 : index
        %get3A_924 = tpu.vector_load %get3A_921[%get3A_922, %get3A_923] {strides = array<i32>} : memref<50x128xf32, #tpu.memory_space<vmem>>, vector<1x16xf32>,
        %get3A_925 = vector.shape_cast %get3A_924 : vector<1x16xf32> to vector<16xf32>
        %add3A_926 = arith.addf %add3A_838, %get3A_925 : vector<16xf32>
        %add3A_927 = arith.constant 1 : i32
        %add3A_928 = arith.addi %add3A_806, %add3A_927 : i32
        %get3A_929 = arith.constant 0 : i32
        %get3A_930 = arith.constant 0 : i32
        %get3A_931 = tpu.memref_slice %arg7[%scan3A_736, %get3A_929, %get3A_930] : memref<8x50x128xf32, #tpu.memory_space<vmem>> -> memref<1x50x128xf32, #tpu.memory_space<vmem>>
        %get3A_932 = tpu.memref_squeeze %get3A_931 : memref<1x50x128xf32, #tpu.memory_space<vmem>> -> memref<50x128xf32, #tpu.memory_space<vmem>>
        %get3A_933 = arith.index_cast %add3A_928 : i32 to index
        %get3A_934 = arith.constant 48 : index
        %get3A_935 = tpu.vector_load %get3A_932[%get3A_933, %get3A_934] {strides = array<i32>} : memref<50x128xf32, #tpu.memory_space<vmem>>, vector<1x16xf32>,
        %get3A_936 = vector.shape_cast %get3A_935 : vector<1x16xf32> to vector<16xf32>
        %add3A_937 = arith.addf %add3A_849, %get3A_936 : vector<16xf32>
        %add3A_938 = arith.constant 1 : i32
        %add3A_939 = arith.addi %add3A_806, %add3A_938 : i32
        %get3A_940 = arith.constant 0 : i32
        %get3A_941 = arith.constant 0 : i32
        %get3A_942 = tpu.memref_slice %arg7[%scan3A_736, %get3A_940, %get3A_941] : memref<8x50x128xf32, #tpu.memory_space<vmem>> -> memref<1x50x128xf32, #tpu.memory_space<vmem>>
        %get3A_943 = tpu.memref_squeeze %get3A_942 : memref<1x50x128xf32, #tpu.memory_space<vmem>> -> memref<50x128xf32, #tpu.memory_space<vmem>>
        %get3A_944 = arith.index_cast %add3A_939 : i32 to index
        %get3A_945 = arith.constant 64 : index
        %get3A_946 = tpu.vector_load %get3A_943[%get3A_944, %get3A_945] {strides = array<i32>} : memref<50x128xf32, #tpu.memory_space<vmem>>, vector<1x16xf32>,
        %get3A_947 = vector.shape_cast %get3A_946 : vector<1x16xf32> to vector<16xf32>
        %add3A_948 = arith.addf %add3A_860, %get3A_947 : vector<16xf32>
        %add3A_949 = arith.constant 1 : i32
        %add3A_950 = arith.addi %add3A_806, %add3A_949 : i32
        %get3A_951 = arith.constant 0 : i32
        %get3A_952 = arith.constant 0 : i32
        %get3A_953 = tpu.memref_slice %arg7[%scan3A_736, %get3A_951, %get3A_952] : memref<8x50x128xf32, #tpu.memory_space<vmem>> -> memref<1x50x128xf32, #tpu.memory_space<vmem>>
        %get3A_954 = tpu.memref_squeeze %get3A_953 : memref<1x50x128xf32, #tpu.memory_space<vmem>> -> memref<50x128xf32, #tpu.memory_space<vmem>>
        %get3A_955 = arith.index_cast %add3A_950 : i32 to index
        %get3A_956 = arith.constant 80 : index
        %get3A_957 = tpu.vector_load %get3A_954[%get3A_955, %get3A_956] {strides = array<i32>} : memref<50x128xf32, #tpu.memory_space<vmem>>, vector<1x16xf32>,
        %get3A_958 = vector.shape_cast %get3A_957 : vector<1x16xf32> to vector<16xf32>
        %add3A_959 = arith.addf %add3A_871, %get3A_958 : vector<16xf32>
        %add3A_960 = arith.constant 1 : i32
        %add3A_961 = arith.addi %add3A_806, %add3A_960 : i32
        %get3A_962 = arith.constant 0 : i32
        %get3A_963 = arith.constant 0 : i32
        %get3A_964 = tpu.memref_slice %arg7[%scan3A_736, %get3A_962, %get3A_963] : memref<8x50x128xf32, #tpu.memory_space<vmem>> -> memref<1x50x128xf32, #tpu.memory_space<vmem>>
        %get3A_965 = tpu.memref_squeeze %get3A_964 : memref<1x50x128xf32, #tpu.memory_space<vmem>> -> memref<50x128xf32, #tpu.memory_space<vmem>>
        %get3A_966 = arith.index_cast %add3A_961 : i32 to index
        %get3A_967 = arith.constant 96 : index
        %get3A_968 = tpu.vector_load %get3A_965[%get3A_966, %get3A_967] {strides = array<i32>} : memref<50x128xf32, #tpu.memory_space<vmem>>, vector<1x16xf32>,
        %get3A_969 = vector.shape_cast %get3A_968 : vector<1x16xf32> to vector<16xf32>
        %add3A_970 = arith.addf %add3A_882, %get3A_969 : vector<16xf32>
        %add3A_971 = arith.constant 1 : i32
        %add3A_972 = arith.addi %add3A_806, %add3A_971 : i32
        %get3A_973 = arith.constant 0 : i32
        %get3A_974 = arith.constant 0 : i32
        %get3A_975 = tpu.memref_slice %arg7[%scan3A_736, %get3A_973, %get3A_974] : memref<8x50x128xf32, #tpu.memory_space<vmem>> -> memref<1x50x128xf32, #tpu.memory_space<vmem>>
        %get3A_976 = tpu.memref_squeeze %get3A_975 : memref<1x50x128xf32, #tpu.memory_space<vmem>> -> memref<50x128xf32, #tpu.memory_space<vmem>>
        %get3A_977 = arith.index_cast %add3A_972 : i32 to index
        %get3A_978 = arith.constant 112 : index
        %get3A_979 = tpu.vector_load %get3A_976[%get3A_977, %get3A_978] {strides = array<i32>} : memref<50x128xf32, #tpu.memory_space<vmem>>, vector<1x16xf32>,
        %get3A_980 = vector.shape_cast %get3A_979 : vector<1x16xf32> to vector<16xf32>
        %add3A_981 = arith.addf %add3A_893, %get3A_980 : vector<16xf32>
        %add3A_982 = arith.constant 2 : i32
        %add3A_983 = arith.addi %add3A_806, %add3A_982 : i32
        %get3A_984 = arith.constant 0 : i32
        %get3A_985 = arith.constant 0 : i32
        %get3A_986 = tpu.memref_slice %arg7[%scan3A_736, %get3A_984, %get3A_985] : memref<8x50x128xf32, #tpu.memory_space<vmem>> -> memref<1x50x128xf32, #tpu.memory_space<vmem>>
        %get3A_987 = tpu.memref_squeeze %get3A_986 : memref<1x50x128xf32, #tpu.memory_space<vmem>> -> memref<50x128xf32, #tpu.memory_space<vmem>>
        %get3A_988 = arith.index_cast %add3A_983 : i32 to index
        %get3A_989 = arith.constant 0 : index
        %get3A_990 = tpu.vector_load %get3A_987[%get3A_988, %get3A_989] {strides = array<i32>} : memref<50x128xf32, #tpu.memory_space<vmem>>, vector<1x16xf32>,
        %get3A_991 = vector.shape_cast %get3A_990 : vector<1x16xf32> to vector<16xf32>
        %add3A_992 = arith.addf %add3A_904, %get3A_991 : vector<16xf32>
        %add3A_993 = arith.constant 2 : i32
        %add3A_994 = arith.addi %add3A_806, %add3A_993 : i32
        %get3A_995 = arith.constant 0 : i32
        %get3A_996 = arith.constant 0 : i32
        %get3A_997 = tpu.memref_slice %arg7[%scan3A_736, %get3A_995, %get3A_996] : memref<8x50x128xf32, #tpu.memory_space<vmem>> -> memref<1x50x128xf32, #tpu.memory_space<vmem>>
        %get3A_998 = tpu.memref_squeeze %get3A_997 : memref<1x50x128xf32, #tpu.memory_space<vmem>> -> memref<50x128xf32, #tpu.memory_space<vmem>>
        %get3A_999 = arith.index_cast %add3A_994 : i32 to index
        %get3A_1000 = arith.constant 16 : index
        %get3A_1001 = tpu.vector_load %get3A_998[%get3A_999, %get3A_1000] {strides = array<i32>} : memref<50x128xf32, #tpu.memory_space<vmem>>, vector<1x16xf32>,
        %get3A_1002 = vector.shape_cast %get3A_1001 : vector<1x16xf32> to vector<16xf32>
        %add3A_1003 = arith.addf %add3A_915, %get3A_1002 : vector<16xf32>
        %add3A_1004 = arith.constant 2 : i32
        %add3A_1005 = arith.addi %add3A_806, %add3A_1004 : i32
        %get3A_1006 = arith.constant 0 : i32
        %get3A_1007 = arith.constant 0 : i32
        %get3A_1008 = tpu.memref_slice %arg7[%scan3A_736, %get3A_1006, %get3A_1007] : memref<8x50x128xf32, #tpu.memory_space<vmem>> -> memref<1x50x128xf32, #tpu.memory_space<vmem>>
        %get3A_1009 = tpu.memref_squeeze %get3A_1008 : memref<1x50x128xf32, #tpu.memory_space<vmem>> -> memref<50x128xf32, #tpu.memory_space<vmem>>
        %get3A_1010 = arith.index_cast %add3A_1005 : i32 to index
        %get3A_1011 = arith.constant 32 : index
        %get3A_1012 = tpu.vector_load %get3A_1009[%get3A_1010, %get3A_1011] {strides = array<i32>} : memref<50x128xf32, #tpu.memory_space<vmem>>, vector<1x16xf32>,
        %get3A_1013 = vector.shape_cast %get3A_1012 : vector<1x16xf32> to vector<16xf32>
        %add3A_1014 = arith.addf %add3A_926, %get3A_1013 : vector<16xf32>
        %add3A_1015 = arith.constant 2 : i32
        %add3A_1016 = arith.addi %add3A_806, %add3A_1015 : i32
        %get3A_1017 = arith.constant 0 : i32
        %get3A_1018 = arith.constant 0 : i32
        %get3A_1019 = tpu.memref_slice %arg7[%scan3A_736, %get3A_1017, %get3A_1018] : memref<8x50x128xf32, #tpu.memory_space<vmem>> -> memref<1x50x128xf32, #tpu.memory_space<vmem>>
        %get3A_1020 = tpu.memref_squeeze %get3A_1019 : memref<1x50x128xf32, #tpu.memory_space<vmem>> -> memref<50x128xf32, #tpu.memory_space<vmem>>
        %get3A_1021 = arith.index_cast %add3A_1016 : i32 to index
        %get3A_1022 = arith.constant 48 : index
        %get3A_1023 = tpu.vector_load %get3A_1020[%get3A_1021, %get3A_1022] {strides = array<i32>} : memref<50x128xf32, #tpu.memory_space<vmem>>, vector<1x16xf32>,
        %get3A_1024 = vector.shape_cast %get3A_1023 : vector<1x16xf32> to vector<16xf32>
        %add3A_1025 = arith.addf %add3A_937, %get3A_1024 : vector<16xf32>
        %add3A_1026 = arith.constant 2 : i32
        %add3A_1027 = arith.addi %add3A_806, %add3A_1026 : i32
        %get3A_1028 = arith.constant 0 : i32
        %get3A_1029 = arith.constant 0 : i32
        %get3A_1030 = tpu.memref_slice %arg7[%scan3A_736, %get3A_1028, %get3A_1029] : memref<8x50x128xf32, #tpu.memory_space<vmem>> -> memref<1x50x128xf32, #tpu.memory_space<vmem>>
        %get3A_1031 = tpu.memref_squeeze %get3A_1030 : memref<1x50x128xf32, #tpu.memory_space<vmem>> -> memref<50x128xf32, #tpu.memory_space<vmem>>
        %get3A_1032 = arith.index_cast %add3A_1027 : i32 to index
        %get3A_1033 = arith.constant 64 : index
        %get3A_1034 = tpu.vector_load %get3A_1031[%get3A_1032, %get3A_1033] {strides = array<i32>} : memref<50x128xf32, #tpu.memory_space<vmem>>, vector<1x16xf32>,
        %get3A_1035 = vector.shape_cast %get3A_1034 : vector<1x16xf32> to vector<16xf32>
        %add3A_1036 = arith.addf %add3A_948, %get3A_1035 : vector<16xf32>
        %add3A_1037 = arith.constant 2 : i32
        %add3A_1038 = arith.addi %add3A_806, %add3A_1037 : i32
        %get3A_1039 = arith.constant 0 : i32
        %get3A_1040 = arith.constant 0 : i32
        %get3A_1041 = tpu.memref_slice %arg7[%scan3A_736, %get3A_1039, %get3A_1040] : memref<8x50x128xf32, #tpu.memory_space<vmem>> -> memref<1x50x128xf32, #tpu.memory_space<vmem>>
        %get3A_1042 = tpu.memref_squeeze %get3A_1041 : memref<1x50x128xf32, #tpu.memory_space<vmem>> -> memref<50x128xf32, #tpu.memory_space<vmem>>
        %get3A_1043 = arith.index_cast %add3A_1038 : i32 to index
        %get3A_1044 = arith.constant 80 : index
        %get3A_1045 = tpu.vector_load %get3A_1042[%get3A_1043, %get3A_1044] {strides = array<i32>} : memref<50x128xf32, #tpu.memory_space<vmem>>, vector<1x16xf32>,
        %get3A_1046 = vector.shape_cast %get3A_1045 : vector<1x16xf32> to vector<16xf32>
        %add3A_1047 = arith.addf %add3A_959, %get3A_1046 : vector<16xf32>
        %add3A_1048 = arith.constant 2 : i32
        %add3A_1049 = arith.addi %add3A_806, %add3A_1048 : i32
        %get3A_1050 = arith.constant 0 : i32
        %get3A_1051 = arith.constant 0 : i32
        %get3A_1052 = tpu.memref_slice %arg7[%scan3A_736, %get3A_1050, %get3A_1051] : memref<8x50x128xf32, #tpu.memory_space<vmem>> -> memref<1x50x128xf32, #tpu.memory_space<vmem>>
        %get3A_1053 = tpu.memref_squeeze %get3A_1052 : memref<1x50x128xf32, #tpu.memory_space<vmem>> -> memref<50x128xf32, #tpu.memory_space<vmem>>
        %get3A_1054 = arith.index_cast %add3A_1049 : i32 to index
        %get3A_1055 = arith.constant 96 : index
        %get3A_1056 = tpu.vector_load %get3A_1053[%get3A_1054, %get3A_1055] {strides = array<i32>} : memref<50x128xf32, #tpu.memory_space<vmem>>, vector<1x16xf32>,
        %get3A_1057 = vector.shape_cast %get3A_1056 : vector<1x16xf32> to vector<16xf32>
        %add3A_1058 = arith.addf %add3A_970, %get3A_1057 : vector<16xf32>
        %add3A_1059 = arith.constant 2 : i32
        %add3A_1060 = arith.addi %add3A_806, %add3A_1059 : i32
        %get3A_1061 = arith.constant 0 : i32
        %get3A_1062 = arith.constant 0 : i32
        %get3A_1063 = tpu.memref_slice %arg7[%scan3A_736, %get3A_1061, %get3A_1062] : memref<8x50x128xf32, #tpu.memory_space<vmem>> -> memref<1x50x128xf32, #tpu.memory_space<vmem>>
        %get3A_1064 = tpu.memref_squeeze %get3A_1063 : memref<1x50x128xf32, #tpu.memory_space<vmem>> -> memref<50x128xf32, #tpu.memory_space<vmem>>
        %get3A_1065 = arith.index_cast %add3A_1060 : i32 to index
        %get3A_1066 = arith.constant 112 : index
        %get3A_1067 = tpu.vector_load %get3A_1064[%get3A_1065, %get3A_1066] {strides = array<i32>} : memref<50x128xf32, #tpu.memory_space<vmem>>, vector<1x16xf32>,
        %get3A_1068 = vector.shape_cast %get3A_1067 : vector<1x16xf32> to vector<16xf32>
        %add3A_1069 = arith.addf %add3A_981, %get3A_1068 : vector<16xf32>
        %add3A_1070 = arith.constant 3 : i32
        %add3A_1071 = arith.addi %add3A_806, %add3A_1070 : i32
        %get3A_1072 = arith.constant 0 : i32
        %get3A_1073 = arith.constant 0 : i32
        %get3A_1074 = tpu.memref_slice %arg7[%scan3A_736, %get3A_1072, %get3A_1073] : memref<8x50x128xf32, #tpu.memory_space<vmem>> -> memref<1x50x128xf32, #tpu.memory_space<vmem>>
        %get3A_1075 = tpu.memref_squeeze %get3A_1074 : memref<1x50x128xf32, #tpu.memory_space<vmem>> -> memref<50x128xf32, #tpu.memory_space<vmem>>
        %get3A_1076 = arith.index_cast %add3A_1071 : i32 to index
        %get3A_1077 = arith.constant 0 : index
        %get3A_1078 = tpu.vector_load %get3A_1075[%get3A_1076, %get3A_1077] {strides = array<i32>} : memref<50x128xf32, #tpu.memory_space<vmem>>, vector<1x16xf32>,
        %get3A_1079 = vector.shape_cast %get3A_1078 : vector<1x16xf32> to vector<16xf32>
        %add3A_1080 = arith.addf %add3A_992, %get3A_1079 : vector<16xf32>
        %add3A_1081 = arith.constant 3 : i32
        %add3A_1082 = arith.addi %add3A_806, %add3A_1081 : i32
        %get3A_1083 = arith.constant 0 : i32
        %get3A_1084 = arith.constant 0 : i32
        %get3A_1085 = tpu.memref_slice %arg7[%scan3A_736, %get3A_1083, %get3A_1084] : memref<8x50x128xf32, #tpu.memory_space<vmem>> -> memref<1x50x128xf32, #tpu.memory_space<vmem>>
        %get3A_1086 = tpu.memref_squeeze %get3A_1085 : memref<1x50x128xf32, #tpu.memory_space<vmem>> -> memref<50x128xf32, #tpu.memory_space<vmem>>
        %get3A_1087 = arith.index_cast %add3A_1082 : i32 to index
        %get3A_1088 = arith.constant 16 : index
        %get3A_1089 = tpu.vector_load %get3A_1086[%get3A_1087, %get3A_1088] {strides = array<i32>} : memref<50x128xf32, #tpu.memory_space<vmem>>, vector<1x16xf32>,
        %get3A_1090 = vector.shape_cast %get3A_1089 : vector<1x16xf32> to vector<16xf32>
        %add3A_1091 = arith.addf %add3A_1003, %get3A_1090 : vector<16xf32>
        %add3A_1092 = arith.constant 3 : i32
        %add3A_1093 = arith.addi %add3A_806, %add3A_1092 : i32
        %get3A_1094 = arith.constant 0 : i32
        %get3A_1095 = arith.constant 0 : i32
        %get3A_1096 = tpu.memref_slice %arg7[%scan3A_736, %get3A_1094, %get3A_1095] : memref<8x50x128xf32, #tpu.memory_space<vmem>> -> memref<1x50x128xf32, #tpu.memory_space<vmem>>
        %get3A_1097 = tpu.memref_squeeze %get3A_1096 : memref<1x50x128xf32, #tpu.memory_space<vmem>> -> memref<50x128xf32, #tpu.memory_space<vmem>>
        %get3A_1098 = arith.index_cast %add3A_1093 : i32 to index
        %get3A_1099 = arith.constant 32 : index
        %get3A_1100 = tpu.vector_load %get3A_1097[%get3A_1098, %get3A_1099] {strides = array<i32>} : memref<50x128xf32, #tpu.memory_space<vmem>>, vector<1x16xf32>,
        %get3A_1101 = vector.shape_cast %get3A_1100 : vector<1x16xf32> to vector<16xf32>
        %add3A_1102 = arith.addf %add3A_1014, %get3A_1101 : vector<16xf32>
        %add3A_1103 = arith.constant 3 : i32
        %add3A_1104 = arith.addi %add3A_806, %add3A_1103 : i32
        %get3A_1105 = arith.constant 0 : i32
        %get3A_1106 = arith.constant 0 : i32
        %get3A_1107 = tpu.memref_slice %arg7[%scan3A_736, %get3A_1105, %get3A_1106] : memref<8x50x128xf32, #tpu.memory_space<vmem>> -> memref<1x50x128xf32, #tpu.memory_space<vmem>>
        %get3A_1108 = tpu.memref_squeeze %get3A_1107 : memref<1x50x128xf32, #tpu.memory_space<vmem>> -> memref<50x128xf32, #tpu.memory_space<vmem>>
        %get3A_1109 = arith.index_cast %add3A_1104 : i32 to index
        %get3A_1110 = arith.constant 48 : index
        %get3A_1111 = tpu.vector_load %get3A_1108[%get3A_1109, %get3A_1110] {strides = array<i32>} : memref<50x128xf32, #tpu.memory_space<vmem>>, vector<1x16xf32>,
        %get3A_1112 = vector.shape_cast %get3A_1111 : vector<1x16xf32> to vector<16xf32>
        %add3A_1113 = arith.addf %add3A_1025, %get3A_1112 : vector<16xf32>
        %add3A_1114 = arith.constant 3 : i32
        %add3A_1115 = arith.addi %add3A_806, %add3A_1114 : i32
        %get3A_1116 = arith.constant 0 : i32
        %get3A_1117 = arith.constant 0 : i32
        %get3A_1118 = tpu.memref_slice %arg7[%scan3A_736, %get3A_1116, %get3A_1117] : memref<8x50x128xf32, #tpu.memory_space<vmem>> -> memref<1x50x128xf32, #tpu.memory_space<vmem>>
        %get3A_1119 = tpu.memref_squeeze %get3A_1118 : memref<1x50x128xf32, #tpu.memory_space<vmem>> -> memref<50x128xf32, #tpu.memory_space<vmem>>
        %get3A_1120 = arith.index_cast %add3A_1115 : i32 to index
        %get3A_1121 = arith.constant 64 : index
        %get3A_1122 = tpu.vector_load %get3A_1119[%get3A_1120, %get3A_1121] {strides = array<i32>} : memref<50x128xf32, #tpu.memory_space<vmem>>, vector<1x16xf32>,
        %get3A_1123 = vector.shape_cast %get3A_1122 : vector<1x16xf32> to vector<16xf32>
        %add3A_1124 = arith.addf %add3A_1036, %get3A_1123 : vector<16xf32>
        %add3A_1125 = arith.constant 3 : i32
        %add3A_1126 = arith.addi %add3A_806, %add3A_1125 : i32
        %get3A_1127 = arith.constant 0 : i32
        %get3A_1128 = arith.constant 0 : i32
        %get3A_1129 = tpu.memref_slice %arg7[%scan3A_736, %get3A_1127, %get3A_1128] : memref<8x50x128xf32, #tpu.memory_space<vmem>> -> memref<1x50x128xf32, #tpu.memory_space<vmem>>
        %get3A_1130 = tpu.memref_squeeze %get3A_1129 : memref<1x50x128xf32, #tpu.memory_space<vmem>> -> memref<50x128xf32, #tpu.memory_space<vmem>>
        %get3A_1131 = arith.index_cast %add3A_1126 : i32 to index
        %get3A_1132 = arith.constant 80 : index
        %get3A_1133 = tpu.vector_load %get3A_1130[%get3A_1131, %get3A_1132] {strides = array<i32>} : memref<50x128xf32, #tpu.memory_space<vmem>>, vector<1x16xf32>,
        %get3A_1134 = vector.shape_cast %get3A_1133 : vector<1x16xf32> to vector<16xf32>
        %add3A_1135 = arith.addf %add3A_1047, %get3A_1134 : vector<16xf32>
        %add3A_1136 = arith.constant 3 : i32
        %add3A_1137 = arith.addi %add3A_806, %add3A_1136 : i32
        %get3A_1138 = arith.constant 0 : i32
        %get3A_1139 = arith.constant 0 : i32
        %get3A_1140 = tpu.memref_slice %arg7[%scan3A_736, %get3A_1138, %get3A_1139] : memref<8x50x128xf32, #tpu.memory_space<vmem>> -> memref<1x50x128xf32, #tpu.memory_space<vmem>>
        %get3A_1141 = tpu.memref_squeeze %get3A_1140 : memref<1x50x128xf32, #tpu.memory_space<vmem>> -> memref<50x128xf32, #tpu.memory_space<vmem>>
        %get3A_1142 = arith.index_cast %add3A_1137 : i32 to index
        %get3A_1143 = arith.constant 96 : index
        %get3A_1144 = tpu.vector_load %get3A_1141[%get3A_1142, %get3A_1143] {strides = array<i32>} : memref<50x128xf32, #tpu.memory_space<vmem>>, vector<1x16xf32>,
        %get3A_1145 = vector.shape_cast %get3A_1144 : vector<1x16xf32> to vector<16xf32>
        %add3A_1146 = arith.addf %add3A_1058, %get3A_1145 : vector<16xf32>
        %add3A_1147 = arith.constant 3 : i32
        %add3A_1148 = arith.addi %add3A_806, %add3A_1147 : i32
        %get3A_1149 = arith.constant 0 : i32
        %get3A_1150 = arith.constant 0 : i32
        %get3A_1151 = tpu.memref_slice %arg7[%scan3A_736, %get3A_1149, %get3A_1150] : memref<8x50x128xf32, #tpu.memory_space<vmem>> -> memref<1x50x128xf32, #tpu.memory_space<vmem>>
        %get3A_1152 = tpu.memref_squeeze %get3A_1151 : memref<1x50x128xf32, #tpu.memory_space<vmem>> -> memref<50x128xf32, #tpu.memory_space<vmem>>
        %get3A_1153 = arith.index_cast %add3A_1148 : i32 to index
        %get3A_1154 = arith.constant 112 : index
        %get3A_1155 = tpu.vector_load %get3A_1152[%get3A_1153, %get3A_1154] {strides = array<i32>} : memref<50x128xf32, #tpu.memory_space<vmem>>, vector<1x16xf32>,
        %get3A_1156 = vector.shape_cast %get3A_1155 : vector<1x16xf32> to vector<16xf32>
        %add3A_1157 = arith.addf %add3A_1069, %get3A_1156 : vector<16xf32>
        %add3A_1158 = arith.constant 4 : i32
        %add3A_1159 = arith.addi %add3A_806, %add3A_1158 : i32
        %get3A_1160 = arith.constant 0 : i32
        %get3A_1161 = arith.constant 0 : i32
        %get3A_1162 = tpu.memref_slice %arg7[%scan3A_736, %get3A_1160, %get3A_1161] : memref<8x50x128xf32, #tpu.memory_space<vmem>> -> memref<1x50x128xf32, #tpu.memory_space<vmem>>
        %get3A_1163 = tpu.memref_squeeze %get3A_1162 : memref<1x50x128xf32, #tpu.memory_space<vmem>> -> memref<50x128xf32, #tpu.memory_space<vmem>>
        %get3A_1164 = arith.index_cast %add3A_1159 : i32 to index
        %get3A_1165 = arith.constant 0 : index
        %get3A_1166 = tpu.vector_load %get3A_1163[%get3A_1164, %get3A_1165] {strides = array<i32>} : memref<50x128xf32, #tpu.memory_space<vmem>>, vector<1x16xf32>,
        %get3A_1167 = vector.shape_cast %get3A_1166 : vector<1x16xf32> to vector<16xf32>
        %add3A_1168 = arith.addf %add3A_1080, %get3A_1167 : vector<16xf32>
        %add3A_1169 = arith.constant 4 : i32
        %add3A_1170 = arith.addi %add3A_806, %add3A_1169 : i32
        %get3A_1171 = arith.constant 0 : i32
        %get3A_1172 = arith.constant 0 : i32
        %get3A_1173 = tpu.memref_slice %arg7[%scan3A_736, %get3A_1171, %get3A_1172] : memref<8x50x128xf32, #tpu.memory_space<vmem>> -> memref<1x50x128xf32, #tpu.memory_space<vmem>>
        %get3A_1174 = tpu.memref_squeeze %get3A_1173 : memref<1x50x128xf32, #tpu.memory_space<vmem>> -> memref<50x128xf32, #tpu.memory_space<vmem>>
        %get3A_1175 = arith.index_cast %add3A_1170 : i32 to index
        %get3A_1176 = arith.constant 16 : index
        %get3A_1177 = tpu.vector_load %get3A_1174[%get3A_1175, %get3A_1176] {strides = array<i32>} : memref<50x128xf32, #tpu.memory_space<vmem>>, vector<1x16xf32>,
        %get3A_1178 = vector.shape_cast %get3A_1177 : vector<1x16xf32> to vector<16xf32>
        %add3A_1179 = arith.addf %add3A_1091, %get3A_1178 : vector<16xf32>
        %add3A_1180 = arith.constant 4 : i32
        %add3A_1181 = arith.addi %add3A_806, %add3A_1180 : i32
        %get3A_1182 = arith.constant 0 : i32
        %get3A_1183 = arith.constant 0 : i32
        %get3A_1184 = tpu.memref_slice %arg7[%scan3A_736, %get3A_1182, %get3A_1183] : memref<8x50x128xf32, #tpu.memory_space<vmem>> -> memref<1x50x128xf32, #tpu.memory_space<vmem>>
        %get3A_1185 = tpu.memref_squeeze %get3A_1184 : memref<1x50x128xf32, #tpu.memory_space<vmem>> -> memref<50x128xf32, #tpu.memory_space<vmem>>
        %get3A_1186 = arith.index_cast %add3A_1181 : i32 to index
        %get3A_1187 = arith.constant 32 : index
        %get3A_1188 = tpu.vector_load %get3A_1185[%get3A_1186, %get3A_1187] {strides = array<i32>} : memref<50x128xf32, #tpu.memory_space<vmem>>, vector<1x16xf32>,
        %get3A_1189 = vector.shape_cast %get3A_1188 : vector<1x16xf32> to vector<16xf32>
        %add3A_1190 = arith.addf %add3A_1102, %get3A_1189 : vector<16xf32>
        %add3A_1191 = arith.constant 4 : i32
        %add3A_1192 = arith.addi %add3A_806, %add3A_1191 : i32
        %get3A_1193 = arith.constant 0 : i32
        %get3A_1194 = arith.constant 0 : i32
        %get3A_1195 = tpu.memref_slice %arg7[%scan3A_736, %get3A_1193, %get3A_1194] : memref<8x50x128xf32, #tpu.memory_space<vmem>> -> memref<1x50x128xf32, #tpu.memory_space<vmem>>
        %get3A_1196 = tpu.memref_squeeze %get3A_1195 : memref<1x50x128xf32, #tpu.memory_space<vmem>> -> memref<50x128xf32, #tpu.memory_space<vmem>>
        %get3A_1197 = arith.index_cast %add3A_1192 : i32 to index
        %get3A_1198 = arith.constant 48 : index
        %get3A_1199 = tpu.vector_load %get3A_1196[%get3A_1197, %get3A_1198] {strides = array<i32>} : memref<50x128xf32, #tpu.memory_space<vmem>>, vector<1x16xf32>,
        %get3A_1200 = vector.shape_cast %get3A_1199 : vector<1x16xf32> to vector<16xf32>
        %add3A_1201 = arith.addf %add3A_1113, %get3A_1200 : vector<16xf32>
        %add3A_1202 = arith.constant 4 : i32
        %add3A_1203 = arith.addi %add3A_806, %add3A_1202 : i32
        %get3A_1204 = arith.constant 0 : i32
        %get3A_1205 = arith.constant 0 : i32
        %get3A_1206 = tpu.memref_slice %arg7[%scan3A_736, %get3A_1204, %get3A_1205] : memref<8x50x128xf32, #tpu.memory_space<vmem>> -> memref<1x50x128xf32, #tpu.memory_space<vmem>>
        %get3A_1207 = tpu.memref_squeeze %get3A_1206 : memref<1x50x128xf32, #tpu.memory_space<vmem>> -> memref<50x128xf32, #tpu.memory_space<vmem>>
        %get3A_1208 = arith.index_cast %add3A_1203 : i32 to index
        %get3A_1209 = arith.constant 64 : index
        %get3A_1210 = tpu.vector_load %get3A_1207[%get3A_1208, %get3A_1209] {strides = array<i32>} : memref<50x128xf32, #tpu.memory_space<vmem>>, vector<1x16xf32>,
        %get3A_1211 = vector.shape_cast %get3A_1210 : vector<1x16xf32> to vector<16xf32>
        %add3A_1212 = arith.addf %add3A_1124, %get3A_1211 : vector<16xf32>
        %add3A_1213 = arith.constant 4 : i32
        %add3A_1214 = arith.addi %add3A_806, %add3A_1213 : i32
        %get3A_1215 = arith.constant 0 : i32
        %get3A_1216 = arith.constant 0 : i32
        %get3A_1217 = tpu.memref_slice %arg7[%scan3A_736, %get3A_1215, %get3A_1216] : memref<8x50x128xf32, #tpu.memory_space<vmem>> -> memref<1x50x128xf32, #tpu.memory_space<vmem>>
        %get3A_1218 = tpu.memref_squeeze %get3A_1217 : memref<1x50x128xf32, #tpu.memory_space<vmem>> -> memref<50x128xf32, #tpu.memory_space<vmem>>
        %get3A_1219 = arith.index_cast %add3A_1214 : i32 to index
        %get3A_1220 = arith.constant 80 : index
        %get3A_1221 = tpu.vector_load %get3A_1218[%get3A_1219, %get3A_1220] {strides = array<i32>} : memref<50x128xf32, #tpu.memory_space<vmem>>, vector<1x16xf32>,
        %get3A_1222 = vector.shape_cast %get3A_1221 : vector<1x16xf32> to vector<16xf32>
        %add3A_1223 = arith.addf %add3A_1135, %get3A_1222 : vector<16xf32>
        %add3A_1224 = arith.constant 4 : i32
        %add3A_1225 = arith.addi %add3A_806, %add3A_1224 : i32
        %get3A_1226 = arith.constant 0 : i32
        %get3A_1227 = arith.constant 0 : i32
        %get3A_1228 = tpu.memref_slice %arg7[%scan3A_736, %get3A_1226, %get3A_1227] : memref<8x50x128xf32, #tpu.memory_space<vmem>> -> memref<1x50x128xf32, #tpu.memory_space<vmem>>
        %get3A_1229 = tpu.memref_squeeze %get3A_1228 : memref<1x50x128xf32, #tpu.memory_space<vmem>> -> memref<50x128xf32, #tpu.memory_space<vmem>>
        %get3A_1230 = arith.index_cast %add3A_1225 : i32 to index
        %get3A_1231 = arith.constant 96 : index
        %get3A_1232 = tpu.vector_load %get3A_1229[%get3A_1230, %get3A_1231] {strides = array<i32>} : memref<50x128xf32, #tpu.memory_space<vmem>>, vector<1x16xf32>,
        %get3A_1233 = vector.shape_cast %get3A_1232 : vector<1x16xf32> to vector<16xf32>
        %add3A_1234 = arith.addf %add3A_1146, %get3A_1233 : vector<16xf32>
        %add3A_1235 = arith.constant 4 : i32
        %add3A_1236 = arith.addi %add3A_806, %add3A_1235 : i32
        %get3A_1237 = arith.constant 0 : i32
        %get3A_1238 = arith.constant 0 : i32
        %get3A_1239 = tpu.memref_slice %arg7[%scan3A_736, %get3A_1237, %get3A_1238] : memref<8x50x128xf32, #tpu.memory_space<vmem>> -> memref<1x50x128xf32, #tpu.memory_space<vmem>>
        %get3A_1240 = tpu.memref_squeeze %get3A_1239 : memref<1x50x128xf32, #tpu.memory_space<vmem>> -> memref<50x128xf32, #tpu.memory_space<vmem>>
        %get3A_1241 = arith.index_cast %add3A_1236 : i32 to index
        %get3A_1242 = arith.constant 112 : index
        %get3A_1243 = tpu.vector_load %get3A_1240[%get3A_1241, %get3A_1242] {strides = array<i32>} : memref<50x128xf32, #tpu.memory_space<vmem>>, vector<1x16xf32>,
        %get3A_1244 = vector.shape_cast %get3A_1243 : vector<1x16xf32> to vector<16xf32>
        %add3A_1245 = arith.addf %add3A_1157, %get3A_1244 : vector<16xf32>
        scf.yield %add3A_1168, %add3A_1179, %add3A_1190, %add3A_1201, %add3A_1212, %add3A_1223, %add3A_1234, %add3A_1245 : vector<16xf32>, vector<16xf32>, vector<16xf32>, vector<16xf32>, vector<16xf32>, vector<16xf32>, vector<16xf32>, vector<16xf32>
      }
      %scan3A_742 = arith.constant 10 : i32
      %mul3A_743 = arith.constant 1 : i32
      %mul3A_744 = arith.muli %add3A_710, %mul3A_743 : i32
      %add3A_745 = arith.constant 0 : i32
      %add3A_746 = arith.addi %mul3A_744, %add3A_745 : i32
      %swap3A_747 = arith.index_cast %add3A_746 : i32 to index
      %swap3A_748 = arith.constant 0 : index
      %swap3A_749 = tpu.vector_load %arg8[%swap3A_747, %swap3A_748] {strides = array<i32>} : memref<128x128xf32, #tpu.memory_space<vmem>>, vector<1x16xf32>,
      %swap3A_750 = vector.shape_cast %swap3A_749 : vector<1x16xf32> to vector<16xf32>
      %swap3A_751 = vector.shape_cast %scan3A_741#0 : vector<16xf32> to vector<1x16xf32>
      tpu.vector_store %arg8[%swap3A_747, %swap3A_748], %swap3A_751 {strides = array<i32>} : memref<128x128xf32, #tpu.memory_space<vmem>>, vector<1x16xf32>,
      %swap3A_752 = arith.index_cast %add3A_746 : i32 to index
      %swap3A_753 = arith.constant 16 : index
      %swap3A_754 = tpu.vector_load %arg8[%swap3A_752, %swap3A_753] {strides = array<i32>} : memref<128x128xf32, #tpu.memory_space<vmem>>, vector<1x16xf32>,
      %swap3A_755 = vector.shape_cast %swap3A_754 : vector<1x16xf32> to vector<16xf32>
      %swap3A_756 = vector.shape_cast %scan3A_741#1 : vector<16xf32> to vector<1x16xf32>
      tpu.vector_store %arg8[%swap3A_752, %swap3A_753], %swap3A_756 {strides = array<i32>} : memref<128x128xf32, #tpu.memory_space<vmem>>, vector<1x16xf32>,
      %swap3A_757 = arith.index_cast %add3A_746 : i32 to index
      %swap3A_758 = arith.constant 32 : index
      %swap3A_759 = tpu.vector_load %arg8[%swap3A_757, %swap3A_758] {strides = array<i32>} : memref<128x128xf32, #tpu.memory_space<vmem>>, vector<1x16xf32>,
      %swap3A_760 = vector.shape_cast %swap3A_759 : vector<1x16xf32> to vector<16xf32>
      %swap3A_761 = vector.shape_cast %scan3A_741#2 : vector<16xf32> to vector<1x16xf32>
      tpu.vector_store %arg8[%swap3A_757, %swap3A_758], %swap3A_761 {strides = array<i32>} : memref<128x128xf32, #tpu.memory_space<vmem>>, vector<1x16xf32>,
      %swap3A_762 = arith.index_cast %add3A_746 : i32 to index
      %swap3A_763 = arith.constant 48 : index
      %swap3A_764 = tpu.vector_load %arg8[%swap3A_762, %swap3A_763] {strides = array<i32>} : memref<128x128xf32, #tpu.memory_space<vmem>>, vector<1x16xf32>,
      %swap3A_765 = vector.shape_cast %swap3A_764 : vector<1x16xf32> to vector<16xf32>
      %swap3A_766 = vector.shape_cast %scan3A_741#3 : vector<16xf32> to vector<1x16xf32>
      tpu.vector_store %arg8[%swap3A_762, %swap3A_763], %swap3A_766 {strides = array<i32>} : memref<128x128xf32, #tpu.memory_space<vmem>>, vector<1x16xf32>,
      %swap3A_767 = arith.index_cast %add3A_746 : i32 to index
      %swap3A_768 = arith.constant 64 : index
      %swap3A_769 = tpu.vector_load %arg8[%swap3A_767, %swap3A_768] {strides = array<i32>} : memref<128x128xf32, #tpu.memory_space<vmem>>, vector<1x16xf32>,
      %swap3A_770 = vector.shape_cast %swap3A_769 : vector<1x16xf32> to vector<16xf32>
      %swap3A_771 = vector.shape_cast %scan3A_741#4 : vector<16xf32> to vector<1x16xf32>
      tpu.vector_store %arg8[%swap3A_767, %swap3A_768], %swap3A_771 {strides = array<i32>} : memref<128x128xf32, #tpu.memory_space<vmem>>, vector<1x16xf32>,
      %swap3A_772 = arith.index_cast %add3A_746 : i32 to index
      %swap3A_773 = arith.constant 80 : index
      %swap3A_774 = tpu.vector_load %arg8[%swap3A_772, %swap3A_773] {strides = array<i32>} : memref<128x128xf32, #tpu.memory_space<vmem>>, vector<1x16xf32>,
      %swap3A_775 = vector.shape_cast %swap3A_774 : vector<1x16xf32> to vector<16xf32>
      %swap3A_776 = vector.shape_cast %scan3A_741#5 : vector<16xf32> to vector<1x16xf32>
      tpu.vector_store %arg8[%swap3A_772, %swap3A_773], %swap3A_776 {strides = array<i32>} : memref<128x128xf32, #tpu.memory_space<vmem>>, vector<1x16xf32>,
      %swap3A_777 = arith.index_cast %add3A_746 : i32 to index
      %swap3A_778 = arith.constant 96 : index
      %swap3A_779 = tpu.vector_load %arg8[%swap3A_777, %swap3A_778] {strides = array<i32>} : memref<128x128xf32, #tpu.memory_space<vmem>>, vector<1x16xf32>,
      %swap3A_780 = vector.shape_cast %swap3A_779 : vector<1x16xf32> to vector<16xf32>
      %swap3A_781 = vector.shape_cast %scan3A_741#6 : vector<16xf32> to vector<1x16xf32>
      tpu.vector_store %arg8[%swap3A_777, %swap3A_778], %swap3A_781 {strides = array<i32>} : memref<128x128xf32, #tpu.memory_space<vmem>>, vector<1x16xf32>,
      %swap3A_782 = arith.index_cast %add3A_746 : i32 to index
      %swap3A_783 = arith.constant 112 : index
      %swap3A_784 = tpu.vector_load %arg8[%swap3A_782, %swap3A_783] {strides = array<i32>} : memref<128x128xf32, #tpu.memory_space<vmem>>, vector<1x16xf32>,
      %swap3A_785 = vector.shape_cast %swap3A_784 : vector<1x16xf32> to vector<16xf32>
      %swap3A_786 = vector.shape_cast %scan3A_741#7 : vector<16xf32> to vector<1x16xf32>
      tpu.vector_store %arg8[%swap3A_782, %swap3A_783], %swap3A_786 {strides = array<i32>} : memref<128x128xf32, #tpu.memory_space<vmem>>, vector<1x16xf32>,
      %add3A_787 = arith.constant 8 : i32
      %add3A_788 = arith.addi %add3A_710, %add3A_787 : i32
      %lt3A_789 = arith.constant 128 : i32
      %lt3A_790 = arith.cmpi slt, %add3A_788, %lt3A_789 : i32
      %convert_element_type3A_791 = arith.extui %lt3A_790 : i1 to i32
      %cond3A_792 = arith.constant 0 : i32
      %cond3A_793 = arith.cmpi ne, %convert_element_type3A_791, %cond3A_792 : i32
      scf.if %cond3A_793 {
        %add3A_794 = arith.constant 8 : i32
        %add3A_795 = arith.addi %add3A_710, %add3A_794 : i32
        %dma_start3A_796 = arith.constant 7 : i32
        %dma_start3A_797 = arith.constant 0 : i32
        %dma_start3A_798 = arith.constant 0 : i32
        %dma_start3A_799 = tpu.memref_slice %arg7[%dma_start3A_796, %dma_start3A_797, %dma_start3A_798] : memref<8x50x128xf32, #tpu.memory_space<vmem>> -> memref<1x50x128xf32, #tpu.memory_space<vmem>>
        %dma_start3A_800 = tpu.memref_squeeze %dma_start3A_799 : memref<1x50x128xf32, #tpu.memory_space<vmem>> -> memref<50x128xf32, #tpu.memory_space<vmem>>
        %dma_start3A_801 = arith.constant 0 : i32
        %dma_start3A_802 = tpu.memref_slice %arg6[%add3A_795, %dma_start3A_801] : memref<128x50xi32, #tpu.memory_space<vmem>> -> memref<1x50xi32, #tpu.memory_space<vmem>>
        %dma_start3A_803 = tpu.memref_squeeze %dma_start3A_802 : memref<1x50xi32, #tpu.memory_space<vmem>> -> memref<50xi32, #tpu.memory_space<vmem>>
        %dma_start3A_804 = arith.constant 0 : i32
        %dma_start3A_805 = arith.constant 0 : i32
        %dma_start3A_806 = tpu.memref_slice %arg3[%dma_start3A_804, %dma_start3A_805] : memref<100000x128xf32, #tpu.memory_space<hbm>> -> memref<100000x128xf32, #tpu.memory_space<hbm>>
        tpu.enqueue_indirect_dma source(%dma_start3A_806 : memref<100000x128xf32, #tpu.memory_space<hbm>>) target(%dma_start3A_800 : memref<50x128xf32, #tpu.memory_space<vmem>>) offsets(%dma_start3A_803 : memref<50xi32, #tpu.memory_space<vmem>>) semaphore(%arg16 : memref<!tpu.dma_semaphore, #tpu.memory_space<semaphore_mem>>)
      } else {
      }
    }
    %scan3A_102 = arith.constant 16 : i32
    "tpu.region"() ({
      %run_scoped3A = tpu.sem_alloc : memref<!tpu.dma_semaphore, #tpu.memory_space<semaphore_mem>>
      %dma_start3A_103 = arith.constant 0 : i32
      %dma_start3A_104 = arith.constant 0 : i32
      %dma_start3A_105 = tpu.memref_slice %arg5[%add3A, %dma_start3A_103, %dma_start3A_104] : memref<32x128x128xf32, #tpu.memory_space<hbm>> -> memref<1x128x128xf32, #tpu.memory_space<hbm>>
      %dma_start3A_106 = tpu.memref_squeeze %dma_start3A_105 : memref<1x128x128xf32, #tpu.memory_space<hbm>> -> memref<128x128xf32, #tpu.memory_space<hbm>>
      %dma_start3A_107 = arith.constant 0 : i32
      %dma_start3A_108 = arith.constant 0 : i32
      %dma_start3A_109 = tpu.memref_slice %arg5[%add3A, %dma_start3A_107, %dma_start3A_108] : memref<32x128x128xf32, #tpu.memory_space<hbm>> -> memref<1x128x128xf32, #tpu.memory_space<hbm>>
      %dma_start3A_110 = tpu.memref_squeeze %dma_start3A_109 : memref<1x128x128xf32, #tpu.memory_space<hbm>> -> memref<128x128xf32, #tpu.memory_space<hbm>>
      tpu.enqueue_dma source(%arg8 : memref<128x128xf32, #tpu.memory_space<vmem>>) target(%dma_start3A_110 : memref<128x128xf32, #tpu.memory_space<hbm>>) target_semaphore(%run_scoped3A : memref<!tpu.dma_semaphore, #tpu.memory_space<semaphore_mem>>)
      %dma_wait3A = arith.constant 0 : i32
      %dma_wait3A_111 = arith.constant 0 : i32
      %dma_wait3A_112 = tpu.memref_slice %arg5[%add3A, %dma_wait3A, %dma_wait3A_111] : memref<32x128x128xf32, #tpu.memory_space<hbm>> -> memref<1x128x128xf32, #tpu.memory_space<hbm>>
      %dma_wait3A_113 = tpu.memref_squeeze %dma_wait3A_112 : memref<1x128x128xf32, #tpu.memory_space<hbm>> -> memref<128x128xf32, #tpu.memory_space<hbm>>
      %dma_wait3A_114 = arith.constant 0 : i32
      %dma_wait3A_115 = arith.constant 0 : i32
      %dma_wait3A_116 = tpu.memref_slice %arg5[%add3A, %dma_wait3A_114, %dma_wait3A_115] : memref<32x128x128xf32, #tpu.memory_space<hbm>> -> memref<1x128x128xf32, #tpu.memory_space<hbm>>
      %dma_wait3A_117 = tpu.memref_squeeze %dma_wait3A_116 : memref<1x128x128xf32, #tpu.memory_space<hbm>> -> memref<128x128xf32, #tpu.memory_space<hbm>>
      tpu.wait_dma2 semaphore(%run_scoped3A : memref<!tpu.dma_semaphore, #tpu.memory_space<semaphore_mem>>) src(%arg8 : memref<128x128xf32, #tpu.memory_space<vmem>>) dst(%dma_wait3A_117 : memref<128x128xf32, #tpu.memory_space<hbm>>)
      tpu.yield
    }) : () -> ()
    return
  }
}

module attributes {stable_mosaic.version = 14 : i64} {
  func.func @body(%arg0: memref<4096x128xf32, #tpu.memory_space<vmem>>, %arg1: memref<4096x1xf32, #tpu.memory_space<vmem>>, %arg2: memref<128x64xf32, #tpu.memory_space<vmem>>, %arg3: memref<1x64xf32, #tpu.memory_space<vmem>>, %arg4: memref<64x10xf32, #tpu.memory_space<vmem>>, %arg5: memref<1x10xf32, #tpu.memory_space<vmem>>, %arg6: memref<4096x10xf32, #tpu.memory_space<vmem>>) attributes {dimension_semantics = [], scalar_prefetch = 0 : i64, scratch_operands = 0 : i64, tpu.core_type = #tpu.core_type<tc>} {
    %get3A = arith.constant 0 : index
    %get3A_0 = arith.constant 0 : index
    %get3A_1 = vector.load %arg0[%get3A, %get3A_0] : memref<4096x128xf32, #tpu.memory_space<vmem>>, vector<4096x128xf32>
    %get3A_2 = arith.constant 0 : index
    %get3A_3 = arith.constant 0 : index
    %get3A_4 = vector.load %arg1[%get3A_2, %get3A_3] : memref<4096x1xf32, #tpu.memory_space<vmem>>, vector<4096x1xf32>
    %div3A = vector.broadcast %get3A_4 : vector<4096x1xf32> to vector<4096x128xf32>
    %div3A_5 = arith.divf %get3A_1, %div3A : vector<4096x128xf32>
    %get3A_6 = arith.constant 0 : index
    %get3A_7 = arith.constant 0 : index
    %get3A_8 = vector.load %arg2[%get3A_6, %get3A_7] : memref<128x64xf32, #tpu.memory_space<vmem>>, vector<128x64xf32>
    %dot_general3A = arith.constant dense<0.000000e+00> : vector<4096x64xf32>
    %dot_general3A_9 = tpu.matmul %div3A_5, %get3A_8, %dot_general3A {dimension_numbers = #tpu.dot_dimension_numbers<[1], [0], [0], [1], [0, 0, 1, 1], [], []>, transpose_lhs_hint = false} : vector<4096x128xf32>, vector<128x64xf32>, vector<4096x64xf32> -> vector<4096x64xf32>
    %get3A_10 = arith.constant 0 : index
    %get3A_11 = arith.constant 0 : index
    %get3A_12 = vector.load %arg3[%get3A_10, %get3A_11] : memref<1x64xf32, #tpu.memory_space<vmem>>, vector<1x64xf32>
    %add3A = vector.broadcast %get3A_12 : vector<1x64xf32> to vector<4096x64xf32>
    %add3A_13 = arith.addf %dot_general3A_9, %add3A : vector<4096x64xf32>
    %max3A = arith.constant 0.000000e+00 : f32
    %max3A_14 = vector.broadcast %max3A : f32 to vector<4096x64xf32>
    %max3A_15 = arith.maximumf %add3A_13, %max3A_14 : vector<4096x64xf32>
    %get3A_16 = arith.constant 0 : index
    %get3A_17 = arith.constant 0 : index
    %get3A_18 = vector.load %arg4[%get3A_16, %get3A_17] : memref<64x10xf32, #tpu.memory_space<vmem>>, vector<64x10xf32>
    %dot_general3A_19 = arith.constant dense<0.000000e+00> : vector<4096x10xf32>
    %dot_general3A_20 = tpu.matmul %max3A_15, %get3A_18, %dot_general3A_19 {dimension_numbers = #tpu.dot_dimension_numbers<[1], [0], [0], [1], [0, 0, 1, 1], [], []>, transpose_lhs_hint = false} : vector<4096x64xf32>, vector<64x10xf32>, vector<4096x10xf32> -> vector<4096x10xf32>
    %get3A_21 = arith.constant 0 : index
    %get3A_22 = arith.constant 0 : index
    %get3A_23 = vector.load %arg5[%get3A_21, %get3A_22] : memref<1x10xf32, #tpu.memory_space<vmem>>, vector<1x10xf32>
    %add3A_24 = vector.broadcast %get3A_23 : vector<1x10xf32> to vector<4096x10xf32>
    %add3A_25 = arith.addf %dot_general3A_20, %add3A_24 : vector<4096x10xf32>
    %swap3A = arith.constant 0 : index
    %swap3A_26 = arith.constant 0 : index
    %swap3A_27 = vector.load %arg6[%swap3A, %swap3A_26] : memref<4096x10xf32, #tpu.memory_space<vmem>>, vector<4096x10xf32>
    tpu.vector_store %arg6[%swap3A, %swap3A_26], %add3A_25 {strides = array<i32>} : memref<4096x10xf32, #tpu.memory_space<vmem>>, vector<4096x10xf32>,
    return
  }
}

</mosaic_0001>

<sc_bundles>
// kernel: kernel.4.cloned.1.call-start
scs
__scs_entry_jumppad:
0x0: {  	(pc) =	sbr.rel $0x88, $3  }
0x1: {  	(tag) =	ssettag $0x0;
	lr =	simm.s32 $0x1  }
0x2: {  	[smem:$0x3F9A] =	sst lr;
	_ =	strace $0xD0000000  }
0x3: {  	_ = 	snop  }
0x4: {  	_ = 	snop  }
0x5: {  	_ = 	snop  }
0x6: {  	_ = 	snop  }
0x7: {  	_ = 	snop  }
__scs_overlays_trampoline_lowered:
0x8: {  	[smem:$0x3FA9] =	sst s0  }
0x9: {  	[smem:$0x3FAA] =	sst s1  }
0xa: {  	[smem:$0x3FAB] =	sst s2  }
0xb: {  	[smem:$0x3FAC] =	sst s3  }
0xc: {  	[smem:$0x3FAD] =	sst s4  }
0xd: {  	[smem:$0x3FAE] =	sst s5  }
0xe: {  	[smem:$0x3FAF] =	sst s6  }
0xf: {  	[smem:$0x3FB0] =	sst s7  }
0x10: {  	[smem:$0x3FB1] =	sst s8  }
0x11: {  	[smem:$0x3FB2] =	sst s9;
	s0 =	simm.s32 @!p0 $0x0  }
0x12: {  	s1 =	sld [smem:$0x3F98];
	s0 =	simm.s32 @p0 $0x1  }
0x13: {  	[smem:$0x3FB3] =	sst s0;
	s0 =	simm.s32 @!p1 $0x0  }
0x14: {  	s2 =	sld [smem:$0x3F97];
	s0 =	simm.s32 @p1 $0x1  }
0x15: {  	[smem:$0x3FB4] =	sst s0;
	s0 =	simm.s32 @!p2 $0x0  }
0x16: {  	s3 =	sld [smem:$0x3FDB];
	s0 =	simm.s32 @p2 $0x1  }
0x17: {  	s4 =	simm.s32 $0x1BF5;
	[smem:$0x3FB6] =	sst s0  }
0x18: {  	s0 =	sld [smem:$0x3F99];
	_ =	swait.ge [sflag:s4], $0x0  }
0x19: {  	s7 =	sld [smem:$0x3F9A]  }
0x1a: {  	s8 =	sadd.s32 $0xFFFFE003, lr  }
0x1b: {  	s9 =	sadd.s32 $0xFFFFFEF7, lr;
	s5 =	simm.s32 $0xFFFFFFFF;
	p2 =	slt.u32 s8, $0xFFFFF086  }
0x1c: {  	p1 =	slt.u32 s9, $0xF7A;
	s5 =	simm.s32 @!p2 $0x0  }
0x1d: {  	s5 =	simm.s32 @p1 $0x1;
	p0 =	seq.s32 s7, s2  }
0x1e: {  	s7 =	smul.u32 @!p0 $0xF7A, s2;
	p2 =	seq.s32 @!p0 s5, $0x0  }
0x1f: {  	s9 =	smul.u32 $0xF7A, s1;
	s8 =	simm.s32 @!p0 $0x1BF5;
	p2 =	por !p2, p0  }
0x20: {  	[sflag:s8] =	ssyncset.s32 @!p0 $0xFFFFF086;
	s6 =	sadd.s32 @!p0 s3, s7;
	s7 =	simm.s32 @!p0 $0x108  }
0x21: {  	s3 =	sadd.s32 s3, s9;
	s6 =	sadd.s32 @!p0 $0x88, s6;
	s7 =	simm.s32 @p2 $0x1082  }
0x22: {  	[simem:s7], [sflag:s8] =	dma.local @!p0 [hbm:s6], $0xF7A  }
0x23: {  	s9 =	sor.u32 $0xD0000000, s2;
	s6 =	simm.s32 $0x108;
	_ =	swait.ge @!p0 [sflag:s8], $0x0  }
0x24: {  	s3 =	sadd.s32 $0x88, s3;
	s6 =	simm.s32 @!p1 $0x1082;
	[sflag:s4] =	ssyncset.s32 $0xFFFFF086  }
0x25: {  	[simem:s6], [sflag:s4] =	dma.local [hbm:s3], $0xF7A  }
0x26: {  	[smem:$0x3F9A] =	sst s1;
	(tag) =	ssettag s2;
	_ =	strace s9  }
0x27: {  	s1 =	sld [smem:$0x3FAA]  }
0x28: {  	s2 =	sld [smem:$0x3FAB]  }
0x29: {  	s4 =	sld [smem:$0x3FAD]  }
0x2a: {  	p0 =	seq.s32 s5, $0x0;
	s5 =	sld [smem:$0x3FAE]  }
0x2b: {  	s6 =	sld [smem:$0x3FAF]  }
0x2c: {  	s7 =	sld [smem:$0x3FB0]  }
0x2d: {  	s3 =	simm.s32 $0x108;
	s8 =	sld [smem:$0x3FB1]  }
0x2e: {  	s3 =	simm.s32 @!p0 $0x1082;
	s9 =	sld [smem:$0x3FB2]  }
0x2f: {  	lr =	sadd.s32 s0, s3;
	s0 =	sld [smem:$0x3FA9]  }
0x30: {  	s3 =	sld [smem:$0x3FAC]  }
0x31: {  	[smem:$0x3FB5] =	sst s10  }
0x32: {  	s10 =	sld [smem:$0x3FB3];
	_ =	sdelay $0x3  }
0x33: {  	p0 =	seq.s32 s10, $0x1;
	s10 =	sld [smem:$0x3FB5];
	_ =	sdelay $0x3  }
0x34: {  	[smem:$0x3FB5] =	sst s10  }
0x35: {  	s10 =	sld [smem:$0x3FB4];
	_ =	sdelay $0x3  }
0x36: {  	p1 =	seq.s32 s10, $0x1;
	s10 =	sld [smem:$0x3FB5];
	_ =	sdelay $0x3  }
0x37: {  	[smem:$0x3FB5] =	sst s10  }
0x38: {  	s10 =	sld [smem:$0x3FB6]  }
0x39: {  	_ = 	snop;
	(pc) =	sbr.ind lr, $3  }
0x3a: {  	_ = 	snop  }
0x3b: {  	_ = 	snop  }
0x3c: {  	p2 =	seq.s32 s10, $0x1;
	s10 =	sld [smem:$0x3FB5]  }
0x3d: {  	_ =	shalt  }
0x3e: {  	_ =	shalt  }
0x3f: {  	_ =	shalt  }
0x40: {  	_ =	shalt  }
0x41: {  	_ =	shalt  }
0x42: {  	_ =	shalt  }
0x43: {  	_ =	shalt  }
0x44: {  	_ =	shalt  }
0x45: {  	_ =	shalt  }
0x46: {  	_ =	shalt  }
0x47: {  	_ =	shalt  }
0x48: {  	_ =	shalt  }
0x49: {  	_ =	shalt  }
0x4a: {  	_ =	shalt  }
0x4b: {  	_ =	shalt  }
0x4c: {  	_ =	shalt  }
0x4d: {  	_ =	shalt  }
0x4e: {  	_ =	shalt  }
0x4f: {  	_ =	shalt  }
0x50: {  	_ =	shalt  }
0x51: {  	_ =	shalt  }
0x52: {  	_ =	shalt  }
0x53: {  	_ =	shalt  }
0x54: {  	_ =	shalt  }
0x55: {  	_ =	shalt  }
0x56: {  	_ =	shalt  }
0x57: {  	_ =	shalt  }
0x58: {  	_ =	shalt  }
0x59: {  	_ =	shalt  }
0x5a: {  	_ =	shalt  }
0x5b: {  	_ =	shalt  }
0x5c: {  	_ =	shalt  }
0x5d: {  	_ =	shalt  }
0x5e: {  	_ =	shalt  }
0x5f: {  	_ =	shalt  }
0x60: {  	_ =	shalt  }
0x61: {  	_ =	shalt  }
0x62: {  	_ =	shalt  }
0x63: {  	_ =	shalt  }
0x64: {  	_ =	shalt  }
0x65: {  	_ =	shalt  }
0x66: {  	_ =	shalt  }
0x67: {  	_ =	shalt  }
0x68: {  	_ =	shalt  }
0x69: {  	_ =	shalt  }
0x6a: {  	_ =	shalt  }
0x6b: {  	_ =	shalt  }
0x6c: {  	_ =	shalt  }
0x6d: {  	_ =	shalt  }
0x6e: {  	_ =	shalt  }
0x6f: {  	_ =	shalt  }
0x70: {  	_ =	shalt  }
0x71: {  	_ =	shalt  }
0x72: {  	_ =	shalt  }
0x73: {  	_ =	shalt  }
0x74: {  	_ =	shalt  }
0x75: {  	_ =	shalt  }
0x76: {  	_ =	shalt  }
0x77: {  	_ =	shalt  }
0x78: {  	_ =	shalt  }
0x79: {  	_ =	shalt  }
0x7a: {  	_ =	shalt  }
0x7b: {  	_ =	shalt  }
0x7c: {  	_ =	shalt  }
0x7d: {  	_ =	shalt  }
0x7e: {  	_ =	shalt  }
0x7f: {  	_ =	shalt  }
0x80: {  	_ =	shalt  }
0x81: {  	_ =	shalt  }
0x82: {  	_ =	shalt  }
0x83: {  	_ =	shalt  }
0x84: {  	_ =	shalt  }
0x85: {  	_ =	shalt  }
0x86: {  	_ =	shalt  }
0x87: {  	_ =	shalt  }
.Lfunc_end0:
.L_simem_size_0:
called_computation_lowered:
.L_overlay_start_0:
0x88: {  	s2 =	sld [smem:$0x3FD9]  }
0x89: {  	s3 =	sld [smem:$0x3FFE];
	_ =	sdelay $0x1  }
0x8a: {  	s1 =	srdreg.scid  }
0x8b: {  	s0 =	sand.u32 $0x1, s1  }
0x8c: {  	s17 =	sshll.u32 s0, $0xA;
	s2 =	sadd.s32 s3, s2  }
0x8d: {  	s2 =	sadd.s32 s2, s17  }
0x8e: {  	[smem:$0x3FC1] =	sst s2  }
0x8f: {  	_ = 	snop  }
0x90: {  	s2 =	sld [smem:$0x3FC7];
	(tm) =	ssettm $0x1  }
0x91: {  	s18 =	sld [smem:$0x3FFB];
	_ =	sdelay $0x3  }
0x92: {  	_ =	strace s18  }
0x93: {  	s3 =	sld [smem:$0x3FFC];
	_ =	sdelay $0x3  }
0x94: {  	_ =	strace s3  }
0x95: {  	s3 =	sld [smem:$0x3FFD];
	_ =	sdelay $0x3  }
0x96: {  	_ =	strace s3  }
0x97: {  	_ =	strace $0x8FFFFFFF  }
0x98: {  	s19 =	sld [smem:$0x3FDB];
	_ =	sdelay $0x1  }
0x99: {  	s4 =	simm.s32 $_scs_section_size  }
0x9a: {  	s5 =	simm.s32 $_size__tile_overlayer_lowered;
	s6 =	simm.s32 $_tile_overlayer_lowered  }
0x9b: {  	s22 =	simm.s32 $0x1BFF;
	s21 =	sshll.u32 s6, $0x1;
	s3 =	sadd.s32 s4, s19  }
0x9c: {  	s7 =	simm.s32 $0x0;
	s20 =	sshll.u32 s5, $0x1;
	s5 =	sadd.s32 s21, s3  }
0x9d: {  	[timem:s7], [sflag:s22] =	dma.local [hbm:s5], s20  }
0x9e: {  	_ =	swait.ge [sflag:s22], s20  }
0x9f: {  	s4 =	ssub.s32 $0x0, s20;
	[sflag:s22] =	ssyncset.done $0x0  }
0xa0: {  	[sflag:s22] =	ssyncadd.s32 s4;
	_ =	sdelay $0x1  }
0xa1: {  	s23 =	simm.s32 $0x1B8B  }
0xa2: {  	_ =	swait.ge [sflag:s23], $0x1  }
0xa3: {  	[sflag:s23] =	ssyncset.done $0x0  }
0xa4: {  	s25 =	simm.s32 $0x1B8E;
	s24 =	sld [smem:$0x3FFE];
	[sflag:s23] =	ssyncadd.s32 $0xFFFFFFFF  }
0xa5: {  	s26 =	simm.s32 $execute0_lowered;
	[smem:$0x3FD2] =	sst s25  }
0xa6: {  	s5 =	sshll.u32 s26, $0x1;
	_ =	strace $0x80000046;
	[dreg:$0x1] =	wrdreg $0xFFFFFFFF  }
0xa7: {  	s28 =	simm.s32 $_size_execute0_lowered;
	s3 =	sadd.s32 s3, s5;
	[dreg:$0x0] =	wrdreg $0x0  }
0xa8: {  	s5 =	sshll.u32 s28, $0x1;
	[dreg:$0x2] =	wrdreg s3  }
0xa9: {  	[dreg:$0x3] =	wrdreg s5  }
0xaa: {  	[dreg:$0x4] =	wrdreg $0xC0  }
0xab: {  	_ =	task [dreg:s7], $0x5FFFF  }
0xac: {  	[dreg:$0x1] =	wrdreg $0xFFFFFFFF  }
0xad: {  	[dreg:$0x0] =	wrdreg $0x60  }
0xae: {  	[dreg:$0x2] =	wrdreg s24  }
0xaf: {  	[dreg:$0x3] =	wrdreg s2  }
0xb0: {  	[dreg:$0x4] =	wrdreg $0x9  }
0xb1: {  	_ =	task.clear_ibuf [dreg:s7], $0x5FFFF;
	_ =	strace $0x90000046  }
0xb2: {  	s29 =	simm.s32 $0x9;
	_ =	strace $0x80000048  }
0xb3: {  	_ =	swait.ge [sflag:s29], $0x1  }
0xb4: {  	[sflag:s29] =	ssyncadd.s32 $0xFFFFFFFF  }
0xb5: {  	_ =	strace $0x90000048  }
0xb6: {  	_ =	sfence  }
0xb7: {  	s30 =	sld [smem:$0x0];
	_ =	sdelay $0x2  }
0xb8: {  	s31 =	sshll.u32 s1, $0xD;
	s1 =	sshrl.u32 s1, $0x2  }
0xb9: {  	s3 =	sand.u32 $0x4000, s31;
	s1 =	sadd.s32 s1, s30  }
0xba: {  	s0 =	sor.u32 s3, s0;
	s1 =	sshll.u32 s1, $0x11  }
0xbb: {  	s0 =	sor.u32 s1, s0  }
0xbc: {  	s0 =	sadd.s32 $0x8F2B, s0  }
0xbd: {  	[sflag:s0] =	ssyncadd.remote.s32 $0x1  }
0xbe: {  	_ =	sfence.sel $0xFFFF  }
0xbf: {  	[dreg:$0x0] =	wrdreg $0xFFFFFFFF;
	(pc) =	sbr.abs _section_cstart, $3  }
0xc0: {  	[dreg:$0x1] =	wrdreg $0xFFFFFFFF  }
0xc1: {  	_ =	task.clear_ibuf [dreg:s7], $0x2FFFF;
	_ =	strace $0x9FFFFFFF  }
0xc2: {  	(tm) =	ssettm $0x7FFFFFFF  }
0xc3: {  	_ =	shalt  }
tec
execute0_lowered:
.L_overlay_start_1:
0x0: {  	(tag) =	ssettag $0x1  }
0x1: {  	s0 =	rddreg [dreg:$0x0]  }
0x2: {  	s2 =	rddreg [dreg:$0x1];
	s1 =	srdreg.scid  }
0x3: {  	s3 =	simm.s32 $0x0;
	s4 =	stileid.u32;
	s7 =	simm.s32 $0x9  }
0x4: {  	s8 =	simm.s32 $0x32;
	s16 =	simm.s32 $0x200;
	s17 =	simm.s32 $0xB000  }
0x5: {  	s18 =	simm.s32 $0x280;
	s19 =	simm.s32 $0xCC00;
	s20 =	simm.s32 $0x300  }
0x6: {  	s21 =	simm.s32 $0xE800;
	s22 =	simm.s32 $0x380;
	s23 =	simm.s32 $0x10400  }
0x7: {  	s24 =	simm.s32 $0x1;
	s25 =	simm.s32 $0x2;
	s28 =	simm.s32 $0x4  }
0x8: {  	s29 =	simm.s32 $0x5;
	s30 =	simm.s32 $0x6;
	s31 =	simm.s32 $0x7  }
0x9: {  	s9 =	simm.s32 $0x0;
	s1 =	sand.u32 $0x1, s1;
	s4 =	sshll.u32 s4, $0xC  }
.Ltmp0:
0xa: {  	s5 =	sshll.u32 s1, $0xB;
	s1 =	ssub.s32 $0x2, s1;
	(pc) =	sbr.rel .LBB2_1-.Ltmp0, $4  }
0xb: {  	[smem:$0x7FF] =	sst s3;
	s4 =	sor.u32 s5, s4;
	s26 =	sshrl.u32 s1, $0x1  }
0xc: {  	_ =	strace $0x80000047;
	s0 =	sadd.s32 s4, s0;
	s1 =	ssub.s32 s1, s26  }
0xd: {  	s26 =	simm.s32 $0x3;
	s4 =	sadd.s32 $0x1000, s0;
	s5 =	sadd.s32 $0x11000, s0  }
0xe: {  	s6 =	smax.u32 s1, $0x1;
	s0 =	simm.s32 $0x8;
	s1 =	simm.s32 $0x12000  }
.LBB2_20:
0xf: {  	s9 =	sadd.s32 $0x1, s9  }
0x10: {  	p0 =	sne.s32 s9, s6  }
.Ltmp1:
0x11: {  	_ = 	snop;
	(pc) =	sbr.rel @!p0 .LBB2_21-.Ltmp1, $4  }
0x12: {  	[hbm4b:s5+s3] =	stream.linear.scatter [tilespmem:s1], [sflag:$0x9], $0x4000, $0x38;
	[tilespmem:$0x16000] =	vst v63  }
0x13: {  	_ =	swait.ge [sflag:s7], $0x4000  }
0x14: {  	[sflag:s7] =	ssyncset.done $0x0  }
0x15: {  	[sflag:s7] =	ssyncadd.s32 $0xFFFFC000  }
.LBB2_1:
0x16: {  	[tilespmem:s3], [sflag:$0x9] =	stream.linear.gather [hbm4b:s4+s3], $0x4000, $0x38;
	[tilespmem:$0x16000] =	vst v63  }
0x17: {  	_ =	swait.ge [sflag:s7], $0x4000  }
0x18: {  	[sflag:s7] =	ssyncset.done $0x0  }
0x19: {  	s10 =	simm.s32 $0x4000;
	[sflag:s7] =	ssyncadd.s32 $0xFFFFC000  }
0x1a: {  	[tilespmem:s10], [sflag:$0x1] =	stream.indirect.gather [hbm4b:s2+s8], $0x80, s3, s8, $0xb8;
	[tilespmem:$0x16000] =	vst v63  }
0x1b: {  	s15 =	simm.s32 $0x80;
	s11 =	simm.s32 $0x5C00  }
0x1c: {  	[tilespmem:s11], [sflag:$0x2] =	stream.indirect.gather [hbm4b:s2+s8], $0x80, s15, s8, $0xb8;
	[tilespmem:$0x16000] =	vst v63  }
0x1d: {  	s12 =	simm.s32 $0x100;
	s13 =	simm.s32 $0x7800  }
0x1e: {  	[tilespmem:s13], [sflag:$0x3] =	stream.indirect.gather [hbm4b:s2+s8], $0x80, s12, s8, $0xb8;
	[tilespmem:$0x16000] =	vst v63  }
0x1f: {  	s14 =	simm.s32 $0x180;
	s15 =	simm.s32 $0x9400  }
0x20: {  	[tilespmem:s15], [sflag:$0x4] =	stream.indirect.gather [hbm4b:s2+s8], $0x80, s14, s8, $0xb8;
	[tilespmem:$0x16000] =	vst v63  }
0x21: {  	_ = 	snop  }
0x22: {  	[tilespmem:s17], [sflag:$0x5] =	stream.indirect.gather [hbm4b:s2+s8], $0x80, s16, s8, $0xb8;
	[tilespmem:$0x16000] =	vst v63  }
0x23: {  	_ = 	snop  }
0x24: {  	[tilespmem:s19], [sflag:$0x6] =	stream.indirect.gather [hbm4b:s2+s8], $0x80, s18, s8, $0xb8;
	[tilespmem:$0x16000] =	vst v63  }
0x25: {  	_ = 	snop  }
0x26: {  	[tilespmem:s21], [sflag:$0x7] =	stream.indirect.gather [hbm4b:s2+s8], $0x80, s20, s8, $0xb8;
	[tilespmem:$0x16000] =	vst v63  }
0x27: {  	s10 =	simm.s32 $0x0  }
0x28: {  	[tilespmem:s23], [sflag:$0x8] =	stream.indirect.gather [hbm4b:s2+s8], $0x80, s22, s8, $0xb8;
	[tilespmem:$0x16000] =	vst v63  }
.LBB2_2:
0x29: {  	_ =	swait.ge [sflag:s24], $0x1900  }
0x2a: {  	[sflag:s24] =	ssyncset.done $0x0  }
0x2b: {  	s11 =	simm.s32 $0x0;
	[sflag:s24] =	ssyncadd.s32 $0xFFFFE700  }
0x2c: {  	v4 =	vld [tilespmem:s11+$0x4200]  }
0x2d: {  	v5 =	vld [tilespmem:s11+$0x4210]  }
0x2e: {  	v6 =	vld [tilespmem:s11+$0x4220]  }
0x2f: {  	v7 =	vld [tilespmem:s11+$0x4230]  }
0x30: {  	v0 =	vld [tilespmem:s11+$0x4240]  }
0x31: {  	v1 =	vld [tilespmem:s11+$0x4250]  }
0x32: {  	v10 =	vld [tilespmem:s11+$0x4180]  }
0x33: {  	v13 =	vld [tilespmem:s11+$0x4190]  }
0x34: {  	v9 =	vld [tilespmem:s11+$0x41A0]  }
0x35: {  	v11 =	vld [tilespmem:s11+$0x41B0]  }
0x36: {  	v3 =	vld [tilespmem:s11+$0x41C0]  }
0x37: {  	v2 =	vld [tilespmem:s11+$0x41D0]  }
0x38: {  	v12 =	vld [tilespmem:s11+$0x4100]  }
0x39: {  	v14 =	vld [tilespmem:s11+$0x4110]  }
0x3a: {  	v16 =	vld [tilespmem:s11+$0x4120]  }
0x3b: {  	v19 =	vld [tilespmem:s11+$0x4080]  }
0x3c: {  	v20 =	vld [tilespmem:s11+$0x4090]  }
0x3d: {  	v17 =	vld [tilespmem:s11+$0x4000]  }
0x3e: {  	v18 =	vld [tilespmem:s11+$0x4010]  }
0x3f: {  	v21 =	vld [tilespmem:s11+$0x4020]  }
0x40: {  	v22 =	vld [tilespmem:s11+$0x4030]  }
0x41: {  	v23 =	vld [tilespmem:s11+$0x40A0]  }
0x42: {  	v24 =	vld [tilespmem:s11+$0x40B0]  }
0x43: {  	v8 =	vimm.f32 $0.0e+00;
	v26 =	vld [tilespmem:s11+$0x4130]  }
0x44: {  	v15 =	vld [tilespmem:s11+$0x4140];
	v25 =	vadd.f32 v17, v8;
	v27 =	vadd.f32 v18, v8  }
0x45: {  	v17 =	vld [tilespmem:s11+$0x4150];
	v21 =	vadd.f32 v21, v8;
	v22 =	vadd.f32 v22, v8  }
0x46: {  	v18 =	vld [tilespmem:s11+$0x40C0];
	v25 =	vadd.f32 v19, v25;
	v27 =	vadd.f32 v20, v27  }
0x47: {  	v19 =	vld [tilespmem:s11+$0x40D0];
	v28 =	vadd.f32 v23, v21;
	v22 =	vadd.f32 v24, v22  }
0x48: {  	v20 =	vld [tilespmem:s11+$0x4040];
	v23 =	vadd.f32 v12, v25;
	v24 =	vadd.f32 v14, v27  }
0x49: {  	v21 =	vld [tilespmem:s11+$0x4050];
	v25 =	vadd.f32 v16, v28;
	v26 =	vadd.f32 v26, v22  }
0x4a: {  	s12 =	simm.s32 $0xA00;
	v22 =	vld [tilespmem:s11+$0x4060];
	v16 =	vimm.f32 $0.0e+00;
	v14 =	vimm.f32 $0.0e+00;
	v12 =	vimm.f32 $0.0e+00  }
.LBB2_3:
0x4b: {  	p0 =	sne.s32 s12, $0x5A00;
	v27 =	vld [tilespmem:s11+$0x4070];
	v10 =	vadd.f32 v10, v23;
	v13 =	vadd.f32 v13, v24  }
0x4c: {  	v23 =	vld [tilespmem:s11+$0x40E0];
	v9 =	vadd.f32 v9, v25;
	v11 =	vadd.f32 v11, v26  }
0x4d: {  	v24 =	vld [tilespmem:s11+$0x40F0];
	v25 =	vadd.f32 v4, v10;
	v26 =	vadd.f32 v5, v13  }
0x4e: {  	v5 =	vld [tilespmem:s11+$0x4160];
	v28 =	vadd.f32 v6, v9;
	v29 =	vadd.f32 v7, v11  }
0x4f: {  	v4 =	vadd.f32 v20, v8;
	v6 =	vadd.f32 v21, v16;
	v7 =	vld [tilespmem:s11+$0x4170]  }
0x50: {  	v8 =	vadd.f32 v22, v14;
	v9 =	vadd.f32 v27, v12;
	v10 =	vld [tilespmem:s11+$0x41E0]  }
0x51: {  	v4 =	vadd.f32 v18, v4;
	v6 =	vadd.f32 v19, v6;
	v11 =	vld [tilespmem:s11+$0x41F0]  }
0x52: {  	v8 =	vadd.f32 v23, v8;
	v9 =	vadd.f32 v24, v9;
	v12 =	vld [tilespmem:s11+$0x4260]  }
0x53: {  	v13 =	vadd.f32 v15, v4;
	v6 =	vadd.f32 v17, v6;
	v15 =	vld [tilespmem:s11+$0x4270];
	s11 =	sshra.s32 s12, $0x2  }
0x54: {  	v8 =	vadd.f32 v5, v8;
	v4 =	vld [tilespmem:s11+$0x4200];
	v7 =	vadd.f32 v7, v9  }
0x55: {  	v3 =	vadd.f32 v3, v13;
	v2 =	vadd.f32 v2, v6;
	v5 =	vld [tilespmem:s11+$0x4210]  }
0x56: {  	v9 =	vadd.f32 v10, v8;
	v6 =	vld [tilespmem:s11+$0x4220];
	v10 =	vadd.f32 v11, v7  }
0x57: {  	v8 =	vadd.f32 v0, v3;
	v16 =	vadd.f32 v1, v2;
	v7 =	vld [tilespmem:s11+$0x4230]  }
0x58: {  	v14 =	vadd.f32 v12, v9;
	v0 =	vld [tilespmem:s11+$0x4240];
	v12 =	vadd.f32 v15, v10  }
0x59: {  	v1 =	vld [tilespmem:s11+$0x4250]  }
0x5a: {  	v10 =	vld [tilespmem:s11+$0x4180]  }
0x5b: {  	v13 =	vld [tilespmem:s11+$0x4190]  }
0x5c: {  	v9 =	vld [tilespmem:s11+$0x41A0]  }
0x5d: {  	v11 =	vld [tilespmem:s11+$0x41B0]  }
0x5e: {  	v3 =	vld [tilespmem:s11+$0x41C0]  }
0x5f: {  	v2 =	vld [tilespmem:s11+$0x41D0]  }
0x60: {  	v22 =	vld [tilespmem:s11+$0x4100]  }
0x61: {  	v24 =	vld [tilespmem:s11+$0x4110]  }
0x62: {  	v27 =	vld [tilespmem:s11+$0x4120]  }
0x63: {  	v30 =	vld [tilespmem:s11+$0x4130]  }
0x64: {  	v19 =	vld [tilespmem:s11+$0x4080]  }
0x65: {  	v20 =	vld [tilespmem:s11+$0x4090]  }
0x66: {  	v17 =	vld [tilespmem:s11+$0x4000]  }
0x67: {  	v18 =	vld [tilespmem:s11+$0x4010]  }
0x68: {  	v21 =	vld [tilespmem:s11+$0x4020]  }
0x69: {  	v23 =	vld [tilespmem:s11+$0x4030]  }
0x6a: {  	v31 =	vld [tilespmem:s11+$0x40A0]  }
0x6b: {  	v32 =	vld [tilespmem:s11+$0x40B0]  }
0x6c: {  	v15 =	vld [tilespmem:s11+$0x4140]  }
0x6d: {  	v25 =	vadd.f32 v17, v25;
	v26 =	vadd.f32 v18, v26;
	v17 =	vld [tilespmem:s11+$0x4150]  }
.Ltmp2:
0x6e: {  	v21 =	vadd.f32 v21, v28;
	v23 =	vadd.f32 v23, v29;
	v18 =	vld [tilespmem:s11+$0x40C0];
	(pc) =	sbr.rel @p0 .LBB2_3-.Ltmp2, $4  }
0x6f: {  	v25 =	vadd.f32 v19, v25;
	v26 =	vadd.f32 v20, v26;
	v19 =	vld [tilespmem:s11+$0x40D0]  }
0x70: {  	v28 =	vadd.f32 v31, v21;
	v20 =	vld [tilespmem:s11+$0x4040];
	v29 =	vadd.f32 v32, v23  }
0x71: {  	v23 =	vadd.f32 v22, v25;
	v24 =	vadd.f32 v24, v26;
	v21 =	vld [tilespmem:s11+$0x4050]  }
0x72: {  	s12 =	sadd.s32 $0xA00, s12;
	v25 =	vadd.f32 v27, v28;
	v22 =	vld [tilespmem:s11+$0x4060];
	v26 =	vadd.f32 v30, v29  }
0x73: {  	v27 =	vld [tilespmem:s11+$0x4070];
	v10 =	vadd.f32 v10, v23;
	v13 =	vadd.f32 v13, v24  }
0x74: {  	v23 =	vld [tilespmem:s11+$0x40E0];
	v9 =	vadd.f32 v9, v25;
	v11 =	vadd.f32 v11, v26  }
0x75: {  	v24 =	vld [tilespmem:s11+$0x40F0];
	v4 =	vadd.f32 v4, v10;
	v5 =	vadd.f32 v5, v13  }
0x76: {  	v10 =	vld [tilespmem:s11+$0x4160];
	v8 =	vadd.f32 v20, v8;
	v6 =	vadd.f32 v6, v9  }
0x77: {  	v7 =	vadd.f32 v7, v11;
	v9 =	vadd.f32 v21, v16;
	v11 =	vld [tilespmem:s11+$0x4170]  }
0x78: {  	v16 =	vld [tilespmem:s11+$0x41F0];
	v13 =	vadd.f32 v22, v14;
	v8 =	vadd.f32 v18, v8  }
0x79: {  	v14 =	vld [tilespmem:s11+$0x41E0];
	v12 =	vadd.f32 v27, v12;
	v9 =	vadd.f32 v19, v9  }
0x7a: {  	s12 =	sshll.u32 s10, $0xC;
	v18 =	vld [tilespmem:s11+$0x4260];
	v13 =	vadd.f32 v23, v13;
	v8 =	vadd.f32 v15, v8  }
0x7b: {  	v15 =	vld [tilespmem:s11+$0x4270];
	s11 =	sshrl.u32 s12, $0x2;
	v12 =	vadd.f32 v24, v12;
	v9 =	vadd.f32 v17, v9  }
0x7c: {  	[tilespmem:s11+$0x12000] =	vst v4;
	v10 =	vadd.f32 v10, v13;
	v3 =	vadd.f32 v3, v8  }
0x7d: {  	[tilespmem:s11+$0x12010] =	vst v5;
	v4 =	vadd.f32 v11, v12;
	v2 =	vadd.f32 v2, v9  }
0x7e: {  	[tilespmem:s11+$0x12020] =	vst v6;
	v5 =	vadd.f32 v14, v10;
	v0 =	vadd.f32 v0, v3  }
0x7f: {  	[tilespmem:s11+$0x12030] =	vst v7;
	v3 =	vadd.f32 v16, v4;
	v1 =	vadd.f32 v1, v2  }
0x80: {  	v2 =	vadd.f32 v18, v5;
	[tilespmem:s11+$0x12040] =	vst v0  }
0x81: {  	p0 =	seq.s32 s10, $0xF;
	v0 =	vadd.f32 v15, v3;
	[tilespmem:s11+$0x12050] =	vst v1  }
0x82: {  	s12 =	sshrl.u32 @!p0 s12, $0x2;
	[tilespmem:s11+$0x12060] =	vst v2  }
0x83: {  	s14 =	simm.s32 @!p0 $0x32;
	s15 =	simm.s32 @!p0 $0x4000;
	s13 =	sadd.s32 @!p0 $0x400, s12;
	[tilespmem:s11+$0x12070] =	vst v0  }
0x84: {  	[tilespmem:s15], [sflag:$0x1] =	stream.indirect.gather @!p0 [hbm4b:s2+s14], $0x80, s13, s14, $0xb8;
	[tilespmem:$0x16000] =	vst v63  }
0x85: {  	_ =	swait.ge [sflag:s25], $0x1900  }
0x86: {  	[sflag:s25] =	ssyncset.done $0x0  }
0x87: {  	s13 =	simm.s32 $0x0;
	[sflag:s25] =	ssyncadd.s32 $0xFFFFE700  }
0x88: {  	v4 =	vld [tilespmem:s13+$0x5E00]  }
0x89: {  	v5 =	vld [tilespmem:s13+$0x5E10]  }
0x8a: {  	v6 =	vld [tilespmem:s13+$0x5E20]  }
0x8b: {  	v7 =	vld [tilespmem:s13+$0x5E30]  }
0x8c: {  	v0 =	vld [tilespmem:s13+$0x5E40]  }
0x8d: {  	v1 =	vld [tilespmem:s13+$0x5E50]  }
0x8e: {  	v10 =	vld [tilespmem:s13+$0x5D80]  }
0x8f: {  	v13 =	vld [tilespmem:s13+$0x5D90]  }
0x90: {  	v9 =	vld [tilespmem:s13+$0x5DA0]  }
0x91: {  	v11 =	vld [tilespmem:s13+$0x5DB0]  }
0x92: {  	v3 =	vld [tilespmem:s13+$0x5DC0]  }
0x93: {  	v2 =	vld [tilespmem:s13+$0x5DD0]  }
0x94: {  	v12 =	vld [tilespmem:s13+$0x5D00]  }
0x95: {  	v14 =	vld [tilespmem:s13+$0x5D10]  }
0x96: {  	v16 =	vld [tilespmem:s13+$0x5D20]  }
0x97: {  	v19 =	vld [tilespmem:s13+$0x5C80]  }
0x98: {  	v20 =	vld [tilespmem:s13+$0x5C90]  }
0x99: {  	v17 =	vld [tilespmem:s13+$0x5C00]  }
0x9a: {  	v18 =	vld [tilespmem:s13+$0x5C10]  }
0x9b: {  	v21 =	vld [tilespmem:s13+$0x5C20]  }
0x9c: {  	v22 =	vld [tilespmem:s13+$0x5C30]  }
0x9d: {  	v23 =	vld [tilespmem:s13+$0x5CA0]  }
0x9e: {  	v24 =	vld [tilespmem:s13+$0x5CB0]  }
0x9f: {  	v8 =	vimm.f32 $0.0e+00;
	v26 =	vld [tilespmem:s13+$0x5D30]  }
0xa0: {  	v15 =	vld [tilespmem:s13+$0x5D40];
	v25 =	vadd.f32 v17, v8;
	v27 =	vadd.f32 v18, v8  }
0xa1: {  	v17 =	vld [tilespmem:s13+$0x5D50];
	v21 =	vadd.f32 v21, v8;
	v22 =	vadd.f32 v22, v8  }
0xa2: {  	v18 =	vld [tilespmem:s13+$0x5CC0];
	v25 =	vadd.f32 v19, v25;
	v27 =	vadd.f32 v20, v27  }
0xa3: {  	v19 =	vld [tilespmem:s13+$0x5CD0];
	v28 =	vadd.f32 v23, v21;
	v22 =	vadd.f32 v24, v22  }
0xa4: {  	v20 =	vld [tilespmem:s13+$0x5C40];
	v23 =	vadd.f32 v12, v25;
	v24 =	vadd.f32 v14, v27  }
0xa5: {  	v21 =	vld [tilespmem:s13+$0x5C50];
	v25 =	vadd.f32 v16, v28;
	v26 =	vadd.f32 v26, v22  }
0xa6: {  	s14 =	simm.s32 $0xA00;
	v22 =	vld [tilespmem:s13+$0x5C60];
	v16 =	vimm.f32 $0.0e+00;
	v14 =	vimm.f32 $0.0e+00;
	v12 =	vimm.f32 $0.0e+00  }
.LBB2_5:
0xa7: {  	p1 =	sne.s32 s14, $0x5A00;
	v27 =	vld [tilespmem:s13+$0x5C70];
	v10 =	vadd.f32 v10, v23;
	v13 =	vadd.f32 v13, v24  }
0xa8: {  	v23 =	vld [tilespmem:s13+$0x5CE0];
	v9 =	vadd.f32 v9, v25;
	v11 =	vadd.f32 v11, v26  }
0xa9: {  	v24 =	vld [tilespmem:s13+$0x5CF0];
	v25 =	vadd.f32 v4, v10;
	v26 =	vadd.f32 v5, v13  }
0xaa: {  	v5 =	vld [tilespmem:s13+$0x5D60];
	v28 =	vadd.f32 v6, v9;
	v29 =	vadd.f32 v7, v11  }
0xab: {  	v4 =	vadd.f32 v20, v8;
	v6 =	vadd.f32 v21, v16;
	v7 =	vld [tilespmem:s13+$0x5D70]  }
0xac: {  	v8 =	vadd.f32 v22, v14;
	v9 =	vadd.f32 v27, v12;
	v10 =	vld [tilespmem:s13+$0x5DE0]  }
0xad: {  	v4 =	vadd.f32 v18, v4;
	v6 =	vadd.f32 v19, v6;
	v11 =	vld [tilespmem:s13+$0x5DF0]  }
0xae: {  	v8 =	vadd.f32 v23, v8;
	v9 =	vadd.f32 v24, v9;
	v12 =	vld [tilespmem:s13+$0x5E60]  }
0xaf: {  	v13 =	vadd.f32 v15, v4;
	v6 =	vadd.f32 v17, v6;
	v15 =	vld [tilespmem:s13+$0x5E70];
	s13 =	sshra.s32 s14, $0x2  }
0xb0: {  	v8 =	vadd.f32 v5, v8;
	v4 =	vld [tilespmem:s13+$0x5E00];
	v7 =	vadd.f32 v7, v9  }
0xb1: {  	v3 =	vadd.f32 v3, v13;
	v2 =	vadd.f32 v2, v6;
	v5 =	vld [tilespmem:s13+$0x5E10]  }
0xb2: {  	v9 =	vadd.f32 v10, v8;
	v6 =	vld [tilespmem:s13+$0x5E20];
	v10 =	vadd.f32 v11, v7  }
0xb3: {  	v8 =	vadd.f32 v0, v3;
	v16 =	vadd.f32 v1, v2;
	v7 =	vld [tilespmem:s13+$0x5E30]  }
0xb4: {  	v14 =	vadd.f32 v12, v9;
	v0 =	vld [tilespmem:s13+$0x5E40];
	v12 =	vadd.f32 v15, v10  }
0xb5: {  	v1 =	vld [tilespmem:s13+$0x5E50]  }
0xb6: {  	v10 =	vld [tilespmem:s13+$0x5D80]  }
0xb7: {  	v13 =	vld [tilespmem:s13+$0x5D90]  }
0xb8: {  	v9 =	vld [tilespmem:s13+$0x5DA0]  }
0xb9: {  	v11 =	vld [tilespmem:s13+$0x5DB0]  }
0xba: {  	v3 =	vld [tilespmem:s13+$0x5DC0]  }
0xbb: {  	v2 =	vld [tilespmem:s13+$0x5DD0]  }
0xbc: {  	v22 =	vld [tilespmem:s13+$0x5D00]  }
0xbd: {  	v24 =	vld [tilespmem:s13+$0x5D10]  }
0xbe: {  	v27 =	vld [tilespmem:s13+$0x5D20]  }
0xbf: {  	v30 =	vld [tilespmem:s13+$0x5D30]  }
0xc0: {  	v19 =	vld [tilespmem:s13+$0x5C80]  }
0xc1: {  	v20 =	vld [tilespmem:s13+$0x5C90]  }
0xc2: {  	v17 =	vld [tilespmem:s13+$0x5C00]  }
0xc3: {  	v18 =	vld [tilespmem:s13+$0x5C10]  }
0xc4: {  	v21 =	vld [tilespmem:s13+$0x5C20]  }
0xc5: {  	v23 =	vld [tilespmem:s13+$0x5C30]  }
0xc6: {  	v31 =	vld [tilespmem:s13+$0x5CA0]  }
0xc7: {  	v32 =	vld [tilespmem:s13+$0x5CB0]  }
0xc8: {  	v15 =	vld [tilespmem:s13+$0x5D40]  }
0xc9: {  	v25 =	vadd.f32 v17, v25;
	v26 =	vadd.f32 v18, v26;
	v17 =	vld [tilespmem:s13+$0x5D50]  }
.Ltmp3:
0xca: {  	v21 =	vadd.f32 v21, v28;
	v23 =	vadd.f32 v23, v29;
	v18 =	vld [tilespmem:s13+$0x5CC0];
	(pc) =	sbr.rel @p1 .LBB2_5-.Ltmp3, $4  }
0xcb: {  	v25 =	vadd.f32 v19, v25;
	v26 =	vadd.f32 v20, v26;
	v19 =	vld [tilespmem:s13+$0x5CD0]  }
0xcc: {  	v28 =	vadd.f32 v31, v21;
	v20 =	vld [tilespmem:s13+$0x5C40];
	v29 =	vadd.f32 v32, v23  }
0xcd: {  	v23 =	vadd.f32 v22, v25;
	v24 =	vadd.f32 v24, v26;
	v21 =	vld [tilespmem:s13+$0x5C50]  }
0xce: {  	s14 =	sadd.s32 $0xA00, s14;
	v25 =	vadd.f32 v27, v28;
	v22 =	vld [tilespmem:s13+$0x5C60];
	v26 =	vadd.f32 v30, v29  }
0xcf: {  	v10 =	vadd.f32 v10, v23;
	v13 =	vadd.f32 v13, v24  }
0xd0: {  	v27 =	vld [tilespmem:s13+$0x5C70];
	v9 =	vadd.f32 v9, v25;
	v11 =	vadd.f32 v11, v26  }
0xd1: {  	v23 =	vld [tilespmem:s13+$0x5CE0];
	v4 =	vadd.f32 v4, v10;
	v5 =	vadd.f32 v5, v13  }
0xd2: {  	v24 =	vld [tilespmem:s13+$0x5CF0];
	v8 =	vadd.f32 v20, v8;
	v6 =	vadd.f32 v6, v9  }
0xd3: {  	v10 =	vld [tilespmem:s13+$0x5D60];
	v7 =	vadd.f32 v7, v11;
	v9 =	vadd.f32 v21, v16  }
0xd4: {  	v11 =	vld [tilespmem:s13+$0x5D70];
	v13 =	vadd.f32 v22, v14;
	v8 =	vadd.f32 v18, v8  }
0xd5: {  	v14 =	vld [tilespmem:s13+$0x5DE0];
	v12 =	vadd.f32 v27, v12;
	v9 =	vadd.f32 v19, v9  }
0xd6: {  	v16 =	vld [tilespmem:s13+$0x5DF0];
	v13 =	vadd.f32 v23, v13;
	v8 =	vadd.f32 v15, v8  }
0xd7: {  	v18 =	vld [tilespmem:s13+$0x5E60];
	v12 =	vadd.f32 v24, v12;
	v9 =	vadd.f32 v17, v9  }
0xd8: {  	v15 =	vld [tilespmem:s13+$0x5E70];
	[tilespmem:s11+$0x12080] =	vst v4;
	v10 =	vadd.f32 v10, v13;
	v3 =	vadd.f32 v3, v8  }
0xd9: {  	[tilespmem:s11+$0x12090] =	vst v5;
	v4 =	vadd.f32 v11, v12;
	v2 =	vadd.f32 v2, v9  }
0xda: {  	[tilespmem:s11+$0x120A0] =	vst v6;
	v5 =	vadd.f32 v14, v10;
	v0 =	vadd.f32 v0, v3  }
0xdb: {  	[tilespmem:s11+$0x120B0] =	vst v7;
	v3 =	vadd.f32 v16, v4;
	v1 =	vadd.f32 v1, v2  }
0xdc: {  	v2 =	vadd.f32 v18, v5;
	[tilespmem:s11+$0x120C0] =	vst v0  }
0xdd: {  	v0 =	vadd.f32 v15, v3;
	[tilespmem:s11+$0x120D0] =	vst v1  }
0xde: {  	[tilespmem:s11+$0x120E0] =	vst v2  }
0xdf: {  	s14 =	simm.s32 @!p0 $0x32;
	s15 =	simm.s32 @!p0 $0x5C00;
	s13 =	sadd.s32 @!p0 $0x480, s12;
	[tilespmem:s11+$0x120F0] =	vst v0  }
0xe0: {  	[tilespmem:s15], [sflag:$0x2] =	stream.indirect.gather @!p0 [hbm4b:s2+s14], $0x80, s13, s14, $0xb8;
	[tilespmem:$0x16000] =	vst v63  }
0xe1: {  	_ =	swait.ge [sflag:s26], $0x1900  }
0xe2: {  	[sflag:s26] =	ssyncset.done $0x0  }
0xe3: {  	s13 =	simm.s32 $0x0;
	[sflag:s26] =	ssyncadd.s32 $0xFFFFE700  }
0xe4: {  	v4 =	vld [tilespmem:s13+$0x7A00]  }
0xe5: {  	v5 =	vld [tilespmem:s13+$0x7A10]  }
0xe6: {  	v6 =	vld [tilespmem:s13+$0x7A20]  }
0xe7: {  	v7 =	vld [tilespmem:s13+$0x7A30]  }
0xe8: {  	v0 =	vld [tilespmem:s13+$0x7A40]  }
0xe9: {  	v1 =	vld [tilespmem:s13+$0x7A50]  }
0xea: {  	v10 =	vld [tilespmem:s13+$0x7980]  }
0xeb: {  	v13 =	vld [tilespmem:s13+$0x7990]  }
0xec: {  	v9 =	vld [tilespmem:s13+$0x79A0]  }
0xed: {  	v11 =	vld [tilespmem:s13+$0x79B0]  }
0xee: {  	v3 =	vld [tilespmem:s13+$0x79C0]  }
0xef: {  	v2 =	vld [tilespmem:s13+$0x79D0]  }
0xf0: {  	v12 =	vld [tilespmem:s13+$0x7900]  }
0xf1: {  	v14 =	vld [tilespmem:s13+$0x7910]  }
0xf2: {  	v16 =	vld [tilespmem:s13+$0x7920]  }
0xf3: {  	v19 =	vld [tilespmem:s13+$0x7880]  }
0xf4: {  	v20 =	vld [tilespmem:s13+$0x7890]  }
0xf5: {  	v17 =	vld [tilespmem:s13+$0x7800]  }
0xf6: {  	v18 =	vld [tilespmem:s13+$0x7810]  }
0xf7: {  	v21 =	vld [tilespmem:s13+$0x7820]  }
0xf8: {  	v22 =	vld [tilespmem:s13+$0x7830]  }
0xf9: {  	v23 =	vld [tilespmem:s13+$0x78A0]  }
0xfa: {  	v24 =	vld [tilespmem:s13+$0x78B0]  }
0xfb: {  	v8 =	vimm.f32 $0.0e+00;
	v26 =	vld [tilespmem:s13+$0x7930]  }
0xfc: {  	v15 =	vld [tilespmem:s13+$0x7940];
	v25 =	vadd.f32 v17, v8;
	v27 =	vadd.f32 v18, v8  }
0xfd: {  	v17 =	vld [tilespmem:s13+$0x7950];
	v21 =	vadd.f32 v21, v8;
	v22 =	vadd.f32 v22, v8  }
0xfe: {  	v18 =	vld [tilespmem:s13+$0x78C0];
	v25 =	vadd.f32 v19, v25;
	v27 =	vadd.f32 v20, v27  }
0xff: {  	v19 =	vld [tilespmem:s13+$0x78D0];
	v28 =	vadd.f32 v23, v21;
	v22 =	vadd.f32 v24, v22  }
0x100: {  	v20 =	vld [tilespmem:s13+$0x7840];
	v23 =	vadd.f32 v12, v25;
	v24 =	vadd.f32 v14, v27  }
0x101: {  	v21 =	vld [tilespmem:s13+$0x7850];
	v25 =	vadd.f32 v16, v28;
	v26 =	vadd.f32 v26, v22  }
0x102: {  	s14 =	simm.s32 $0xA00;
	v22 =	vld [tilespmem:s13+$0x7860];
	v16 =	vimm.f32 $0.0e+00;
	v14 =	vimm.f32 $0.0e+00;
	v12 =	vimm.f32 $0.0e+00  }
.LBB2_7:
0x103: {  	p1 =	sne.s32 s14, $0x5A00;
	v27 =	vld [tilespmem:s13+$0x7870];
	v10 =	vadd.f32 v10, v23;
	v13 =	vadd.f32 v13, v24  }
0x104: {  	v23 =	vld [tilespmem:s13+$0x78E0];
	v9 =	vadd.f32 v9, v25;
	v11 =	vadd.f32 v11, v26  }
0x105: {  	v24 =	vld [tilespmem:s13+$0x78F0];
	v25 =	vadd.f32 v4, v10;
	v26 =	vadd.f32 v5, v13  }
0x106: {  	v5 =	vld [tilespmem:s13+$0x7960];
	v28 =	vadd.f32 v6, v9;
	v29 =	vadd.f32 v7, v11  }
0x107: {  	v4 =	vadd.f32 v20, v8;
	v6 =	vadd.f32 v21, v16;
	v7 =	vld [tilespmem:s13+$0x7970]  }
0x108: {  	v8 =	vadd.f32 v22, v14;
	v9 =	vadd.f32 v27, v12;
	v10 =	vld [tilespmem:s13+$0x79E0]  }
0x109: {  	v4 =	vadd.f32 v18, v4;
	v6 =	vadd.f32 v19, v6;
	v11 =	vld [tilespmem:s13+$0x79F0]  }
0x10a: {  	v8 =	vadd.f32 v23, v8;
	v9 =	vadd.f32 v24, v9;
	v12 =	vld [tilespmem:s13+$0x7A60]  }
0x10b: {  	v13 =	vadd.f32 v15, v4;
	v6 =	vadd.f32 v17, v6;
	v15 =	vld [tilespmem:s13+$0x7A70];
	s13 =	sshra.s32 s14, $0x2  }
0x10c: {  	v8 =	vadd.f32 v5, v8;
	v4 =	vld [tilespmem:s13+$0x7A00];
	v7 =	vadd.f32 v7, v9  }
0x10d: {  	v3 =	vadd.f32 v3, v13;
	v2 =	vadd.f32 v2, v6;
	v5 =	vld [tilespmem:s13+$0x7A10]  }
0x10e: {  	v9 =	vadd.f32 v10, v8;
	v6 =	vld [tilespmem:s13+$0x7A20];
	v10 =	vadd.f32 v11, v7  }
0x10f: {  	v8 =	vadd.f32 v0, v3;
	v16 =	vadd.f32 v1, v2;
	v7 =	vld [tilespmem:s13+$0x7A30]  }
0x110: {  	v14 =	vadd.f32 v12, v9;
	v0 =	vld [tilespmem:s13+$0x7A40];
	v12 =	vadd.f32 v15, v10  }
0x111: {  	v1 =	vld [tilespmem:s13+$0x7A50]  }
0x112: {  	v10 =	vld [tilespmem:s13+$0x7980]  }
0x113: {  	v13 =	vld [tilespmem:s13+$0x7990]  }
0x114: {  	v9 =	vld [tilespmem:s13+$0x79A0]  }
0x115: {  	v11 =	vld [tilespmem:s13+$0x79B0]  }
0x116: {  	v3 =	vld [tilespmem:s13+$0x79C0]  }
0x117: {  	v2 =	vld [tilespmem:s13+$0x79D0]  }
0x118: {  	v22 =	vld [tilespmem:s13+$0x7900]  }
0x119: {  	v24 =	vld [tilespmem:s13+$0x7910]  }
0x11a: {  	v27 =	vld [tilespmem:s13+$0x7920]  }
0x11b: {  	v30 =	vld [tilespmem:s13+$0x7930]  }
0x11c: {  	v19 =	vld [tilespmem:s13+$0x7880]  }
0x11d: {  	v20 =	vld [tilespmem:s13+$0x7890]  }
0x11e: {  	v17 =	vld [tilespmem:s13+$0x7800]  }
0x11f: {  	v18 =	vld [tilespmem:s13+$0x7810]  }
0x120: {  	v21 =	vld [tilespmem:s13+$0x7820]  }
0x121: {  	v23 =	vld [tilespmem:s13+$0x7830]  }
0x122: {  	v31 =	vld [tilespmem:s13+$0x78A0]  }
0x123: {  	v32 =	vld [tilespmem:s13+$0x78B0]  }
0x124: {  	v15 =	vld [tilespmem:s13+$0x7940]  }
0x125: {  	v25 =	vadd.f32 v17, v25;
	v26 =	vadd.f32 v18, v26;
	v17 =	vld [tilespmem:s13+$0x7950]  }
.Ltmp4:
0x126: {  	v21 =	vadd.f32 v21, v28;
	v23 =	vadd.f32 v23, v29;
	v18 =	vld [tilespmem:s13+$0x78C0];
	(pc) =	sbr.rel @p1 .LBB2_7-.Ltmp4, $4  }
0x127: {  	v25 =	vadd.f32 v19, v25;
	v26 =	vadd.f32 v20, v26;
	v19 =	vld [tilespmem:s13+$0x78D0]  }
0x128: {  	v28 =	vadd.f32 v31, v21;
	v20 =	vld [tilespmem:s13+$0x7840];
	v29 =	vadd.f32 v32, v23  }
0x129: {  	v23 =	vadd.f32 v22, v25;
	v24 =	vadd.f32 v24, v26;
	v21 =	vld [tilespmem:s13+$0x7850]  }
0x12a: {  	s14 =	sadd.s32 $0xA00, s14;
	v25 =	vadd.f32 v27, v28;
	v22 =	vld [tilespmem:s13+$0x7860];
	v26 =	vadd.f32 v30, v29  }
0x12b: {  	v10 =	vadd.f32 v10, v23;
	v13 =	vadd.f32 v13, v24  }
0x12c: {  	v27 =	vld [tilespmem:s13+$0x7870];
	v9 =	vadd.f32 v9, v25;
	v11 =	vadd.f32 v11, v26  }
0x12d: {  	v23 =	vld [tilespmem:s13+$0x78E0];
	v4 =	vadd.f32 v4, v10;
	v5 =	vadd.f32 v5, v13  }
0x12e: {  	v24 =	vld [tilespmem:s13+$0x78F0];
	v8 =	vadd.f32 v20, v8;
	v6 =	vadd.f32 v6, v9  }
0x12f: {  	v10 =	vld [tilespmem:s13+$0x7960];
	v7 =	vadd.f32 v7, v11;
	v9 =	vadd.f32 v21, v16  }
0x130: {  	v11 =	vld [tilespmem:s13+$0x7970];
	v13 =	vadd.f32 v22, v14;
	v8 =	vadd.f32 v18, v8  }
0x131: {  	v14 =	vld [tilespmem:s13+$0x79E0];
	v12 =	vadd.f32 v27, v12;
	v9 =	vadd.f32 v19, v9  }
0x132: {  	v16 =	vld [tilespmem:s13+$0x79F0];
	v13 =	vadd.f32 v23, v13;
	v8 =	vadd.f32 v15, v8  }
0x133: {  	v18 =	vld [tilespmem:s13+$0x7A60];
	v12 =	vadd.f32 v24, v12;
	v9 =	vadd.f32 v17, v9  }
0x134: {  	v15 =	vld [tilespmem:s13+$0x7A70];
	[tilespmem:s11+$0x12100] =	vst v4;
	v10 =	vadd.f32 v10, v13;
	v3 =	vadd.f32 v3, v8  }
0x135: {  	[tilespmem:s11+$0x12110] =	vst v5;
	v4 =	vadd.f32 v11, v12;
	v2 =	vadd.f32 v2, v9  }
0x136: {  	[tilespmem:s11+$0x12120] =	vst v6;
	v5 =	vadd.f32 v14, v10;
	v0 =	vadd.f32 v0, v3  }
0x137: {  	[tilespmem:s11+$0x12130] =	vst v7;
	v3 =	vadd.f32 v16, v4;
	v1 =	vadd.f32 v1, v2  }
0x138: {  	v2 =	vadd.f32 v18, v5;
	[tilespmem:s11+$0x12140] =	vst v0  }
0x139: {  	v0 =	vadd.f32 v15, v3;
	[tilespmem:s11+$0x12150] =	vst v1  }
0x13a: {  	[tilespmem:s11+$0x12160] =	vst v2  }
0x13b: {  	s14 =	simm.s32 @!p0 $0x32;
	s15 =	simm.s32 @!p0 $0x7800;
	s13 =	sadd.s32 @!p0 $0x500, s12;
	[tilespmem:s11+$0x12170] =	vst v0  }
0x13c: {  	[tilespmem:s15], [sflag:$0x3] =	stream.indirect.gather @!p0 [hbm4b:s2+s14], $0x80, s13, s14, $0xb8;
	[tilespmem:$0x16000] =	vst v63  }
0x13d: {  	_ =	swait.ge [sflag:s28], $0x1900  }
0x13e: {  	[sflag:s28] =	ssyncset.done $0x0  }
0x13f: {  	s13 =	simm.s32 $0x0;
	[sflag:s28] =	ssyncadd.s32 $0xFFFFE700  }
0x140: {  	v4 =	vld [tilespmem:s13+$0x9600]  }
0x141: {  	v5 =	vld [tilespmem:s13+$0x9610]  }
0x142: {  	v6 =	vld [tilespmem:s13+$0x9620]  }
0x143: {  	v7 =	vld [tilespmem:s13+$0x9630]  }
0x144: {  	v0 =	vld [tilespmem:s13+$0x9640]  }
0x145: {  	v1 =	vld [tilespmem:s13+$0x9650]  }
0x146: {  	v10 =	vld [tilespmem:s13+$0x9580]  }
0x147: {  	v13 =	vld [tilespmem:s13+$0x9590]  }
0x148: {  	v9 =	vld [tilespmem:s13+$0x95A0]  }
0x149: {  	v11 =	vld [tilespmem:s13+$0x95B0]  }
0x14a: {  	v3 =	vld [tilespmem:s13+$0x95C0]  }
0x14b: {  	v2 =	vld [tilespmem:s13+$0x95D0]  }
0x14c: {  	v12 =	vld [tilespmem:s13+$0x9500]  }
0x14d: {  	v14 =	vld [tilespmem:s13+$0x9510]  }
0x14e: {  	v16 =	vld [tilespmem:s13+$0x9520]  }
0x14f: {  	v19 =	vld [tilespmem:s13+$0x9480]  }
0x150: {  	v20 =	vld [tilespmem:s13+$0x9490]  }
0x151: {  	v17 =	vld [tilespmem:s13+$0x9400]  }
0x152: {  	v18 =	vld [tilespmem:s13+$0x9410]  }
0x153: {  	v21 =	vld [tilespmem:s13+$0x9420]  }
0x154: {  	v22 =	vld [tilespmem:s13+$0x9430]  }
0x155: {  	v23 =	vld [tilespmem:s13+$0x94A0]  }
0x156: {  	v24 =	vld [tilespmem:s13+$0x94B0]  }
0x157: {  	v8 =	vimm.f32 $0.0e+00;
	v26 =	vld [tilespmem:s13+$0x9530]  }
0x158: {  	v15 =	vld [tilespmem:s13+$0x9540];
	v25 =	vadd.f32 v17, v8;
	v27 =	vadd.f32 v18, v8  }
0x159: {  	v17 =	vld [tilespmem:s13+$0x9550];
	v21 =	vadd.f32 v21, v8;
	v22 =	vadd.f32 v22, v8  }
0x15a: {  	v18 =	vld [tilespmem:s13+$0x94C0];
	v25 =	vadd.f32 v19, v25;
	v27 =	vadd.f32 v20, v27  }
0x15b: {  	v19 =	vld [tilespmem:s13+$0x94D0];
	v28 =	vadd.f32 v23, v21;
	v22 =	vadd.f32 v24, v22  }
0x15c: {  	v20 =	vld [tilespmem:s13+$0x9440];
	v23 =	vadd.f32 v12, v25;
	v24 =	vadd.f32 v14, v27  }
0x15d: {  	v21 =	vld [tilespmem:s13+$0x9450];
	v25 =	vadd.f32 v16, v28;
	v26 =	vadd.f32 v26, v22  }
0x15e: {  	s14 =	simm.s32 $0xA00;
	v22 =	vld [tilespmem:s13+$0x9460];
	v16 =	vimm.f32 $0.0e+00;
	v14 =	vimm.f32 $0.0e+00;
	v12 =	vimm.f32 $0.0e+00  }
.LBB2_9:
0x15f: {  	p1 =	sne.s32 s14, $0x5A00;
	v27 =	vld [tilespmem:s13+$0x9470];
	v10 =	vadd.f32 v10, v23;
	v13 =	vadd.f32 v13, v24  }
0x160: {  	v23 =	vld [tilespmem:s13+$0x94E0];
	v9 =	vadd.f32 v9, v25;
	v11 =	vadd.f32 v11, v26  }
0x161: {  	v24 =	vld [tilespmem:s13+$0x94F0];
	v25 =	vadd.f32 v4, v10;
	v26 =	vadd.f32 v5, v13  }
0x162: {  	v5 =	vld [tilespmem:s13+$0x9560];
	v28 =	vadd.f32 v6, v9;
	v29 =	vadd.f32 v7, v11  }
0x163: {  	v4 =	vadd.f32 v20, v8;
	v6 =	vadd.f32 v21, v16;
	v7 =	vld [tilespmem:s13+$0x9570]  }
0x164: {  	v8 =	vadd.f32 v22, v14;
	v9 =	vadd.f32 v27, v12;
	v10 =	vld [tilespmem:s13+$0x95E0]  }
0x165: {  	v4 =	vadd.f32 v18, v4;
	v6 =	vadd.f32 v19, v6;
	v11 =	vld [tilespmem:s13+$0x95F0]  }
0x166: {  	v8 =	vadd.f32 v23, v8;
	v9 =	vadd.f32 v24, v9;
	v12 =	vld [tilespmem:s13+$0x9660]  }
0x167: {  	v13 =	vadd.f32 v15, v4;
	v6 =	vadd.f32 v17, v6;
	v15 =	vld [tilespmem:s13+$0x9670];
	s13 =	sshra.s32 s14, $0x2  }
0x168: {  	v8 =	vadd.f32 v5, v8;
	v4 =	vld [tilespmem:s13+$0x9600];
	v7 =	vadd.f32 v7, v9  }
0x169: {  	v3 =	vadd.f32 v3, v13;
	v2 =	vadd.f32 v2, v6;
	v5 =	vld [tilespmem:s13+$0x9610]  }
0x16a: {  	v9 =	vadd.f32 v10, v8;
	v6 =	vld [tilespmem:s13+$0x9620];
	v10 =	vadd.f32 v11, v7  }
0x16b: {  	v8 =	vadd.f32 v0, v3;
	v16 =	vadd.f32 v1, v2;
	v7 =	vld [tilespmem:s13+$0x9630]  }
0x16c: {  	v14 =	vadd.f32 v12, v9;
	v0 =	vld [tilespmem:s13+$0x9640];
	v12 =	vadd.f32 v15, v10  }
0x16d: {  	v1 =	vld [tilespmem:s13+$0x9650]  }
0x16e: {  	v10 =	vld [tilespmem:s13+$0x9580]  }
0x16f: {  	v13 =	vld [tilespmem:s13+$0x9590]  }
0x170: {  	v9 =	vld [tilespmem:s13+$0x95A0]  }
0x171: {  	v11 =	vld [tilespmem:s13+$0x95B0]  }
0x172: {  	v3 =	vld [tilespmem:s13+$0x95C0]  }
0x173: {  	v2 =	vld [tilespmem:s13+$0x95D0]  }
0x174: {  	v22 =	vld [tilespmem:s13+$0x9500]  }
0x175: {  	v24 =	vld [tilespmem:s13+$0x9510]  }
0x176: {  	v27 =	vld [tilespmem:s13+$0x9520]  }
0x177: {  	v30 =	vld [tilespmem:s13+$0x9530]  }
0x178: {  	v19 =	vld [tilespmem:s13+$0x9480]  }
0x179: {  	v20 =	vld [tilespmem:s13+$0x9490]  }
0x17a: {  	v17 =	vld [tilespmem:s13+$0x9400]  }
0x17b: {  	v18 =	vld [tilespmem:s13+$0x9410]  }
0x17c: {  	v21 =	vld [tilespmem:s13+$0x9420]  }
0x17d: {  	v23 =	vld [tilespmem:s13+$0x9430]  }
0x17e: {  	v31 =	vld [tilespmem:s13+$0x94A0]  }
0x17f: {  	v32 =	vld [tilespmem:s13+$0x94B0]  }
0x180: {  	v15 =	vld [tilespmem:s13+$0x9540]  }
0x181: {  	v25 =	vadd.f32 v17, v25;
	v26 =	vadd.f32 v18, v26;
	v17 =	vld [tilespmem:s13+$0x9550]  }
.Ltmp5:
0x182: {  	v21 =	vadd.f32 v21, v28;
	v23 =	vadd.f32 v23, v29;
	v18 =	vld [tilespmem:s13+$0x94C0];
	(pc) =	sbr.rel @p1 .LBB2_9-.Ltmp5, $4  }
0x183: {  	v25 =	vadd.f32 v19, v25;
	v26 =	vadd.f32 v20, v26;
	v19 =	vld [tilespmem:s13+$0x94D0]  }
0x184: {  	v28 =	vadd.f32 v31, v21;
	v20 =	vld [tilespmem:s13+$0x9440];
	v29 =	vadd.f32 v32, v23  }
0x185: {  	v23 =	vadd.f32 v22, v25;
	v24 =	vadd.f32 v24, v26;
	v21 =	vld [tilespmem:s13+$0x9450]  }
0x186: {  	s14 =	sadd.s32 $0xA00, s14;
	v25 =	vadd.f32 v27, v28;
	v22 =	vld [tilespmem:s13+$0x9460];
	v26 =	vadd.f32 v30, v29  }
0x187: {  	v10 =	vadd.f32 v10, v23;
	v13 =	vadd.f32 v13, v24  }
0x188: {  	v27 =	vld [tilespmem:s13+$0x9470];
	v9 =	vadd.f32 v9, v25;
	v11 =	vadd.f32 v11, v26  }
0x189: {  	v23 =	vld [tilespmem:s13+$0x94E0];
	v4 =	vadd.f32 v4, v10;
	v5 =	vadd.f32 v5, v13  }
0x18a: {  	v24 =	vld [tilespmem:s13+$0x94F0];
	v8 =	vadd.f32 v20, v8;
	v6 =	vadd.f32 v6, v9  }
0x18b: {  	v10 =	vld [tilespmem:s13+$0x9560];
	v7 =	vadd.f32 v7, v11;
	v9 =	vadd.f32 v21, v16  }
0x18c: {  	v11 =	vld [tilespmem:s13+$0x9570];
	v13 =	vadd.f32 v22, v14;
	v8 =	vadd.f32 v18, v8  }
0x18d: {  	v14 =	vld [tilespmem:s13+$0x95E0];
	v12 =	vadd.f32 v27, v12;
	v9 =	vadd.f32 v19, v9  }
0x18e: {  	v16 =	vld [tilespmem:s13+$0x95F0];
	v13 =	vadd.f32 v23, v13;
	v8 =	vadd.f32 v15, v8  }
0x18f: {  	v18 =	vld [tilespmem:s13+$0x9660];
	v12 =	vadd.f32 v24, v12;
	v9 =	vadd.f32 v17, v9  }
0x190: {  	v15 =	vld [tilespmem:s13+$0x9670];
	[tilespmem:s11+$0x12180] =	vst v4;
	v10 =	vadd.f32 v10, v13;
	v3 =	vadd.f32 v3, v8  }
0x191: {  	[tilespmem:s11+$0x12190] =	vst v5;
	v4 =	vadd.f32 v11, v12;
	v2 =	vadd.f32 v2, v9  }
0x192: {  	[tilespmem:s11+$0x121A0] =	vst v6;
	v5 =	vadd.f32 v14, v10;
	v0 =	vadd.f32 v0, v3  }
0x193: {  	[tilespmem:s11+$0x121B0] =	vst v7;
	v3 =	vadd.f32 v16, v4;
	v1 =	vadd.f32 v1, v2  }
0x194: {  	v2 =	vadd.f32 v18, v5;
	[tilespmem:s11+$0x121C0] =	vst v0  }
0x195: {  	v0 =	vadd.f32 v15, v3;
	[tilespmem:s11+$0x121D0] =	vst v1  }
0x196: {  	[tilespmem:s11+$0x121E0] =	vst v2  }
0x197: {  	s14 =	simm.s32 @!p0 $0x32;
	s15 =	simm.s32 @!p0 $0x9400;
	s13 =	sadd.s32 @!p0 $0x580, s12;
	[tilespmem:s11+$0x121F0] =	vst v0  }
0x198: {  	[tilespmem:s15], [sflag:$0x4] =	stream.indirect.gather @!p0 [hbm4b:s2+s14], $0x80, s13, s14, $0xb8;
	[tilespmem:$0x16000] =	vst v63  }
0x199: {  	_ =	swait.ge [sflag:s29], $0x1900  }
0x19a: {  	[sflag:s29] =	ssyncset.done $0x0  }
0x19b: {  	s13 =	simm.s32 $0x0;
	[sflag:s29] =	ssyncadd.s32 $0xFFFFE700  }
0x19c: {  	v4 =	vld [tilespmem:s13+$0xB200]  }
0x19d: {  	v5 =	vld [tilespmem:s13+$0xB210]  }
0x19e: {  	v6 =	vld [tilespmem:s13+$0xB220]  }
0x19f: {  	v7 =	vld [tilespmem:s13+$0xB230]  }
0x1a0: {  	v0 =	vld [tilespmem:s13+$0xB240]  }
0x1a1: {  	v1 =	vld [tilespmem:s13+$0xB250]  }
0x1a2: {  	v10 =	vld [tilespmem:s13+$0xB180]  }
0x1a3: {  	v13 =	vld [tilespmem:s13+$0xB190]  }
0x1a4: {  	v9 =	vld [tilespmem:s13+$0xB1A0]  }
0x1a5: {  	v11 =	vld [tilespmem:s13+$0xB1B0]  }
0x1a6: {  	v3 =	vld [tilespmem:s13+$0xB1C0]  }
0x1a7: {  	v2 =	vld [tilespmem:s13+$0xB1D0]  }
0x1a8: {  	v12 =	vld [tilespmem:s13+$0xB100]  }
0x1a9: {  	v14 =	vld [tilespmem:s13+$0xB110]  }
0x1aa: {  	v16 =	vld [tilespmem:s13+$0xB120]  }
0x1ab: {  	v19 =	vld [tilespmem:s13+$0xB080]  }
0x1ac: {  	v20 =	vld [tilespmem:s13+$0xB090]  }
0x1ad: {  	v17 =	vld [tilespmem:s13+$0xB000]  }
0x1ae: {  	v18 =	vld [tilespmem:s13+$0xB010]  }
0x1af: {  	v21 =	vld [tilespmem:s13+$0xB020]  }
0x1b0: {  	v22 =	vld [tilespmem:s13+$0xB030]  }
0x1b1: {  	v23 =	vld [tilespmem:s13+$0xB0A0]  }
0x1b2: {  	v24 =	vld [tilespmem:s13+$0xB0B0]  }
0x1b3: {  	v8 =	vimm.f32 $0.0e+00;
	v26 =	vld [tilespmem:s13+$0xB130]  }
0x1b4: {  	v15 =	vld [tilespmem:s13+$0xB140];
	v25 =	vadd.f32 v17, v8;
	v27 =	vadd.f32 v18, v8  }
0x1b5: {  	v17 =	vld [tilespmem:s13+$0xB150];
	v21 =	vadd.f32 v21, v8;
	v22 =	vadd.f32 v22, v8  }
0x1b6: {  	v18 =	vld [tilespmem:s13+$0xB0C0];
	v25 =	vadd.f32 v19, v25;
	v27 =	vadd.f32 v20, v27  }
0x1b7: {  	v19 =	vld [tilespmem:s13+$0xB0D0];
	v28 =	vadd.f32 v23, v21;
	v22 =	vadd.f32 v24, v22  }
0x1b8: {  	v20 =	vld [tilespmem:s13+$0xB040];
	v23 =	vadd.f32 v12, v25;
	v24 =	vadd.f32 v14, v27  }
0x1b9: {  	v21 =	vld [tilespmem:s13+$0xB050];
	v25 =	vadd.f32 v16, v28;
	v26 =	vadd.f32 v26, v22  }
0x1ba: {  	s14 =	simm.s32 $0xA00;
	v22 =	vld [tilespmem:s13+$0xB060];
	v16 =	vimm.f32 $0.0e+00;
	v14 =	vimm.f32 $0.0e+00;
	v12 =	vimm.f32 $0.0e+00  }
.LBB2_11:
0x1bb: {  	p1 =	sne.s32 s14, $0x5A00;
	v27 =	vld [tilespmem:s13+$0xB070];
	v10 =	vadd.f32 v10, v23;
	v13 =	vadd.f32 v13, v24  }
0x1bc: {  	v23 =	vld [tilespmem:s13+$0xB0E0];
	v9 =	vadd.f32 v9, v25;
	v11 =	vadd.f32 v11, v26  }
0x1bd: {  	v24 =	vld [tilespmem:s13+$0xB0F0];
	v25 =	vadd.f32 v4, v10;
	v26 =	vadd.f32 v5, v13  }
0x1be: {  	v5 =	vld [tilespmem:s13+$0xB160];
	v28 =	vadd.f32 v6, v9;
	v29 =	vadd.f32 v7, v11  }
0x1bf: {  	v4 =	vadd.f32 v20, v8;
	v6 =	vadd.f32 v21, v16;
	v7 =	vld [tilespmem:s13+$0xB170]  }
0x1c0: {  	v8 =	vadd.f32 v22, v14;
	v9 =	vadd.f32 v27, v12;
	v10 =	vld [tilespmem:s13+$0xB1E0]  }
0x1c1: {  	v4 =	vadd.f32 v18, v4;
	v6 =	vadd.f32 v19, v6;
	v11 =	vld [tilespmem:s13+$0xB1F0]  }
0x1c2: {  	v8 =	vadd.f32 v23, v8;
	v9 =	vadd.f32 v24, v9;
	v12 =	vld [tilespmem:s13+$0xB260]  }
0x1c3: {  	v13 =	vadd.f32 v15, v4;
	v6 =	vadd.f32 v17, v6;
	v15 =	vld [tilespmem:s13+$0xB270];
	s13 =	sshra.s32 s14, $0x2  }
0x1c4: {  	v8 =	vadd.f32 v5, v8;
	v4 =	vld [tilespmem:s13+$0xB200];
	v7 =	vadd.f32 v7, v9  }
0x1c5: {  	v3 =	vadd.f32 v3, v13;
	v2 =	vadd.f32 v2, v6;
	v5 =	vld [tilespmem:s13+$0xB210]  }
0x1c6: {  	v9 =	vadd.f32 v10, v8;
	v6 =	vld [tilespmem:s13+$0xB220];
	v10 =	vadd.f32 v11, v7  }
0x1c7: {  	v8 =	vadd.f32 v0, v3;
	v16 =	vadd.f32 v1, v2;
	v7 =	vld [tilespmem:s13+$0xB230]  }
0x1c8: {  	v14 =	vadd.f32 v12, v9;
	v0 =	vld [tilespmem:s13+$0xB240];
	v12 =	vadd.f32 v15, v10  }
0x1c9: {  	v1 =	vld [tilespmem:s13+$0xB250]  }
0x1ca: {  	v10 =	vld [tilespmem:s13+$0xB180]  }
0x1cb: {  	v13 =	vld [tilespmem:s13+$0xB190]  }
0x1cc: {  	v9 =	vld [tilespmem:s13+$0xB1A0]  }
0x1cd: {  	v11 =	vld [tilespmem:s13+$0xB1B0]  }
0x1ce: {  	v3 =	vld [tilespmem:s13+$0xB1C0]  }
0x1cf: {  	v2 =	vld [tilespmem:s13+$0xB1D0]  }
0x1d0: {  	v22 =	vld [tilespmem:s13+$0xB100]  }
0x1d1: {  	v24 =	vld [tilespmem:s13+$0xB110]  }
0x1d2: {  	v27 =	vld [tilespmem:s13+$0xB120]  }
0x1d3: {  	v30 =	vld [tilespmem:s13+$0xB130]  }
0x1d4: {  	v19 =	vld [tilespmem:s13+$0xB080]  }
0x1d5: {  	v20 =	vld [tilespmem:s13+$0xB090]  }
0x1d6: {  	v17 =	vld [tilespmem:s13+$0xB000]  }
0x1d7: {  	v18 =	vld [tilespmem:s13+$0xB010]  }
0x1d8: {  	v21 =	vld [tilespmem:s13+$0xB020]  }
0x1d9: {  	v23 =	vld [tilespmem:s13+$0xB030]  }
0x1da: {  	v31 =	vld [tilespmem:s13+$0xB0A0]  }
0x1db: {  	v32 =	vld [tilespmem:s13+$0xB0B0]  }
0x1dc: {  	v15 =	vld [tilespmem:s13+$0xB140]  }
0x1dd: {  	v25 =	vadd.f32 v17, v25;
	v26 =	vadd.f32 v18, v26;
	v17 =	vld [tilespmem:s13+$0xB150]  }
.Ltmp6:
0x1de: {  	v21 =	vadd.f32 v21, v28;
	v23 =	vadd.f32 v23, v29;
	v18 =	vld [tilespmem:s13+$0xB0C0];
	(pc) =	sbr.rel @p1 .LBB2_11-.Ltmp6, $4  }
0x1df: {  	v25 =	vadd.f32 v19, v25;
	v26 =	vadd.f32 v20, v26;
	v19 =	vld [tilespmem:s13+$0xB0D0]  }
0x1e0: {  	v28 =	vadd.f32 v31, v21;
	v20 =	vld [tilespmem:s13+$0xB040];
	v29 =	vadd.f32 v32, v23  }
0x1e1: {  	v23 =	vadd.f32 v22, v25;
	v24 =	vadd.f32 v24, v26;
	v21 =	vld [tilespmem:s13+$0xB050]  }
0x1e2: {  	s14 =	sadd.s32 $0xA00, s14;
	v25 =	vadd.f32 v27, v28;
	v22 =	vld [tilespmem:s13+$0xB060];
	v26 =	vadd.f32 v30, v29  }
0x1e3: {  	v10 =	vadd.f32 v10, v23;
	v13 =	vadd.f32 v13, v24  }
0x1e4: {  	v27 =	vld [tilespmem:s13+$0xB070];
	v9 =	vadd.f32 v9, v25;
	v11 =	vadd.f32 v11, v26  }
0x1e5: {  	v23 =	vld [tilespmem:s13+$0xB0E0];
	v4 =	vadd.f32 v4, v10;
	v5 =	vadd.f32 v5, v13  }
0x1e6: {  	v24 =	vld [tilespmem:s13+$0xB0F0];
	v8 =	vadd.f32 v20, v8;
	v6 =	vadd.f32 v6, v9  }
0x1e7: {  	v10 =	vld [tilespmem:s13+$0xB160];
	v7 =	vadd.f32 v7, v11;
	v9 =	vadd.f32 v21, v16  }
0x1e8: {  	v11 =	vld [tilespmem:s13+$0xB170];
	v13 =	vadd.f32 v22, v14;
	v8 =	vadd.f32 v18, v8  }
0x1e9: {  	v14 =	vld [tilespmem:s13+$0xB1E0];
	v12 =	vadd.f32 v27, v12;
	v9 =	vadd.f32 v19, v9  }
0x1ea: {  	v16 =	vld [tilespmem:s13+$0xB1F0];
	v13 =	vadd.f32 v23, v13;
	v8 =	vadd.f32 v15, v8  }
0x1eb: {  	v18 =	vld [tilespmem:s13+$0xB260];
	v12 =	vadd.f32 v24, v12;
	v9 =	vadd.f32 v17, v9  }
0x1ec: {  	v15 =	vld [tilespmem:s13+$0xB270];
	[tilespmem:s11+$0x12200] =	vst v4;
	v10 =	vadd.f32 v10, v13;
	v3 =	vadd.f32 v3, v8  }
0x1ed: {  	[tilespmem:s11+$0x12210] =	vst v5;
	v4 =	vadd.f32 v11, v12;
	v2 =	vadd.f32 v2, v9  }
0x1ee: {  	[tilespmem:s11+$0x12220] =	vst v6;
	v5 =	vadd.f32 v14, v10;
	v0 =	vadd.f32 v0, v3  }
0x1ef: {  	[tilespmem:s11+$0x12230] =	vst v7;
	v3 =	vadd.f32 v16, v4;
	v1 =	vadd.f32 v1, v2  }
0x1f0: {  	v2 =	vadd.f32 v18, v5;
	[tilespmem:s11+$0x12240] =	vst v0  }
0x1f1: {  	v0 =	vadd.f32 v15, v3;
	[tilespmem:s11+$0x12250] =	vst v1  }
0x1f2: {  	[tilespmem:s11+$0x12260] =	vst v2  }
0x1f3: {  	s14 =	simm.s32 @!p0 $0x32;
	s15 =	simm.s32 @!p0 $0xB000;
	s13 =	sadd.s32 @!p0 $0x600, s12;
	[tilespmem:s11+$0x12270] =	vst v0  }
0x1f4: {  	[tilespmem:s15], [sflag:$0x5] =	stream.indirect.gather @!p0 [hbm4b:s2+s14], $0x80, s13, s14, $0xb8;
	[tilespmem:$0x16000] =	vst v63  }
0x1f5: {  	_ =	swait.ge [sflag:s30], $0x1900  }
0x1f6: {  	[sflag:s30] =	ssyncset.done $0x0  }
0x1f7: {  	s13 =	simm.s32 $0x0;
	[sflag:s30] =	ssyncadd.s32 $0xFFFFE700  }
0x1f8: {  	v4 =	vld [tilespmem:s13+$0xCE00]  }
0x1f9: {  	v5 =	vld [tilespmem:s13+$0xCE10]  }
0x1fa: {  	v6 =	vld [tilespmem:s13+$0xCE20]  }
0x1fb: {  	v7 =	vld [tilespmem:s13+$0xCE30]  }
0x1fc: {  	v0 =	vld [tilespmem:s13+$0xCE40]  }
0x1fd: {  	v1 =	vld [tilespmem:s13+$0xCE50]  }
0x1fe: {  	v10 =	vld [tilespmem:s13+$0xCD80]  }
0x1ff: {  	v13 =	vld [tilespmem:s13+$0xCD90]  }
0x200: {  	v9 =	vld [tilespmem:s13+$0xCDA0]  }
0x201: {  	v11 =	vld [tilespmem:s13+$0xCDB0]  }
0x202: {  	v3 =	vld [tilespmem:s13+$0xCDC0]  }
0x203: {  	v2 =	vld [tilespmem:s13+$0xCDD0]  }
0x204: {  	v12 =	vld [tilespmem:s13+$0xCD00]  }
0x205: {  	v14 =	vld [tilespmem:s13+$0xCD10]  }
0x206: {  	v16 =	vld [tilespmem:s13+$0xCD20]  }
0x207: {  	v19 =	vld [tilespmem:s13+$0xCC80]  }
0x208: {  	v20 =	vld [tilespmem:s13+$0xCC90]  }
0x209: {  	v17 =	vld [tilespmem:s13+$0xCC00]  }
0x20a: {  	v18 =	vld [tilespmem:s13+$0xCC10]  }
0x20b: {  	v21 =	vld [tilespmem:s13+$0xCC20]  }
0x20c: {  	v22 =	vld [tilespmem:s13+$0xCC30]  }
0x20d: {  	v23 =	vld [tilespmem:s13+$0xCCA0]  }
0x20e: {  	v24 =	vld [tilespmem:s13+$0xCCB0]  }
0x20f: {  	v8 =	vimm.f32 $0.0e+00;
	v26 =	vld [tilespmem:s13+$0xCD30]  }
0x210: {  	v15 =	vld [tilespmem:s13+$0xCD40];
	v25 =	vadd.f32 v17, v8;
	v27 =	vadd.f32 v18, v8  }
0x211: {  	v17 =	vld [tilespmem:s13+$0xCD50];
	v21 =	vadd.f32 v21, v8;
	v22 =	vadd.f32 v22, v8  }
0x212: {  	v18 =	vld [tilespmem:s13+$0xCCC0];
	v25 =	vadd.f32 v19, v25;
	v27 =	vadd.f32 v20, v27  }
0x213: {  	v19 =	vld [tilespmem:s13+$0xCCD0];
	v28 =	vadd.f32 v23, v21;
	v22 =	vadd.f32 v24, v22  }
0x214: {  	v20 =	vld [tilespmem:s13+$0xCC40];
	v23 =	vadd.f32 v12, v25;
	v24 =	vadd.f32 v14, v27  }
0x215: {  	v21 =	vld [tilespmem:s13+$0xCC50];
	v25 =	vadd.f32 v16, v28;
	v26 =	vadd.f32 v26, v22  }
0x216: {  	s14 =	simm.s32 $0xA00;
	v22 =	vld [tilespmem:s13+$0xCC60];
	v16 =	vimm.f32 $0.0e+00;
	v14 =	vimm.f32 $0.0e+00;
	v12 =	vimm.f32 $0.0e+00  }
.LBB2_13:
0x217: {  	p1 =	sne.s32 s14, $0x5A00;
	v27 =	vld [tilespmem:s13+$0xCC70];
	v10 =	vadd.f32 v10, v23;
	v13 =	vadd.f32 v13, v24  }
0x218: {  	v23 =	vld [tilespmem:s13+$0xCCE0];
	v9 =	vadd.f32 v9, v25;
	v11 =	vadd.f32 v11, v26  }
0x219: {  	v24 =	vld [tilespmem:s13+$0xCCF0];
	v25 =	vadd.f32 v4, v10;
	v26 =	vadd.f32 v5, v13  }
0x21a: {  	v5 =	vld [tilespmem:s13+$0xCD60];
	v28 =	vadd.f32 v6, v9;
	v29 =	vadd.f32 v7, v11  }
0x21b: {  	v4 =	vadd.f32 v20, v8;
	v6 =	vadd.f32 v21, v16;
	v7 =	vld [tilespmem:s13+$0xCD70]  }
0x21c: {  	v8 =	vadd.f32 v22, v14;
	v9 =	vadd.f32 v27, v12;
	v10 =	vld [tilespmem:s13+$0xCDE0]  }
0x21d: {  	v4 =	vadd.f32 v18, v4;
	v6 =	vadd.f32 v19, v6;
	v11 =	vld [tilespmem:s13+$0xCDF0]  }
0x21e: {  	v8 =	vadd.f32 v23, v8;
	v9 =	vadd.f32 v24, v9;
	v12 =	vld [tilespmem:s13+$0xCE60]  }
0x21f: {  	v13 =	vadd.f32 v15, v4;
	v6 =	vadd.f32 v17, v6;
	v15 =	vld [tilespmem:s13+$0xCE70];
	s13 =	sshra.s32 s14, $0x2  }
0x220: {  	v8 =	vadd.f32 v5, v8;
	v4 =	vld [tilespmem:s13+$0xCE00];
	v7 =	vadd.f32 v7, v9  }
0x221: {  	v3 =	vadd.f32 v3, v13;
	v2 =	vadd.f32 v2, v6;
	v5 =	vld [tilespmem:s13+$0xCE10]  }
0x222: {  	v9 =	vadd.f32 v10, v8;
	v6 =	vld [tilespmem:s13+$0xCE20];
	v10 =	vadd.f32 v11, v7  }
0x223: {  	v8 =	vadd.f32 v0, v3;
	v16 =	vadd.f32 v1, v2;
	v7 =	vld [tilespmem:s13+$0xCE30]  }
0x224: {  	v14 =	vadd.f32 v12, v9;
	v0 =	vld [tilespmem:s13+$0xCE40];
	v12 =	vadd.f32 v15, v10  }
0x225: {  	v1 =	vld [tilespmem:s13+$0xCE50]  }
0x226: {  	v10 =	vld [tilespmem:s13+$0xCD80]  }
0x227: {  	v13 =	vld [tilespmem:s13+$0xCD90]  }
0x228: {  	v9 =	vld [tilespmem:s13+$0xCDA0]  }
0x229: {  	v11 =	vld [tilespmem:s13+$0xCDB0]  }
0x22a: {  	v3 =	vld [tilespmem:s13+$0xCDC0]  }
0x22b: {  	v2 =	vld [tilespmem:s13+$0xCDD0]  }
0x22c: {  	v22 =	vld [tilespmem:s13+$0xCD00]  }
0x22d: {  	v24 =	vld [tilespmem:s13+$0xCD10]  }
0x22e: {  	v27 =	vld [tilespmem:s13+$0xCD20]  }
0x22f: {  	v30 =	vld [tilespmem:s13+$0xCD30]  }
0x230: {  	v19 =	vld [tilespmem:s13+$0xCC80]  }
0x231: {  	v20 =	vld [tilespmem:s13+$0xCC90]  }
0x232: {  	v17 =	vld [tilespmem:s13+$0xCC00]  }
0x233: {  	v18 =	vld [tilespmem:s13+$0xCC10]  }
0x234: {  	v21 =	vld [tilespmem:s13+$0xCC20]  }
0x235: {  	v23 =	vld [tilespmem:s13+$0xCC30]  }
0x236: {  	v31 =	vld [tilespmem:s13+$0xCCA0]  }
0x237: {  	v32 =	vld [tilespmem:s13+$0xCCB0]  }
0x238: {  	v15 =	vld [tilespmem:s13+$0xCD40]  }
0x239: {  	v25 =	vadd.f32 v17, v25;
	v26 =	vadd.f32 v18, v26;
	v17 =	vld [tilespmem:s13+$0xCD50]  }
.Ltmp7:
0x23a: {  	v21 =	vadd.f32 v21, v28;
	v23 =	vadd.f32 v23, v29;
	v18 =	vld [tilespmem:s13+$0xCCC0];
	(pc) =	sbr.rel @p1 .LBB2_13-.Ltmp7, $4  }
0x23b: {  	v25 =	vadd.f32 v19, v25;
	v26 =	vadd.f32 v20, v26;
	v19 =	vld [tilespmem:s13+$0xCCD0]  }
0x23c: {  	v28 =	vadd.f32 v31, v21;
	v20 =	vld [tilespmem:s13+$0xCC40];
	v29 =	vadd.f32 v32, v23  }
0x23d: {  	v23 =	vadd.f32 v22, v25;
	v24 =	vadd.f32 v24, v26;
	v21 =	vld [tilespmem:s13+$0xCC50]  }
0x23e: {  	s14 =	sadd.s32 $0xA00, s14;
	v25 =	vadd.f32 v27, v28;
	v22 =	vld [tilespmem:s13+$0xCC60];
	v26 =	vadd.f32 v30, v29  }
0x23f: {  	v10 =	vadd.f32 v10, v23;
	v13 =	vadd.f32 v13, v24  }
0x240: {  	v27 =	vld [tilespmem:s13+$0xCC70];
	v9 =	vadd.f32 v9, v25;
	v11 =	vadd.f32 v11, v26  }
0x241: {  	v23 =	vld [tilespmem:s13+$0xCCE0];
	v4 =	vadd.f32 v4, v10;
	v5 =	vadd.f32 v5, v13  }
0x242: {  	v24 =	vld [tilespmem:s13+$0xCCF0];
	v8 =	vadd.f32 v20, v8;
	v6 =	vadd.f32 v6, v9  }
0x243: {  	v10 =	vld [tilespmem:s13+$0xCD60];
	v7 =	vadd.f32 v7, v11;
	v9 =	vadd.f32 v21, v16  }
0x244: {  	v11 =	vld [tilespmem:s13+$0xCD70];
	v13 =	vadd.f32 v22, v14;
	v8 =	vadd.f32 v18, v8  }
0x245: {  	v14 =	vld [tilespmem:s13+$0xCDE0];
	v12 =	vadd.f32 v27, v12;
	v9 =	vadd.f32 v19, v9  }
0x246: {  	v16 =	vld [tilespmem:s13+$0xCDF0];
	v13 =	vadd.f32 v23, v13;
	v8 =	vadd.f32 v15, v8  }
0x247: {  	v18 =	vld [tilespmem:s13+$0xCE60];
	v12 =	vadd.f32 v24, v12;
	v9 =	vadd.f32 v17, v9  }
0x248: {  	v15 =	vld [tilespmem:s13+$0xCE70];
	[tilespmem:s11+$0x12280] =	vst v4;
	v10 =	vadd.f32 v10, v13;
	v3 =	vadd.f32 v3, v8  }
0x249: {  	[tilespmem:s11+$0x12290] =	vst v5;
	v4 =	vadd.f32 v11, v12;
	v2 =	vadd.f32 v2, v9  }
0x24a: {  	[tilespmem:s11+$0x122A0] =	vst v6;
	v5 =	vadd.f32 v14, v10;
	v0 =	vadd.f32 v0, v3  }
0x24b: {  	[tilespmem:s11+$0x122B0] =	vst v7;
	v3 =	vadd.f32 v16, v4;
	v1 =	vadd.f32 v1, v2  }
0x24c: {  	v2 =	vadd.f32 v18, v5;
	[tilespmem:s11+$0x122C0] =	vst v0  }
0x24d: {  	v0 =	vadd.f32 v15, v3;
	[tilespmem:s11+$0x122D0] =	vst v1  }
0x24e: {  	[tilespmem:s11+$0x122E0] =	vst v2  }
0x24f: {  	s14 =	simm.s32 @!p0 $0x32;
	s15 =	simm.s32 @!p0 $0xCC00;
	s13 =	sadd.s32 @!p0 $0x680, s12;
	[tilespmem:s11+$0x122F0] =	vst v0  }
0x250: {  	[tilespmem:s15], [sflag:$0x6] =	stream.indirect.gather @!p0 [hbm4b:s2+s14], $0x80, s13, s14, $0xb8;
	[tilespmem:$0x16000] =	vst v63  }
0x251: {  	_ =	swait.ge [sflag:s31], $0x1900  }
0x252: {  	[sflag:s31] =	ssyncset.done $0x0  }
0x253: {  	s13 =	simm.s32 $0x0;
	[sflag:s31] =	ssyncadd.s32 $0xFFFFE700  }
0x254: {  	v4 =	vld [tilespmem:s13+$0xEA00]  }
0x255: {  	v5 =	vld [tilespmem:s13+$0xEA10]  }
0x256: {  	v6 =	vld [tilespmem:s13+$0xEA20]  }
0x257: {  	v7 =	vld [tilespmem:s13+$0xEA30]  }
0x258: {  	v0 =	vld [tilespmem:s13+$0xEA40]  }
0x259: {  	v1 =	vld [tilespmem:s13+$0xEA50]  }
0x25a: {  	v10 =	vld [tilespmem:s13+$0xE980]  }
0x25b: {  	v13 =	vld [tilespmem:s13+$0xE990]  }
0x25c: {  	v9 =	vld [tilespmem:s13+$0xE9A0]  }
0x25d: {  	v11 =	vld [tilespmem:s13+$0xE9B0]  }
0x25e: {  	v3 =	vld [tilespmem:s13+$0xE9C0]  }
0x25f: {  	v2 =	vld [tilespmem:s13+$0xE9D0]  }
0x260: {  	v12 =	vld [tilespmem:s13+$0xE900]  }
0x261: {  	v14 =	vld [tilespmem:s13+$0xE910]  }
0x262: {  	v16 =	vld [tilespmem:s13+$0xE920]  }
0x263: {  	v19 =	vld [tilespmem:s13+$0xE880]  }
0x264: {  	v20 =	vld [tilespmem:s13+$0xE890]  }
0x265: {  	v17 =	vld [tilespmem:s13+$0xE800]  }
0x266: {  	v18 =	vld [tilespmem:s13+$0xE810]  }
0x267: {  	v21 =	vld [tilespmem:s13+$0xE820]  }
0x268: {  	v22 =	vld [tilespmem:s13+$0xE830]  }
0x269: {  	v23 =	vld [tilespmem:s13+$0xE8A0]  }
0x26a: {  	v24 =	vld [tilespmem:s13+$0xE8B0]  }
0x26b: {  	v8 =	vimm.f32 $0.0e+00;
	v26 =	vld [tilespmem:s13+$0xE930]  }
0x26c: {  	v15 =	vld [tilespmem:s13+$0xE940];
	v25 =	vadd.f32 v17, v8;
	v27 =	vadd.f32 v18, v8  }
0x26d: {  	v17 =	vld [tilespmem:s13+$0xE950];
	v21 =	vadd.f32 v21, v8;
	v22 =	vadd.f32 v22, v8  }
0x26e: {  	v18 =	vld [tilespmem:s13+$0xE8C0];
	v25 =	vadd.f32 v19, v25;
	v27 =	vadd.f32 v20, v27  }
0x26f: {  	v19 =	vld [tilespmem:s13+$0xE8D0];
	v28 =	vadd.f32 v23, v21;
	v22 =	vadd.f32 v24, v22  }
0x270: {  	v20 =	vld [tilespmem:s13+$0xE840];
	v23 =	vadd.f32 v12, v25;
	v24 =	vadd.f32 v14, v27  }
0x271: {  	v21 =	vld [tilespmem:s13+$0xE850];
	v25 =	vadd.f32 v16, v28;
	v26 =	vadd.f32 v26, v22  }
0x272: {  	s14 =	simm.s32 $0xA00;
	v22 =	vld [tilespmem:s13+$0xE860];
	v16 =	vimm.f32 $0.0e+00;
	v14 =	vimm.f32 $0.0e+00;
	v12 =	vimm.f32 $0.0e+00  }
.LBB2_15:
0x273: {  	p1 =	sne.s32 s14, $0x5A00;
	v27 =	vld [tilespmem:s13+$0xE870];
	v10 =	vadd.f32 v10, v23;
	v13 =	vadd.f32 v13, v24  }
0x274: {  	v23 =	vld [tilespmem:s13+$0xE8E0];
	v9 =	vadd.f32 v9, v25;
	v11 =	vadd.f32 v11, v26  }
0x275: {  	v24 =	vld [tilespmem:s13+$0xE8F0];
	v25 =	vadd.f32 v4, v10;
	v26 =	vadd.f32 v5, v13  }
0x276: {  	v5 =	vld [tilespmem:s13+$0xE960];
	v28 =	vadd.f32 v6, v9;
	v29 =	vadd.f32 v7, v11  }
0x277: {  	v4 =	vadd.f32 v20, v8;
	v6 =	vadd.f32 v21, v16;
	v7 =	vld [tilespmem:s13+$0xE970]  }
0x278: {  	v8 =	vadd.f32 v22, v14;
	v9 =	vadd.f32 v27, v12;
	v10 =	vld [tilespmem:s13+$0xE9E0]  }
0x279: {  	v4 =	vadd.f32 v18, v4;
	v6 =	vadd.f32 v19, v6;
	v11 =	vld [tilespmem:s13+$0xE9F0]  }
0x27a: {  	v8 =	vadd.f32 v23, v8;
	v9 =	vadd.f32 v24, v9;
	v12 =	vld [tilespmem:s13+$0xEA60]  }
0x27b: {  	v13 =	vadd.f32 v15, v4;
	v6 =	vadd.f32 v17, v6;
	v15 =	vld [tilespmem:s13+$0xEA70];
	s13 =	sshra.s32 s14, $0x2  }
0x27c: {  	v8 =	vadd.f32 v5, v8;
	v4 =	vld [tilespmem:s13+$0xEA00];
	v7 =	vadd.f32 v7, v9  }
0x27d: {  	v3 =	vadd.f32 v3, v13;
	v2 =	vadd.f32 v2, v6;
	v5 =	vld [tilespmem:s13+$0xEA10]  }
0x27e: {  	v9 =	vadd.f32 v10, v8;
	v6 =	vld [tilespmem:s13+$0xEA20];
	v10 =	vadd.f32 v11, v7  }
0x27f: {  	v8 =	vadd.f32 v0, v3;
	v16 =	vadd.f32 v1, v2;
	v7 =	vld [tilespmem:s13+$0xEA30]  }
0x280: {  	v14 =	vadd.f32 v12, v9;
	v0 =	vld [tilespmem:s13+$0xEA40];
	v12 =	vadd.f32 v15, v10  }
0x281: {  	v1 =	vld [tilespmem:s13+$0xEA50]  }
0x282: {  	v10 =	vld [tilespmem:s13+$0xE980]  }
0x283: {  	v13 =	vld [tilespmem:s13+$0xE990]  }
0x284: {  	v9 =	vld [tilespmem:s13+$0xE9A0]  }
0x285: {  	v11 =	vld [tilespmem:s13+$0xE9B0]  }
0x286: {  	v3 =	vld [tilespmem:s13+$0xE9C0]  }
0x287: {  	v2 =	vld [tilespmem:s13+$0xE9D0]  }
0x288: {  	v22 =	vld [tilespmem:s13+$0xE900]  }
0x289: {  	v24 =	vld [tilespmem:s13+$0xE910]  }
0x28a: {  	v27 =	vld [tilespmem:s13+$0xE920]  }
0x28b: {  	v30 =	vld [tilespmem:s13+$0xE930]  }
0x28c: {  	v19 =	vld [tilespmem:s13+$0xE880]  }
0x28d: {  	v20 =	vld [tilespmem:s13+$0xE890]  }
0x28e: {  	v17 =	vld [tilespmem:s13+$0xE800]  }
0x28f: {  	v18 =	vld [tilespmem:s13+$0xE810]  }
0x290: {  	v21 =	vld [tilespmem:s13+$0xE820]  }
0x291: {  	v23 =	vld [tilespmem:s13+$0xE830]  }
0x292: {  	v31 =	vld [tilespmem:s13+$0xE8A0]  }
0x293: {  	v32 =	vld [tilespmem:s13+$0xE8B0]  }
0x294: {  	v15 =	vld [tilespmem:s13+$0xE940]  }
0x295: {  	v25 =	vadd.f32 v17, v25;
	v26 =	vadd.f32 v18, v26;
	v17 =	vld [tilespmem:s13+$0xE950]  }
.Ltmp8:
0x296: {  	v21 =	vadd.f32 v21, v28;
	v23 =	vadd.f32 v23, v29;
	v18 =	vld [tilespmem:s13+$0xE8C0];
	(pc) =	sbr.rel @p1 .LBB2_15-.Ltmp8, $4  }
0x297: {  	v25 =	vadd.f32 v19, v25;
	v26 =	vadd.f32 v20, v26;
	v19 =	vld [tilespmem:s13+$0xE8D0]  }
0x298: {  	v28 =	vadd.f32 v31, v21;
	v20 =	vld [tilespmem:s13+$0xE840];
	v29 =	vadd.f32 v32, v23  }
0x299: {  	v23 =	vadd.f32 v22, v25;
	v24 =	vadd.f32 v24, v26;
	v21 =	vld [tilespmem:s13+$0xE850]  }
0x29a: {  	s14 =	sadd.s32 $0xA00, s14;
	v25 =	vadd.f32 v27, v28;
	v22 =	vld [tilespmem:s13+$0xE860];
	v26 =	vadd.f32 v30, v29  }
0x29b: {  	v10 =	vadd.f32 v10, v23;
	v13 =	vadd.f32 v13, v24  }
0x29c: {  	v27 =	vld [tilespmem:s13+$0xE870];
	v9 =	vadd.f32 v9, v25;
	v11 =	vadd.f32 v11, v26  }
0x29d: {  	v23 =	vld [tilespmem:s13+$0xE8E0];
	v4 =	vadd.f32 v4, v10;
	v5 =	vadd.f32 v5, v13  }
0x29e: {  	v24 =	vld [tilespmem:s13+$0xE8F0];
	v8 =	vadd.f32 v20, v8;
	v6 =	vadd.f32 v6, v9  }
0x29f: {  	v10 =	vld [tilespmem:s13+$0xE960];
	v7 =	vadd.f32 v7, v11;
	v9 =	vadd.f32 v21, v16  }
0x2a0: {  	v11 =	vld [tilespmem:s13+$0xE970];
	v13 =	vadd.f32 v22, v14;
	v8 =	vadd.f32 v18, v8  }
0x2a1: {  	v14 =	vld [tilespmem:s13+$0xE9E0];
	v12 =	vadd.f32 v27, v12;
	v9 =	vadd.f32 v19, v9  }
0x2a2: {  	v16 =	vld [tilespmem:s13+$0xE9F0];
	v13 =	vadd.f32 v23, v13;
	v8 =	vadd.f32 v15, v8  }
0x2a3: {  	v18 =	vld [tilespmem:s13+$0xEA60];
	v12 =	vadd.f32 v24, v12;
	v9 =	vadd.f32 v17, v9  }
0x2a4: {  	v15 =	vld [tilespmem:s13+$0xEA70];
	[tilespmem:s11+$0x12300] =	vst v4;
	v10 =	vadd.f32 v10, v13;
	v3 =	vadd.f32 v3, v8  }
0x2a5: {  	[tilespmem:s11+$0x12310] =	vst v5;
	v4 =	vadd.f32 v11, v12;
	v2 =	vadd.f32 v2, v9  }
0x2a6: {  	[tilespmem:s11+$0x12320] =	vst v6;
	v5 =	vadd.f32 v14, v10;
	v0 =	vadd.f32 v0, v3  }
0x2a7: {  	[tilespmem:s11+$0x12330] =	vst v7;
	v3 =	vadd.f32 v16, v4;
	v1 =	vadd.f32 v1, v2  }
0x2a8: {  	v2 =	vadd.f32 v18, v5;
	[tilespmem:s11+$0x12340] =	vst v0  }
0x2a9: {  	v0 =	vadd.f32 v15, v3;
	[tilespmem:s11+$0x12350] =	vst v1  }
0x2aa: {  	[tilespmem:s11+$0x12360] =	vst v2  }
0x2ab: {  	s12 =	sadd.s32 @!p0 $0x700, s12;
	s14 =	simm.s32 @!p0 $0xE800;
	s13 =	simm.s32 @!p0 $0x32;
	[tilespmem:s11+$0x12370] =	vst v0  }
0x2ac: {  	[tilespmem:s14], [sflag:$0x7] =	stream.indirect.gather @!p0 [hbm4b:s2+s13], $0x80, s12, s13, $0xb8;
	[tilespmem:$0x16000] =	vst v63  }
0x2ad: {  	_ =	swait.ge [sflag:s0], $0x1900  }
0x2ae: {  	[sflag:s0] =	ssyncset.done $0x0  }
0x2af: {  	s12 =	simm.s32 $0x0;
	[sflag:s0] =	ssyncadd.s32 $0xFFFFE700  }
0x2b0: {  	v4 =	vld [tilespmem:s12+$0x10600]  }
0x2b1: {  	v5 =	vld [tilespmem:s12+$0x10610]  }
0x2b2: {  	v6 =	vld [tilespmem:s12+$0x10620]  }
0x2b3: {  	v7 =	vld [tilespmem:s12+$0x10630]  }
0x2b4: {  	v0 =	vld [tilespmem:s12+$0x10640]  }
0x2b5: {  	v1 =	vld [tilespmem:s12+$0x10650]  }
0x2b6: {  	v10 =	vld [tilespmem:s12+$0x10580]  }
0x2b7: {  	v13 =	vld [tilespmem:s12+$0x10590]  }
0x2b8: {  	v9 =	vld [tilespmem:s12+$0x105A0]  }
0x2b9: {  	v11 =	vld [tilespmem:s12+$0x105B0]  }
0x2ba: {  	v3 =	vld [tilespmem:s12+$0x105C0]  }
0x2bb: {  	v2 =	vld [tilespmem:s12+$0x105D0]  }
0x2bc: {  	v12 =	vld [tilespmem:s12+$0x10500]  }
0x2bd: {  	v14 =	vld [tilespmem:s12+$0x10510]  }
0x2be: {  	v16 =	vld [tilespmem:s12+$0x10520]  }
0x2bf: {  	v19 =	vld [tilespmem:s12+$0x10480]  }
0x2c0: {  	v20 =	vld [tilespmem:s12+$0x10490]  }
0x2c1: {  	v17 =	vld [tilespmem:s12+$0x10400]  }
0x2c2: {  	v18 =	vld [tilespmem:s12+$0x10410]  }
0x2c3: {  	v21 =	vld [tilespmem:s12+$0x10420]  }
0x2c4: {  	v22 =	vld [tilespmem:s12+$0x10430]  }
0x2c5: {  	v23 =	vld [tilespmem:s12+$0x104A0]  }
0x2c6: {  	v24 =	vld [tilespmem:s12+$0x104B0]  }
0x2c7: {  	v8 =	vimm.f32 $0.0e+00;
	v26 =	vld [tilespmem:s12+$0x10530]  }
0x2c8: {  	v15 =	vld [tilespmem:s12+$0x10540];
	v25 =	vadd.f32 v17, v8;
	v27 =	vadd.f32 v18, v8  }
0x2c9: {  	v17 =	vld [tilespmem:s12+$0x10550];
	v21 =	vadd.f32 v21, v8;
	v22 =	vadd.f32 v22, v8  }
0x2ca: {  	v18 =	vld [tilespmem:s12+$0x104C0];
	v25 =	vadd.f32 v19, v25;
	v27 =	vadd.f32 v20, v27  }
0x2cb: {  	v19 =	vld [tilespmem:s12+$0x104D0];
	v28 =	vadd.f32 v23, v21;
	v22 =	vadd.f32 v24, v22  }
0x2cc: {  	v20 =	vld [tilespmem:s12+$0x10440];
	v23 =	vadd.f32 v12, v25;
	v24 =	vadd.f32 v14, v27  }
0x2cd: {  	v21 =	vld [tilespmem:s12+$0x10450];
	v25 =	vadd.f32 v16, v28;
	v26 =	vadd.f32 v26, v22  }
0x2ce: {  	s13 =	simm.s32 $0xA00;
	v22 =	vld [tilespmem:s12+$0x10460];
	v16 =	vimm.f32 $0.0e+00;
	v14 =	vimm.f32 $0.0e+00;
	v12 =	vimm.f32 $0.0e+00  }
.LBB2_17:
0x2cf: {  	p1 =	sne.s32 s13, $0x5A00;
	v27 =	vld [tilespmem:s12+$0x10470];
	v10 =	vadd.f32 v10, v23;
	v13 =	vadd.f32 v13, v24  }
0x2d0: {  	v23 =	vld [tilespmem:s12+$0x104E0];
	v9 =	vadd.f32 v9, v25;
	v11 =	vadd.f32 v11, v26  }
0x2d1: {  	v24 =	vld [tilespmem:s12+$0x104F0];
	v25 =	vadd.f32 v4, v10;
	v26 =	vadd.f32 v5, v13  }
0x2d2: {  	v5 =	vld [tilespmem:s12+$0x10560];
	v28 =	vadd.f32 v6, v9;
	v29 =	vadd.f32 v7, v11  }
0x2d3: {  	v4 =	vadd.f32 v20, v8;
	v6 =	vadd.f32 v21, v16;
	v7 =	vld [tilespmem:s12+$0x10570]  }
0x2d4: {  	v8 =	vadd.f32 v22, v14;
	v9 =	vadd.f32 v27, v12;
	v10 =	vld [tilespmem:s12+$0x105E0]  }
0x2d5: {  	v4 =	vadd.f32 v18, v4;
	v6 =	vadd.f32 v19, v6;
	v11 =	vld [tilespmem:s12+$0x105F0]  }
0x2d6: {  	v8 =	vadd.f32 v23, v8;
	v9 =	vadd.f32 v24, v9;
	v12 =	vld [tilespmem:s12+$0x10660]  }
0x2d7: {  	v13 =	vadd.f32 v15, v4;
	v6 =	vadd.f32 v17, v6;
	v15 =	vld [tilespmem:s12+$0x10670];
	s12 =	sshra.s32 s13, $0x2  }
0x2d8: {  	v8 =	vadd.f32 v5, v8;
	v4 =	vld [tilespmem:s12+$0x10600];
	v7 =	vadd.f32 v7, v9  }
0x2d9: {  	v3 =	vadd.f32 v3, v13;
	v2 =	vadd.f32 v2, v6;
	v5 =	vld [tilespmem:s12+$0x10610]  }
0x2da: {  	v9 =	vadd.f32 v10, v8;
	v6 =	vld [tilespmem:s12+$0x10620];
	v10 =	vadd.f32 v11, v7  }
0x2db: {  	v8 =	vadd.f32 v0, v3;
	v16 =	vadd.f32 v1, v2;
	v7 =	vld [tilespmem:s12+$0x10630]  }
0x2dc: {  	v14 =	vadd.f32 v12, v9;
	v0 =	vld [tilespmem:s12+$0x10640];
	v12 =	vadd.f32 v15, v10  }
0x2dd: {  	v1 =	vld [tilespmem:s12+$0x10650]  }
0x2de: {  	v10 =	vld [tilespmem:s12+$0x10580]  }
0x2df: {  	v13 =	vld [tilespmem:s12+$0x10590]  }
0x2e0: {  	v9 =	vld [tilespmem:s12+$0x105A0]  }
0x2e1: {  	v11 =	vld [tilespmem:s12+$0x105B0]  }
0x2e2: {  	v3 =	vld [tilespmem:s12+$0x105C0]  }
0x2e3: {  	v2 =	vld [tilespmem:s12+$0x105D0]  }
0x2e4: {  	v22 =	vld [tilespmem:s12+$0x10500]  }
0x2e5: {  	v24 =	vld [tilespmem:s12+$0x10510]  }
0x2e6: {  	v27 =	vld [tilespmem:s12+$0x10520]  }
0x2e7: {  	v30 =	vld [tilespmem:s12+$0x10530]  }
0x2e8: {  	v19 =	vld [tilespmem:s12+$0x10480]  }
0x2e9: {  	v20 =	vld [tilespmem:s12+$0x10490]  }
0x2ea: {  	v17 =	vld [tilespmem:s12+$0x10400]  }
0x2eb: {  	v18 =	vld [tilespmem:s12+$0x10410]  }
0x2ec: {  	v21 =	vld [tilespmem:s12+$0x10420]  }
0x2ed: {  	v23 =	vld [tilespmem:s12+$0x10430]  }
0x2ee: {  	v31 =	vld [tilespmem:s12+$0x104A0]  }
0x2ef: {  	v32 =	vld [tilespmem:s12+$0x104B0]  }
0x2f0: {  	v15 =	vld [tilespmem:s12+$0x10540]  }
0x2f1: {  	v25 =	vadd.f32 v17, v25;
	v26 =	vadd.f32 v18, v26;
	v17 =	vld [tilespmem:s12+$0x10550]  }
.Ltmp9:
0x2f2: {  	v21 =	vadd.f32 v21, v28;
	v23 =	vadd.f32 v23, v29;
	v18 =	vld [tilespmem:s12+$0x104C0];
	(pc) =	sbr.rel @p1 .LBB2_17-.Ltmp9, $4  }
0x2f3: {  	v25 =	vadd.f32 v19, v25;
	v26 =	vadd.f32 v20, v26;
	v19 =	vld [tilespmem:s12+$0x104D0]  }
0x2f4: {  	v28 =	vadd.f32 v31, v21;
	v20 =	vld [tilespmem:s12+$0x10440];
	v29 =	vadd.f32 v32, v23  }
0x2f5: {  	v23 =	vadd.f32 v22, v25;
	v24 =	vadd.f32 v24, v26;
	v21 =	vld [tilespmem:s12+$0x10450]  }
0x2f6: {  	s13 =	sadd.s32 $0xA00, s13;
	v25 =	vadd.f32 v27, v28;
	v22 =	vld [tilespmem:s12+$0x10460];
	v26 =	vadd.f32 v30, v29  }
0x2f7: {  	v10 =	vadd.f32 v10, v23;
	v13 =	vadd.f32 v13, v24  }
0x2f8: {  	v27 =	vld [tilespmem:s12+$0x10470];
	v9 =	vadd.f32 v9, v25;
	v11 =	vadd.f32 v11, v26  }
0x2f9: {  	v49 =	vld [tilespmem:s12+$0x104E0];
	v4 =	vadd.f32 v4, v10;
	v5 =	vadd.f32 v5, v13  }
0x2fa: {  	v50 =	vld [tilespmem:s12+$0x104F0];
	v8 =	vadd.f32 v20, v8;
	v6 =	vadd.f32 v6, v9  }
0x2fb: {  	v51 =	vld [tilespmem:s12+$0x10560];
	v7 =	vadd.f32 v7, v11;
	v52 =	vadd.f32 v21, v16  }
0x2fc: {  	v53 =	vld [tilespmem:s12+$0x10570];
	v54 =	vadd.f32 v22, v14;
	v8 =	vadd.f32 v18, v8  }
0x2fd: {  	v55 =	vld [tilespmem:s12+$0x105E0];
	v12 =	vadd.f32 v27, v12;
	v9 =	vadd.f32 v19, v52  }
0x2fe: {  	v56 =	vld [tilespmem:s12+$0x105F0];
	v13 =	vadd.f32 v49, v54;
	v8 =	vadd.f32 v15, v8  }
0x2ff: {  	v57 =	vld [tilespmem:s12+$0x10660];
	v12 =	vadd.f32 v50, v12;
	v9 =	vadd.f32 v17, v9  }
0x300: {  	v58 =	vld [tilespmem:s12+$0x10670];
	[tilespmem:s11+$0x12380] =	vst v4;
	v10 =	vadd.f32 v51, v13;
	v3 =	vadd.f32 v3, v8  }
0x301: {  	[tilespmem:s11+$0x12390] =	vst v5;
	v59 =	vadd.f32 v53, v12;
	v2 =	vadd.f32 v2, v9  }
0x302: {  	[tilespmem:s11+$0x123A0] =	vst v6;
	v60 =	vadd.f32 v55, v10;
	v0 =	vadd.f32 v0, v3  }
.Ltmp10:
0x303: {  	[tilespmem:s11+$0x123B0] =	vst v7;
	v61 =	vadd.f32 v56, v59;
	v1 =	vadd.f32 v1, v2;
	(pc) =	sbr.rel @p0 .LBB2_20-.Ltmp10, $4  }
0x304: {  	v62 =	vadd.f32 v57, v60;
	[tilespmem:s11+$0x123C0] =	vst v0  }
0x305: {  	v63 =	vadd.f32 v58, v61;
	[tilespmem:s11+$0x123D0] =	vst v1  }
0x306: {  	[tilespmem:s11+$0x123E0] =	vst v62  }
0x307: {  	[tilespmem:s11+$0x123F0] =	vst v63  }
.Ltmp11:
0x308: {  	(pc) =	sbr.rel .LBB2_2-.Ltmp11, $3  }
0x309: {  	_ =	sdelay $0x1  }
0x30a: {  	s11 =	sadd.s32 $0x780, s11;
	s10 =	sadd.s32 $0x1, s10  }
0x30b: {  	[tilespmem:s23], [sflag:$0x8] =	stream.indirect.gather [hbm4b:s2+s8], $0x80, s11, s8, $0xb8;
	[tilespmem:$0x16000] =	vst v63  }
.LBB2_21:
0x30c: {  	_ =	sfence.sel $0x180000  }
0x30d: {  	[bflag:$0x0] =	sbarrier.arrive $0xFFFF  }
0x30e: {  	_ =	strace $0x90000047  }
0x30f: {  	s0 =	stileid.u32;
	[bflag:$0x2] =	sbarrier.arrive $0xFFFF  }
0x310: {  	p0 =	sne.s32 s0, $0x0;
	s0 =	rddreg [dreg:$0x2]  }
0x311: {  	s0 =	sadd.s32 @!p0 $0x100000, s0  }
0x312: {  	[sflag:s0] =	ssyncadd.tile.s32 @!p0 $0x1;
	_ =	shalt  }
.Lfunc_end2:
_tile_overlayer_lowered:
.L_overlay_start_2:
0x313: {  	(tag) =	ssettag $0x2  }
0x314: {  	s0 =	rddreg [dreg:$0x0];
	s2 =	stileid.u32  }
0x315: {  	s1 =	rddreg [dreg:$0x1];
	p0 =	sne.s32 s2, $0x0  }
0x316: {  	s3 =	rddreg [dreg:$0x2];
	[bflag:$0x3] =	sbarrier.arrive $0xFFFF;
	s2 =	simm.s32 @!p0 $0x1C09  }
0x317: {  	[timem:s3], [sflag:s2] =	dma.local @!p0 [hbm:s0], s1  }
0x318: {  	s0 =	simm.s32 @!p0 $0x9  }
0x319: {  	_ =	swait.ge @!p0 [sflag:s0], s1  }
0x31a: {  	s1 =	ssub.s32 @!p0 $0x0, s1;
	[sflag:s0] =	ssyncset.done @!p0 $0x0  }
0x31b: {  	[sflag:s0] =	ssyncadd.s32 @!p0 s1  }
0x31c: {  	[bflag:$0x3] =	sbarrier.arrive $0xFFFF  }
0x31d: {  	_ =	shalt  }

</sc_bundles>
